<compile_context>
chip_gen: v7x
topology: tpu7x:2x2x1
jax: 0.10.2.dev20260603
libtpu: 0.0.44.dev20260713+nightly
codegen_flags: <defaults>
</compile_context>

<pallas_src>
import functools

import jax
import jax.numpy as jnp
from jax import lax
from jax.experimental import pallas as pl
from jax.experimental.pallas import tpu as pltpu
from jax.experimental.pallas import tpu_sc as plsc

N_NODES = 10000
N_EDGES = 320000
NP = 10240
NFEAT = 128
NCLASS = 40
CP = 128
NC, NS = 2, 16
NW = NC * NS
EPT = N_EDGES // NW
K = 80
NCH = EPT // K
NB = 4
IR = 4
TPW = NP // NS
BR = 1024


def _mesh():
    return plsc.VectorSubcoreMesh(core_axis_name="c", subcore_axis_name="s")


@functools.partial(
    pl.kernel,
    mesh=_mesh(),
    out_type=jax.ShapeDtypeStruct((NC, NP), jnp.float32),
    scratch_types=[
        pltpu.VMEM((NCH, K), jnp.int32),
        pltpu.VMEM((K,), jnp.float32),
        pltpu.VMEM((TPW,), jnp.float32),
        pltpu.VMEM_SHARED((NP,), jnp.float32),
        pltpu.SemaphoreType.DMA,
    ],
)
def _sc_hist(col_hbm, cnt_hbm, ic_all, ones_v, wb_v, sh, ssem):
    cid = lax.axis_index("c")
    sid = lax.axis_index("s")
    wid = cid * NS + sid
    zero16 = jnp.zeros((16,), jnp.float32)
    one16 = jnp.ones((16,), jnp.float32)

    def z(i, carry):
        wb_v[pl.ds(i * 16, 16)] = zero16
        return carry

    lax.fori_loop(0, TPW // 16, z, 0)
    pltpu.sync_copy(wb_v, sh.at[pl.ds(sid * TPW, TPW)])

    for off in range(0, K - 15, 16):
        ones_v[pl.ds(off, 16)] = one16
    if K % 16:
        ones_v[pl.ds(K - 16, 16)] = one16
    pltpu.sync_copy(col_hbm.at[wid], ic_all)
    plsc.subcore_barrier()

    def chunk(c, carry):
        pltpu.async_copy(ones_v, sh.at[ic_all.at[c]], ssem, add=True)

        @pl.when(c > 0)
        def _():
            pltpu.make_async_copy(ones_v, sh.at[ic_all.at[c - 1]], ssem).wait()

        return carry

    lax.fori_loop(0, NCH, chunk, 0)
    pltpu.make_async_copy(ones_v, sh.at[ic_all.at[NCH - 1]], ssem).wait()
    plsc.subcore_barrier()
    pltpu.sync_copy(sh.at[pl.ds(sid * TPW, TPW)], wb_v)
    pltpu.sync_copy(wb_v, cnt_hbm.at[cid, pl.ds(sid * TPW, TPW)])


def _make_prop(F):
    @functools.partial(
        pl.kernel,
        mesh=_mesh(),
        out_type=jax.ShapeDtypeStruct((NC, NP, F), jnp.float32),
        scratch_types=[
            pltpu.VMEM((IR, K), jnp.int32),
            pltpu.VMEM((IR, K), jnp.int32),
            pltpu.VMEM((NB, K, F), jnp.float32),
            pltpu.VMEM_SHARED((NP, F), jnp.float32),
            pltpu.SemaphoreType.DMA,
            pltpu.SemaphoreType.DMA,
            pltpu.SemaphoreType.DMA,
            pltpu.SemaphoreType.DMA,
            pltpu.SemaphoreType.DMA,
            pltpu.SemaphoreType.DMA,
            pltpu.SemaphoreType.DMA,
            pltpu.SemaphoreType.DMA,
            pltpu.SemaphoreType.DMA,
        ],
    )
    def prop(tbl_hbm, row_hbm, col_hbm, out_hbm, ir_v, ic_v, rows_v,
             acc_sh, isem0, isem1, isem2, isem3, gsem0, gsem1, gsem2, gsem3,
             ssem):
        isems = [isem0, isem1, isem2, isem3]
        gsems = [gsem0, gsem1, gsem2, gsem3]
        cid = lax.axis_index("c")
        sid = lax.axis_index("s")
        wid = cid * NS + sid
        zero16 = jnp.zeros((16,), jnp.float32)

        def zrow(i, carry):
            def zcol(j, carry2):
                rows_v[0, i, pl.ds(j * 16, 16)] = zero16
                return carry2

            return lax.fori_loop(0, F // 16, zcol, carry)

        lax.fori_loop(0, K, zrow, 0)
        for r in range(TPW // K):
            pltpu.sync_copy(rows_v.at[0], acc_sh.at[pl.ds(sid * TPW + r * K, K)])
        plsc.subcore_barrier()

        def i_start(c, islot):
            pltpu.async_copy(row_hbm.at[wid, c], ir_v.at[islot], isems[islot])
            pltpu.async_copy(col_hbm.at[wid, c], ic_v.at[islot], isems[islot])

        def i_wait(c, islot):
            pltpu.make_async_copy(row_hbm.at[wid, c], ir_v.at[islot],
                                  isems[islot]).wait()
            pltpu.make_async_copy(col_hbm.at[wid, c], ic_v.at[islot],
                                  isems[islot]).wait()

        def g_start(c, islot, slot):
            pltpu.async_copy(tbl_hbm.at[ir_v.at[islot]], rows_v.at[slot],
                             gsems[slot])

        def g_wait(c, islot, slot):
            pltpu.make_async_copy(tbl_hbm.at[ir_v.at[islot]], rows_v.at[slot],
                                  gsems[slot]).wait()

        def s_start(c, islot, slot):
            pltpu.async_copy(rows_v.at[slot], acc_sh.at[ic_v.at[islot]], ssem,
                             add=True)

        def s_wait(c, islot, slot):
            pltpu.make_async_copy(rows_v.at[slot], acc_sh.at[ic_v.at[islot]],
                                  ssem).wait()

        i_start(0, 0)
        i_start(1, 1)
        i_wait(0, 0)
        g_start(0, 0, 0)

        def block(t, carry):
            for u in range(IR):
                c = t * IR + u

                @pl.when(c > 1)
                def _():
                    s_wait(c - 2, (u + 2) % IR, (u + 2) % IR)

                @pl.when(c + 2 < NCH)
                def _():
                    i_start(c + 2, (u + 2) % IR)

                i_wait(c + 1, (u + 1) % IR)
                g_start(c + 1, (u + 1) % IR, (u + 1) % IR)
                g_wait(c, u, u)
                s_start(c, u, u)
            return carry

        lax.fori_loop(0, NCH // IR, block, 0)
        s_wait(NCH - 3, 2, 2)
        g_wait(NCH - 1, 0, 0)
        s_start(NCH - 1, 0, 0)
        s_wait(NCH - 2, 3, 3)
        s_wait(NCH - 1, 0, 0)
        plsc.subcore_barrier()
        pltpu.sync_copy(
            acc_sh.at[pl.ds(sid * TPW, TPW)], out_hbm.at[cid, pl.ds(sid * TPW, TPW)]
        )

    return prop


_prop128 = _make_prop(NFEAT)


def _dot(a, b):
    return jnp.dot(a, b, preferred_element_type=jnp.float32,
                   precision=lax.Precision.HIGHEST)


def _tc_prep(cnt_t, xp, W1):
    def body(cnt_ref, x_ref, w_ref, dis_ref, h_ref):
        deg = cnt_ref[:, 0:1] + cnt_ref[:, 1:2] + 1.0
        dis = lax.rsqrt(deg)
        dis_ref[...] = dis
        h_ref[...] = _dot(x_ref[...], w_ref[...]) * dis

    return pl.pallas_call(
        body,
        grid=(NP // BR,),
        in_specs=[
            pl.BlockSpec((BR, 2), lambda i: (i, 0)),
            pl.BlockSpec((BR, NFEAT), lambda i: (i, 0)),
            pl.BlockSpec((NFEAT, NFEAT), lambda i: (0, 0)),
        ],
        out_specs=[
            pl.BlockSpec((BR, 1), lambda i: (i, 0)),
            pl.BlockSpec((BR, NFEAT), lambda i: (i, 0)),
        ],
        out_shape=[
            jax.ShapeDtypeStruct((NP, 1), jnp.float32),
            jax.ShapeDtypeStruct((NP, NFEAT), jnp.float32),
        ],
    )(cnt_t, xp, W1)


def _tc_mid(p0, p1, h, dis, b, W, fout):
    def body(p0_ref, p1_ref, h_ref, dis_ref, b_ref, w_ref, o_ref):
        d = dis_ref[...]
        z = (p0_ref[...] + p1_ref[...] + h_ref[...]) * d + b_ref[...]
        a = jnp.maximum(z, 0.0)
        o_ref[...] = _dot(a, w_ref[...]) * d

    fin = h.shape[1]
    return pl.pallas_call(
        body,
        grid=(NP // BR,),
        in_specs=[
            pl.BlockSpec((BR, fin), lambda i: (i, 0)),
            pl.BlockSpec((BR, fin), lambda i: (i, 0)),
            pl.BlockSpec((BR, fin), lambda i: (i, 0)),
            pl.BlockSpec((BR, 1), lambda i: (i, 0)),
            pl.BlockSpec((1, fin), lambda i: (0, 0)),
            pl.BlockSpec((fin, fout), lambda i: (0, 0)),
        ],
        out_specs=pl.BlockSpec((BR, fout), lambda i: (i, 0)),
        out_shape=jax.ShapeDtypeStruct((NP, fout), jnp.float32),
    )(p0, p1, h, dis, b, W)


def _tc_final(p0, p1, h, dis, b):
    def body(p0_ref, p1_ref, h_ref, dis_ref, b_ref, o_ref):
        z = (p0_ref[...] + p1_ref[...] + h_ref[...]) * dis_ref[...] + b_ref[...]
        cols = lax.broadcasted_iota(jnp.int32, (BR, CP), 1)
        zm = jnp.where(cols < NCLASS, z, -1e30)
        m = jnp.max(zm, axis=-1, keepdims=True)
        e = jnp.exp(zm - m)
        s = jnp.sum(e, axis=-1, keepdims=True)
        o_ref[...] = z - m - jnp.log(s)

    return pl.pallas_call(
        body,
        grid=(NP // BR,),
        in_specs=[
            pl.BlockSpec((BR, CP), lambda i: (i, 0)),
            pl.BlockSpec((BR, CP), lambda i: (i, 0)),
            pl.BlockSpec((BR, CP), lambda i: (i, 0)),
            pl.BlockSpec((BR, 1), lambda i: (i, 0)),
            pl.BlockSpec((1, CP), lambda i: (0, 0)),
        ],
        out_specs=pl.BlockSpec((BR, CP), lambda i: (i, 0)),
        out_shape=jax.ShapeDtypeStruct((NP, CP), jnp.float32),
    )(p0, p1, h, dis, b)


def kernel(x, adj_t, W1, b1, W2, b2, W3, b3):
    row = adj_t[0].reshape(NW, NCH, K)
    col = adj_t[1].reshape(NW, NCH, K)
    xp = jnp.pad(x, ((0, NP - N_NODES), (0, 0)))
    W3p = jnp.pad(W3, ((0, 0), (0, CP - NCLASS)))
    b3p = jnp.pad(b3, (0, CP - NCLASS)).reshape(1, CP)
    b1r = b1.reshape(1, NFEAT)
    b2r = b2.reshape(1, NFEAT)

    cnt = _sc_hist(col)
    dis, h1 = _tc_prep(cnt.T, xp, W1)

    p1 = _prop128(h1, row, col)
    h2 = _tc_mid(p1[0], p1[1], h1, dis, b1r, W2, NFEAT)
    p2 = _prop128(h2, row, col)
    h3 = _tc_mid(p2[0], p2[1], h2, dis, b2r, W3p, CP)
    p3 = _prop128(h3, row, col)
    out = _tc_final(p3[0], p3[1], h3, dis, b3p)
    return out[:N_NODES, :NCLASS]

# --- scband reference (transcript-rebuilt; emitter-appended) ---
"""Pipeline reference for scband-gcn-75720273428871 (READ-ONLY COPY).

The authoritative reference and input builder live on the scoring server;
editing this copy changes nothing except your own understanding.
"""

import jax, jax.numpy as jnp
import numpy as np

N_NODES = 10000
N_EDGES = 320000
NFEAT = 128
NHID = 128
NCLASS = 40


def gcn_conv(x, edge_index, W, b, num_nodes):
    # linear transform first (PyG GCNConv order)
    x = x @ W
    row = edge_index[0]
    col = edge_index[1]
    # add self loops
    loop = jnp.arange(num_nodes, dtype=row.dtype)
    row = jnp.concatenate([row, loop])
    col = jnp.concatenate([col, loop])
    ew = jnp.ones(row.shape[0], dtype=x.dtype)
    # symmetric normalization D^{-1/2} (A+I) D^{-1/2}
    deg = jax.ops.segment_sum(ew, col, num_segments=num_nodes)
    dis = jnp.where(deg > 0, 1.0 / jnp.sqrt(deg), 0.0)
    norm = dis[row] * ew * dis[col]
    msgs = x[row] * norm[:, None]
    out = jax.ops.segment_sum(msgs, col, num_segments=num_nodes)
    return out + b


def setup_inputs(seed: int = 0) -> dict:
    key = jax.random.key(seed)
    ks = jax.random.split(key, 8)
    x = jax.random.normal(ks[0], (N_NODES, NFEAT), dtype=jnp.float32)
    adj_t = jax.random.randint(ks[1], (2, N_EDGES), 0, N_NODES, dtype=jnp.int32)
    s1 = 1.0 / np.sqrt(NFEAT)
    s2 = 1.0 / np.sqrt(NHID)
    W1 = jax.random.uniform(ks[2], (NFEAT, NHID), jnp.float32, -s1, s1)
    b1 = jnp.zeros((NHID,), jnp.float32)
    W2 = jax.random.uniform(ks[3], (NHID, NHID), jnp.float32, -s2, s2)
    b2 = jnp.zeros((NHID,), jnp.float32)
    W3 = jax.random.uniform(ks[4], (NHID, NCLASS), jnp.float32, -s2, s2)
    b3 = jnp.zeros((NCLASS,), jnp.float32)
    return {"x": x, "adj_t": adj_t, "W1": W1, "b1": b1, "W2": W2, "b2": b2, "W3": W3, "b3": b3}


def reference(x, adj_t, W1, b1, W2, b2, W3, b3):
    # eval mode: dropout is identity
    h = gcn_conv(x, adj_t, W1, b1, N_NODES)
    h = jax.nn.relu(h)
    h = gcn_conv(h, adj_t, W2, b2, N_NODES)
    h = jax.nn.relu(h)
    h = gcn_conv(h, adj_t, W3, b3, N_NODES)
    return jax.nn.log_softmax(h, axis=-1)

if __name__ == "__main__":
    import jax
    _d = setup_inputs()
    print(jax.jit(kernel)(*tuple(_d.values())))

</pallas_src>

<mosaic_0001>
#map = affine_map<(d0, d1) -> (0, 0)>
#map1 = affine_map<(d0, d1) -> (0, 0, 0)>
module attributes {stable_mosaic.version = 14 : i64} {
  func.func @prop(%arg0: i32, %arg1: i32, %arg2: memref<10240x128xf32, #tpu.memory_space<hbm>>, %arg3: memref<32x125x80xi32, #tpu.memory_space<hbm>>, %arg4: memref<32x125x80xi32, #tpu.memory_space<hbm>>, %arg5: memref<2x10240x128xf32, #tpu.memory_space<hbm>>, %arg6: memref<4x80xi32, #tpu.memory_space<vmem>>, %arg7: memref<4x80xi32, #tpu.memory_space<vmem>>, %arg8: memref<4x80x128xf32, #tpu.memory_space<vmem>>, %arg9: memref<10240x128xf32, #tpu.memory_space<vmem_shared>>, %arg10: memref<!tpu.dma_semaphore, #tpu.memory_space<semaphore_mem>>, %arg11: memref<!tpu.dma_semaphore, #tpu.memory_space<semaphore_mem>>, %arg12: memref<!tpu.dma_semaphore, #tpu.memory_space<semaphore_mem>>, %arg13: memref<!tpu.dma_semaphore, #tpu.memory_space<semaphore_mem>>, %arg14: memref<!tpu.dma_semaphore, #tpu.memory_space<semaphore_mem>>, %arg15: memref<!tpu.dma_semaphore, #tpu.memory_space<semaphore_mem>>, %arg16: memref<!tpu.dma_semaphore, #tpu.memory_space<semaphore_mem>>, %arg17: memref<!tpu.dma_semaphore, #tpu.memory_space<semaphore_mem>>, %arg18: memref<!tpu.dma_semaphore, #tpu.memory_space<semaphore_mem>>) attributes {dimension_semantics = [#tpu.dimension_semantics<core_parallel>, #tpu.dimension_semantics<subcore_parallel>], iteration_bounds = array<i64: 2, 16>, scalar_prefetch = 0 : i64, scratch_operands = 13 : i64, tpu.core_type = #tpu.core_type<sc_vector_subcore>, window_params = [{transform_indices = #map}, {transform_indices = #map1}, {transform_indices = #map1}, {transform_indices = #map1}]} {
    %mul3A = arith.constant 16 : i32
    %mul3A_0 = arith.muli %arg0, %mul3A : i32
    %add3A = arith.addi %mul3A_0, %arg1 : i32
    %broadcast_in_dim3A = arith.constant 0.000000e+00 : f32
    %broadcast_in_dim3A_1 = vector.broadcast %broadcast_in_dim3A : f32 to vector<16xf32>
    %scan3A = arith.constant 0 : i32
    %scan3A_2 = arith.constant 0 : i32
    %scan3A_3 = arith.constant 80 : i32
    %scan3A_4 = arith.addi %scan3A_2, %scan3A_3 : i32
    %scan3A_5 = arith.constant 1 : i32
    scf.for %scan3A_211 = %scan3A_2 to %scan3A_4 step %scan3A_5  : i32 {
      %scan3A_212 = arith.constant 0 : i32
      %scan3A_213 = arith.constant 8 : i32
      %scan3A_214 = arith.addi %scan3A_212, %scan3A_213 : i32
      %scan3A_215 = arith.constant 1 : i32
      scf.for %scan3A_217 = %scan3A_212 to %scan3A_214 step %scan3A_215  : i32 {
        %mul3A_218 = arith.constant 16 : i32
        %mul3A_219 = arith.muli %scan3A_217, %mul3A_218 : i32
        %swap3A = arith.constant 0 : i32
        %swap3A_220 = arith.index_cast %swap3A : i32 to index
        %swap3A_221 = arith.index_cast %scan3A_211 : i32 to index
        %swap3A_222 = arith.index_cast %mul3A_219 : i32 to index
        %swap3A_223 = tpu.vector_load %arg8[%swap3A_220, %swap3A_221, %swap3A_222] {strides = array<i32>} : memref<4x80x128xf32, #tpu.memory_space<vmem>>, vector<1x1x16xf32>,
        %swap3A_224 = vector.shape_cast %swap3A_223 : vector<1x1x16xf32> to vector<16xf32>
        %swap3A_225 = vector.shape_cast %broadcast_in_dim3A_1 : vector<16xf32> to vector<1x1x16xf32>
        tpu.vector_store %arg8[%swap3A_220, %swap3A_221, %swap3A_222], %swap3A_225 {strides = array<i32>} : memref<4x80x128xf32, #tpu.memory_space<vmem>>, vector<1x1x16xf32>,
      }
      %scan3A_216 = arith.constant 8 : i32
    }
    %scan3A_6 = arith.constant 80 : i32
    %mul3A_7 = arith.constant 640 : i32
    %mul3A_8 = arith.muli %arg1, %mul3A_7 : i32
    %add3A_9 = arith.constant 0 : i32
    %add3A_10 = arith.addi %mul3A_8, %add3A_9 : i32
    %run_scoped3A = arith.constant 0 : i32
    "tpu.region"() ({
      %run_scoped3A_211 = tpu.sem_alloc : memref<!tpu.dma_semaphore, #tpu.memory_space<semaphore_mem>>
      %dma_start3A_212 = arith.constant 0 : i32
      %dma_start3A_213 = arith.constant 0 : i32
      %dma_start3A_214 = tpu.memref_slice %arg8[%run_scoped3A, %dma_start3A_212, %dma_start3A_213] : memref<4x80x128xf32, #tpu.memory_space<vmem>> -> memref<1x80x128xf32, #tpu.memory_space<vmem>>
      %dma_start3A_215 = tpu.memref_squeeze %dma_start3A_214 : memref<1x80x128xf32, #tpu.memory_space<vmem>> -> memref<80x128xf32, #tpu.memory_space<vmem>>
      %dma_start3A_216 = arith.constant 0 : i32
      %dma_start3A_217 = tpu.memref_slice %arg9[%add3A_10, %dma_start3A_216] : memref<10240x128xf32, #tpu.memory_space<vmem_shared>> -> memref<80x128xf32, #tpu.memory_space<vmem_shared>>
      %dma_start3A_218 = arith.constant 0 : i32
      %dma_start3A_219 = tpu.memref_slice %arg9[%add3A_10, %dma_start3A_218] : memref<10240x128xf32, #tpu.memory_space<vmem_shared>> -> memref<80x128xf32, #tpu.memory_space<vmem_shared>>
      %dma_start3A_220 = arith.constant 0 : i32
      %dma_start3A_221 = arith.constant 0 : i32
      %dma_start3A_222 = tpu.memref_slice %arg8[%run_scoped3A, %dma_start3A_220, %dma_start3A_221] : memref<4x80x128xf32, #tpu.memory_space<vmem>> -> memref<1x80x128xf32, #tpu.memory_space<vmem>>
      %dma_start3A_223 = tpu.memref_squeeze %dma_start3A_222 : memref<1x80x128xf32, #tpu.memory_space<vmem>> -> memref<80x128xf32, #tpu.memory_space<vmem>>
      tpu.enqueue_dma source(%dma_start3A_223 : memref<80x128xf32, #tpu.memory_space<vmem>>) target(%dma_start3A_219 : memref<80x128xf32, #tpu.memory_space<vmem_shared>>) target_semaphore(%run_scoped3A_211 : memref<!tpu.dma_semaphore, #tpu.memory_space<semaphore_mem>>)
      %dma_wait3A_224 = arith.constant 0 : i32
      %dma_wait3A_225 = arith.constant 0 : i32
      %dma_wait3A_226 = tpu.memref_slice %arg8[%run_scoped3A, %dma_wait3A_224, %dma_wait3A_225] : memref<4x80x128xf32, #tpu.memory_space<vmem>> -> memref<1x80x128xf32, #tpu.memory_space<vmem>>
      %dma_wait3A_227 = tpu.memref_squeeze %dma_wait3A_226 : memref<1x80x128xf32, #tpu.memory_space<vmem>> -> memref<80x128xf32, #tpu.memory_space<vmem>>
      %dma_wait3A_228 = arith.constant 0 : i32
      %dma_wait3A_229 = tpu.memref_slice %arg9[%add3A_10, %dma_wait3A_228] : memref<10240x128xf32, #tpu.memory_space<vmem_shared>> -> memref<80x128xf32, #tpu.memory_space<vmem_shared>>
      %dma_wait3A_230 = arith.constant 0 : i32
      %dma_wait3A_231 = tpu.memref_slice %arg9[%add3A_10, %dma_wait3A_230] : memref<10240x128xf32, #tpu.memory_space<vmem_shared>> -> memref<80x128xf32, #tpu.memory_space<vmem_shared>>
      %dma_wait3A_232 = arith.constant 0 : i32
      %dma_wait3A_233 = arith.constant 0 : i32
      %dma_wait3A_234 = tpu.memref_slice %arg8[%run_scoped3A, %dma_wait3A_232, %dma_wait3A_233] : memref<4x80x128xf32, #tpu.memory_space<vmem>> -> memref<1x80x128xf32, #tpu.memory_space<vmem>>
      %dma_wait3A_235 = tpu.memref_squeeze %dma_wait3A_234 : memref<1x80x128xf32, #tpu.memory_space<vmem>> -> memref<80x128xf32, #tpu.memory_space<vmem>>
      tpu.wait_dma2 semaphore(%run_scoped3A_211 : memref<!tpu.dma_semaphore, #tpu.memory_space<semaphore_mem>>) src(%dma_wait3A_235 : memref<80x128xf32, #tpu.memory_space<vmem>>) dst(%dma_wait3A_231 : memref<80x128xf32, #tpu.memory_space<vmem_shared>>)
      tpu.yield
    }) : () -> ()
    %mul3A_11 = arith.constant 640 : i32
    %mul3A_12 = arith.muli %arg1, %mul3A_11 : i32
    %add3A_13 = arith.constant 80 : i32
    %add3A_14 = arith.addi %mul3A_12, %add3A_13 : i32
    %run_scoped3A_15 = arith.constant 0 : i32
    "tpu.region"() ({
      %run_scoped3A_211 = tpu.sem_alloc : memref<!tpu.dma_semaphore, #tpu.memory_space<semaphore_mem>>
      %dma_start3A_212 = arith.constant 0 : i32
      %dma_start3A_213 = arith.constant 0 : i32
      %dma_start3A_214 = tpu.memref_slice %arg8[%run_scoped3A_15, %dma_start3A_212, %dma_start3A_213] : memref<4x80x128xf32, #tpu.memory_space<vmem>> -> memref<1x80x128xf32, #tpu.memory_space<vmem>>
      %dma_start3A_215 = tpu.memref_squeeze %dma_start3A_214 : memref<1x80x128xf32, #tpu.memory_space<vmem>> -> memref<80x128xf32, #tpu.memory_space<vmem>>
      %dma_start3A_216 = arith.constant 0 : i32
      %dma_start3A_217 = tpu.memref_slice %arg9[%add3A_14, %dma_start3A_216] : memref<10240x128xf32, #tpu.memory_space<vmem_shared>> -> memref<80x128xf32, #tpu.memory_space<vmem_shared>>
      %dma_start3A_218 = arith.constant 0 : i32
      %dma_start3A_219 = tpu.memref_slice %arg9[%add3A_14, %dma_start3A_218] : memref<10240x128xf32, #tpu.memory_space<vmem_shared>> -> memref<80x128xf32, #tpu.memory_space<vmem_shared>>
      %dma_start3A_220 = arith.constant 0 : i32
      %dma_start3A_221 = arith.constant 0 : i32
      %dma_start3A_222 = tpu.memref_slice %arg8[%run_scoped3A_15, %dma_start3A_220, %dma_start3A_221] : memref<4x80x128xf32, #tpu.memory_space<vmem>> -> memref<1x80x128xf32, #tpu.memory_space<vmem>>
      %dma_start3A_223 = tpu.memref_squeeze %dma_start3A_222 : memref<1x80x128xf32, #tpu.memory_space<vmem>> -> memref<80x128xf32, #tpu.memory_space<vmem>>
      tpu.enqueue_dma source(%dma_start3A_223 : memref<80x128xf32, #tpu.memory_space<vmem>>) target(%dma_start3A_219 : memref<80x128xf32, #tpu.memory_space<vmem_shared>>) target_semaphore(%run_scoped3A_211 : memref<!tpu.dma_semaphore, #tpu.memory_space<semaphore_mem>>)
      %dma_wait3A_224 = arith.constant 0 : i32
      %dma_wait3A_225 = arith.constant 0 : i32
      %dma_wait3A_226 = tpu.memref_slice %arg8[%run_scoped3A_15, %dma_wait3A_224, %dma_wait3A_225] : memref<4x80x128xf32, #tpu.memory_space<vmem>> -> memref<1x80x128xf32, #tpu.memory_space<vmem>>
      %dma_wait3A_227 = tpu.memref_squeeze %dma_wait3A_226 : memref<1x80x128xf32, #tpu.memory_space<vmem>> -> memref<80x128xf32, #tpu.memory_space<vmem>>
      %dma_wait3A_228 = arith.constant 0 : i32
      %dma_wait3A_229 = tpu.memref_slice %arg9[%add3A_14, %dma_wait3A_228] : memref<10240x128xf32, #tpu.memory_space<vmem_shared>> -> memref<80x128xf32, #tpu.memory_space<vmem_shared>>
      %dma_wait3A_230 = arith.constant 0 : i32
      %dma_wait3A_231 = tpu.memref_slice %arg9[%add3A_14, %dma_wait3A_230] : memref<10240x128xf32, #tpu.memory_space<vmem_shared>> -> memref<80x128xf32, #tpu.memory_space<vmem_shared>>
      %dma_wait3A_232 = arith.constant 0 : i32
      %dma_wait3A_233 = arith.constant 0 : i32
      %dma_wait3A_234 = tpu.memref_slice %arg8[%run_scoped3A_15, %dma_wait3A_232, %dma_wait3A_233] : memref<4x80x128xf32, #tpu.memory_space<vmem>> -> memref<1x80x128xf32, #tpu.memory_space<vmem>>
      %dma_wait3A_235 = tpu.memref_squeeze %dma_wait3A_234 : memref<1x80x128xf32, #tpu.memory_space<vmem>> -> memref<80x128xf32, #tpu.memory_space<vmem>>
      tpu.wait_dma2 semaphore(%run_scoped3A_211 : memref<!tpu.dma_semaphore, #tpu.memory_space<semaphore_mem>>) src(%dma_wait3A_235 : memref<80x128xf32, #tpu.memory_space<vmem>>) dst(%dma_wait3A_231 : memref<80x128xf32, #tpu.memory_space<vmem_shared>>)
      tpu.yield
    }) : () -> ()
    %mul3A_16 = arith.constant 640 : i32
    %mul3A_17 = arith.muli %arg1, %mul3A_16 : i32
    %add3A_18 = arith.constant 160 : i32
    %add3A_19 = arith.addi %mul3A_17, %add3A_18 : i32
    %run_scoped3A_20 = arith.constant 0 : i32
    "tpu.region"() ({
      %run_scoped3A_211 = tpu.sem_alloc : memref<!tpu.dma_semaphore, #tpu.memory_space<semaphore_mem>>
      %dma_start3A_212 = arith.constant 0 : i32
      %dma_start3A_213 = arith.constant 0 : i32
      %dma_start3A_214 = tpu.memref_slice %arg8[%run_scoped3A_20, %dma_start3A_212, %dma_start3A_213] : memref<4x80x128xf32, #tpu.memory_space<vmem>> -> memref<1x80x128xf32, #tpu.memory_space<vmem>>
      %dma_start3A_215 = tpu.memref_squeeze %dma_start3A_214 : memref<1x80x128xf32, #tpu.memory_space<vmem>> -> memref<80x128xf32, #tpu.memory_space<vmem>>
      %dma_start3A_216 = arith.constant 0 : i32
      %dma_start3A_217 = tpu.memref_slice %arg9[%add3A_19, %dma_start3A_216] : memref<10240x128xf32, #tpu.memory_space<vmem_shared>> -> memref<80x128xf32, #tpu.memory_space<vmem_shared>>
      %dma_start3A_218 = arith.constant 0 : i32
      %dma_start3A_219 = tpu.memref_slice %arg9[%add3A_19, %dma_start3A_218] : memref<10240x128xf32, #tpu.memory_space<vmem_shared>> -> memref<80x128xf32, #tpu.memory_space<vmem_shared>>
      %dma_start3A_220 = arith.constant 0 : i32
      %dma_start3A_221 = arith.constant 0 : i32
      %dma_start3A_222 = tpu.memref_slice %arg8[%run_scoped3A_20, %dma_start3A_220, %dma_start3A_221] : memref<4x80x128xf32, #tpu.memory_space<vmem>> -> memref<1x80x128xf32, #tpu.memory_space<vmem>>
      %dma_start3A_223 = tpu.memref_squeeze %dma_start3A_222 : memref<1x80x128xf32, #tpu.memory_space<vmem>> -> memref<80x128xf32, #tpu.memory_space<vmem>>
      tpu.enqueue_dma source(%dma_start3A_223 : memref<80x128xf32, #tpu.memory_space<vmem>>) target(%dma_start3A_219 : memref<80x128xf32, #tpu.memory_space<vmem_shared>>) target_semaphore(%run_scoped3A_211 : memref<!tpu.dma_semaphore, #tpu.memory_space<semaphore_mem>>)
      %dma_wait3A_224 = arith.constant 0 : i32
      %dma_wait3A_225 = arith.constant 0 : i32
      %dma_wait3A_226 = tpu.memref_slice %arg8[%run_scoped3A_20, %dma_wait3A_224, %dma_wait3A_225] : memref<4x80x128xf32, #tpu.memory_space<vmem>> -> memref<1x80x128xf32, #tpu.memory_space<vmem>>
      %dma_wait3A_227 = tpu.memref_squeeze %dma_wait3A_226 : memref<1x80x128xf32, #tpu.memory_space<vmem>> -> memref<80x128xf32, #tpu.memory_space<vmem>>
      %dma_wait3A_228 = arith.constant 0 : i32
      %dma_wait3A_229 = tpu.memref_slice %arg9[%add3A_19, %dma_wait3A_228] : memref<10240x128xf32, #tpu.memory_space<vmem_shared>> -> memref<80x128xf32, #tpu.memory_space<vmem_shared>>
      %dma_wait3A_230 = arith.constant 0 : i32
      %dma_wait3A_231 = tpu.memref_slice %arg9[%add3A_19, %dma_wait3A_230] : memref<10240x128xf32, #tpu.memory_space<vmem_shared>> -> memref<80x128xf32, #tpu.memory_space<vmem_shared>>
      %dma_wait3A_232 = arith.constant 0 : i32
      %dma_wait3A_233 = arith.constant 0 : i32
      %dma_wait3A_234 = tpu.memref_slice %arg8[%run_scoped3A_20, %dma_wait3A_232, %dma_wait3A_233] : memref<4x80x128xf32, #tpu.memory_space<vmem>> -> memref<1x80x128xf32, #tpu.memory_space<vmem>>
      %dma_wait3A_235 = tpu.memref_squeeze %dma_wait3A_234 : memref<1x80x128xf32, #tpu.memory_space<vmem>> -> memref<80x128xf32, #tpu.memory_space<vmem>>
      tpu.wait_dma2 semaphore(%run_scoped3A_211 : memref<!tpu.dma_semaphore, #tpu.memory_space<semaphore_mem>>) src(%dma_wait3A_235 : memref<80x128xf32, #tpu.memory_space<vmem>>) dst(%dma_wait3A_231 : memref<80x128xf32, #tpu.memory_space<vmem_shared>>)
      tpu.yield
    }) : () -> ()
    %mul3A_21 = arith.constant 640 : i32
    %mul3A_22 = arith.muli %arg1, %mul3A_21 : i32
    %add3A_23 = arith.constant 240 : i32
    %add3A_24 = arith.addi %mul3A_22, %add3A_23 : i32
    %run_scoped3A_25 = arith.constant 0 : i32
    "tpu.region"() ({
      %run_scoped3A_211 = tpu.sem_alloc : memref<!tpu.dma_semaphore, #tpu.memory_space<semaphore_mem>>
      %dma_start3A_212 = arith.constant 0 : i32
      %dma_start3A_213 = arith.constant 0 : i32
      %dma_start3A_214 = tpu.memref_slice %arg8[%run_scoped3A_25, %dma_start3A_212, %dma_start3A_213] : memref<4x80x128xf32, #tpu.memory_space<vmem>> -> memref<1x80x128xf32, #tpu.memory_space<vmem>>
      %dma_start3A_215 = tpu.memref_squeeze %dma_start3A_214 : memref<1x80x128xf32, #tpu.memory_space<vmem>> -> memref<80x128xf32, #tpu.memory_space<vmem>>
      %dma_start3A_216 = arith.constant 0 : i32
      %dma_start3A_217 = tpu.memref_slice %arg9[%add3A_24, %dma_start3A_216] : memref<10240x128xf32, #tpu.memory_space<vmem_shared>> -> memref<80x128xf32, #tpu.memory_space<vmem_shared>>
      %dma_start3A_218 = arith.constant 0 : i32
      %dma_start3A_219 = tpu.memref_slice %arg9[%add3A_24, %dma_start3A_218] : memref<10240x128xf32, #tpu.memory_space<vmem_shared>> -> memref<80x128xf32, #tpu.memory_space<vmem_shared>>
      %dma_start3A_220 = arith.constant 0 : i32
      %dma_start3A_221 = arith.constant 0 : i32
      %dma_start3A_222 = tpu.memref_slice %arg8[%run_scoped3A_25, %dma_start3A_220, %dma_start3A_221] : memref<4x80x128xf32, #tpu.memory_space<vmem>> -> memref<1x80x128xf32, #tpu.memory_space<vmem>>
      %dma_start3A_223 = tpu.memref_squeeze %dma_start3A_222 : memref<1x80x128xf32, #tpu.memory_space<vmem>> -> memref<80x128xf32, #tpu.memory_space<vmem>>
      tpu.enqueue_dma source(%dma_start3A_223 : memref<80x128xf32, #tpu.memory_space<vmem>>) target(%dma_start3A_219 : memref<80x128xf32, #tpu.memory_space<vmem_shared>>) target_semaphore(%run_scoped3A_211 : memref<!tpu.dma_semaphore, #tpu.memory_space<semaphore_mem>>)
      %dma_wait3A_224 = arith.constant 0 : i32
      %dma_wait3A_225 = arith.constant 0 : i32
      %dma_wait3A_226 = tpu.memref_slice %arg8[%run_scoped3A_25, %dma_wait3A_224, %dma_wait3A_225] : memref<4x80x128xf32, #tpu.memory_space<vmem>> -> memref<1x80x128xf32, #tpu.memory_space<vmem>>
      %dma_wait3A_227 = tpu.memref_squeeze %dma_wait3A_226 : memref<1x80x128xf32, #tpu.memory_space<vmem>> -> memref<80x128xf32, #tpu.memory_space<vmem>>
      %dma_wait3A_228 = arith.constant 0 : i32
      %dma_wait3A_229 = tpu.memref_slice %arg9[%add3A_24, %dma_wait3A_228] : memref<10240x128xf32, #tpu.memory_space<vmem_shared>> -> memref<80x128xf32, #tpu.memory_space<vmem_shared>>
      %dma_wait3A_230 = arith.constant 0 : i32
      %dma_wait3A_231 = tpu.memref_slice %arg9[%add3A_24, %dma_wait3A_230] : memref<10240x128xf32, #tpu.memory_space<vmem_shared>> -> memref<80x128xf32, #tpu.memory_space<vmem_shared>>
      %dma_wait3A_232 = arith.constant 0 : i32
      %dma_wait3A_233 = arith.constant 0 : i32
      %dma_wait3A_234 = tpu.memref_slice %arg8[%run_scoped3A_25, %dma_wait3A_232, %dma_wait3A_233] : memref<4x80x128xf32, #tpu.memory_space<vmem>> -> memref<1x80x128xf32, #tpu.memory_space<vmem>>
      %dma_wait3A_235 = tpu.memref_squeeze %dma_wait3A_234 : memref<1x80x128xf32, #tpu.memory_space<vmem>> -> memref<80x128xf32, #tpu.memory_space<vmem>>
      tpu.wait_dma2 semaphore(%run_scoped3A_211 : memref<!tpu.dma_semaphore, #tpu.memory_space<semaphore_mem>>) src(%dma_wait3A_235 : memref<80x128xf32, #tpu.memory_space<vmem>>) dst(%dma_wait3A_231 : memref<80x128xf32, #tpu.memory_space<vmem_shared>>)
      tpu.yield
    }) : () -> ()
    %mul3A_26 = arith.constant 640 : i32
    %mul3A_27 = arith.muli %arg1, %mul3A_26 : i32
    %add3A_28 = arith.constant 320 : i32
    %add3A_29 = arith.addi %mul3A_27, %add3A_28 : i32
    %run_scoped3A_30 = arith.constant 0 : i32
    "tpu.region"() ({
      %run_scoped3A_211 = tpu.sem_alloc : memref<!tpu.dma_semaphore, #tpu.memory_space<semaphore_mem>>
      %dma_start3A_212 = arith.constant 0 : i32
      %dma_start3A_213 = arith.constant 0 : i32
      %dma_start3A_214 = tpu.memref_slice %arg8[%run_scoped3A_30, %dma_start3A_212, %dma_start3A_213] : memref<4x80x128xf32, #tpu.memory_space<vmem>> -> memref<1x80x128xf32, #tpu.memory_space<vmem>>
      %dma_start3A_215 = tpu.memref_squeeze %dma_start3A_214 : memref<1x80x128xf32, #tpu.memory_space<vmem>> -> memref<80x128xf32, #tpu.memory_space<vmem>>
      %dma_start3A_216 = arith.constant 0 : i32
      %dma_start3A_217 = tpu.memref_slice %arg9[%add3A_29, %dma_start3A_216] : memref<10240x128xf32, #tpu.memory_space<vmem_shared>> -> memref<80x128xf32, #tpu.memory_space<vmem_shared>>
      %dma_start3A_218 = arith.constant 0 : i32
      %dma_start3A_219 = tpu.memref_slice %arg9[%add3A_29, %dma_start3A_218] : memref<10240x128xf32, #tpu.memory_space<vmem_shared>> -> memref<80x128xf32, #tpu.memory_space<vmem_shared>>
      %dma_start3A_220 = arith.constant 0 : i32
      %dma_start3A_221 = arith.constant 0 : i32
      %dma_start3A_222 = tpu.memref_slice %arg8[%run_scoped3A_30, %dma_start3A_220, %dma_start3A_221] : memref<4x80x128xf32, #tpu.memory_space<vmem>> -> memref<1x80x128xf32, #tpu.memory_space<vmem>>
      %dma_start3A_223 = tpu.memref_squeeze %dma_start3A_222 : memref<1x80x128xf32, #tpu.memory_space<vmem>> -> memref<80x128xf32, #tpu.memory_space<vmem>>
      tpu.enqueue_dma source(%dma_start3A_223 : memref<80x128xf32, #tpu.memory_space<vmem>>) target(%dma_start3A_219 : memref<80x128xf32, #tpu.memory_space<vmem_shared>>) target_semaphore(%run_scoped3A_211 : memref<!tpu.dma_semaphore, #tpu.memory_space<semaphore_mem>>)
      %dma_wait3A_224 = arith.constant 0 : i32
      %dma_wait3A_225 = arith.constant 0 : i32
      %dma_wait3A_226 = tpu.memref_slice %arg8[%run_scoped3A_30, %dma_wait3A_224, %dma_wait3A_225] : memref<4x80x128xf32, #tpu.memory_space<vmem>> -> memref<1x80x128xf32, #tpu.memory_space<vmem>>
      %dma_wait3A_227 = tpu.memref_squeeze %dma_wait3A_226 : memref<1x80x128xf32, #tpu.memory_space<vmem>> -> memref<80x128xf32, #tpu.memory_space<vmem>>
      %dma_wait3A_228 = arith.constant 0 : i32
      %dma_wait3A_229 = tpu.memref_slice %arg9[%add3A_29, %dma_wait3A_228] : memref<10240x128xf32, #tpu.memory_space<vmem_shared>> -> memref<80x128xf32, #tpu.memory_space<vmem_shared>>
      %dma_wait3A_230 = arith.constant 0 : i32
      %dma_wait3A_231 = tpu.memref_slice %arg9[%add3A_29, %dma_wait3A_230] : memref<10240x128xf32, #tpu.memory_space<vmem_shared>> -> memref<80x128xf32, #tpu.memory_space<vmem_shared>>
      %dma_wait3A_232 = arith.constant 0 : i32
      %dma_wait3A_233 = arith.constant 0 : i32
      %dma_wait3A_234 = tpu.memref_slice %arg8[%run_scoped3A_30, %dma_wait3A_232, %dma_wait3A_233] : memref<4x80x128xf32, #tpu.memory_space<vmem>> -> memref<1x80x128xf32, #tpu.memory_space<vmem>>
      %dma_wait3A_235 = tpu.memref_squeeze %dma_wait3A_234 : memref<1x80x128xf32, #tpu.memory_space<vmem>> -> memref<80x128xf32, #tpu.memory_space<vmem>>
      tpu.wait_dma2 semaphore(%run_scoped3A_211 : memref<!tpu.dma_semaphore, #tpu.memory_space<semaphore_mem>>) src(%dma_wait3A_235 : memref<80x128xf32, #tpu.memory_space<vmem>>) dst(%dma_wait3A_231 : memref<80x128xf32, #tpu.memory_space<vmem_shared>>)
      tpu.yield
    }) : () -> ()
    %mul3A_31 = arith.constant 640 : i32
    %mul3A_32 = arith.muli %arg1, %mul3A_31 : i32
    %add3A_33 = arith.constant 400 : i32
    %add3A_34 = arith.addi %mul3A_32, %add3A_33 : i32
    %run_scoped3A_35 = arith.constant 0 : i32
    "tpu.region"() ({
      %run_scoped3A_211 = tpu.sem_alloc : memref<!tpu.dma_semaphore, #tpu.memory_space<semaphore_mem>>
      %dma_start3A_212 = arith.constant 0 : i32
      %dma_start3A_213 = arith.constant 0 : i32
      %dma_start3A_214 = tpu.memref_slice %arg8[%run_scoped3A_35, %dma_start3A_212, %dma_start3A_213] : memref<4x80x128xf32, #tpu.memory_space<vmem>> -> memref<1x80x128xf32, #tpu.memory_space<vmem>>
      %dma_start3A_215 = tpu.memref_squeeze %dma_start3A_214 : memref<1x80x128xf32, #tpu.memory_space<vmem>> -> memref<80x128xf32, #tpu.memory_space<vmem>>
      %dma_start3A_216 = arith.constant 0 : i32
      %dma_start3A_217 = tpu.memref_slice %arg9[%add3A_34, %dma_start3A_216] : memref<10240x128xf32, #tpu.memory_space<vmem_shared>> -> memref<80x128xf32, #tpu.memory_space<vmem_shared>>
      %dma_start3A_218 = arith.constant 0 : i32
      %dma_start3A_219 = tpu.memref_slice %arg9[%add3A_34, %dma_start3A_218] : memref<10240x128xf32, #tpu.memory_space<vmem_shared>> -> memref<80x128xf32, #tpu.memory_space<vmem_shared>>
      %dma_start3A_220 = arith.constant 0 : i32
      %dma_start3A_221 = arith.constant 0 : i32
      %dma_start3A_222 = tpu.memref_slice %arg8[%run_scoped3A_35, %dma_start3A_220, %dma_start3A_221] : memref<4x80x128xf32, #tpu.memory_space<vmem>> -> memref<1x80x128xf32, #tpu.memory_space<vmem>>
      %dma_start3A_223 = tpu.memref_squeeze %dma_start3A_222 : memref<1x80x128xf32, #tpu.memory_space<vmem>> -> memref<80x128xf32, #tpu.memory_space<vmem>>
      tpu.enqueue_dma source(%dma_start3A_223 : memref<80x128xf32, #tpu.memory_space<vmem>>) target(%dma_start3A_219 : memref<80x128xf32, #tpu.memory_space<vmem_shared>>) target_semaphore(%run_scoped3A_211 : memref<!tpu.dma_semaphore, #tpu.memory_space<semaphore_mem>>)
      %dma_wait3A_224 = arith.constant 0 : i32
      %dma_wait3A_225 = arith.constant 0 : i32
      %dma_wait3A_226 = tpu.memref_slice %arg8[%run_scoped3A_35, %dma_wait3A_224, %dma_wait3A_225] : memref<4x80x128xf32, #tpu.memory_space<vmem>> -> memref<1x80x128xf32, #tpu.memory_space<vmem>>
      %dma_wait3A_227 = tpu.memref_squeeze %dma_wait3A_226 : memref<1x80x128xf32, #tpu.memory_space<vmem>> -> memref<80x128xf32, #tpu.memory_space<vmem>>
      %dma_wait3A_228 = arith.constant 0 : i32
      %dma_wait3A_229 = tpu.memref_slice %arg9[%add3A_34, %dma_wait3A_228] : memref<10240x128xf32, #tpu.memory_space<vmem_shared>> -> memref<80x128xf32, #tpu.memory_space<vmem_shared>>
      %dma_wait3A_230 = arith.constant 0 : i32
      %dma_wait3A_231 = tpu.memref_slice %arg9[%add3A_34, %dma_wait3A_230] : memref<10240x128xf32, #tpu.memory_space<vmem_shared>> -> memref<80x128xf32, #tpu.memory_space<vmem_shared>>
      %dma_wait3A_232 = arith.constant 0 : i32
      %dma_wait3A_233 = arith.constant 0 : i32
      %dma_wait3A_234 = tpu.memref_slice %arg8[%run_scoped3A_35, %dma_wait3A_232, %dma_wait3A_233] : memref<4x80x128xf32, #tpu.memory_space<vmem>> -> memref<1x80x128xf32, #tpu.memory_space<vmem>>
      %dma_wait3A_235 = tpu.memref_squeeze %dma_wait3A_234 : memref<1x80x128xf32, #tpu.memory_space<vmem>> -> memref<80x128xf32, #tpu.memory_space<vmem>>
      tpu.wait_dma2 semaphore(%run_scoped3A_211 : memref<!tpu.dma_semaphore, #tpu.memory_space<semaphore_mem>>) src(%dma_wait3A_235 : memref<80x128xf32, #tpu.memory_space<vmem>>) dst(%dma_wait3A_231 : memref<80x128xf32, #tpu.memory_space<vmem_shared>>)
      tpu.yield
    }) : () -> ()
    %mul3A_36 = arith.constant 640 : i32
    %mul3A_37 = arith.muli %arg1, %mul3A_36 : i32
    %add3A_38 = arith.constant 480 : i32
    %add3A_39 = arith.addi %mul3A_37, %add3A_38 : i32
    %run_scoped3A_40 = arith.constant 0 : i32
    "tpu.region"() ({
      %run_scoped3A_211 = tpu.sem_alloc : memref<!tpu.dma_semaphore, #tpu.memory_space<semaphore_mem>>
      %dma_start3A_212 = arith.constant 0 : i32
      %dma_start3A_213 = arith.constant 0 : i32
      %dma_start3A_214 = tpu.memref_slice %arg8[%run_scoped3A_40, %dma_start3A_212, %dma_start3A_213] : memref<4x80x128xf32, #tpu.memory_space<vmem>> -> memref<1x80x128xf32, #tpu.memory_space<vmem>>
      %dma_start3A_215 = tpu.memref_squeeze %dma_start3A_214 : memref<1x80x128xf32, #tpu.memory_space<vmem>> -> memref<80x128xf32, #tpu.memory_space<vmem>>
      %dma_start3A_216 = arith.constant 0 : i32
      %dma_start3A_217 = tpu.memref_slice %arg9[%add3A_39, %dma_start3A_216] : memref<10240x128xf32, #tpu.memory_space<vmem_shared>> -> memref<80x128xf32, #tpu.memory_space<vmem_shared>>
      %dma_start3A_218 = arith.constant 0 : i32
      %dma_start3A_219 = tpu.memref_slice %arg9[%add3A_39, %dma_start3A_218] : memref<10240x128xf32, #tpu.memory_space<vmem_shared>> -> memref<80x128xf32, #tpu.memory_space<vmem_shared>>
      %dma_start3A_220 = arith.constant 0 : i32
      %dma_start3A_221 = arith.constant 0 : i32
      %dma_start3A_222 = tpu.memref_slice %arg8[%run_scoped3A_40, %dma_start3A_220, %dma_start3A_221] : memref<4x80x128xf32, #tpu.memory_space<vmem>> -> memref<1x80x128xf32, #tpu.memory_space<vmem>>
      %dma_start3A_223 = tpu.memref_squeeze %dma_start3A_222 : memref<1x80x128xf32, #tpu.memory_space<vmem>> -> memref<80x128xf32, #tpu.memory_space<vmem>>
      tpu.enqueue_dma source(%dma_start3A_223 : memref<80x128xf32, #tpu.memory_space<vmem>>) target(%dma_start3A_219 : memref<80x128xf32, #tpu.memory_space<vmem_shared>>) target_semaphore(%run_scoped3A_211 : memref<!tpu.dma_semaphore, #tpu.memory_space<semaphore_mem>>)
      %dma_wait3A_224 = arith.constant 0 : i32
      %dma_wait3A_225 = arith.constant 0 : i32
      %dma_wait3A_226 = tpu.memref_slice %arg8[%run_scoped3A_40, %dma_wait3A_224, %dma_wait3A_225] : memref<4x80x128xf32, #tpu.memory_space<vmem>> -> memref<1x80x128xf32, #tpu.memory_space<vmem>>
      %dma_wait3A_227 = tpu.memref_squeeze %dma_wait3A_226 : memref<1x80x128xf32, #tpu.memory_space<vmem>> -> memref<80x128xf32, #tpu.memory_space<vmem>>
      %dma_wait3A_228 = arith.constant 0 : i32
      %dma_wait3A_229 = tpu.memref_slice %arg9[%add3A_39, %dma_wait3A_228] : memref<10240x128xf32, #tpu.memory_space<vmem_shared>> -> memref<80x128xf32, #tpu.memory_space<vmem_shared>>
      %dma_wait3A_230 = arith.constant 0 : i32
      %dma_wait3A_231 = tpu.memref_slice %arg9[%add3A_39, %dma_wait3A_230] : memref<10240x128xf32, #tpu.memory_space<vmem_shared>> -> memref<80x128xf32, #tpu.memory_space<vmem_shared>>
      %dma_wait3A_232 = arith.constant 0 : i32
      %dma_wait3A_233 = arith.constant 0 : i32
      %dma_wait3A_234 = tpu.memref_slice %arg8[%run_scoped3A_40, %dma_wait3A_232, %dma_wait3A_233] : memref<4x80x128xf32, #tpu.memory_space<vmem>> -> memref<1x80x128xf32, #tpu.memory_space<vmem>>
      %dma_wait3A_235 = tpu.memref_squeeze %dma_wait3A_234 : memref<1x80x128xf32, #tpu.memory_space<vmem>> -> memref<80x128xf32, #tpu.memory_space<vmem>>
      tpu.wait_dma2 semaphore(%run_scoped3A_211 : memref<!tpu.dma_semaphore, #tpu.memory_space<semaphore_mem>>) src(%dma_wait3A_235 : memref<80x128xf32, #tpu.memory_space<vmem>>) dst(%dma_wait3A_231 : memref<80x128xf32, #tpu.memory_space<vmem_shared>>)
      tpu.yield
    }) : () -> ()
    %mul3A_41 = arith.constant 640 : i32
    %mul3A_42 = arith.muli %arg1, %mul3A_41 : i32
    %add3A_43 = arith.constant 560 : i32
    %add3A_44 = arith.addi %mul3A_42, %add3A_43 : i32
    %run_scoped3A_45 = arith.constant 0 : i32
    "tpu.region"() ({
      %run_scoped3A_211 = tpu.sem_alloc : memref<!tpu.dma_semaphore, #tpu.memory_space<semaphore_mem>>
      %dma_start3A_212 = arith.constant 0 : i32
      %dma_start3A_213 = arith.constant 0 : i32
      %dma_start3A_214 = tpu.memref_slice %arg8[%run_scoped3A_45, %dma_start3A_212, %dma_start3A_213] : memref<4x80x128xf32, #tpu.memory_space<vmem>> -> memref<1x80x128xf32, #tpu.memory_space<vmem>>
      %dma_start3A_215 = tpu.memref_squeeze %dma_start3A_214 : memref<1x80x128xf32, #tpu.memory_space<vmem>> -> memref<80x128xf32, #tpu.memory_space<vmem>>
      %dma_start3A_216 = arith.constant 0 : i32
      %dma_start3A_217 = tpu.memref_slice %arg9[%add3A_44, %dma_start3A_216] : memref<10240x128xf32, #tpu.memory_space<vmem_shared>> -> memref<80x128xf32, #tpu.memory_space<vmem_shared>>
      %dma_start3A_218 = arith.constant 0 : i32
      %dma_start3A_219 = tpu.memref_slice %arg9[%add3A_44, %dma_start3A_218] : memref<10240x128xf32, #tpu.memory_space<vmem_shared>> -> memref<80x128xf32, #tpu.memory_space<vmem_shared>>
      %dma_start3A_220 = arith.constant 0 : i32
      %dma_start3A_221 = arith.constant 0 : i32
      %dma_start3A_222 = tpu.memref_slice %arg8[%run_scoped3A_45, %dma_start3A_220, %dma_start3A_221] : memref<4x80x128xf32, #tpu.memory_space<vmem>> -> memref<1x80x128xf32, #tpu.memory_space<vmem>>
      %dma_start3A_223 = tpu.memref_squeeze %dma_start3A_222 : memref<1x80x128xf32, #tpu.memory_space<vmem>> -> memref<80x128xf32, #tpu.memory_space<vmem>>
      tpu.enqueue_dma source(%dma_start3A_223 : memref<80x128xf32, #tpu.memory_space<vmem>>) target(%dma_start3A_219 : memref<80x128xf32, #tpu.memory_space<vmem_shared>>) target_semaphore(%run_scoped3A_211 : memref<!tpu.dma_semaphore, #tpu.memory_space<semaphore_mem>>)
      %dma_wait3A_224 = arith.constant 0 : i32
      %dma_wait3A_225 = arith.constant 0 : i32
      %dma_wait3A_226 = tpu.memref_slice %arg8[%run_scoped3A_45, %dma_wait3A_224, %dma_wait3A_225] : memref<4x80x128xf32, #tpu.memory_space<vmem>> -> memref<1x80x128xf32, #tpu.memory_space<vmem>>
      %dma_wait3A_227 = tpu.memref_squeeze %dma_wait3A_226 : memref<1x80x128xf32, #tpu.memory_space<vmem>> -> memref<80x128xf32, #tpu.memory_space<vmem>>
      %dma_wait3A_228 = arith.constant 0 : i32
      %dma_wait3A_229 = tpu.memref_slice %arg9[%add3A_44, %dma_wait3A_228] : memref<10240x128xf32, #tpu.memory_space<vmem_shared>> -> memref<80x128xf32, #tpu.memory_space<vmem_shared>>
      %dma_wait3A_230 = arith.constant 0 : i32
      %dma_wait3A_231 = tpu.memref_slice %arg9[%add3A_44, %dma_wait3A_230] : memref<10240x128xf32, #tpu.memory_space<vmem_shared>> -> memref<80x128xf32, #tpu.memory_space<vmem_shared>>
      %dma_wait3A_232 = arith.constant 0 : i32
      %dma_wait3A_233 = arith.constant 0 : i32
      %dma_wait3A_234 = tpu.memref_slice %arg8[%run_scoped3A_45, %dma_wait3A_232, %dma_wait3A_233] : memref<4x80x128xf32, #tpu.memory_space<vmem>> -> memref<1x80x128xf32, #tpu.memory_space<vmem>>
      %dma_wait3A_235 = tpu.memref_squeeze %dma_wait3A_234 : memref<1x80x128xf32, #tpu.memory_space<vmem>> -> memref<80x128xf32, #tpu.memory_space<vmem>>
      tpu.wait_dma2 semaphore(%run_scoped3A_211 : memref<!tpu.dma_semaphore, #tpu.memory_space<semaphore_mem>>) src(%dma_wait3A_235 : memref<80x128xf32, #tpu.memory_space<vmem>>) dst(%dma_wait3A_231 : memref<80x128xf32, #tpu.memory_space<vmem_shared>>)
      tpu.yield
    }) : () -> ()
    %barrier3A = arith.constant 0 : index
    tpu.barrier barrier_id(%barrier3A)
    %dma_start3A = arith.constant 0 : i32
    %dma_start3A_46 = arith.constant 0 : i32
    %dma_start3A_47 = arith.constant 0 : i32
    %dma_start3A_48 = tpu.memref_slice %arg6[%dma_start3A_46, %dma_start3A_47] : memref<4x80xi32, #tpu.memory_space<vmem>> -> memref<1x80xi32, #tpu.memory_space<vmem>>
    %dma_start3A_49 = tpu.memref_squeeze %dma_start3A_48 : memref<1x80xi32, #tpu.memory_space<vmem>> -> memref<80xi32, #tpu.memory_space<vmem>>
    %dma_start3A_50 = arith.constant 0 : i32
    %dma_start3A_51 = tpu.memref_slice %arg3[%add3A, %dma_start3A, %dma_start3A_50] : memref<32x125x80xi32, #tpu.memory_space<hbm>> -> memref<1x1x80xi32, #tpu.memory_space<hbm>>
    %dma_start3A_52 = tpu.memref_squeeze %dma_start3A_51 : memref<1x1x80xi32, #tpu.memory_space<hbm>> -> memref<80xi32, #tpu.memory_space<hbm>>
    %dma_start3A_53 = arith.constant 0 : i32
    %dma_start3A_54 = tpu.memref_slice %arg6[%dma_start3A_46, %dma_start3A_53] : memref<4x80xi32, #tpu.memory_space<vmem>> -> memref<1x80xi32, #tpu.memory_space<vmem>>
    %dma_start3A_55 = tpu.memref_squeeze %dma_start3A_54 : memref<1x80xi32, #tpu.memory_space<vmem>> -> memref<80xi32, #tpu.memory_space<vmem>>
    %dma_start3A_56 = arith.constant 0 : i32
    %dma_start3A_57 = tpu.memref_slice %arg3[%add3A, %dma_start3A, %dma_start3A_56] : memref<32x125x80xi32, #tpu.memory_space<hbm>> -> memref<1x1x80xi32, #tpu.memory_space<hbm>>
    %dma_start3A_58 = tpu.memref_squeeze %dma_start3A_57 : memref<1x1x80xi32, #tpu.memory_space<hbm>> -> memref<80xi32, #tpu.memory_space<hbm>>
    tpu.enqueue_dma source(%dma_start3A_58 : memref<80xi32, #tpu.memory_space<hbm>>) target(%dma_start3A_55 : memref<80xi32, #tpu.memory_space<vmem>>) target_semaphore(%arg10 : memref<!tpu.dma_semaphore, #tpu.memory_space<semaphore_mem>>)
    %dma_start3A_59 = arith.constant 0 : i32
    %dma_start3A_60 = arith.constant 0 : i32
    %dma_start3A_61 = arith.constant 0 : i32
    %dma_start3A_62 = tpu.memref_slice %arg7[%dma_start3A_60, %dma_start3A_61] : memref<4x80xi32, #tpu.memory_space<vmem>> -> memref<1x80xi32, #tpu.memory_space<vmem>>
    %dma_start3A_63 = tpu.memref_squeeze %dma_start3A_62 : memref<1x80xi32, #tpu.memory_space<vmem>> -> memref<80xi32, #tpu.memory_space<vmem>>
    %dma_start3A_64 = arith.constant 0 : i32
    %dma_start3A_65 = tpu.memref_slice %arg4[%add3A, %dma_start3A_59, %dma_start3A_64] : memref<32x125x80xi32, #tpu.memory_space<hbm>> -> memref<1x1x80xi32, #tpu.memory_space<hbm>>
    %dma_start3A_66 = tpu.memref_squeeze %dma_start3A_65 : memref<1x1x80xi32, #tpu.memory_space<hbm>> -> memref<80xi32, #tpu.memory_space<hbm>>
    %dma_start3A_67 = arith.constant 0 : i32
    %dma_start3A_68 = tpu.memref_slice %arg7[%dma_start3A_60, %dma_start3A_67] : memref<4x80xi32, #tpu.memory_space<vmem>> -> memref<1x80xi32, #tpu.memory_space<vmem>>
    %dma_start3A_69 = tpu.memref_squeeze %dma_start3A_68 : memref<1x80xi32, #tpu.memory_space<vmem>> -> memref<80xi32, #tpu.memory_space<vmem>>
    %dma_start3A_70 = arith.constant 0 : i32
    %dma_start3A_71 = tpu.memref_slice %arg4[%add3A, %dma_start3A_59, %dma_start3A_70] : memref<32x125x80xi32, #tpu.memory_space<hbm>> -> memref<1x1x80xi32, #tpu.memory_space<hbm>>
    %dma_start3A_72 = tpu.memref_squeeze %dma_start3A_71 : memref<1x1x80xi32, #tpu.memory_space<hbm>> -> memref<80xi32, #tpu.memory_space<hbm>>
    tpu.enqueue_dma source(%dma_start3A_72 : memref<80xi32, #tpu.memory_space<hbm>>) target(%dma_start3A_69 : memref<80xi32, #tpu.memory_space<vmem>>) target_semaphore(%arg10 : memref<!tpu.dma_semaphore, #tpu.memory_space<semaphore_mem>>)
    %dma_start3A_73 = arith.constant 1 : i32
    %dma_start3A_74 = arith.constant 1 : i32
    %dma_start3A_75 = arith.constant 0 : i32
    %dma_start3A_76 = tpu.memref_slice %arg6[%dma_start3A_74, %dma_start3A_75] : memref<4x80xi32, #tpu.memory_space<vmem>> -> memref<1x80xi32, #tpu.memory_space<vmem>>
    %dma_start3A_77 = tpu.memref_squeeze %dma_start3A_76 : memref<1x80xi32, #tpu.memory_space<vmem>> -> memref<80xi32, #tpu.memory_space<vmem>>
    %dma_start3A_78 = arith.constant 0 : i32
    %dma_start3A_79 = tpu.memref_slice %arg3[%add3A, %dma_start3A_73, %dma_start3A_78] : memref<32x125x80xi32, #tpu.memory_space<hbm>> -> memref<1x1x80xi32, #tpu.memory_space<hbm>>
    %dma_start3A_80 = tpu.memref_squeeze %dma_start3A_79 : memref<1x1x80xi32, #tpu.memory_space<hbm>> -> memref<80xi32, #tpu.memory_space<hbm>>
    %dma_start3A_81 = arith.constant 0 : i32
    %dma_start3A_82 = tpu.memref_slice %arg6[%dma_start3A_74, %dma_start3A_81] : memref<4x80xi32, #tpu.memory_space<vmem>> -> memref<1x80xi32, #tpu.memory_space<vmem>>
    %dma_start3A_83 = tpu.memref_squeeze %dma_start3A_82 : memref<1x80xi32, #tpu.memory_space<vmem>> -> memref<80xi32, #tpu.memory_space<vmem>>
    %dma_start3A_84 = arith.constant 0 : i32
    %dma_start3A_85 = tpu.memref_slice %arg3[%add3A, %dma_start3A_73, %dma_start3A_84] : memref<32x125x80xi32, #tpu.memory_space<hbm>> -> memref<1x1x80xi32, #tpu.memory_space<hbm>>
    %dma_start3A_86 = tpu.memref_squeeze %dma_start3A_85 : memref<1x1x80xi32, #tpu.memory_space<hbm>> -> memref<80xi32, #tpu.memory_space<hbm>>
    tpu.enqueue_dma source(%dma_start3A_86 : memref<80xi32, #tpu.memory_space<hbm>>) target(%dma_start3A_83 : memref<80xi32, #tpu.memory_space<vmem>>) target_semaphore(%arg11 : memref<!tpu.dma_semaphore, #tpu.memory_space<semaphore_mem>>)
    %dma_start3A_87 = arith.constant 1 : i32
    %dma_start3A_88 = arith.constant 1 : i32
    %dma_start3A_89 = arith.constant 0 : i32
    %dma_start3A_90 = tpu.memref_slice %arg7[%dma_start3A_88, %dma_start3A_89] : memref<4x80xi32, #tpu.memory_space<vmem>> -> memref<1x80xi32, #tpu.memory_space<vmem>>
    %dma_start3A_91 = tpu.memref_squeeze %dma_start3A_90 : memref<1x80xi32, #tpu.memory_space<vmem>> -> memref<80xi32, #tpu.memory_space<vmem>>
    %dma_start3A_92 = arith.constant 0 : i32
    %dma_start3A_93 = tpu.memref_slice %arg4[%add3A, %dma_start3A_87, %dma_start3A_92] : memref<32x125x80xi32, #tpu.memory_space<hbm>> -> memref<1x1x80xi32, #tpu.memory_space<hbm>>
    %dma_start3A_94 = tpu.memref_squeeze %dma_start3A_93 : memref<1x1x80xi32, #tpu.memory_space<hbm>> -> memref<80xi32, #tpu.memory_space<hbm>>
    %dma_start3A_95 = arith.constant 0 : i32
    %dma_start3A_96 = tpu.memref_slice %arg7[%dma_start3A_88, %dma_start3A_95] : memref<4x80xi32, #tpu.memory_space<vmem>> -> memref<1x80xi32, #tpu.memory_space<vmem>>
    %dma_start3A_97 = tpu.memref_squeeze %dma_start3A_96 : memref<1x80xi32, #tpu.memory_space<vmem>> -> memref<80xi32, #tpu.memory_space<vmem>>
    %dma_start3A_98 = arith.constant 0 : i32
    %dma_start3A_99 = tpu.memref_slice %arg4[%add3A, %dma_start3A_87, %dma_start3A_98] : memref<32x125x80xi32, #tpu.memory_space<hbm>> -> memref<1x1x80xi32, #tpu.memory_space<hbm>>
    %dma_start3A_100 = tpu.memref_squeeze %dma_start3A_99 : memref<1x1x80xi32, #tpu.memory_space<hbm>> -> memref<80xi32, #tpu.memory_space<hbm>>
    tpu.enqueue_dma source(%dma_start3A_100 : memref<80xi32, #tpu.memory_space<hbm>>) target(%dma_start3A_97 : memref<80xi32, #tpu.memory_space<vmem>>) target_semaphore(%arg11 : memref<!tpu.dma_semaphore, #tpu.memory_space<semaphore_mem>>)
    %dma_wait3A = arith.constant 0 : i32
    %dma_wait3A_101 = arith.constant 0 : i32
    %dma_wait3A_102 = arith.constant 0 : i32
    %dma_wait3A_103 = tpu.memref_slice %arg6[%dma_wait3A_101, %dma_wait3A_102] : memref<4x80xi32, #tpu.memory_space<vmem>> -> memref<1x80xi32, #tpu.memory_space<vmem>>
    %dma_wait3A_104 = tpu.memref_squeeze %dma_wait3A_103 : memref<1x80xi32, #tpu.memory_space<vmem>> -> memref<80xi32, #tpu.memory_space<vmem>>
    %dma_wait3A_105 = arith.constant 0 : i32
    %dma_wait3A_106 = tpu.memref_slice %arg3[%add3A, %dma_wait3A, %dma_wait3A_105] : memref<32x125x80xi32, #tpu.memory_space<hbm>> -> memref<1x1x80xi32, #tpu.memory_space<hbm>>
    %dma_wait3A_107 = tpu.memref_squeeze %dma_wait3A_106 : memref<1x1x80xi32, #tpu.memory_space<hbm>> -> memref<80xi32, #tpu.memory_space<hbm>>
    %dma_wait3A_108 = arith.constant 0 : i32
    %dma_wait3A_109 = tpu.memref_slice %arg6[%dma_wait3A_101, %dma_wait3A_108] : memref<4x80xi32, #tpu.memory_space<vmem>> -> memref<1x80xi32, #tpu.memory_space<vmem>>
    %dma_wait3A_110 = tpu.memref_squeeze %dma_wait3A_109 : memref<1x80xi32, #tpu.memory_space<vmem>> -> memref<80xi32, #tpu.memory_space<vmem>>
    %dma_wait3A_111 = arith.constant 0 : i32
    %dma_wait3A_112 = tpu.memref_slice %arg3[%add3A, %dma_wait3A, %dma_wait3A_111] : memref<32x125x80xi32, #tpu.memory_space<hbm>> -> memref<1x1x80xi32, #tpu.memory_space<hbm>>
    %dma_wait3A_113 = tpu.memref_squeeze %dma_wait3A_112 : memref<1x1x80xi32, #tpu.memory_space<hbm>> -> memref<80xi32, #tpu.memory_space<hbm>>
    tpu.wait_dma2 semaphore(%arg10 : memref<!tpu.dma_semaphore, #tpu.memory_space<semaphore_mem>>) src(%dma_wait3A_113 : memref<80xi32, #tpu.memory_space<hbm>>) dst(%dma_wait3A_110 : memref<80xi32, #tpu.memory_space<vmem>>)
    %dma_wait3A_114 = arith.constant 0 : i32
    %dma_wait3A_115 = arith.constant 0 : i32
    %dma_wait3A_116 = arith.constant 0 : i32
    %dma_wait3A_117 = tpu.memref_slice %arg7[%dma_wait3A_115, %dma_wait3A_116] : memref<4x80xi32, #tpu.memory_space<vmem>> -> memref<1x80xi32, #tpu.memory_space<vmem>>
    %dma_wait3A_118 = tpu.memref_squeeze %dma_wait3A_117 : memref<1x80xi32, #tpu.memory_space<vmem>> -> memref<80xi32, #tpu.memory_space<vmem>>
    %dma_wait3A_119 = arith.constant 0 : i32
    %dma_wait3A_120 = tpu.memref_slice %arg4[%add3A, %dma_wait3A_114, %dma_wait3A_119] : memref<32x125x80xi32, #tpu.memory_space<hbm>> -> memref<1x1x80xi32, #tpu.memory_space<hbm>>
    %dma_wait3A_121 = tpu.memref_squeeze %dma_wait3A_120 : memref<1x1x80xi32, #tpu.memory_space<hbm>> -> memref<80xi32, #tpu.memory_space<hbm>>
    %dma_wait3A_122 = arith.constant 0 : i32
    %dma_wait3A_123 = tpu.memref_slice %arg7[%dma_wait3A_115, %dma_wait3A_122] : memref<4x80xi32, #tpu.memory_space<vmem>> -> memref<1x80xi32, #tpu.memory_space<vmem>>
    %dma_wait3A_124 = tpu.memref_squeeze %dma_wait3A_123 : memref<1x80xi32, #tpu.memory_space<vmem>> -> memref<80xi32, #tpu.memory_space<vmem>>
    %dma_wait3A_125 = arith.constant 0 : i32
    %dma_wait3A_126 = tpu.memref_slice %arg4[%add3A, %dma_wait3A_114, %dma_wait3A_125] : memref<32x125x80xi32, #tpu.memory_space<hbm>> -> memref<1x1x80xi32, #tpu.memory_space<hbm>>
    %dma_wait3A_127 = tpu.memref_squeeze %dma_wait3A_126 : memref<1x1x80xi32, #tpu.memory_space<hbm>> -> memref<80xi32, #tpu.memory_space<hbm>>
    tpu.wait_dma2 semaphore(%arg10 : memref<!tpu.dma_semaphore, #tpu.memory_space<semaphore_mem>>) src(%dma_wait3A_127 : memref<80xi32, #tpu.memory_space<hbm>>) dst(%dma_wait3A_124 : memref<80xi32, #tpu.memory_space<vmem>>)
    %dma_start3A_128 = arith.constant 0 : i32
    %dma_start3A_129 = arith.constant 0 : i32
    %dma_start3A_130 = arith.constant 0 : i32
    %dma_start3A_131 = arith.constant 0 : i32
    %dma_start3A_132 = tpu.memref_slice %arg8[%dma_start3A_129, %dma_start3A_130, %dma_start3A_131] : memref<4x80x128xf32, #tpu.memory_space<vmem>> -> memref<1x80x128xf32, #tpu.memory_space<vmem>>
    %dma_start3A_133 = tpu.memref_squeeze %dma_start3A_132 : memref<1x80x128xf32, #tpu.memory_space<vmem>> -> memref<80x128xf32, #tpu.memory_space<vmem>>
    %dma_start3A_134 = arith.constant 0 : i32
    %dma_start3A_135 = tpu.memref_slice %arg6[%dma_start3A_128, %dma_start3A_134] : memref<4x80xi32, #tpu.memory_space<vmem>> -> memref<1x80xi32, #tpu.memory_space<vmem>>
    %dma_start3A_136 = tpu.memref_squeeze %dma_start3A_135 : memref<1x80xi32, #tpu.memory_space<vmem>> -> memref<80xi32, #tpu.memory_space<vmem>>
    %dma_start3A_137 = arith.constant 0 : i32
    %dma_start3A_138 = arith.constant 0 : i32
    %dma_start3A_139 = tpu.memref_slice %arg2[%dma_start3A_137, %dma_start3A_138] : memref<10240x128xf32, #tpu.memory_space<hbm>> -> memref<10240x128xf32, #tpu.memory_space<hbm>>
    tpu.enqueue_indirect_dma source(%dma_start3A_139 : memref<10240x128xf32, #tpu.memory_space<hbm>>) target(%dma_start3A_133 : memref<80x128xf32, #tpu.memory_space<vmem>>) offsets(%dma_start3A_136 : memref<80xi32, #tpu.memory_space<vmem>>) semaphore(%arg14 : memref<!tpu.dma_semaphore, #tpu.memory_space<semaphore_mem>>)
    %scan3A_140 = arith.constant 0 : i32
    %scan3A_141 = arith.constant 0 : i32
    %scan3A_142 = arith.constant 31 : i32
    %scan3A_143 = arith.addi %scan3A_141, %scan3A_142 : i32
    %scan3A_144 = arith.constant 1 : i32
    scf.for %scan3A_211 = %scan3A_141 to %scan3A_143 step %scan3A_144  : i32 {
      %mul3A_212 = arith.constant 4 : i32
      %mul3A_213 = arith.muli %scan3A_211, %mul3A_212 : i32
      %add3A_214 = arith.constant 0 : i32
      %add3A_215 = arith.addi %mul3A_213, %add3A_214 : i32
      %gt3A = arith.constant 1 : i32
      %gt3A_216 = arith.cmpi sgt, %add3A_215, %gt3A : i32
      %convert_element_type3A = arith.extui %gt3A_216 : i1 to i32
      %cond3A = arith.constant 0 : i32
      %cond3A_217 = arith.cmpi ne, %convert_element_type3A, %cond3A : i32
      scf.if %cond3A_217 {
        %sub3A = arith.constant 2 : i32
        %sub3A_536 = arith.subi %add3A_215, %sub3A : i32
        %dma_wait3A_537 = arith.constant 2 : i32
        %dma_wait3A_538 = arith.constant 2 : i32
        %dma_wait3A_539 = arith.constant 0 : i32
        %dma_wait3A_540 = arith.constant 0 : i32
        %dma_wait3A_541 = tpu.memref_slice %arg8[%dma_wait3A_537, %dma_wait3A_539, %dma_wait3A_540] : memref<4x80x128xf32, #tpu.memory_space<vmem>> -> memref<1x80x128xf32, #tpu.memory_space<vmem>>
        %dma_wait3A_542 = tpu.memref_squeeze %dma_wait3A_541 : memref<1x80x128xf32, #tpu.memory_space<vmem>> -> memref<80x128xf32, #tpu.memory_space<vmem>>
        %dma_wait3A_543 = arith.constant 0 : i32
        %dma_wait3A_544 = tpu.memref_slice %arg7[%dma_wait3A_538, %dma_wait3A_543] : memref<4x80xi32, #tpu.memory_space<vmem>> -> memref<1x80xi32, #tpu.memory_space<vmem>>
        %dma_wait3A_545 = tpu.memref_squeeze %dma_wait3A_544 : memref<1x80xi32, #tpu.memory_space<vmem>> -> memref<80xi32, #tpu.memory_space<vmem>>
        %dma_wait3A_546 = arith.constant 0 : i32
        %dma_wait3A_547 = arith.constant 0 : i32
        %dma_wait3A_548 = tpu.memref_slice %arg9[%dma_wait3A_546, %dma_wait3A_547] : memref<10240x128xf32, #tpu.memory_space<vmem_shared>> -> memref<10240x128xf32, #tpu.memory_space<vmem_shared>>
        tpu.wait_indirect_dma semaphore(%arg18 : memref<!tpu.dma_semaphore, #tpu.memory_space<semaphore_mem>>) src(%dma_wait3A_542 : memref<80x128xf32, #tpu.memory_space<vmem>>) dst(%dma_wait3A_548 : memref<10240x128xf32, #tpu.memory_space<vmem_shared>>)
      } else {
      }
      %add3A_218 = arith.constant 2 : i32
      %add3A_219 = arith.addi %add3A_215, %add3A_218 : i32
      %lt3A = arith.constant 125 : i32
      %lt3A_220 = arith.cmpi slt, %add3A_219, %lt3A : i32
      %convert_element_type3A_221 = arith.extui %lt3A_220 : i1 to i32
      %cond3A_222 = arith.constant 0 : i32
      %cond3A_223 = arith.cmpi ne, %convert_element_type3A_221, %cond3A_222 : i32
      scf.if %cond3A_223 {
        %add3A_536 = arith.constant 2 : i32
        %add3A_537 = arith.addi %add3A_215, %add3A_536 : i32
        %dma_start3A_538 = arith.constant 2 : i32
        %dma_start3A_539 = arith.constant 0 : i32
        %dma_start3A_540 = tpu.memref_slice %arg6[%dma_start3A_538, %dma_start3A_539] : memref<4x80xi32, #tpu.memory_space<vmem>> -> memref<1x80xi32, #tpu.memory_space<vmem>>
        %dma_start3A_541 = tpu.memref_squeeze %dma_start3A_540 : memref<1x80xi32, #tpu.memory_space<vmem>> -> memref<80xi32, #tpu.memory_space<vmem>>
        %dma_start3A_542 = arith.constant 0 : i32
        %dma_start3A_543 = tpu.memref_slice %arg3[%add3A, %add3A_537, %dma_start3A_542] : memref<32x125x80xi32, #tpu.memory_space<hbm>> -> memref<1x1x80xi32, #tpu.memory_space<hbm>>
        %dma_start3A_544 = tpu.memref_squeeze %dma_start3A_543 : memref<1x1x80xi32, #tpu.memory_space<hbm>> -> memref<80xi32, #tpu.memory_space<hbm>>
        %dma_start3A_545 = arith.constant 0 : i32
        %dma_start3A_546 = tpu.memref_slice %arg6[%dma_start3A_538, %dma_start3A_545] : memref<4x80xi32, #tpu.memory_space<vmem>> -> memref<1x80xi32, #tpu.memory_space<vmem>>
        %dma_start3A_547 = tpu.memref_squeeze %dma_start3A_546 : memref<1x80xi32, #tpu.memory_space<vmem>> -> memref<80xi32, #tpu.memory_space<vmem>>
        %dma_start3A_548 = arith.constant 0 : i32
        %dma_start3A_549 = tpu.memref_slice %arg3[%add3A, %add3A_537, %dma_start3A_548] : memref<32x125x80xi32, #tpu.memory_space<hbm>> -> memref<1x1x80xi32, #tpu.memory_space<hbm>>
        %dma_start3A_550 = tpu.memref_squeeze %dma_start3A_549 : memref<1x1x80xi32, #tpu.memory_space<hbm>> -> memref<80xi32, #tpu.memory_space<hbm>>
        tpu.enqueue_dma source(%dma_start3A_550 : memref<80xi32, #tpu.memory_space<hbm>>) target(%dma_start3A_547 : memref<80xi32, #tpu.memory_space<vmem>>) target_semaphore(%arg12 : memref<!tpu.dma_semaphore, #tpu.memory_space<semaphore_mem>>)
        %dma_start3A_551 = arith.constant 2 : i32
        %dma_start3A_552 = arith.constant 0 : i32
        %dma_start3A_553 = tpu.memref_slice %arg7[%dma_start3A_551, %dma_start3A_552] : memref<4x80xi32, #tpu.memory_space<vmem>> -> memref<1x80xi32, #tpu.memory_space<vmem>>
        %dma_start3A_554 = tpu.memref_squeeze %dma_start3A_553 : memref<1x80xi32, #tpu.memory_space<vmem>> -> memref<80xi32, #tpu.memory_space<vmem>>
        %dma_start3A_555 = arith.constant 0 : i32
        %dma_start3A_556 = tpu.memref_slice %arg4[%add3A, %add3A_537, %dma_start3A_555] : memref<32x125x80xi32, #tpu.memory_space<hbm>> -> memref<1x1x80xi32, #tpu.memory_space<hbm>>
        %dma_start3A_557 = tpu.memref_squeeze %dma_start3A_556 : memref<1x1x80xi32, #tpu.memory_space<hbm>> -> memref<80xi32, #tpu.memory_space<hbm>>
        %dma_start3A_558 = arith.constant 0 : i32
        %dma_start3A_559 = tpu.memref_slice %arg7[%dma_start3A_551, %dma_start3A_558] : memref<4x80xi32, #tpu.memory_space<vmem>> -> memref<1x80xi32, #tpu.memory_space<vmem>>
        %dma_start3A_560 = tpu.memref_squeeze %dma_start3A_559 : memref<1x80xi32, #tpu.memory_space<vmem>> -> memref<80xi32, #tpu.memory_space<vmem>>
        %dma_start3A_561 = arith.constant 0 : i32
        %dma_start3A_562 = tpu.memref_slice %arg4[%add3A, %add3A_537, %dma_start3A_561] : memref<32x125x80xi32, #tpu.memory_space<hbm>> -> memref<1x1x80xi32, #tpu.memory_space<hbm>>
        %dma_start3A_563 = tpu.memref_squeeze %dma_start3A_562 : memref<1x1x80xi32, #tpu.memory_space<hbm>> -> memref<80xi32, #tpu.memory_space<hbm>>
        tpu.enqueue_dma source(%dma_start3A_563 : memref<80xi32, #tpu.memory_space<hbm>>) target(%dma_start3A_560 : memref<80xi32, #tpu.memory_space<vmem>>) target_semaphore(%arg12 : memref<!tpu.dma_semaphore, #tpu.memory_space<semaphore_mem>>)
      } else {
      }
      %add3A_224 = arith.constant 1 : i32
      %add3A_225 = arith.addi %add3A_215, %add3A_224 : i32
      %dma_wait3A_226 = arith.constant 1 : i32
      %dma_wait3A_227 = arith.constant 0 : i32
      %dma_wait3A_228 = tpu.memref_slice %arg6[%dma_wait3A_226, %dma_wait3A_227] : memref<4x80xi32, #tpu.memory_space<vmem>> -> memref<1x80xi32, #tpu.memory_space<vmem>>
      %dma_wait3A_229 = tpu.memref_squeeze %dma_wait3A_228 : memref<1x80xi32, #tpu.memory_space<vmem>> -> memref<80xi32, #tpu.memory_space<vmem>>
      %dma_wait3A_230 = arith.constant 0 : i32
      %dma_wait3A_231 = tpu.memref_slice %arg3[%add3A, %add3A_225, %dma_wait3A_230] : memref<32x125x80xi32, #tpu.memory_space<hbm>> -> memref<1x1x80xi32, #tpu.memory_space<hbm>>
      %dma_wait3A_232 = tpu.memref_squeeze %dma_wait3A_231 : memref<1x1x80xi32, #tpu.memory_space<hbm>> -> memref<80xi32, #tpu.memory_space<hbm>>
      %dma_wait3A_233 = arith.constant 0 : i32
      %dma_wait3A_234 = tpu.memref_slice %arg6[%dma_wait3A_226, %dma_wait3A_233] : memref<4x80xi32, #tpu.memory_space<vmem>> -> memref<1x80xi32, #tpu.memory_space<vmem>>
      %dma_wait3A_235 = tpu.memref_squeeze %dma_wait3A_234 : memref<1x80xi32, #tpu.memory_space<vmem>> -> memref<80xi32, #tpu.memory_space<vmem>>
      %dma_wait3A_236 = arith.constant 0 : i32
      %dma_wait3A_237 = tpu.memref_slice %arg3[%add3A, %add3A_225, %dma_wait3A_236] : memref<32x125x80xi32, #tpu.memory_space<hbm>> -> memref<1x1x80xi32, #tpu.memory_space<hbm>>
      %dma_wait3A_238 = tpu.memref_squeeze %dma_wait3A_237 : memref<1x1x80xi32, #tpu.memory_space<hbm>> -> memref<80xi32, #tpu.memory_space<hbm>>
      tpu.wait_dma2 semaphore(%arg11 : memref<!tpu.dma_semaphore, #tpu.memory_space<semaphore_mem>>) src(%dma_wait3A_238 : memref<80xi32, #tpu.memory_space<hbm>>) dst(%dma_wait3A_235 : memref<80xi32, #tpu.memory_space<vmem>>)
      %dma_wait3A_239 = arith.constant 1 : i32
      %dma_wait3A_240 = arith.constant 0 : i32
      %dma_wait3A_241 = tpu.memref_slice %arg7[%dma_wait3A_239, %dma_wait3A_240] : memref<4x80xi32, #tpu.memory_space<vmem>> -> memref<1x80xi32, #tpu.memory_space<vmem>>
      %dma_wait3A_242 = tpu.memref_squeeze %dma_wait3A_241 : memref<1x80xi32, #tpu.memory_space<vmem>> -> memref<80xi32, #tpu.memory_space<vmem>>
      %dma_wait3A_243 = arith.constant 0 : i32
      %dma_wait3A_244 = tpu.memref_slice %arg4[%add3A, %add3A_225, %dma_wait3A_243] : memref<32x125x80xi32, #tpu.memory_space<hbm>> -> memref<1x1x80xi32, #tpu.memory_space<hbm>>
      %dma_wait3A_245 = tpu.memref_squeeze %dma_wait3A_244 : memref<1x1x80xi32, #tpu.memory_space<hbm>> -> memref<80xi32, #tpu.memory_space<hbm>>
      %dma_wait3A_246 = arith.constant 0 : i32
      %dma_wait3A_247 = tpu.memref_slice %arg7[%dma_wait3A_239, %dma_wait3A_246] : memref<4x80xi32, #tpu.memory_space<vmem>> -> memref<1x80xi32, #tpu.memory_space<vmem>>
      %dma_wait3A_248 = tpu.memref_squeeze %dma_wait3A_247 : memref<1x80xi32, #tpu.memory_space<vmem>> -> memref<80xi32, #tpu.memory_space<vmem>>
      %dma_wait3A_249 = arith.constant 0 : i32
      %dma_wait3A_250 = tpu.memref_slice %arg4[%add3A, %add3A_225, %dma_wait3A_249] : memref<32x125x80xi32, #tpu.memory_space<hbm>> -> memref<1x1x80xi32, #tpu.memory_space<hbm>>
      %dma_wait3A_251 = tpu.memref_squeeze %dma_wait3A_250 : memref<1x1x80xi32, #tpu.memory_space<hbm>> -> memref<80xi32, #tpu.memory_space<hbm>>
      tpu.wait_dma2 semaphore(%arg11 : memref<!tpu.dma_semaphore, #tpu.memory_space<semaphore_mem>>) src(%dma_wait3A_251 : memref<80xi32, #tpu.memory_space<hbm>>) dst(%dma_wait3A_248 : memref<80xi32, #tpu.memory_space<vmem>>)
      %add3A_252 = arith.constant 1 : i32
      %add3A_253 = arith.addi %add3A_215, %add3A_252 : i32
      %dma_start3A_254 = arith.constant 1 : i32
      %dma_start3A_255 = arith.constant 1 : i32
      %dma_start3A_256 = arith.constant 0 : i32
      %dma_start3A_257 = arith.constant 0 : i32
      %dma_start3A_258 = tpu.memref_slice %arg8[%dma_start3A_255, %dma_start3A_256, %dma_start3A_257] : memref<4x80x128xf32, #tpu.memory_space<vmem>> -> memref<1x80x128xf32, #tpu.memory_space<vmem>>
      %dma_start3A_259 = tpu.memref_squeeze %dma_start3A_258 : memref<1x80x128xf32, #tpu.memory_space<vmem>> -> memref<80x128xf32, #tpu.memory_space<vmem>>
      %dma_start3A_260 = arith.constant 0 : i32
      %dma_start3A_261 = tpu.memref_slice %arg6[%dma_start3A_254, %dma_start3A_260] : memref<4x80xi32, #tpu.memory_space<vmem>> -> memref<1x80xi32, #tpu.memory_space<vmem>>
      %dma_start3A_262 = tpu.memref_squeeze %dma_start3A_261 : memref<1x80xi32, #tpu.memory_space<vmem>> -> memref<80xi32, #tpu.memory_space<vmem>>
      %dma_start3A_263 = arith.constant 0 : i32
      %dma_start3A_264 = arith.constant 0 : i32
      %dma_start3A_265 = tpu.memref_slice %arg2[%dma_start3A_263, %dma_start3A_264] : memref<10240x128xf32, #tpu.memory_space<hbm>> -> memref<10240x128xf32, #tpu.memory_space<hbm>>
      tpu.enqueue_indirect_dma source(%dma_start3A_265 : memref<10240x128xf32, #tpu.memory_space<hbm>>) target(%dma_start3A_259 : memref<80x128xf32, #tpu.memory_space<vmem>>) offsets(%dma_start3A_262 : memref<80xi32, #tpu.memory_space<vmem>>) semaphore(%arg15 : memref<!tpu.dma_semaphore, #tpu.memory_space<semaphore_mem>>)
      %dma_wait3A_266 = arith.constant 0 : i32
      %dma_wait3A_267 = arith.constant 0 : i32
      %dma_wait3A_268 = arith.constant 0 : i32
      %dma_wait3A_269 = arith.constant 0 : i32
      %dma_wait3A_270 = tpu.memref_slice %arg8[%dma_wait3A_267, %dma_wait3A_268, %dma_wait3A_269] : memref<4x80x128xf32, #tpu.memory_space<vmem>> -> memref<1x80x128xf32, #tpu.memory_space<vmem>>
      %dma_wait3A_271 = tpu.memref_squeeze %dma_wait3A_270 : memref<1x80x128xf32, #tpu.memory_space<vmem>> -> memref<80x128xf32, #tpu.memory_space<vmem>>
      %dma_wait3A_272 = arith.constant 0 : i32
      %dma_wait3A_273 = tpu.memref_slice %arg6[%dma_wait3A_266, %dma_wait3A_272] : memref<4x80xi32, #tpu.memory_space<vmem>> -> memref<1x80xi32, #tpu.memory_space<vmem>>
      %dma_wait3A_274 = tpu.memref_squeeze %dma_wait3A_273 : memref<1x80xi32, #tpu.memory_space<vmem>> -> memref<80xi32, #tpu.memory_space<vmem>>
      %dma_wait3A_275 = arith.constant 0 : i32
      %dma_wait3A_276 = arith.constant 0 : i32
      %dma_wait3A_277 = tpu.memref_slice %arg2[%dma_wait3A_275, %dma_wait3A_276] : memref<10240x128xf32, #tpu.memory_space<hbm>> -> memref<10240x128xf32, #tpu.memory_space<hbm>>
      tpu.wait_indirect_dma semaphore(%arg14 : memref<!tpu.dma_semaphore, #tpu.memory_space<semaphore_mem>>) src(%dma_wait3A_277 : memref<10240x128xf32, #tpu.memory_space<hbm>>) dst(%dma_wait3A_271 : memref<80x128xf32, #tpu.memory_space<vmem>>)
      %dma_start3A_278 = arith.constant 0 : i32
      %dma_start3A_279 = arith.constant 0 : i32
      %dma_start3A_280 = arith.constant 0 : i32
      %dma_start3A_281 = arith.constant 0 : i32
      %dma_start3A_282 = tpu.memref_slice %arg8[%dma_start3A_278, %dma_start3A_280, %dma_start3A_281] : memref<4x80x128xf32, #tpu.memory_space<vmem>> -> memref<1x80x128xf32, #tpu.memory_space<vmem>>
      %dma_start3A_283 = tpu.memref_squeeze %dma_start3A_282 : memref<1x80x128xf32, #tpu.memory_space<vmem>> -> memref<80x128xf32, #tpu.memory_space<vmem>>
      %dma_start3A_284 = arith.constant 0 : i32
      %dma_start3A_285 = tpu.memref_slice %arg7[%dma_start3A_279, %dma_start3A_284] : memref<4x80xi32, #tpu.memory_space<vmem>> -> memref<1x80xi32, #tpu.memory_space<vmem>>
      %dma_start3A_286 = tpu.memref_squeeze %dma_start3A_285 : memref<1x80xi32, #tpu.memory_space<vmem>> -> memref<80xi32, #tpu.memory_space<vmem>>
      %dma_start3A_287 = arith.constant 0 : i32
      %dma_start3A_288 = arith.constant 0 : i32
      %dma_start3A_289 = tpu.memref_slice %arg9[%dma_start3A_287, %dma_start3A_288] : memref<10240x128xf32, #tpu.memory_space<vmem_shared>> -> memref<10240x128xf32, #tpu.memory_space<vmem_shared>>
      tpu.enqueue_indirect_dma source(%dma_start3A_283 : memref<80x128xf32, #tpu.memory_space<vmem>>) target(%dma_start3A_289 : memref<10240x128xf32, #tpu.memory_space<vmem_shared>>) offsets(%dma_start3A_286 : memref<80xi32, #tpu.memory_space<vmem>>) semaphore(%arg18 : memref<!tpu.dma_semaphore, #tpu.memory_space<semaphore_mem>>) {add = true}
      %mul3A_290 = arith.constant 4 : i32
      %mul3A_291 = arith.muli %scan3A_211, %mul3A_290 : i32
      %add3A_292 = arith.constant 1 : i32
      %add3A_293 = arith.addi %mul3A_291, %add3A_292 : i32
      %gt3A_294 = arith.constant 1 : i32
      %gt3A_295 = arith.cmpi sgt, %add3A_293, %gt3A_294 : i32
      %convert_element_type3A_296 = arith.extui %gt3A_295 : i1 to i32
      %cond3A_297 = arith.constant 0 : i32
      %cond3A_298 = arith.cmpi ne, %convert_element_type3A_296, %cond3A_297 : i32
      scf.if %cond3A_298 {
        %sub3A = arith.constant 2 : i32
        %sub3A_536 = arith.subi %add3A_293, %sub3A : i32
        %dma_wait3A_537 = arith.constant 3 : i32
        %dma_wait3A_538 = arith.constant 3 : i32
        %dma_wait3A_539 = arith.constant 0 : i32
        %dma_wait3A_540 = arith.constant 0 : i32
        %dma_wait3A_541 = tpu.memref_slice %arg8[%dma_wait3A_537, %dma_wait3A_539, %dma_wait3A_540] : memref<4x80x128xf32, #tpu.memory_space<vmem>> -> memref<1x80x128xf32, #tpu.memory_space<vmem>>
        %dma_wait3A_542 = tpu.memref_squeeze %dma_wait3A_541 : memref<1x80x128xf32, #tpu.memory_space<vmem>> -> memref<80x128xf32, #tpu.memory_space<vmem>>
        %dma_wait3A_543 = arith.constant 0 : i32
        %dma_wait3A_544 = tpu.memref_slice %arg7[%dma_wait3A_538, %dma_wait3A_543] : memref<4x80xi32, #tpu.memory_space<vmem>> -> memref<1x80xi32, #tpu.memory_space<vmem>>
        %dma_wait3A_545 = tpu.memref_squeeze %dma_wait3A_544 : memref<1x80xi32, #tpu.memory_space<vmem>> -> memref<80xi32, #tpu.memory_space<vmem>>
        %dma_wait3A_546 = arith.constant 0 : i32
        %dma_wait3A_547 = arith.constant 0 : i32
        %dma_wait3A_548 = tpu.memref_slice %arg9[%dma_wait3A_546, %dma_wait3A_547] : memref<10240x128xf32, #tpu.memory_space<vmem_shared>> -> memref<10240x128xf32, #tpu.memory_space<vmem_shared>>
        tpu.wait_indirect_dma semaphore(%arg18 : memref<!tpu.dma_semaphore, #tpu.memory_space<semaphore_mem>>) src(%dma_wait3A_542 : memref<80x128xf32, #tpu.memory_space<vmem>>) dst(%dma_wait3A_548 : memref<10240x128xf32, #tpu.memory_space<vmem_shared>>)
      } else {
      }
      %add3A_299 = arith.constant 2 : i32
      %add3A_300 = arith.addi %add3A_293, %add3A_299 : i32
      %lt3A_301 = arith.constant 125 : i32
      %lt3A_302 = arith.cmpi slt, %add3A_300, %lt3A_301 : i32
      %convert_element_type3A_303 = arith.extui %lt3A_302 : i1 to i32
      %cond3A_304 = arith.constant 0 : i32
      %cond3A_305 = arith.cmpi ne, %convert_element_type3A_303, %cond3A_304 : i32
      scf.if %cond3A_305 {
        %add3A_536 = arith.constant 2 : i32
        %add3A_537 = arith.addi %add3A_293, %add3A_536 : i32
        %dma_start3A_538 = arith.constant 3 : i32
        %dma_start3A_539 = arith.constant 0 : i32
        %dma_start3A_540 = tpu.memref_slice %arg6[%dma_start3A_538, %dma_start3A_539] : memref<4x80xi32, #tpu.memory_space<vmem>> -> memref<1x80xi32, #tpu.memory_space<vmem>>
        %dma_start3A_541 = tpu.memref_squeeze %dma_start3A_540 : memref<1x80xi32, #tpu.memory_space<vmem>> -> memref<80xi32, #tpu.memory_space<vmem>>
        %dma_start3A_542 = arith.constant 0 : i32
        %dma_start3A_543 = tpu.memref_slice %arg3[%add3A, %add3A_537, %dma_start3A_542] : memref<32x125x80xi32, #tpu.memory_space<hbm>> -> memref<1x1x80xi32, #tpu.memory_space<hbm>>
        %dma_start3A_544 = tpu.memref_squeeze %dma_start3A_543 : memref<1x1x80xi32, #tpu.memory_space<hbm>> -> memref<80xi32, #tpu.memory_space<hbm>>
        %dma_start3A_545 = arith.constant 0 : i32
        %dma_start3A_546 = tpu.memref_slice %arg6[%dma_start3A_538, %dma_start3A_545] : memref<4x80xi32, #tpu.memory_space<vmem>> -> memref<1x80xi32, #tpu.memory_space<vmem>>
        %dma_start3A_547 = tpu.memref_squeeze %dma_start3A_546 : memref<1x80xi32, #tpu.memory_space<vmem>> -> memref<80xi32, #tpu.memory_space<vmem>>
        %dma_start3A_548 = arith.constant 0 : i32
        %dma_start3A_549 = tpu.memref_slice %arg3[%add3A, %add3A_537, %dma_start3A_548] : memref<32x125x80xi32, #tpu.memory_space<hbm>> -> memref<1x1x80xi32, #tpu.memory_space<hbm>>
        %dma_start3A_550 = tpu.memref_squeeze %dma_start3A_549 : memref<1x1x80xi32, #tpu.memory_space<hbm>> -> memref<80xi32, #tpu.memory_space<hbm>>
        tpu.enqueue_dma source(%dma_start3A_550 : memref<80xi32, #tpu.memory_space<hbm>>) target(%dma_start3A_547 : memref<80xi32, #tpu.memory_space<vmem>>) target_semaphore(%arg13 : memref<!tpu.dma_semaphore, #tpu.memory_space<semaphore_mem>>)
        %dma_start3A_551 = arith.constant 3 : i32
        %dma_start3A_552 = arith.constant 0 : i32
        %dma_start3A_553 = tpu.memref_slice %arg7[%dma_start3A_551, %dma_start3A_552] : memref<4x80xi32, #tpu.memory_space<vmem>> -> memref<1x80xi32, #tpu.memory_space<vmem>>
        %dma_start3A_554 = tpu.memref_squeeze %dma_start3A_553 : memref<1x80xi32, #tpu.memory_space<vmem>> -> memref<80xi32, #tpu.memory_space<vmem>>
        %dma_start3A_555 = arith.constant 0 : i32
        %dma_start3A_556 = tpu.memref_slice %arg4[%add3A, %add3A_537, %dma_start3A_555] : memref<32x125x80xi32, #tpu.memory_space<hbm>> -> memref<1x1x80xi32, #tpu.memory_space<hbm>>
        %dma_start3A_557 = tpu.memref_squeeze %dma_start3A_556 : memref<1x1x80xi32, #tpu.memory_space<hbm>> -> memref<80xi32, #tpu.memory_space<hbm>>
        %dma_start3A_558 = arith.constant 0 : i32
        %dma_start3A_559 = tpu.memref_slice %arg7[%dma_start3A_551, %dma_start3A_558] : memref<4x80xi32, #tpu.memory_space<vmem>> -> memref<1x80xi32, #tpu.memory_space<vmem>>
        %dma_start3A_560 = tpu.memref_squeeze %dma_start3A_559 : memref<1x80xi32, #tpu.memory_space<vmem>> -> memref<80xi32, #tpu.memory_space<vmem>>
        %dma_start3A_561 = arith.constant 0 : i32
        %dma_start3A_562 = tpu.memref_slice %arg4[%add3A, %add3A_537, %dma_start3A_561] : memref<32x125x80xi32, #tpu.memory_space<hbm>> -> memref<1x1x80xi32, #tpu.memory_space<hbm>>
        %dma_start3A_563 = tpu.memref_squeeze %dma_start3A_562 : memref<1x1x80xi32, #tpu.memory_space<hbm>> -> memref<80xi32, #tpu.memory_space<hbm>>
        tpu.enqueue_dma source(%dma_start3A_563 : memref<80xi32, #tpu.memory_space<hbm>>) target(%dma_start3A_560 : memref<80xi32, #tpu.memory_space<vmem>>) target_semaphore(%arg13 : memref<!tpu.dma_semaphore, #tpu.memory_space<semaphore_mem>>)
      } else {
      }
      %add3A_306 = arith.constant 1 : i32
      %add3A_307 = arith.addi %add3A_293, %add3A_306 : i32
      %dma_wait3A_308 = arith.constant 2 : i32
      %dma_wait3A_309 = arith.constant 0 : i32
      %dma_wait3A_310 = tpu.memref_slice %arg6[%dma_wait3A_308, %dma_wait3A_309] : memref<4x80xi32, #tpu.memory_space<vmem>> -> memref<1x80xi32, #tpu.memory_space<vmem>>
      %dma_wait3A_311 = tpu.memref_squeeze %dma_wait3A_310 : memref<1x80xi32, #tpu.memory_space<vmem>> -> memref<80xi32, #tpu.memory_space<vmem>>
      %dma_wait3A_312 = arith.constant 0 : i32
      %dma_wait3A_313 = tpu.memref_slice %arg3[%add3A, %add3A_307, %dma_wait3A_312] : memref<32x125x80xi32, #tpu.memory_space<hbm>> -> memref<1x1x80xi32, #tpu.memory_space<hbm>>
      %dma_wait3A_314 = tpu.memref_squeeze %dma_wait3A_313 : memref<1x1x80xi32, #tpu.memory_space<hbm>> -> memref<80xi32, #tpu.memory_space<hbm>>
      %dma_wait3A_315 = arith.constant 0 : i32
      %dma_wait3A_316 = tpu.memref_slice %arg6[%dma_wait3A_308, %dma_wait3A_315] : memref<4x80xi32, #tpu.memory_space<vmem>> -> memref<1x80xi32, #tpu.memory_space<vmem>>
      %dma_wait3A_317 = tpu.memref_squeeze %dma_wait3A_316 : memref<1x80xi32, #tpu.memory_space<vmem>> -> memref<80xi32, #tpu.memory_space<vmem>>
      %dma_wait3A_318 = arith.constant 0 : i32
      %dma_wait3A_319 = tpu.memref_slice %arg3[%add3A, %add3A_307, %dma_wait3A_318] : memref<32x125x80xi32, #tpu.memory_space<hbm>> -> memref<1x1x80xi32, #tpu.memory_space<hbm>>
      %dma_wait3A_320 = tpu.memref_squeeze %dma_wait3A_319 : memref<1x1x80xi32, #tpu.memory_space<hbm>> -> memref<80xi32, #tpu.memory_space<hbm>>
      tpu.wait_dma2 semaphore(%arg12 : memref<!tpu.dma_semaphore, #tpu.memory_space<semaphore_mem>>) src(%dma_wait3A_320 : memref<80xi32, #tpu.memory_space<hbm>>) dst(%dma_wait3A_317 : memref<80xi32, #tpu.memory_space<vmem>>)
      %dma_wait3A_321 = arith.constant 2 : i32
      %dma_wait3A_322 = arith.constant 0 : i32
      %dma_wait3A_323 = tpu.memref_slice %arg7[%dma_wait3A_321, %dma_wait3A_322] : memref<4x80xi32, #tpu.memory_space<vmem>> -> memref<1x80xi32, #tpu.memory_space<vmem>>
      %dma_wait3A_324 = tpu.memref_squeeze %dma_wait3A_323 : memref<1x80xi32, #tpu.memory_space<vmem>> -> memref<80xi32, #tpu.memory_space<vmem>>
      %dma_wait3A_325 = arith.constant 0 : i32
      %dma_wait3A_326 = tpu.memref_slice %arg4[%add3A, %add3A_307, %dma_wait3A_325] : memref<32x125x80xi32, #tpu.memory_space<hbm>> -> memref<1x1x80xi32, #tpu.memory_space<hbm>>
      %dma_wait3A_327 = tpu.memref_squeeze %dma_wait3A_326 : memref<1x1x80xi32, #tpu.memory_space<hbm>> -> memref<80xi32, #tpu.memory_space<hbm>>
      %dma_wait3A_328 = arith.constant 0 : i32
      %dma_wait3A_329 = tpu.memref_slice %arg7[%dma_wait3A_321, %dma_wait3A_328] : memref<4x80xi32, #tpu.memory_space<vmem>> -> memref<1x80xi32, #tpu.memory_space<vmem>>
      %dma_wait3A_330 = tpu.memref_squeeze %dma_wait3A_329 : memref<1x80xi32, #tpu.memory_space<vmem>> -> memref<80xi32, #tpu.memory_space<vmem>>
      %dma_wait3A_331 = arith.constant 0 : i32
      %dma_wait3A_332 = tpu.memref_slice %arg4[%add3A, %add3A_307, %dma_wait3A_331] : memref<32x125x80xi32, #tpu.memory_space<hbm>> -> memref<1x1x80xi32, #tpu.memory_space<hbm>>
      %dma_wait3A_333 = tpu.memref_squeeze %dma_wait3A_332 : memref<1x1x80xi32, #tpu.memory_space<hbm>> -> memref<80xi32, #tpu.memory_space<hbm>>
      tpu.wait_dma2 semaphore(%arg12 : memref<!tpu.dma_semaphore, #tpu.memory_space<semaphore_mem>>) src(%dma_wait3A_333 : memref<80xi32, #tpu.memory_space<hbm>>) dst(%dma_wait3A_330 : memref<80xi32, #tpu.memory_space<vmem>>)
      %add3A_334 = arith.constant 1 : i32
      %add3A_335 = arith.addi %add3A_293, %add3A_334 : i32
      %dma_start3A_336 = arith.constant 2 : i32
      %dma_start3A_337 = arith.constant 2 : i32
      %dma_start3A_338 = arith.constant 0 : i32
      %dma_start3A_339 = arith.constant 0 : i32
      %dma_start3A_340 = tpu.memref_slice %arg8[%dma_start3A_337, %dma_start3A_338, %dma_start3A_339] : memref<4x80x128xf32, #tpu.memory_space<vmem>> -> memref<1x80x128xf32, #tpu.memory_space<vmem>>
      %dma_start3A_341 = tpu.memref_squeeze %dma_start3A_340 : memref<1x80x128xf32, #tpu.memory_space<vmem>> -> memref<80x128xf32, #tpu.memory_space<vmem>>
      %dma_start3A_342 = arith.constant 0 : i32
      %dma_start3A_343 = tpu.memref_slice %arg6[%dma_start3A_336, %dma_start3A_342] : memref<4x80xi32, #tpu.memory_space<vmem>> -> memref<1x80xi32, #tpu.memory_space<vmem>>
      %dma_start3A_344 = tpu.memref_squeeze %dma_start3A_343 : memref<1x80xi32, #tpu.memory_space<vmem>> -> memref<80xi32, #tpu.memory_space<vmem>>
      %dma_start3A_345 = arith.constant 0 : i32
      %dma_start3A_346 = arith.constant 0 : i32
      %dma_start3A_347 = tpu.memref_slice %arg2[%dma_start3A_345, %dma_start3A_346] : memref<10240x128xf32, #tpu.memory_space<hbm>> -> memref<10240x128xf32, #tpu.memory_space<hbm>>
      tpu.enqueue_indirect_dma source(%dma_start3A_347 : memref<10240x128xf32, #tpu.memory_space<hbm>>) target(%dma_start3A_341 : memref<80x128xf32, #tpu.memory_space<vmem>>) offsets(%dma_start3A_344 : memref<80xi32, #tpu.memory_space<vmem>>) semaphore(%arg16 : memref<!tpu.dma_semaphore, #tpu.memory_space<semaphore_mem>>)
      %dma_wait3A_348 = arith.constant 1 : i32
      %dma_wait3A_349 = arith.constant 1 : i32
      %dma_wait3A_350 = arith.constant 0 : i32
      %dma_wait3A_351 = arith.constant 0 : i32
      %dma_wait3A_352 = tpu.memref_slice %arg8[%dma_wait3A_349, %dma_wait3A_350, %dma_wait3A_351] : memref<4x80x128xf32, #tpu.memory_space<vmem>> -> memref<1x80x128xf32, #tpu.memory_space<vmem>>
      %dma_wait3A_353 = tpu.memref_squeeze %dma_wait3A_352 : memref<1x80x128xf32, #tpu.memory_space<vmem>> -> memref<80x128xf32, #tpu.memory_space<vmem>>
      %dma_wait3A_354 = arith.constant 0 : i32
      %dma_wait3A_355 = tpu.memref_slice %arg6[%dma_wait3A_348, %dma_wait3A_354] : memref<4x80xi32, #tpu.memory_space<vmem>> -> memref<1x80xi32, #tpu.memory_space<vmem>>
      %dma_wait3A_356 = tpu.memref_squeeze %dma_wait3A_355 : memref<1x80xi32, #tpu.memory_space<vmem>> -> memref<80xi32, #tpu.memory_space<vmem>>
      %dma_wait3A_357 = arith.constant 0 : i32
      %dma_wait3A_358 = arith.constant 0 : i32
      %dma_wait3A_359 = tpu.memref_slice %arg2[%dma_wait3A_357, %dma_wait3A_358] : memref<10240x128xf32, #tpu.memory_space<hbm>> -> memref<10240x128xf32, #tpu.memory_space<hbm>>
      tpu.wait_indirect_dma semaphore(%arg15 : memref<!tpu.dma_semaphore, #tpu.memory_space<semaphore_mem>>) src(%dma_wait3A_359 : memref<10240x128xf32, #tpu.memory_space<hbm>>) dst(%dma_wait3A_353 : memref<80x128xf32, #tpu.memory_space<vmem>>)
      %dma_start3A_360 = arith.constant 1 : i32
      %dma_start3A_361 = arith.constant 1 : i32
      %dma_start3A_362 = arith.constant 0 : i32
      %dma_start3A_363 = arith.constant 0 : i32
      %dma_start3A_364 = tpu.memref_slice %arg8[%dma_start3A_360, %dma_start3A_362, %dma_start3A_363] : memref<4x80x128xf32, #tpu.memory_space<vmem>> -> memref<1x80x128xf32, #tpu.memory_space<vmem>>
      %dma_start3A_365 = tpu.memref_squeeze %dma_start3A_364 : memref<1x80x128xf32, #tpu.memory_space<vmem>> -> memref<80x128xf32, #tpu.memory_space<vmem>>
      %dma_start3A_366 = arith.constant 0 : i32
      %dma_start3A_367 = tpu.memref_slice %arg7[%dma_start3A_361, %dma_start3A_366] : memref<4x80xi32, #tpu.memory_space<vmem>> -> memref<1x80xi32, #tpu.memory_space<vmem>>
      %dma_start3A_368 = tpu.memref_squeeze %dma_start3A_367 : memref<1x80xi32, #tpu.memory_space<vmem>> -> memref<80xi32, #tpu.memory_space<vmem>>
      %dma_start3A_369 = arith.constant 0 : i32
      %dma_start3A_370 = arith.constant 0 : i32
      %dma_start3A_371 = tpu.memref_slice %arg9[%dma_start3A_369, %dma_start3A_370] : memref<10240x128xf32, #tpu.memory_space<vmem_shared>> -> memref<10240x128xf32, #tpu.memory_space<vmem_shared>>
      tpu.enqueue_indirect_dma source(%dma_start3A_365 : memref<80x128xf32, #tpu.memory_space<vmem>>) target(%dma_start3A_371 : memref<10240x128xf32, #tpu.memory_space<vmem_shared>>) offsets(%dma_start3A_368 : memref<80xi32, #tpu.memory_space<vmem>>) semaphore(%arg18 : memref<!tpu.dma_semaphore, #tpu.memory_space<semaphore_mem>>) {add = true}
      %mul3A_372 = arith.constant 4 : i32
      %mul3A_373 = arith.muli %scan3A_211, %mul3A_372 : i32
      %add3A_374 = arith.constant 2 : i32
      %add3A_375 = arith.addi %mul3A_373, %add3A_374 : i32
      %gt3A_376 = arith.constant 1 : i32
      %gt3A_377 = arith.cmpi sgt, %add3A_375, %gt3A_376 : i32
      %convert_element_type3A_378 = arith.extui %gt3A_377 : i1 to i32
      %cond3A_379 = arith.constant 0 : i32
      %cond3A_380 = arith.cmpi ne, %convert_element_type3A_378, %cond3A_379 : i32
      scf.if %cond3A_380 {
        %sub3A = arith.constant 2 : i32
        %sub3A_536 = arith.subi %add3A_375, %sub3A : i32
        %dma_wait3A_537 = arith.constant 0 : i32
        %dma_wait3A_538 = arith.constant 0 : i32
        %dma_wait3A_539 = arith.constant 0 : i32
        %dma_wait3A_540 = arith.constant 0 : i32
        %dma_wait3A_541 = tpu.memref_slice %arg8[%dma_wait3A_537, %dma_wait3A_539, %dma_wait3A_540] : memref<4x80x128xf32, #tpu.memory_space<vmem>> -> memref<1x80x128xf32, #tpu.memory_space<vmem>>
        %dma_wait3A_542 = tpu.memref_squeeze %dma_wait3A_541 : memref<1x80x128xf32, #tpu.memory_space<vmem>> -> memref<80x128xf32, #tpu.memory_space<vmem>>
        %dma_wait3A_543 = arith.constant 0 : i32
        %dma_wait3A_544 = tpu.memref_slice %arg7[%dma_wait3A_538, %dma_wait3A_543] : memref<4x80xi32, #tpu.memory_space<vmem>> -> memref<1x80xi32, #tpu.memory_space<vmem>>
        %dma_wait3A_545 = tpu.memref_squeeze %dma_wait3A_544 : memref<1x80xi32, #tpu.memory_space<vmem>> -> memref<80xi32, #tpu.memory_space<vmem>>
        %dma_wait3A_546 = arith.constant 0 : i32
        %dma_wait3A_547 = arith.constant 0 : i32
        %dma_wait3A_548 = tpu.memref_slice %arg9[%dma_wait3A_546, %dma_wait3A_547] : memref<10240x128xf32, #tpu.memory_space<vmem_shared>> -> memref<10240x128xf32, #tpu.memory_space<vmem_shared>>
        tpu.wait_indirect_dma semaphore(%arg18 : memref<!tpu.dma_semaphore, #tpu.memory_space<semaphore_mem>>) src(%dma_wait3A_542 : memref<80x128xf32, #tpu.memory_space<vmem>>) dst(%dma_wait3A_548 : memref<10240x128xf32, #tpu.memory_space<vmem_shared>>)
      } else {
      }
      %add3A_381 = arith.constant 2 : i32
      %add3A_382 = arith.addi %add3A_375, %add3A_381 : i32
      %lt3A_383 = arith.constant 125 : i32
      %lt3A_384 = arith.cmpi slt, %add3A_382, %lt3A_383 : i32
      %convert_element_type3A_385 = arith.extui %lt3A_384 : i1 to i32
      %cond3A_386 = arith.constant 0 : i32
      %cond3A_387 = arith.cmpi ne, %convert_element_type3A_385, %cond3A_386 : i32
      scf.if %cond3A_387 {
        %add3A_536 = arith.constant 2 : i32
        %add3A_537 = arith.addi %add3A_375, %add3A_536 : i32
        %dma_start3A_538 = arith.constant 0 : i32
        %dma_start3A_539 = arith.constant 0 : i32
        %dma_start3A_540 = tpu.memref_slice %arg6[%dma_start3A_538, %dma_start3A_539] : memref<4x80xi32, #tpu.memory_space<vmem>> -> memref<1x80xi32, #tpu.memory_space<vmem>>
        %dma_start3A_541 = tpu.memref_squeeze %dma_start3A_540 : memref<1x80xi32, #tpu.memory_space<vmem>> -> memref<80xi32, #tpu.memory_space<vmem>>
        %dma_start3A_542 = arith.constant 0 : i32
        %dma_start3A_543 = tpu.memref_slice %arg3[%add3A, %add3A_537, %dma_start3A_542] : memref<32x125x80xi32, #tpu.memory_space<hbm>> -> memref<1x1x80xi32, #tpu.memory_space<hbm>>
        %dma_start3A_544 = tpu.memref_squeeze %dma_start3A_543 : memref<1x1x80xi32, #tpu.memory_space<hbm>> -> memref<80xi32, #tpu.memory_space<hbm>>
        %dma_start3A_545 = arith.constant 0 : i32
        %dma_start3A_546 = tpu.memref_slice %arg6[%dma_start3A_538, %dma_start3A_545] : memref<4x80xi32, #tpu.memory_space<vmem>> -> memref<1x80xi32, #tpu.memory_space<vmem>>
        %dma_start3A_547 = tpu.memref_squeeze %dma_start3A_546 : memref<1x80xi32, #tpu.memory_space<vmem>> -> memref<80xi32, #tpu.memory_space<vmem>>
        %dma_start3A_548 = arith.constant 0 : i32
        %dma_start3A_549 = tpu.memref_slice %arg3[%add3A, %add3A_537, %dma_start3A_548] : memref<32x125x80xi32, #tpu.memory_space<hbm>> -> memref<1x1x80xi32, #tpu.memory_space<hbm>>
        %dma_start3A_550 = tpu.memref_squeeze %dma_start3A_549 : memref<1x1x80xi32, #tpu.memory_space<hbm>> -> memref<80xi32, #tpu.memory_space<hbm>>
        tpu.enqueue_dma source(%dma_start3A_550 : memref<80xi32, #tpu.memory_space<hbm>>) target(%dma_start3A_547 : memref<80xi32, #tpu.memory_space<vmem>>) target_semaphore(%arg10 : memref<!tpu.dma_semaphore, #tpu.memory_space<semaphore_mem>>)
        %dma_start3A_551 = arith.constant 0 : i32
        %dma_start3A_552 = arith.constant 0 : i32
        %dma_start3A_553 = tpu.memref_slice %arg7[%dma_start3A_551, %dma_start3A_552] : memref<4x80xi32, #tpu.memory_space<vmem>> -> memref<1x80xi32, #tpu.memory_space<vmem>>
        %dma_start3A_554 = tpu.memref_squeeze %dma_start3A_553 : memref<1x80xi32, #tpu.memory_space<vmem>> -> memref<80xi32, #tpu.memory_space<vmem>>
        %dma_start3A_555 = arith.constant 0 : i32
        %dma_start3A_556 = tpu.memref_slice %arg4[%add3A, %add3A_537, %dma_start3A_555] : memref<32x125x80xi32, #tpu.memory_space<hbm>> -> memref<1x1x80xi32, #tpu.memory_space<hbm>>
        %dma_start3A_557 = tpu.memref_squeeze %dma_start3A_556 : memref<1x1x80xi32, #tpu.memory_space<hbm>> -> memref<80xi32, #tpu.memory_space<hbm>>
        %dma_start3A_558 = arith.constant 0 : i32
        %dma_start3A_559 = tpu.memref_slice %arg7[%dma_start3A_551, %dma_start3A_558] : memref<4x80xi32, #tpu.memory_space<vmem>> -> memref<1x80xi32, #tpu.memory_space<vmem>>
        %dma_start3A_560 = tpu.memref_squeeze %dma_start3A_559 : memref<1x80xi32, #tpu.memory_space<vmem>> -> memref<80xi32, #tpu.memory_space<vmem>>
        %dma_start3A_561 = arith.constant 0 : i32
        %dma_start3A_562 = tpu.memref_slice %arg4[%add3A, %add3A_537, %dma_start3A_561] : memref<32x125x80xi32, #tpu.memory_space<hbm>> -> memref<1x1x80xi32, #tpu.memory_space<hbm>>
        %dma_start3A_563 = tpu.memref_squeeze %dma_start3A_562 : memref<1x1x80xi32, #tpu.memory_space<hbm>> -> memref<80xi32, #tpu.memory_space<hbm>>
        tpu.enqueue_dma source(%dma_start3A_563 : memref<80xi32, #tpu.memory_space<hbm>>) target(%dma_start3A_560 : memref<80xi32, #tpu.memory_space<vmem>>) target_semaphore(%arg10 : memref<!tpu.dma_semaphore, #tpu.memory_space<semaphore_mem>>)
      } else {
      }
      %add3A_388 = arith.constant 1 : i32
      %add3A_389 = arith.addi %add3A_375, %add3A_388 : i32
      %dma_wait3A_390 = arith.constant 3 : i32
      %dma_wait3A_391 = arith.constant 0 : i32
      %dma_wait3A_392 = tpu.memref_slice %arg6[%dma_wait3A_390, %dma_wait3A_391] : memref<4x80xi32, #tpu.memory_space<vmem>> -> memref<1x80xi32, #tpu.memory_space<vmem>>
      %dma_wait3A_393 = tpu.memref_squeeze %dma_wait3A_392 : memref<1x80xi32, #tpu.memory_space<vmem>> -> memref<80xi32, #tpu.memory_space<vmem>>
      %dma_wait3A_394 = arith.constant 0 : i32
      %dma_wait3A_395 = tpu.memref_slice %arg3[%add3A, %add3A_389, %dma_wait3A_394] : memref<32x125x80xi32, #tpu.memory_space<hbm>> -> memref<1x1x80xi32, #tpu.memory_space<hbm>>
      %dma_wait3A_396 = tpu.memref_squeeze %dma_wait3A_395 : memref<1x1x80xi32, #tpu.memory_space<hbm>> -> memref<80xi32, #tpu.memory_space<hbm>>
      %dma_wait3A_397 = arith.constant 0 : i32
      %dma_wait3A_398 = tpu.memref_slice %arg6[%dma_wait3A_390, %dma_wait3A_397] : memref<4x80xi32, #tpu.memory_space<vmem>> -> memref<1x80xi32, #tpu.memory_space<vmem>>
      %dma_wait3A_399 = tpu.memref_squeeze %dma_wait3A_398 : memref<1x80xi32, #tpu.memory_space<vmem>> -> memref<80xi32, #tpu.memory_space<vmem>>
      %dma_wait3A_400 = arith.constant 0 : i32
      %dma_wait3A_401 = tpu.memref_slice %arg3[%add3A, %add3A_389, %dma_wait3A_400] : memref<32x125x80xi32, #tpu.memory_space<hbm>> -> memref<1x1x80xi32, #tpu.memory_space<hbm>>
      %dma_wait3A_402 = tpu.memref_squeeze %dma_wait3A_401 : memref<1x1x80xi32, #tpu.memory_space<hbm>> -> memref<80xi32, #tpu.memory_space<hbm>>
      tpu.wait_dma2 semaphore(%arg13 : memref<!tpu.dma_semaphore, #tpu.memory_space<semaphore_mem>>) src(%dma_wait3A_402 : memref<80xi32, #tpu.memory_space<hbm>>) dst(%dma_wait3A_399 : memref<80xi32, #tpu.memory_space<vmem>>)
      %dma_wait3A_403 = arith.constant 3 : i32
      %dma_wait3A_404 = arith.constant 0 : i32
      %dma_wait3A_405 = tpu.memref_slice %arg7[%dma_wait3A_403, %dma_wait3A_404] : memref<4x80xi32, #tpu.memory_space<vmem>> -> memref<1x80xi32, #tpu.memory_space<vmem>>
      %dma_wait3A_406 = tpu.memref_squeeze %dma_wait3A_405 : memref<1x80xi32, #tpu.memory_space<vmem>> -> memref<80xi32, #tpu.memory_space<vmem>>
      %dma_wait3A_407 = arith.constant 0 : i32
      %dma_wait3A_408 = tpu.memref_slice %arg4[%add3A, %add3A_389, %dma_wait3A_407] : memref<32x125x80xi32, #tpu.memory_space<hbm>> -> memref<1x1x80xi32, #tpu.memory_space<hbm>>
      %dma_wait3A_409 = tpu.memref_squeeze %dma_wait3A_408 : memref<1x1x80xi32, #tpu.memory_space<hbm>> -> memref<80xi32, #tpu.memory_space<hbm>>
      %dma_wait3A_410 = arith.constant 0 : i32
      %dma_wait3A_411 = tpu.memref_slice %arg7[%dma_wait3A_403, %dma_wait3A_410] : memref<4x80xi32, #tpu.memory_space<vmem>> -> memref<1x80xi32, #tpu.memory_space<vmem>>
      %dma_wait3A_412 = tpu.memref_squeeze %dma_wait3A_411 : memref<1x80xi32, #tpu.memory_space<vmem>> -> memref<80xi32, #tpu.memory_space<vmem>>
      %dma_wait3A_413 = arith.constant 0 : i32
      %dma_wait3A_414 = tpu.memref_slice %arg4[%add3A, %add3A_389, %dma_wait3A_413] : memref<32x125x80xi32, #tpu.memory_space<hbm>> -> memref<1x1x80xi32, #tpu.memory_space<hbm>>
      %dma_wait3A_415 = tpu.memref_squeeze %dma_wait3A_414 : memref<1x1x80xi32, #tpu.memory_space<hbm>> -> memref<80xi32, #tpu.memory_space<hbm>>
      tpu.wait_dma2 semaphore(%arg13 : memref<!tpu.dma_semaphore, #tpu.memory_space<semaphore_mem>>) src(%dma_wait3A_415 : memref<80xi32, #tpu.memory_space<hbm>>) dst(%dma_wait3A_412 : memref<80xi32, #tpu.memory_space<vmem>>)
      %add3A_416 = arith.constant 1 : i32
      %add3A_417 = arith.addi %add3A_375, %add3A_416 : i32
      %dma_start3A_418 = arith.constant 3 : i32
      %dma_start3A_419 = arith.constant 3 : i32
      %dma_start3A_420 = arith.constant 0 : i32
      %dma_start3A_421 = arith.constant 0 : i32
      %dma_start3A_422 = tpu.memref_slice %arg8[%dma_start3A_419, %dma_start3A_420, %dma_start3A_421] : memref<4x80x128xf32, #tpu.memory_space<vmem>> -> memref<1x80x128xf32, #tpu.memory_space<vmem>>
      %dma_start3A_423 = tpu.memref_squeeze %dma_start3A_422 : memref<1x80x128xf32, #tpu.memory_space<vmem>> -> memref<80x128xf32, #tpu.memory_space<vmem>>
      %dma_start3A_424 = arith.constant 0 : i32
      %dma_start3A_425 = tpu.memref_slice %arg6[%dma_start3A_418, %dma_start3A_424] : memref<4x80xi32, #tpu.memory_space<vmem>> -> memref<1x80xi32, #tpu.memory_space<vmem>>
      %dma_start3A_426 = tpu.memref_squeeze %dma_start3A_425 : memref<1x80xi32, #tpu.memory_space<vmem>> -> memref<80xi32, #tpu.memory_space<vmem>>
      %dma_start3A_427 = arith.constant 0 : i32
      %dma_start3A_428 = arith.constant 0 : i32
      %dma_start3A_429 = tpu.memref_slice %arg2[%dma_start3A_427, %dma_start3A_428] : memref<10240x128xf32, #tpu.memory_space<hbm>> -> memref<10240x128xf32, #tpu.memory_space<hbm>>
      tpu.enqueue_indirect_dma source(%dma_start3A_429 : memref<10240x128xf32, #tpu.memory_space<hbm>>) target(%dma_start3A_423 : memref<80x128xf32, #tpu.memory_space<vmem>>) offsets(%dma_start3A_426 : memref<80xi32, #tpu.memory_space<vmem>>) semaphore(%arg17 : memref<!tpu.dma_semaphore, #tpu.memory_space<semaphore_mem>>)
      %dma_wait3A_430 = arith.constant 2 : i32
      %dma_wait3A_431 = arith.constant 2 : i32
      %dma_wait3A_432 = arith.constant 0 : i32
      %dma_wait3A_433 = arith.constant 0 : i32
      %dma_wait3A_434 = tpu.memref_slice %arg8[%dma_wait3A_431, %dma_wait3A_432, %dma_wait3A_433] : memref<4x80x128xf32, #tpu.memory_space<vmem>> -> memref<1x80x128xf32, #tpu.memory_space<vmem>>
      %dma_wait3A_435 = tpu.memref_squeeze %dma_wait3A_434 : memref<1x80x128xf32, #tpu.memory_space<vmem>> -> memref<80x128xf32, #tpu.memory_space<vmem>>
      %dma_wait3A_436 = arith.constant 0 : i32
      %dma_wait3A_437 = tpu.memref_slice %arg6[%dma_wait3A_430, %dma_wait3A_436] : memref<4x80xi32, #tpu.memory_space<vmem>> -> memref<1x80xi32, #tpu.memory_space<vmem>>
      %dma_wait3A_438 = tpu.memref_squeeze %dma_wait3A_437 : memref<1x80xi32, #tpu.memory_space<vmem>> -> memref<80xi32, #tpu.memory_space<vmem>>
      %dma_wait3A_439 = arith.constant 0 : i32
      %dma_wait3A_440 = arith.constant 0 : i32
      %dma_wait3A_441 = tpu.memref_slice %arg2[%dma_wait3A_439, %dma_wait3A_440] : memref<10240x128xf32, #tpu.memory_space<hbm>> -> memref<10240x128xf32, #tpu.memory_space<hbm>>
      tpu.wait_indirect_dma semaphore(%arg16 : memref<!tpu.dma_semaphore, #tpu.memory_space<semaphore_mem>>) src(%dma_wait3A_441 : memref<10240x128xf32, #tpu.memory_space<hbm>>) dst(%dma_wait3A_435 : memref<80x128xf32, #tpu.memory_space<vmem>>)
      %dma_start3A_442 = arith.constant 2 : i32
      %dma_start3A_443 = arith.constant 2 : i32
      %dma_start3A_444 = arith.constant 0 : i32
      %dma_start3A_445 = arith.constant 0 : i32
      %dma_start3A_446 = tpu.memref_slice %arg8[%dma_start3A_442, %dma_start3A_444, %dma_start3A_445] : memref<4x80x128xf32, #tpu.memory_space<vmem>> -> memref<1x80x128xf32, #tpu.memory_space<vmem>>
      %dma_start3A_447 = tpu.memref_squeeze %dma_start3A_446 : memref<1x80x128xf32, #tpu.memory_space<vmem>> -> memref<80x128xf32, #tpu.memory_space<vmem>>
      %dma_start3A_448 = arith.constant 0 : i32
      %dma_start3A_449 = tpu.memref_slice %arg7[%dma_start3A_443, %dma_start3A_448] : memref<4x80xi32, #tpu.memory_space<vmem>> -> memref<1x80xi32, #tpu.memory_space<vmem>>
      %dma_start3A_450 = tpu.memref_squeeze %dma_start3A_449 : memref<1x80xi32, #tpu.memory_space<vmem>> -> memref<80xi32, #tpu.memory_space<vmem>>
      %dma_start3A_451 = arith.constant 0 : i32
      %dma_start3A_452 = arith.constant 0 : i32
      %dma_start3A_453 = tpu.memref_slice %arg9[%dma_start3A_451, %dma_start3A_452] : memref<10240x128xf32, #tpu.memory_space<vmem_shared>> -> memref<10240x128xf32, #tpu.memory_space<vmem_shared>>
      tpu.enqueue_indirect_dma source(%dma_start3A_447 : memref<80x128xf32, #tpu.memory_space<vmem>>) target(%dma_start3A_453 : memref<10240x128xf32, #tpu.memory_space<vmem_shared>>) offsets(%dma_start3A_450 : memref<80xi32, #tpu.memory_space<vmem>>) semaphore(%arg18 : memref<!tpu.dma_semaphore, #tpu.memory_space<semaphore_mem>>) {add = true}
      %mul3A_454 = arith.constant 4 : i32
      %mul3A_455 = arith.muli %scan3A_211, %mul3A_454 : i32
      %add3A_456 = arith.constant 3 : i32
      %add3A_457 = arith.addi %mul3A_455, %add3A_456 : i32
      %gt3A_458 = arith.constant 1 : i32
      %gt3A_459 = arith.cmpi sgt, %add3A_457, %gt3A_458 : i32
      %convert_element_type3A_460 = arith.extui %gt3A_459 : i1 to i32
      %cond3A_461 = arith.constant 0 : i32
      %cond3A_462 = arith.cmpi ne, %convert_element_type3A_460, %cond3A_461 : i32
      scf.if %cond3A_462 {
        %sub3A = arith.constant 2 : i32
        %sub3A_536 = arith.subi %add3A_457, %sub3A : i32
        %dma_wait3A_537 = arith.constant 1 : i32
        %dma_wait3A_538 = arith.constant 1 : i32
        %dma_wait3A_539 = arith.constant 0 : i32
        %dma_wait3A_540 = arith.constant 0 : i32
        %dma_wait3A_541 = tpu.memref_slice %arg8[%dma_wait3A_537, %dma_wait3A_539, %dma_wait3A_540] : memref<4x80x128xf32, #tpu.memory_space<vmem>> -> memref<1x80x128xf32, #tpu.memory_space<vmem>>
        %dma_wait3A_542 = tpu.memref_squeeze %dma_wait3A_541 : memref<1x80x128xf32, #tpu.memory_space<vmem>> -> memref<80x128xf32, #tpu.memory_space<vmem>>
        %dma_wait3A_543 = arith.constant 0 : i32
        %dma_wait3A_544 = tpu.memref_slice %arg7[%dma_wait3A_538, %dma_wait3A_543] : memref<4x80xi32, #tpu.memory_space<vmem>> -> memref<1x80xi32, #tpu.memory_space<vmem>>
        %dma_wait3A_545 = tpu.memref_squeeze %dma_wait3A_544 : memref<1x80xi32, #tpu.memory_space<vmem>> -> memref<80xi32, #tpu.memory_space<vmem>>
        %dma_wait3A_546 = arith.constant 0 : i32
        %dma_wait3A_547 = arith.constant 0 : i32
        %dma_wait3A_548 = tpu.memref_slice %arg9[%dma_wait3A_546, %dma_wait3A_547] : memref<10240x128xf32, #tpu.memory_space<vmem_shared>> -> memref<10240x128xf32, #tpu.memory_space<vmem_shared>>
        tpu.wait_indirect_dma semaphore(%arg18 : memref<!tpu.dma_semaphore, #tpu.memory_space<semaphore_mem>>) src(%dma_wait3A_542 : memref<80x128xf32, #tpu.memory_space<vmem>>) dst(%dma_wait3A_548 : memref<10240x128xf32, #tpu.memory_space<vmem_shared>>)
      } else {
      }
      %add3A_463 = arith.constant 2 : i32
      %add3A_464 = arith.addi %add3A_457, %add3A_463 : i32
      %lt3A_465 = arith.constant 125 : i32
      %lt3A_466 = arith.cmpi slt, %add3A_464, %lt3A_465 : i32
      %convert_element_type3A_467 = arith.extui %lt3A_466 : i1 to i32
      %cond3A_468 = arith.constant 0 : i32
      %cond3A_469 = arith.cmpi ne, %convert_element_type3A_467, %cond3A_468 : i32
      scf.if %cond3A_469 {
        %add3A_536 = arith.constant 2 : i32
        %add3A_537 = arith.addi %add3A_457, %add3A_536 : i32
        %dma_start3A_538 = arith.constant 1 : i32
        %dma_start3A_539 = arith.constant 0 : i32
        %dma_start3A_540 = tpu.memref_slice %arg6[%dma_start3A_538, %dma_start3A_539] : memref<4x80xi32, #tpu.memory_space<vmem>> -> memref<1x80xi32, #tpu.memory_space<vmem>>
        %dma_start3A_541 = tpu.memref_squeeze %dma_start3A_540 : memref<1x80xi32, #tpu.memory_space<vmem>> -> memref<80xi32, #tpu.memory_space<vmem>>
        %dma_start3A_542 = arith.constant 0 : i32
        %dma_start3A_543 = tpu.memref_slice %arg3[%add3A, %add3A_537, %dma_start3A_542] : memref<32x125x80xi32, #tpu.memory_space<hbm>> -> memref<1x1x80xi32, #tpu.memory_space<hbm>>
        %dma_start3A_544 = tpu.memref_squeeze %dma_start3A_543 : memref<1x1x80xi32, #tpu.memory_space<hbm>> -> memref<80xi32, #tpu.memory_space<hbm>>
        %dma_start3A_545 = arith.constant 0 : i32
        %dma_start3A_546 = tpu.memref_slice %arg6[%dma_start3A_538, %dma_start3A_545] : memref<4x80xi32, #tpu.memory_space<vmem>> -> memref<1x80xi32, #tpu.memory_space<vmem>>
        %dma_start3A_547 = tpu.memref_squeeze %dma_start3A_546 : memref<1x80xi32, #tpu.memory_space<vmem>> -> memref<80xi32, #tpu.memory_space<vmem>>
        %dma_start3A_548 = arith.constant 0 : i32
        %dma_start3A_549 = tpu.memref_slice %arg3[%add3A, %add3A_537, %dma_start3A_548] : memref<32x125x80xi32, #tpu.memory_space<hbm>> -> memref<1x1x80xi32, #tpu.memory_space<hbm>>
        %dma_start3A_550 = tpu.memref_squeeze %dma_start3A_549 : memref<1x1x80xi32, #tpu.memory_space<hbm>> -> memref<80xi32, #tpu.memory_space<hbm>>
        tpu.enqueue_dma source(%dma_start3A_550 : memref<80xi32, #tpu.memory_space<hbm>>) target(%dma_start3A_547 : memref<80xi32, #tpu.memory_space<vmem>>) target_semaphore(%arg11 : memref<!tpu.dma_semaphore, #tpu.memory_space<semaphore_mem>>)
        %dma_start3A_551 = arith.constant 1 : i32
        %dma_start3A_552 = arith.constant 0 : i32
        %dma_start3A_553 = tpu.memref_slice %arg7[%dma_start3A_551, %dma_start3A_552] : memref<4x80xi32, #tpu.memory_space<vmem>> -> memref<1x80xi32, #tpu.memory_space<vmem>>
        %dma_start3A_554 = tpu.memref_squeeze %dma_start3A_553 : memref<1x80xi32, #tpu.memory_space<vmem>> -> memref<80xi32, #tpu.memory_space<vmem>>
        %dma_start3A_555 = arith.constant 0 : i32
        %dma_start3A_556 = tpu.memref_slice %arg4[%add3A, %add3A_537, %dma_start3A_555] : memref<32x125x80xi32, #tpu.memory_space<hbm>> -> memref<1x1x80xi32, #tpu.memory_space<hbm>>
        %dma_start3A_557 = tpu.memref_squeeze %dma_start3A_556 : memref<1x1x80xi32, #tpu.memory_space<hbm>> -> memref<80xi32, #tpu.memory_space<hbm>>
        %dma_start3A_558 = arith.constant 0 : i32
        %dma_start3A_559 = tpu.memref_slice %arg7[%dma_start3A_551, %dma_start3A_558] : memref<4x80xi32, #tpu.memory_space<vmem>> -> memref<1x80xi32, #tpu.memory_space<vmem>>
        %dma_start3A_560 = tpu.memref_squeeze %dma_start3A_559 : memref<1x80xi32, #tpu.memory_space<vmem>> -> memref<80xi32, #tpu.memory_space<vmem>>
        %dma_start3A_561 = arith.constant 0 : i32
        %dma_start3A_562 = tpu.memref_slice %arg4[%add3A, %add3A_537, %dma_start3A_561] : memref<32x125x80xi32, #tpu.memory_space<hbm>> -> memref<1x1x80xi32, #tpu.memory_space<hbm>>
        %dma_start3A_563 = tpu.memref_squeeze %dma_start3A_562 : memref<1x1x80xi32, #tpu.memory_space<hbm>> -> memref<80xi32, #tpu.memory_space<hbm>>
        tpu.enqueue_dma source(%dma_start3A_563 : memref<80xi32, #tpu.memory_space<hbm>>) target(%dma_start3A_560 : memref<80xi32, #tpu.memory_space<vmem>>) target_semaphore(%arg11 : memref<!tpu.dma_semaphore, #tpu.memory_space<semaphore_mem>>)
      } else {
      }
      %add3A_470 = arith.constant 1 : i32
      %add3A_471 = arith.addi %add3A_457, %add3A_470 : i32
      %dma_wait3A_472 = arith.constant 0 : i32
      %dma_wait3A_473 = arith.constant 0 : i32
      %dma_wait3A_474 = tpu.memref_slice %arg6[%dma_wait3A_472, %dma_wait3A_473] : memref<4x80xi32, #tpu.memory_space<vmem>> -> memref<1x80xi32, #tpu.memory_space<vmem>>
      %dma_wait3A_475 = tpu.memref_squeeze %dma_wait3A_474 : memref<1x80xi32, #tpu.memory_space<vmem>> -> memref<80xi32, #tpu.memory_space<vmem>>
      %dma_wait3A_476 = arith.constant 0 : i32
      %dma_wait3A_477 = tpu.memref_slice %arg3[%add3A, %add3A_471, %dma_wait3A_476] : memref<32x125x80xi32, #tpu.memory_space<hbm>> -> memref<1x1x80xi32, #tpu.memory_space<hbm>>
      %dma_wait3A_478 = tpu.memref_squeeze %dma_wait3A_477 : memref<1x1x80xi32, #tpu.memory_space<hbm>> -> memref<80xi32, #tpu.memory_space<hbm>>
      %dma_wait3A_479 = arith.constant 0 : i32
      %dma_wait3A_480 = tpu.memref_slice %arg6[%dma_wait3A_472, %dma_wait3A_479] : memref<4x80xi32, #tpu.memory_space<vmem>> -> memref<1x80xi32, #tpu.memory_space<vmem>>
      %dma_wait3A_481 = tpu.memref_squeeze %dma_wait3A_480 : memref<1x80xi32, #tpu.memory_space<vmem>> -> memref<80xi32, #tpu.memory_space<vmem>>
      %dma_wait3A_482 = arith.constant 0 : i32
      %dma_wait3A_483 = tpu.memref_slice %arg3[%add3A, %add3A_471, %dma_wait3A_482] : memref<32x125x80xi32, #tpu.memory_space<hbm>> -> memref<1x1x80xi32, #tpu.memory_space<hbm>>
      %dma_wait3A_484 = tpu.memref_squeeze %dma_wait3A_483 : memref<1x1x80xi32, #tpu.memory_space<hbm>> -> memref<80xi32, #tpu.memory_space<hbm>>
      tpu.wait_dma2 semaphore(%arg10 : memref<!tpu.dma_semaphore, #tpu.memory_space<semaphore_mem>>) src(%dma_wait3A_484 : memref<80xi32, #tpu.memory_space<hbm>>) dst(%dma_wait3A_481 : memref<80xi32, #tpu.memory_space<vmem>>)
      %dma_wait3A_485 = arith.constant 0 : i32
      %dma_wait3A_486 = arith.constant 0 : i32
      %dma_wait3A_487 = tpu.memref_slice %arg7[%dma_wait3A_485, %dma_wait3A_486] : memref<4x80xi32, #tpu.memory_space<vmem>> -> memref<1x80xi32, #tpu.memory_space<vmem>>
      %dma_wait3A_488 = tpu.memref_squeeze %dma_wait3A_487 : memref<1x80xi32, #tpu.memory_space<vmem>> -> memref<80xi32, #tpu.memory_space<vmem>>
      %dma_wait3A_489 = arith.constant 0 : i32
      %dma_wait3A_490 = tpu.memref_slice %arg4[%add3A, %add3A_471, %dma_wait3A_489] : memref<32x125x80xi32, #tpu.memory_space<hbm>> -> memref<1x1x80xi32, #tpu.memory_space<hbm>>
      %dma_wait3A_491 = tpu.memref_squeeze %dma_wait3A_490 : memref<1x1x80xi32, #tpu.memory_space<hbm>> -> memref<80xi32, #tpu.memory_space<hbm>>
      %dma_wait3A_492 = arith.constant 0 : i32
      %dma_wait3A_493 = tpu.memref_slice %arg7[%dma_wait3A_485, %dma_wait3A_492] : memref<4x80xi32, #tpu.memory_space<vmem>> -> memref<1x80xi32, #tpu.memory_space<vmem>>
      %dma_wait3A_494 = tpu.memref_squeeze %dma_wait3A_493 : memref<1x80xi32, #tpu.memory_space<vmem>> -> memref<80xi32, #tpu.memory_space<vmem>>
      %dma_wait3A_495 = arith.constant 0 : i32
      %dma_wait3A_496 = tpu.memref_slice %arg4[%add3A, %add3A_471, %dma_wait3A_495] : memref<32x125x80xi32, #tpu.memory_space<hbm>> -> memref<1x1x80xi32, #tpu.memory_space<hbm>>
      %dma_wait3A_497 = tpu.memref_squeeze %dma_wait3A_496 : memref<1x1x80xi32, #tpu.memory_space<hbm>> -> memref<80xi32, #tpu.memory_space<hbm>>
      tpu.wait_dma2 semaphore(%arg10 : memref<!tpu.dma_semaphore, #tpu.memory_space<semaphore_mem>>) src(%dma_wait3A_497 : memref<80xi32, #tpu.memory_space<hbm>>) dst(%dma_wait3A_494 : memref<80xi32, #tpu.memory_space<vmem>>)
      %add3A_498 = arith.constant 1 : i32
      %add3A_499 = arith.addi %add3A_457, %add3A_498 : i32
      %dma_start3A_500 = arith.constant 0 : i32
      %dma_start3A_501 = arith.constant 0 : i32
      %dma_start3A_502 = arith.constant 0 : i32
      %dma_start3A_503 = arith.constant 0 : i32
      %dma_start3A_504 = tpu.memref_slice %arg8[%dma_start3A_501, %dma_start3A_502, %dma_start3A_503] : memref<4x80x128xf32, #tpu.memory_space<vmem>> -> memref<1x80x128xf32, #tpu.memory_space<vmem>>
      %dma_start3A_505 = tpu.memref_squeeze %dma_start3A_504 : memref<1x80x128xf32, #tpu.memory_space<vmem>> -> memref<80x128xf32, #tpu.memory_space<vmem>>
      %dma_start3A_506 = arith.constant 0 : i32
      %dma_start3A_507 = tpu.memref_slice %arg6[%dma_start3A_500, %dma_start3A_506] : memref<4x80xi32, #tpu.memory_space<vmem>> -> memref<1x80xi32, #tpu.memory_space<vmem>>
      %dma_start3A_508 = tpu.memref_squeeze %dma_start3A_507 : memref<1x80xi32, #tpu.memory_space<vmem>> -> memref<80xi32, #tpu.memory_space<vmem>>
      %dma_start3A_509 = arith.constant 0 : i32
      %dma_start3A_510 = arith.constant 0 : i32
      %dma_start3A_511 = tpu.memref_slice %arg2[%dma_start3A_509, %dma_start3A_510] : memref<10240x128xf32, #tpu.memory_space<hbm>> -> memref<10240x128xf32, #tpu.memory_space<hbm>>
      tpu.enqueue_indirect_dma source(%dma_start3A_511 : memref<10240x128xf32, #tpu.memory_space<hbm>>) target(%dma_start3A_505 : memref<80x128xf32, #tpu.memory_space<vmem>>) offsets(%dma_start3A_508 : memref<80xi32, #tpu.memory_space<vmem>>) semaphore(%arg14 : memref<!tpu.dma_semaphore, #tpu.memory_space<semaphore_mem>>)
      %dma_wait3A_512 = arith.constant 3 : i32
      %dma_wait3A_513 = arith.constant 3 : i32
      %dma_wait3A_514 = arith.constant 0 : i32
      %dma_wait3A_515 = arith.constant 0 : i32
      %dma_wait3A_516 = tpu.memref_slice %arg8[%dma_wait3A_513, %dma_wait3A_514, %dma_wait3A_515] : memref<4x80x128xf32, #tpu.memory_space<vmem>> -> memref<1x80x128xf32, #tpu.memory_space<vmem>>
      %dma_wait3A_517 = tpu.memref_squeeze %dma_wait3A_516 : memref<1x80x128xf32, #tpu.memory_space<vmem>> -> memref<80x128xf32, #tpu.memory_space<vmem>>
      %dma_wait3A_518 = arith.constant 0 : i32
      %dma_wait3A_519 = tpu.memref_slice %arg6[%dma_wait3A_512, %dma_wait3A_518] : memref<4x80xi32, #tpu.memory_space<vmem>> -> memref<1x80xi32, #tpu.memory_space<vmem>>
      %dma_wait3A_520 = tpu.memref_squeeze %dma_wait3A_519 : memref<1x80xi32, #tpu.memory_space<vmem>> -> memref<80xi32, #tpu.memory_space<vmem>>
      %dma_wait3A_521 = arith.constant 0 : i32
      %dma_wait3A_522 = arith.constant 0 : i32
      %dma_wait3A_523 = tpu.memref_slice %arg2[%dma_wait3A_521, %dma_wait3A_522] : memref<10240x128xf32, #tpu.memory_space<hbm>> -> memref<10240x128xf32, #tpu.memory_space<hbm>>
      tpu.wait_indirect_dma semaphore(%arg17 : memref<!tpu.dma_semaphore, #tpu.memory_space<semaphore_mem>>) src(%dma_wait3A_523 : memref<10240x128xf32, #tpu.memory_space<hbm>>) dst(%dma_wait3A_517 : memref<80x128xf32, #tpu.memory_space<vmem>>)
      %dma_start3A_524 = arith.constant 3 : i32
      %dma_start3A_525 = arith.constant 3 : i32
      %dma_start3A_526 = arith.constant 0 : i32
      %dma_start3A_527 = arith.constant 0 : i32
      %dma_start3A_528 = tpu.memref_slice %arg8[%dma_start3A_524, %dma_start3A_526, %dma_start3A_527] : memref<4x80x128xf32, #tpu.memory_space<vmem>> -> memref<1x80x128xf32, #tpu.memory_space<vmem>>
      %dma_start3A_529 = tpu.memref_squeeze %dma_start3A_528 : memref<1x80x128xf32, #tpu.memory_space<vmem>> -> memref<80x128xf32, #tpu.memory_space<vmem>>
      %dma_start3A_530 = arith.constant 0 : i32
      %dma_start3A_531 = tpu.memref_slice %arg7[%dma_start3A_525, %dma_start3A_530] : memref<4x80xi32, #tpu.memory_space<vmem>> -> memref<1x80xi32, #tpu.memory_space<vmem>>
      %dma_start3A_532 = tpu.memref_squeeze %dma_start3A_531 : memref<1x80xi32, #tpu.memory_space<vmem>> -> memref<80xi32, #tpu.memory_space<vmem>>
      %dma_start3A_533 = arith.constant 0 : i32
      %dma_start3A_534 = arith.constant 0 : i32
      %dma_start3A_535 = tpu.memref_slice %arg9[%dma_start3A_533, %dma_start3A_534] : memref<10240x128xf32, #tpu.memory_space<vmem_shared>> -> memref<10240x128xf32, #tpu.memory_space<vmem_shared>>
      tpu.enqueue_indirect_dma source(%dma_start3A_529 : memref<80x128xf32, #tpu.memory_space<vmem>>) target(%dma_start3A_535 : memref<10240x128xf32, #tpu.memory_space<vmem_shared>>) offsets(%dma_start3A_532 : memref<80xi32, #tpu.memory_space<vmem>>) semaphore(%arg18 : memref<!tpu.dma_semaphore, #tpu.memory_space<semaphore_mem>>) {add = true}
    }
    %scan3A_145 = arith.constant 31 : i32
    %dma_wait3A_146 = arith.constant 2 : i32
    %dma_wait3A_147 = arith.constant 2 : i32
    %dma_wait3A_148 = arith.constant 0 : i32
    %dma_wait3A_149 = arith.constant 0 : i32
    %dma_wait3A_150 = tpu.memref_slice %arg8[%dma_wait3A_146, %dma_wait3A_148, %dma_wait3A_149] : memref<4x80x128xf32, #tpu.memory_space<vmem>> -> memref<1x80x128xf32, #tpu.memory_space<vmem>>
    %dma_wait3A_151 = tpu.memref_squeeze %dma_wait3A_150 : memref<1x80x128xf32, #tpu.memory_space<vmem>> -> memref<80x128xf32, #tpu.memory_space<vmem>>
    %dma_wait3A_152 = arith.constant 0 : i32
    %dma_wait3A_153 = tpu.memref_slice %arg7[%dma_wait3A_147, %dma_wait3A_152] : memref<4x80xi32, #tpu.memory_space<vmem>> -> memref<1x80xi32, #tpu.memory_space<vmem>>
    %dma_wait3A_154 = tpu.memref_squeeze %dma_wait3A_153 : memref<1x80xi32, #tpu.memory_space<vmem>> -> memref<80xi32, #tpu.memory_space<vmem>>
    %dma_wait3A_155 = arith.constant 0 : i32
    %dma_wait3A_156 = arith.constant 0 : i32
    %dma_wait3A_157 = tpu.memref_slice %arg9[%dma_wait3A_155, %dma_wait3A_156] : memref<10240x128xf32, #tpu.memory_space<vmem_shared>> -> memref<10240x128xf32, #tpu.memory_space<vmem_shared>>
    tpu.wait_indirect_dma semaphore(%arg18 : memref<!tpu.dma_semaphore, #tpu.memory_space<semaphore_mem>>) src(%dma_wait3A_151 : memref<80x128xf32, #tpu.memory_space<vmem>>) dst(%dma_wait3A_157 : memref<10240x128xf32, #tpu.memory_space<vmem_shared>>)
    %dma_wait3A_158 = arith.constant 0 : i32
    %dma_wait3A_159 = arith.constant 0 : i32
    %dma_wait3A_160 = arith.constant 0 : i32
    %dma_wait3A_161 = arith.constant 0 : i32
    %dma_wait3A_162 = tpu.memref_slice %arg8[%dma_wait3A_159, %dma_wait3A_160, %dma_wait3A_161] : memref<4x80x128xf32, #tpu.memory_space<vmem>> -> memref<1x80x128xf32, #tpu.memory_space<vmem>>
    %dma_wait3A_163 = tpu.memref_squeeze %dma_wait3A_162 : memref<1x80x128xf32, #tpu.memory_space<vmem>> -> memref<80x128xf32, #tpu.memory_space<vmem>>
    %dma_wait3A_164 = arith.constant 0 : i32
    %dma_wait3A_165 = tpu.memref_slice %arg6[%dma_wait3A_158, %dma_wait3A_164] : memref<4x80xi32, #tpu.memory_space<vmem>> -> memref<1x80xi32, #tpu.memory_space<vmem>>
    %dma_wait3A_166 = tpu.memref_squeeze %dma_wait3A_165 : memref<1x80xi32, #tpu.memory_space<vmem>> -> memref<80xi32, #tpu.memory_space<vmem>>
    %dma_wait3A_167 = arith.constant 0 : i32
    %dma_wait3A_168 = arith.constant 0 : i32
    %dma_wait3A_169 = tpu.memref_slice %arg2[%dma_wait3A_167, %dma_wait3A_168] : memref<10240x128xf32, #tpu.memory_space<hbm>> -> memref<10240x128xf32, #tpu.memory_space<hbm>>
    tpu.wait_indirect_dma semaphore(%arg14 : memref<!tpu.dma_semaphore, #tpu.memory_space<semaphore_mem>>) src(%dma_wait3A_169 : memref<10240x128xf32, #tpu.memory_space<hbm>>) dst(%dma_wait3A_163 : memref<80x128xf32, #tpu.memory_space<vmem>>)
    %dma_start3A_170 = arith.constant 0 : i32
    %dma_start3A_171 = arith.constant 0 : i32
    %dma_start3A_172 = arith.constant 0 : i32
    %dma_start3A_173 = arith.constant 0 : i32
    %dma_start3A_174 = tpu.memref_slice %arg8[%dma_start3A_170, %dma_start3A_172, %dma_start3A_173] : memref<4x80x128xf32, #tpu.memory_space<vmem>> -> memref<1x80x128xf32, #tpu.memory_space<vmem>>
    %dma_start3A_175 = tpu.memref_squeeze %dma_start3A_174 : memref<1x80x128xf32, #tpu.memory_space<vmem>> -> memref<80x128xf32, #tpu.memory_space<vmem>>
    %dma_start3A_176 = arith.constant 0 : i32
    %dma_start3A_177 = tpu.memref_slice %arg7[%dma_start3A_171, %dma_start3A_176] : memref<4x80xi32, #tpu.memory_space<vmem>> -> memref<1x80xi32, #tpu.memory_space<vmem>>
    %dma_start3A_178 = tpu.memref_squeeze %dma_start3A_177 : memref<1x80xi32, #tpu.memory_space<vmem>> -> memref<80xi32, #tpu.memory_space<vmem>>
    %dma_start3A_179 = arith.constant 0 : i32
    %dma_start3A_180 = arith.constant 0 : i32
    %dma_start3A_181 = tpu.memref_slice %arg9[%dma_start3A_179, %dma_start3A_180] : memref<10240x128xf32, #tpu.memory_space<vmem_shared>> -> memref<10240x128xf32, #tpu.memory_space<vmem_shared>>
    tpu.enqueue_indirect_dma source(%dma_start3A_175 : memref<80x128xf32, #tpu.memory_space<vmem>>) target(%dma_start3A_181 : memref<10240x128xf32, #tpu.memory_space<vmem_shared>>) offsets(%dma_start3A_178 : memref<80xi32, #tpu.memory_space<vmem>>) semaphore(%arg18 : memref<!tpu.dma_semaphore, #tpu.memory_space<semaphore_mem>>) {add = true}
    %dma_wait3A_182 = arith.constant 3 : i32
    %dma_wait3A_183 = arith.constant 3 : i32
    %dma_wait3A_184 = arith.constant 0 : i32
    %dma_wait3A_185 = arith.constant 0 : i32
    %dma_wait3A_186 = tpu.memref_slice %arg8[%dma_wait3A_182, %dma_wait3A_184, %dma_wait3A_185] : memref<4x80x128xf32, #tpu.memory_space<vmem>> -> memref<1x80x128xf32, #tpu.memory_space<vmem>>
    %dma_wait3A_187 = tpu.memref_squeeze %dma_wait3A_186 : memref<1x80x128xf32, #tpu.memory_space<vmem>> -> memref<80x128xf32, #tpu.memory_space<vmem>>
    %dma_wait3A_188 = arith.constant 0 : i32
    %dma_wait3A_189 = tpu.memref_slice %arg7[%dma_wait3A_183, %dma_wait3A_188] : memref<4x80xi32, #tpu.memory_space<vmem>> -> memref<1x80xi32, #tpu.memory_space<vmem>>
    %dma_wait3A_190 = tpu.memref_squeeze %dma_wait3A_189 : memref<1x80xi32, #tpu.memory_space<vmem>> -> memref<80xi32, #tpu.memory_space<vmem>>
    %dma_wait3A_191 = arith.constant 0 : i32
    %dma_wait3A_192 = arith.constant 0 : i32
    %dma_wait3A_193 = tpu.memref_slice %arg9[%dma_wait3A_191, %dma_wait3A_192] : memref<10240x128xf32, #tpu.memory_space<vmem_shared>> -> memref<10240x128xf32, #tpu.memory_space<vmem_shared>>
    tpu.wait_indirect_dma semaphore(%arg18 : memref<!tpu.dma_semaphore, #tpu.memory_space<semaphore_mem>>) src(%dma_wait3A_187 : memref<80x128xf32, #tpu.memory_space<vmem>>) dst(%dma_wait3A_193 : memref<10240x128xf32, #tpu.memory_space<vmem_shared>>)
    %dma_wait3A_194 = arith.constant 0 : i32
    %dma_wait3A_195 = arith.constant 0 : i32
    %dma_wait3A_196 = arith.constant 0 : i32
    %dma_wait3A_197 = arith.constant 0 : i32
    %dma_wait3A_198 = tpu.memref_slice %arg8[%dma_wait3A_194, %dma_wait3A_196, %dma_wait3A_197] : memref<4x80x128xf32, #tpu.memory_space<vmem>> -> memref<1x80x128xf32, #tpu.memory_space<vmem>>
    %dma_wait3A_199 = tpu.memref_squeeze %dma_wait3A_198 : memref<1x80x128xf32, #tpu.memory_space<vmem>> -> memref<80x128xf32, #tpu.memory_space<vmem>>
    %dma_wait3A_200 = arith.constant 0 : i32
    %dma_wait3A_201 = tpu.memref_slice %arg7[%dma_wait3A_195, %dma_wait3A_200] : memref<4x80xi32, #tpu.memory_space<vmem>> -> memref<1x80xi32, #tpu.memory_space<vmem>>
    %dma_wait3A_202 = tpu.memref_squeeze %dma_wait3A_201 : memref<1x80xi32, #tpu.memory_space<vmem>> -> memref<80xi32, #tpu.memory_space<vmem>>
    %dma_wait3A_203 = arith.constant 0 : i32
    %dma_wait3A_204 = arith.constant 0 : i32
    %dma_wait3A_205 = tpu.memref_slice %arg9[%dma_wait3A_203, %dma_wait3A_204] : memref<10240x128xf32, #tpu.memory_space<vmem_shared>> -> memref<10240x128xf32, #tpu.memory_space<vmem_shared>>
    tpu.wait_indirect_dma semaphore(%arg18 : memref<!tpu.dma_semaphore, #tpu.memory_space<semaphore_mem>>) src(%dma_wait3A_199 : memref<80x128xf32, #tpu.memory_space<vmem>>) dst(%dma_wait3A_205 : memref<10240x128xf32, #tpu.memory_space<vmem_shared>>)
    %barrier3A_206 = arith.constant 0 : index
    tpu.barrier barrier_id(%barrier3A_206)
    %mul3A_207 = arith.constant 640 : i32
    %mul3A_208 = arith.muli %arg1, %mul3A_207 : i32
    %mul3A_209 = arith.constant 640 : i32
    %mul3A_210 = arith.muli %arg1, %mul3A_209 : i32
    "tpu.region"() ({
      %run_scoped3A_211 = tpu.sem_alloc : memref<!tpu.dma_semaphore, #tpu.memory_space<semaphore_mem>>
      %dma_start3A_212 = arith.constant 0 : i32
      %dma_start3A_213 = tpu.memref_slice %arg5[%arg0, %mul3A_210, %dma_start3A_212] : memref<2x10240x128xf32, #tpu.memory_space<hbm>> -> memref<1x640x128xf32, #tpu.memory_space<hbm>>
      %dma_start3A_214 = tpu.memref_squeeze %dma_start3A_213 : memref<1x640x128xf32, #tpu.memory_space<hbm>> -> memref<640x128xf32, #tpu.memory_space<hbm>>
      %dma_start3A_215 = arith.constant 0 : i32
      %dma_start3A_216 = tpu.memref_slice %arg9[%mul3A_208, %dma_start3A_215] : memref<10240x128xf32, #tpu.memory_space<vmem_shared>> -> memref<640x128xf32, #tpu.memory_space<vmem_shared>>
      tpu.enqueue_dma source(%dma_start3A_216 : memref<640x128xf32, #tpu.memory_space<vmem_shared>>) target(%dma_start3A_214 : memref<640x128xf32, #tpu.memory_space<hbm>>) target_semaphore(%run_scoped3A_211 : memref<!tpu.dma_semaphore, #tpu.memory_space<semaphore_mem>>)
      %dma_wait3A_217 = arith.constant 0 : i32
      %dma_wait3A_218 = tpu.memref_slice %arg5[%arg0, %mul3A_210, %dma_wait3A_217] : memref<2x10240x128xf32, #tpu.memory_space<hbm>> -> memref<1x640x128xf32, #tpu.memory_space<hbm>>
      %dma_wait3A_219 = tpu.memref_squeeze %dma_wait3A_218 : memref<1x640x128xf32, #tpu.memory_space<hbm>> -> memref<640x128xf32, #tpu.memory_space<hbm>>
      %dma_wait3A_220 = arith.constant 0 : i32
      %dma_wait3A_221 = tpu.memref_slice %arg9[%mul3A_208, %dma_wait3A_220] : memref<10240x128xf32, #tpu.memory_space<vmem_shared>> -> memref<640x128xf32, #tpu.memory_space<vmem_shared>>
      tpu.wait_dma2 semaphore(%run_scoped3A_211 : memref<!tpu.dma_semaphore, #tpu.memory_space<semaphore_mem>>) src(%dma_wait3A_221 : memref<640x128xf32, #tpu.memory_space<vmem_shared>>) dst(%dma_wait3A_219 : memref<640x128xf32, #tpu.memory_space<hbm>>)
      tpu.yield
    }) : () -> ()
    return
  }
}

#map = affine_map<(d0, d1) -> (0, 0)>
#map1 = affine_map<(d0, d1) -> (0, 0, 0)>
module attributes {stable_mosaic.version = 14 : i64} {
  func.func @prop(%arg0: i32, %arg1: i32, %arg2: memref<10240x128xf32, #tpu.memory_space<hbm>>, %arg3: memref<32x125x80xi32, #tpu.memory_space<hbm>>, %arg4: memref<32x125x80xi32, #tpu.memory_space<hbm>>, %arg5: memref<2x10240x128xf32, #tpu.memory_space<hbm>>, %arg6: memref<4x80xi32, #tpu.memory_space<vmem>>, %arg7: memref<4x80xi32, #tpu.memory_space<vmem>>, %arg8: memref<4x80x128xf32, #tpu.memory_space<vmem>>, %arg9: memref<10240x128xf32, #tpu.memory_space<vmem_shared>>, %arg10: memref<!tpu.dma_semaphore, #tpu.memory_space<semaphore_mem>>, %arg11: memref<!tpu.dma_semaphore, #tpu.memory_space<semaphore_mem>>, %arg12: memref<!tpu.dma_semaphore, #tpu.memory_space<semaphore_mem>>, %arg13: memref<!tpu.dma_semaphore, #tpu.memory_space<semaphore_mem>>, %arg14: memref<!tpu.dma_semaphore, #tpu.memory_space<semaphore_mem>>, %arg15: memref<!tpu.dma_semaphore, #tpu.memory_space<semaphore_mem>>, %arg16: memref<!tpu.dma_semaphore, #tpu.memory_space<semaphore_mem>>, %arg17: memref<!tpu.dma_semaphore, #tpu.memory_space<semaphore_mem>>, %arg18: memref<!tpu.dma_semaphore, #tpu.memory_space<semaphore_mem>>) attributes {dimension_semantics = [#tpu.dimension_semantics<core_parallel>, #tpu.dimension_semantics<subcore_parallel>], iteration_bounds = array<i64: 2, 16>, scalar_prefetch = 0 : i64, scratch_operands = 13 : i64, tpu.core_type = #tpu.core_type<sc_vector_subcore>, window_params = [{transform_indices = #map}, {transform_indices = #map1}, {transform_indices = #map1}, {transform_indices = #map1}]} {
    %mul3A = arith.constant 16 : i32
    %mul3A_0 = arith.muli %arg0, %mul3A : i32
    %add3A = arith.addi %mul3A_0, %arg1 : i32
    %broadcast_in_dim3A = arith.constant 0.000000e+00 : f32
    %broadcast_in_dim3A_1 = vector.broadcast %broadcast_in_dim3A : f32 to vector<16xf32>
    %scan3A = arith.constant 0 : i32
    %scan3A_2 = arith.constant 0 : i32
    %scan3A_3 = arith.constant 80 : i32
    %scan3A_4 = arith.addi %scan3A_2, %scan3A_3 : i32
    %scan3A_5 = arith.constant 1 : i32
    scf.for %scan3A_211 = %scan3A_2 to %scan3A_4 step %scan3A_5  : i32 {
      %scan3A_212 = arith.constant 0 : i32
      %scan3A_213 = arith.constant 8 : i32
      %scan3A_214 = arith.addi %scan3A_212, %scan3A_213 : i32
      %scan3A_215 = arith.constant 1 : i32
      scf.for %scan3A_217 = %scan3A_212 to %scan3A_214 step %scan3A_215  : i32 {
        %mul3A_218 = arith.constant 16 : i32
        %mul3A_219 = arith.muli %scan3A_217, %mul3A_218 : i32
        %swap3A = arith.constant 0 : i32
        %swap3A_220 = arith.index_cast %swap3A : i32 to index
        %swap3A_221 = arith.index_cast %scan3A_211 : i32 to index
        %swap3A_222 = arith.index_cast %mul3A_219 : i32 to index
        %swap3A_223 = tpu.vector_load %arg8[%swap3A_220, %swap3A_221, %swap3A_222] {strides = array<i32>} : memref<4x80x128xf32, #tpu.memory_space<vmem>>, vector<1x1x16xf32>,
        %swap3A_224 = vector.shape_cast %swap3A_223 : vector<1x1x16xf32> to vector<16xf32>
        %swap3A_225 = vector.shape_cast %broadcast_in_dim3A_1 : vector<16xf32> to vector<1x1x16xf32>
        tpu.vector_store %arg8[%swap3A_220, %swap3A_221, %swap3A_222], %swap3A_225 {strides = array<i32>} : memref<4x80x128xf32, #tpu.memory_space<vmem>>, vector<1x1x16xf32>,
      }
      %scan3A_216 = arith.constant 8 : i32
    }
    %scan3A_6 = arith.constant 80 : i32
    %mul3A_7 = arith.constant 640 : i32
    %mul3A_8 = arith.muli %arg1, %mul3A_7 : i32
    %add3A_9 = arith.constant 0 : i32
    %add3A_10 = arith.addi %mul3A_8, %add3A_9 : i32
    %run_scoped3A = arith.constant 0 : i32
    "tpu.region"() ({
      %run_scoped3A_211 = tpu.sem_alloc : memref<!tpu.dma_semaphore, #tpu.memory_space<semaphore_mem>>
      %dma_start3A_212 = arith.constant 0 : i32
      %dma_start3A_213 = arith.constant 0 : i32
      %dma_start3A_214 = tpu.memref_slice %arg8[%run_scoped3A, %dma_start3A_212, %dma_start3A_213] : memref<4x80x128xf32, #tpu.memory_space<vmem>> -> memref<1x80x128xf32, #tpu.memory_space<vmem>>
      %dma_start3A_215 = tpu.memref_squeeze %dma_start3A_214 : memref<1x80x128xf32, #tpu.memory_space<vmem>> -> memref<80x128xf32, #tpu.memory_space<vmem>>
      %dma_start3A_216 = arith.constant 0 : i32
      %dma_start3A_217 = tpu.memref_slice %arg9[%add3A_10, %dma_start3A_216] : memref<10240x128xf32, #tpu.memory_space<vmem_shared>> -> memref<80x128xf32, #tpu.memory_space<vmem_shared>>
      %dma_start3A_218 = arith.constant 0 : i32
      %dma_start3A_219 = tpu.memref_slice %arg9[%add3A_10, %dma_start3A_218] : memref<10240x128xf32, #tpu.memory_space<vmem_shared>> -> memref<80x128xf32, #tpu.memory_space<vmem_shared>>
      %dma_start3A_220 = arith.constant 0 : i32
      %dma_start3A_221 = arith.constant 0 : i32
      %dma_start3A_222 = tpu.memref_slice %arg8[%run_scoped3A, %dma_start3A_220, %dma_start3A_221] : memref<4x80x128xf32, #tpu.memory_space<vmem>> -> memref<1x80x128xf32, #tpu.memory_space<vmem>>
      %dma_start3A_223 = tpu.memref_squeeze %dma_start3A_222 : memref<1x80x128xf32, #tpu.memory_space<vmem>> -> memref<80x128xf32, #tpu.memory_space<vmem>>
      tpu.enqueue_dma source(%dma_start3A_223 : memref<80x128xf32, #tpu.memory_space<vmem>>) target(%dma_start3A_219 : memref<80x128xf32, #tpu.memory_space<vmem_shared>>) target_semaphore(%run_scoped3A_211 : memref<!tpu.dma_semaphore, #tpu.memory_space<semaphore_mem>>)
      %dma_wait3A_224 = arith.constant 0 : i32
      %dma_wait3A_225 = arith.constant 0 : i32
      %dma_wait3A_226 = tpu.memref_slice %arg8[%run_scoped3A, %dma_wait3A_224, %dma_wait3A_225] : memref<4x80x128xf32, #tpu.memory_space<vmem>> -> memref<1x80x128xf32, #tpu.memory_space<vmem>>
      %dma_wait3A_227 = tpu.memref_squeeze %dma_wait3A_226 : memref<1x80x128xf32, #tpu.memory_space<vmem>> -> memref<80x128xf32, #tpu.memory_space<vmem>>
      %dma_wait3A_228 = arith.constant 0 : i32
      %dma_wait3A_229 = tpu.memref_slice %arg9[%add3A_10, %dma_wait3A_228] : memref<10240x128xf32, #tpu.memory_space<vmem_shared>> -> memref<80x128xf32, #tpu.memory_space<vmem_shared>>
      %dma_wait3A_230 = arith.constant 0 : i32
      %dma_wait3A_231 = tpu.memref_slice %arg9[%add3A_10, %dma_wait3A_230] : memref<10240x128xf32, #tpu.memory_space<vmem_shared>> -> memref<80x128xf32, #tpu.memory_space<vmem_shared>>
      %dma_wait3A_232 = arith.constant 0 : i32
      %dma_wait3A_233 = arith.constant 0 : i32
      %dma_wait3A_234 = tpu.memref_slice %arg8[%run_scoped3A, %dma_wait3A_232, %dma_wait3A_233] : memref<4x80x128xf32, #tpu.memory_space<vmem>> -> memref<1x80x128xf32, #tpu.memory_space<vmem>>
      %dma_wait3A_235 = tpu.memref_squeeze %dma_wait3A_234 : memref<1x80x128xf32, #tpu.memory_space<vmem>> -> memref<80x128xf32, #tpu.memory_space<vmem>>
      tpu.wait_dma2 semaphore(%run_scoped3A_211 : memref<!tpu.dma_semaphore, #tpu.memory_space<semaphore_mem>>) src(%dma_wait3A_235 : memref<80x128xf32, #tpu.memory_space<vmem>>) dst(%dma_wait3A_231 : memref<80x128xf32, #tpu.memory_space<vmem_shared>>)
      tpu.yield
    }) : () -> ()
    %mul3A_11 = arith.constant 640 : i32
    %mul3A_12 = arith.muli %arg1, %mul3A_11 : i32
    %add3A_13 = arith.constant 80 : i32
    %add3A_14 = arith.addi %mul3A_12, %add3A_13 : i32
    %run_scoped3A_15 = arith.constant 0 : i32
    "tpu.region"() ({
      %run_scoped3A_211 = tpu.sem_alloc : memref<!tpu.dma_semaphore, #tpu.memory_space<semaphore_mem>>
      %dma_start3A_212 = arith.constant 0 : i32
      %dma_start3A_213 = arith.constant 0 : i32
      %dma_start3A_214 = tpu.memref_slice %arg8[%run_scoped3A_15, %dma_start3A_212, %dma_start3A_213] : memref<4x80x128xf32, #tpu.memory_space<vmem>> -> memref<1x80x128xf32, #tpu.memory_space<vmem>>
      %dma_start3A_215 = tpu.memref_squeeze %dma_start3A_214 : memref<1x80x128xf32, #tpu.memory_space<vmem>> -> memref<80x128xf32, #tpu.memory_space<vmem>>
      %dma_start3A_216 = arith.constant 0 : i32
      %dma_start3A_217 = tpu.memref_slice %arg9[%add3A_14, %dma_start3A_216] : memref<10240x128xf32, #tpu.memory_space<vmem_shared>> -> memref<80x128xf32, #tpu.memory_space<vmem_shared>>
      %dma_start3A_218 = arith.constant 0 : i32
      %dma_start3A_219 = tpu.memref_slice %arg9[%add3A_14, %dma_start3A_218] : memref<10240x128xf32, #tpu.memory_space<vmem_shared>> -> memref<80x128xf32, #tpu.memory_space<vmem_shared>>
      %dma_start3A_220 = arith.constant 0 : i32
      %dma_start3A_221 = arith.constant 0 : i32
      %dma_start3A_222 = tpu.memref_slice %arg8[%run_scoped3A_15, %dma_start3A_220, %dma_start3A_221] : memref<4x80x128xf32, #tpu.memory_space<vmem>> -> memref<1x80x128xf32, #tpu.memory_space<vmem>>
      %dma_start3A_223 = tpu.memref_squeeze %dma_start3A_222 : memref<1x80x128xf32, #tpu.memory_space<vmem>> -> memref<80x128xf32, #tpu.memory_space<vmem>>
      tpu.enqueue_dma source(%dma_start3A_223 : memref<80x128xf32, #tpu.memory_space<vmem>>) target(%dma_start3A_219 : memref<80x128xf32, #tpu.memory_space<vmem_shared>>) target_semaphore(%run_scoped3A_211 : memref<!tpu.dma_semaphore, #tpu.memory_space<semaphore_mem>>)
      %dma_wait3A_224 = arith.constant 0 : i32
      %dma_wait3A_225 = arith.constant 0 : i32
      %dma_wait3A_226 = tpu.memref_slice %arg8[%run_scoped3A_15, %dma_wait3A_224, %dma_wait3A_225] : memref<4x80x128xf32, #tpu.memory_space<vmem>> -> memref<1x80x128xf32, #tpu.memory_space<vmem>>
      %dma_wait3A_227 = tpu.memref_squeeze %dma_wait3A_226 : memref<1x80x128xf32, #tpu.memory_space<vmem>> -> memref<80x128xf32, #tpu.memory_space<vmem>>
      %dma_wait3A_228 = arith.constant 0 : i32
      %dma_wait3A_229 = tpu.memref_slice %arg9[%add3A_14, %dma_wait3A_228] : memref<10240x128xf32, #tpu.memory_space<vmem_shared>> -> memref<80x128xf32, #tpu.memory_space<vmem_shared>>
      %dma_wait3A_230 = arith.constant 0 : i32
      %dma_wait3A_231 = tpu.memref_slice %arg9[%add3A_14, %dma_wait3A_230] : memref<10240x128xf32, #tpu.memory_space<vmem_shared>> -> memref<80x128xf32, #tpu.memory_space<vmem_shared>>
      %dma_wait3A_232 = arith.constant 0 : i32
      %dma_wait3A_233 = arith.constant 0 : i32
      %dma_wait3A_234 = tpu.memref_slice %arg8[%run_scoped3A_15, %dma_wait3A_232, %dma_wait3A_233] : memref<4x80x128xf32, #tpu.memory_space<vmem>> -> memref<1x80x128xf32, #tpu.memory_space<vmem>>
      %dma_wait3A_235 = tpu.memref_squeeze %dma_wait3A_234 : memref<1x80x128xf32, #tpu.memory_space<vmem>> -> memref<80x128xf32, #tpu.memory_space<vmem>>
      tpu.wait_dma2 semaphore(%run_scoped3A_211 : memref<!tpu.dma_semaphore, #tpu.memory_space<semaphore_mem>>) src(%dma_wait3A_235 : memref<80x128xf32, #tpu.memory_space<vmem>>) dst(%dma_wait3A_231 : memref<80x128xf32, #tpu.memory_space<vmem_shared>>)
      tpu.yield
    }) : () -> ()
    %mul3A_16 = arith.constant 640 : i32
    %mul3A_17 = arith.muli %arg1, %mul3A_16 : i32
    %add3A_18 = arith.constant 160 : i32
    %add3A_19 = arith.addi %mul3A_17, %add3A_18 : i32
    %run_scoped3A_20 = arith.constant 0 : i32
    "tpu.region"() ({
      %run_scoped3A_211 = tpu.sem_alloc : memref<!tpu.dma_semaphore, #tpu.memory_space<semaphore_mem>>
      %dma_start3A_212 = arith.constant 0 : i32
      %dma_start3A_213 = arith.constant 0 : i32
      %dma_start3A_214 = tpu.memref_slice %arg8[%run_scoped3A_20, %dma_start3A_212, %dma_start3A_213] : memref<4x80x128xf32, #tpu.memory_space<vmem>> -> memref<1x80x128xf32, #tpu.memory_space<vmem>>
      %dma_start3A_215 = tpu.memref_squeeze %dma_start3A_214 : memref<1x80x128xf32, #tpu.memory_space<vmem>> -> memref<80x128xf32, #tpu.memory_space<vmem>>
      %dma_start3A_216 = arith.constant 0 : i32
      %dma_start3A_217 = tpu.memref_slice %arg9[%add3A_19, %dma_start3A_216] : memref<10240x128xf32, #tpu.memory_space<vmem_shared>> -> memref<80x128xf32, #tpu.memory_space<vmem_shared>>
      %dma_start3A_218 = arith.constant 0 : i32
      %dma_start3A_219 = tpu.memref_slice %arg9[%add3A_19, %dma_start3A_218] : memref<10240x128xf32, #tpu.memory_space<vmem_shared>> -> memref<80x128xf32, #tpu.memory_space<vmem_shared>>
      %dma_start3A_220 = arith.constant 0 : i32
      %dma_start3A_221 = arith.constant 0 : i32
      %dma_start3A_222 = tpu.memref_slice %arg8[%run_scoped3A_20, %dma_start3A_220, %dma_start3A_221] : memref<4x80x128xf32, #tpu.memory_space<vmem>> -> memref<1x80x128xf32, #tpu.memory_space<vmem>>
      %dma_start3A_223 = tpu.memref_squeeze %dma_start3A_222 : memref<1x80x128xf32, #tpu.memory_space<vmem>> -> memref<80x128xf32, #tpu.memory_space<vmem>>
      tpu.enqueue_dma source(%dma_start3A_223 : memref<80x128xf32, #tpu.memory_space<vmem>>) target(%dma_start3A_219 : memref<80x128xf32, #tpu.memory_space<vmem_shared>>) target_semaphore(%run_scoped3A_211 : memref<!tpu.dma_semaphore, #tpu.memory_space<semaphore_mem>>)
      %dma_wait3A_224 = arith.constant 0 : i32
      %dma_wait3A_225 = arith.constant 0 : i32
      %dma_wait3A_226 = tpu.memref_slice %arg8[%run_scoped3A_20, %dma_wait3A_224, %dma_wait3A_225] : memref<4x80x128xf32, #tpu.memory_space<vmem>> -> memref<1x80x128xf32, #tpu.memory_space<vmem>>
      %dma_wait3A_227 = tpu.memref_squeeze %dma_wait3A_226 : memref<1x80x128xf32, #tpu.memory_space<vmem>> -> memref<80x128xf32, #tpu.memory_space<vmem>>
      %dma_wait3A_228 = arith.constant 0 : i32
      %dma_wait3A_229 = tpu.memref_slice %arg9[%add3A_19, %dma_wait3A_228] : memref<10240x128xf32, #tpu.memory_space<vmem_shared>> -> memref<80x128xf32, #tpu.memory_space<vmem_shared>>
      %dma_wait3A_230 = arith.constant 0 : i32
      %dma_wait3A_231 = tpu.memref_slice %arg9[%add3A_19, %dma_wait3A_230] : memref<10240x128xf32, #tpu.memory_space<vmem_shared>> -> memref<80x128xf32, #tpu.memory_space<vmem_shared>>
      %dma_wait3A_232 = arith.constant 0 : i32
      %dma_wait3A_233 = arith.constant 0 : i32
      %dma_wait3A_234 = tpu.memref_slice %arg8[%run_scoped3A_20, %dma_wait3A_232, %dma_wait3A_233] : memref<4x80x128xf32, #tpu.memory_space<vmem>> -> memref<1x80x128xf32, #tpu.memory_space<vmem>>
      %dma_wait3A_235 = tpu.memref_squeeze %dma_wait3A_234 : memref<1x80x128xf32, #tpu.memory_space<vmem>> -> memref<80x128xf32, #tpu.memory_space<vmem>>
      tpu.wait_dma2 semaphore(%run_scoped3A_211 : memref<!tpu.dma_semaphore, #tpu.memory_space<semaphore_mem>>) src(%dma_wait3A_235 : memref<80x128xf32, #tpu.memory_space<vmem>>) dst(%dma_wait3A_231 : memref<80x128xf32, #tpu.memory_space<vmem_shared>>)
      tpu.yield
    }) : () -> ()
    %mul3A_21 = arith.constant 640 : i32
    %mul3A_22 = arith.muli %arg1, %mul3A_21 : i32
    %add3A_23 = arith.constant 240 : i32
    %add3A_24 = arith.addi %mul3A_22, %add3A_23 : i32
    %run_scoped3A_25 = arith.constant 0 : i32
    "tpu.region"() ({
      %run_scoped3A_211 = tpu.sem_alloc : memref<!tpu.dma_semaphore, #tpu.memory_space<semaphore_mem>>
      %dma_start3A_212 = arith.constant 0 : i32
      %dma_start3A_213 = arith.constant 0 : i32
      %dma_start3A_214 = tpu.memref_slice %arg8[%run_scoped3A_25, %dma_start3A_212, %dma_start3A_213] : memref<4x80x128xf32, #tpu.memory_space<vmem>> -> memref<1x80x128xf32, #tpu.memory_space<vmem>>
      %dma_start3A_215 = tpu.memref_squeeze %dma_start3A_214 : memref<1x80x128xf32, #tpu.memory_space<vmem>> -> memref<80x128xf32, #tpu.memory_space<vmem>>
      %dma_start3A_216 = arith.constant 0 : i32
      %dma_start3A_217 = tpu.memref_slice %arg9[%add3A_24, %dma_start3A_216] : memref<10240x128xf32, #tpu.memory_space<vmem_shared>> -> memref<80x128xf32, #tpu.memory_space<vmem_shared>>
      %dma_start3A_218 = arith.constant 0 : i32
      %dma_start3A_219 = tpu.memref_slice %arg9[%add3A_24, %dma_start3A_218] : memref<10240x128xf32, #tpu.memory_space<vmem_shared>> -> memref<80x128xf32, #tpu.memory_space<vmem_shared>>
      %dma_start3A_220 = arith.constant 0 : i32
      %dma_start3A_221 = arith.constant 0 : i32
      %dma_start3A_222 = tpu.memref_slice %arg8[%run_scoped3A_25, %dma_start3A_220, %dma_start3A_221] : memref<4x80x128xf32, #tpu.memory_space<vmem>> -> memref<1x80x128xf32, #tpu.memory_space<vmem>>
      %dma_start3A_223 = tpu.memref_squeeze %dma_start3A_222 : memref<1x80x128xf32, #tpu.memory_space<vmem>> -> memref<80x128xf32, #tpu.memory_space<vmem>>
      tpu.enqueue_dma source(%dma_start3A_223 : memref<80x128xf32, #tpu.memory_space<vmem>>) target(%dma_start3A_219 : memref<80x128xf32, #tpu.memory_space<vmem_shared>>) target_semaphore(%run_scoped3A_211 : memref<!tpu.dma_semaphore, #tpu.memory_space<semaphore_mem>>)
      %dma_wait3A_224 = arith.constant 0 : i32
      %dma_wait3A_225 = arith.constant 0 : i32
      %dma_wait3A_226 = tpu.memref_slice %arg8[%run_scoped3A_25, %dma_wait3A_224, %dma_wait3A_225] : memref<4x80x128xf32, #tpu.memory_space<vmem>> -> memref<1x80x128xf32, #tpu.memory_space<vmem>>
      %dma_wait3A_227 = tpu.memref_squeeze %dma_wait3A_226 : memref<1x80x128xf32, #tpu.memory_space<vmem>> -> memref<80x128xf32, #tpu.memory_space<vmem>>
      %dma_wait3A_228 = arith.constant 0 : i32
      %dma_wait3A_229 = tpu.memref_slice %arg9[%add3A_24, %dma_wait3A_228] : memref<10240x128xf32, #tpu.memory_space<vmem_shared>> -> memref<80x128xf32, #tpu.memory_space<vmem_shared>>
      %dma_wait3A_230 = arith.constant 0 : i32
      %dma_wait3A_231 = tpu.memref_slice %arg9[%add3A_24, %dma_wait3A_230] : memref<10240x128xf32, #tpu.memory_space<vmem_shared>> -> memref<80x128xf32, #tpu.memory_space<vmem_shared>>
      %dma_wait3A_232 = arith.constant 0 : i32
      %dma_wait3A_233 = arith.constant 0 : i32
      %dma_wait3A_234 = tpu.memref_slice %arg8[%run_scoped3A_25, %dma_wait3A_232, %dma_wait3A_233] : memref<4x80x128xf32, #tpu.memory_space<vmem>> -> memref<1x80x128xf32, #tpu.memory_space<vmem>>
      %dma_wait3A_235 = tpu.memref_squeeze %dma_wait3A_234 : memref<1x80x128xf32, #tpu.memory_space<vmem>> -> memref<80x128xf32, #tpu.memory_space<vmem>>
      tpu.wait_dma2 semaphore(%run_scoped3A_211 : memref<!tpu.dma_semaphore, #tpu.memory_space<semaphore_mem>>) src(%dma_wait3A_235 : memref<80x128xf32, #tpu.memory_space<vmem>>) dst(%dma_wait3A_231 : memref<80x128xf32, #tpu.memory_space<vmem_shared>>)
      tpu.yield
    }) : () -> ()
    %mul3A_26 = arith.constant 640 : i32
    %mul3A_27 = arith.muli %arg1, %mul3A_26 : i32
    %add3A_28 = arith.constant 320 : i32
    %add3A_29 = arith.addi %mul3A_27, %add3A_28 : i32
    %run_scoped3A_30 = arith.constant 0 : i32
    "tpu.region"() ({
      %run_scoped3A_211 = tpu.sem_alloc : memref<!tpu.dma_semaphore, #tpu.memory_space<semaphore_mem>>
      %dma_start3A_212 = arith.constant 0 : i32
      %dma_start3A_213 = arith.constant 0 : i32
      %dma_start3A_214 = tpu.memref_slice %arg8[%run_scoped3A_30, %dma_start3A_212, %dma_start3A_213] : memref<4x80x128xf32, #tpu.memory_space<vmem>> -> memref<1x80x128xf32, #tpu.memory_space<vmem>>
      %dma_start3A_215 = tpu.memref_squeeze %dma_start3A_214 : memref<1x80x128xf32, #tpu.memory_space<vmem>> -> memref<80x128xf32, #tpu.memory_space<vmem>>
      %dma_start3A_216 = arith.constant 0 : i32
      %dma_start3A_217 = tpu.memref_slice %arg9[%add3A_29, %dma_start3A_216] : memref<10240x128xf32, #tpu.memory_space<vmem_shared>> -> memref<80x128xf32, #tpu.memory_space<vmem_shared>>
      %dma_start3A_218 = arith.constant 0 : i32
      %dma_start3A_219 = tpu.memref_slice %arg9[%add3A_29, %dma_start3A_218] : memref<10240x128xf32, #tpu.memory_space<vmem_shared>> -> memref<80x128xf32, #tpu.memory_space<vmem_shared>>
      %dma_start3A_220 = arith.constant 0 : i32
      %dma_start3A_221 = arith.constant 0 : i32
      %dma_start3A_222 = tpu.memref_slice %arg8[%run_scoped3A_30, %dma_start3A_220, %dma_start3A_221] : memref<4x80x128xf32, #tpu.memory_space<vmem>> -> memref<1x80x128xf32, #tpu.memory_space<vmem>>
      %dma_start3A_223 = tpu.memref_squeeze %dma_start3A_222 : memref<1x80x128xf32, #tpu.memory_space<vmem>> -> memref<80x128xf32, #tpu.memory_space<vmem>>
      tpu.enqueue_dma source(%dma_start3A_223 : memref<80x128xf32, #tpu.memory_space<vmem>>) target(%dma_start3A_219 : memref<80x128xf32, #tpu.memory_space<vmem_shared>>) target_semaphore(%run_scoped3A_211 : memref<!tpu.dma_semaphore, #tpu.memory_space<semaphore_mem>>)
      %dma_wait3A_224 = arith.constant 0 : i32
      %dma_wait3A_225 = arith.constant 0 : i32
      %dma_wait3A_226 = tpu.memref_slice %arg8[%run_scoped3A_30, %dma_wait3A_224, %dma_wait3A_225] : memref<4x80x128xf32, #tpu.memory_space<vmem>> -> memref<1x80x128xf32, #tpu.memory_space<vmem>>
      %dma_wait3A_227 = tpu.memref_squeeze %dma_wait3A_226 : memref<1x80x128xf32, #tpu.memory_space<vmem>> -> memref<80x128xf32, #tpu.memory_space<vmem>>
      %dma_wait3A_228 = arith.constant 0 : i32
      %dma_wait3A_229 = tpu.memref_slice %arg9[%add3A_29, %dma_wait3A_228] : memref<10240x128xf32, #tpu.memory_space<vmem_shared>> -> memref<80x128xf32, #tpu.memory_space<vmem_shared>>
      %dma_wait3A_230 = arith.constant 0 : i32
      %dma_wait3A_231 = tpu.memref_slice %arg9[%add3A_29, %dma_wait3A_230] : memref<10240x128xf32, #tpu.memory_space<vmem_shared>> -> memref<80x128xf32, #tpu.memory_space<vmem_shared>>
      %dma_wait3A_232 = arith.constant 0 : i32
      %dma_wait3A_233 = arith.constant 0 : i32
      %dma_wait3A_234 = tpu.memref_slice %arg8[%run_scoped3A_30, %dma_wait3A_232, %dma_wait3A_233] : memref<4x80x128xf32, #tpu.memory_space<vmem>> -> memref<1x80x128xf32, #tpu.memory_space<vmem>>
      %dma_wait3A_235 = tpu.memref_squeeze %dma_wait3A_234 : memref<1x80x128xf32, #tpu.memory_space<vmem>> -> memref<80x128xf32, #tpu.memory_space<vmem>>
      tpu.wait_dma2 semaphore(%run_scoped3A_211 : memref<!tpu.dma_semaphore, #tpu.memory_space<semaphore_mem>>) src(%dma_wait3A_235 : memref<80x128xf32, #tpu.memory_space<vmem>>) dst(%dma_wait3A_231 : memref<80x128xf32, #tpu.memory_space<vmem_shared>>)
      tpu.yield
    }) : () -> ()
    %mul3A_31 = arith.constant 640 : i32
    %mul3A_32 = arith.muli %arg1, %mul3A_31 : i32
    %add3A_33 = arith.constant 400 : i32
    %add3A_34 = arith.addi %mul3A_32, %add3A_33 : i32
    %run_scoped3A_35 = arith.constant 0 : i32
    "tpu.region"() ({
      %run_scoped3A_211 = tpu.sem_alloc : memref<!tpu.dma_semaphore, #tpu.memory_space<semaphore_mem>>
      %dma_start3A_212 = arith.constant 0 : i32
      %dma_start3A_213 = arith.constant 0 : i32
      %dma_start3A_214 = tpu.memref_slice %arg8[%run_scoped3A_35, %dma_start3A_212, %dma_start3A_213] : memref<4x80x128xf32, #tpu.memory_space<vmem>> -> memref<1x80x128xf32, #tpu.memory_space<vmem>>
      %dma_start3A_215 = tpu.memref_squeeze %dma_start3A_214 : memref<1x80x128xf32, #tpu.memory_space<vmem>> -> memref<80x128xf32, #tpu.memory_space<vmem>>
      %dma_start3A_216 = arith.constant 0 : i32
      %dma_start3A_217 = tpu.memref_slice %arg9[%add3A_34, %dma_start3A_216] : memref<10240x128xf32, #tpu.memory_space<vmem_shared>> -> memref<80x128xf32, #tpu.memory_space<vmem_shared>>
      %dma_start3A_218 = arith.constant 0 : i32
      %dma_start3A_219 = tpu.memref_slice %arg9[%add3A_34, %dma_start3A_218] : memref<10240x128xf32, #tpu.memory_space<vmem_shared>> -> memref<80x128xf32, #tpu.memory_space<vmem_shared>>
      %dma_start3A_220 = arith.constant 0 : i32
      %dma_start3A_221 = arith.constant 0 : i32
      %dma_start3A_222 = tpu.memref_slice %arg8[%run_scoped3A_35, %dma_start3A_220, %dma_start3A_221] : memref<4x80x128xf32, #tpu.memory_space<vmem>> -> memref<1x80x128xf32, #tpu.memory_space<vmem>>
      %dma_start3A_223 = tpu.memref_squeeze %dma_start3A_222 : memref<1x80x128xf32, #tpu.memory_space<vmem>> -> memref<80x128xf32, #tpu.memory_space<vmem>>
      tpu.enqueue_dma source(%dma_start3A_223 : memref<80x128xf32, #tpu.memory_space<vmem>>) target(%dma_start3A_219 : memref<80x128xf32, #tpu.memory_space<vmem_shared>>) target_semaphore(%run_scoped3A_211 : memref<!tpu.dma_semaphore, #tpu.memory_space<semaphore_mem>>)
      %dma_wait3A_224 = arith.constant 0 : i32
      %dma_wait3A_225 = arith.constant 0 : i32
      %dma_wait3A_226 = tpu.memref_slice %arg8[%run_scoped3A_35, %dma_wait3A_224, %dma_wait3A_225] : memref<4x80x128xf32, #tpu.memory_space<vmem>> -> memref<1x80x128xf32, #tpu.memory_space<vmem>>
      %dma_wait3A_227 = tpu.memref_squeeze %dma_wait3A_226 : memref<1x80x128xf32, #tpu.memory_space<vmem>> -> memref<80x128xf32, #tpu.memory_space<vmem>>
      %dma_wait3A_228 = arith.constant 0 : i32
      %dma_wait3A_229 = tpu.memref_slice %arg9[%add3A_34, %dma_wait3A_228] : memref<10240x128xf32, #tpu.memory_space<vmem_shared>> -> memref<80x128xf32, #tpu.memory_space<vmem_shared>>
      %dma_wait3A_230 = arith.constant 0 : i32
      %dma_wait3A_231 = tpu.memref_slice %arg9[%add3A_34, %dma_wait3A_230] : memref<10240x128xf32, #tpu.memory_space<vmem_shared>> -> memref<80x128xf32, #tpu.memory_space<vmem_shared>>
      %dma_wait3A_232 = arith.constant 0 : i32
      %dma_wait3A_233 = arith.constant 0 : i32
      %dma_wait3A_234 = tpu.memref_slice %arg8[%run_scoped3A_35, %dma_wait3A_232, %dma_wait3A_233] : memref<4x80x128xf32, #tpu.memory_space<vmem>> -> memref<1x80x128xf32, #tpu.memory_space<vmem>>
      %dma_wait3A_235 = tpu.memref_squeeze %dma_wait3A_234 : memref<1x80x128xf32, #tpu.memory_space<vmem>> -> memref<80x128xf32, #tpu.memory_space<vmem>>
      tpu.wait_dma2 semaphore(%run_scoped3A_211 : memref<!tpu.dma_semaphore, #tpu.memory_space<semaphore_mem>>) src(%dma_wait3A_235 : memref<80x128xf32, #tpu.memory_space<vmem>>) dst(%dma_wait3A_231 : memref<80x128xf32, #tpu.memory_space<vmem_shared>>)
      tpu.yield
    }) : () -> ()
    %mul3A_36 = arith.constant 640 : i32
    %mul3A_37 = arith.muli %arg1, %mul3A_36 : i32
    %add3A_38 = arith.constant 480 : i32
    %add3A_39 = arith.addi %mul3A_37, %add3A_38 : i32
    %run_scoped3A_40 = arith.constant 0 : i32
    "tpu.region"() ({
      %run_scoped3A_211 = tpu.sem_alloc : memref<!tpu.dma_semaphore, #tpu.memory_space<semaphore_mem>>
      %dma_start3A_212 = arith.constant 0 : i32
      %dma_start3A_213 = arith.constant 0 : i32
      %dma_start3A_214 = tpu.memref_slice %arg8[%run_scoped3A_40, %dma_start3A_212, %dma_start3A_213] : memref<4x80x128xf32, #tpu.memory_space<vmem>> -> memref<1x80x128xf32, #tpu.memory_space<vmem>>
      %dma_start3A_215 = tpu.memref_squeeze %dma_start3A_214 : memref<1x80x128xf32, #tpu.memory_space<vmem>> -> memref<80x128xf32, #tpu.memory_space<vmem>>
      %dma_start3A_216 = arith.constant 0 : i32
      %dma_start3A_217 = tpu.memref_slice %arg9[%add3A_39, %dma_start3A_216] : memref<10240x128xf32, #tpu.memory_space<vmem_shared>> -> memref<80x128xf32, #tpu.memory_space<vmem_shared>>
      %dma_start3A_218 = arith.constant 0 : i32
      %dma_start3A_219 = tpu.memref_slice %arg9[%add3A_39, %dma_start3A_218] : memref<10240x128xf32, #tpu.memory_space<vmem_shared>> -> memref<80x128xf32, #tpu.memory_space<vmem_shared>>
      %dma_start3A_220 = arith.constant 0 : i32
      %dma_start3A_221 = arith.constant 0 : i32
      %dma_start3A_222 = tpu.memref_slice %arg8[%run_scoped3A_40, %dma_start3A_220, %dma_start3A_221] : memref<4x80x128xf32, #tpu.memory_space<vmem>> -> memref<1x80x128xf32, #tpu.memory_space<vmem>>
      %dma_start3A_223 = tpu.memref_squeeze %dma_start3A_222 : memref<1x80x128xf32, #tpu.memory_space<vmem>> -> memref<80x128xf32, #tpu.memory_space<vmem>>
      tpu.enqueue_dma source(%dma_start3A_223 : memref<80x128xf32, #tpu.memory_space<vmem>>) target(%dma_start3A_219 : memref<80x128xf32, #tpu.memory_space<vmem_shared>>) target_semaphore(%run_scoped3A_211 : memref<!tpu.dma_semaphore, #tpu.memory_space<semaphore_mem>>)
      %dma_wait3A_224 = arith.constant 0 : i32
      %dma_wait3A_225 = arith.constant 0 : i32
      %dma_wait3A_226 = tpu.memref_slice %arg8[%run_scoped3A_40, %dma_wait3A_224, %dma_wait3A_225] : memref<4x80x128xf32, #tpu.memory_space<vmem>> -> memref<1x80x128xf32, #tpu.memory_space<vmem>>
      %dma_wait3A_227 = tpu.memref_squeeze %dma_wait3A_226 : memref<1x80x128xf32, #tpu.memory_space<vmem>> -> memref<80x128xf32, #tpu.memory_space<vmem>>
      %dma_wait3A_228 = arith.constant 0 : i32
      %dma_wait3A_229 = tpu.memref_slice %arg9[%add3A_39, %dma_wait3A_228] : memref<10240x128xf32, #tpu.memory_space<vmem_shared>> -> memref<80x128xf32, #tpu.memory_space<vmem_shared>>
      %dma_wait3A_230 = arith.constant 0 : i32
      %dma_wait3A_231 = tpu.memref_slice %arg9[%add3A_39, %dma_wait3A_230] : memref<10240x128xf32, #tpu.memory_space<vmem_shared>> -> memref<80x128xf32, #tpu.memory_space<vmem_shared>>
      %dma_wait3A_232 = arith.constant 0 : i32
      %dma_wait3A_233 = arith.constant 0 : i32
      %dma_wait3A_234 = tpu.memref_slice %arg8[%run_scoped3A_40, %dma_wait3A_232, %dma_wait3A_233] : memref<4x80x128xf32, #tpu.memory_space<vmem>> -> memref<1x80x128xf32, #tpu.memory_space<vmem>>
      %dma_wait3A_235 = tpu.memref_squeeze %dma_wait3A_234 : memref<1x80x128xf32, #tpu.memory_space<vmem>> -> memref<80x128xf32, #tpu.memory_space<vmem>>
      tpu.wait_dma2 semaphore(%run_scoped3A_211 : memref<!tpu.dma_semaphore, #tpu.memory_space<semaphore_mem>>) src(%dma_wait3A_235 : memref<80x128xf32, #tpu.memory_space<vmem>>) dst(%dma_wait3A_231 : memref<80x128xf32, #tpu.memory_space<vmem_shared>>)
      tpu.yield
    }) : () -> ()
    %mul3A_41 = arith.constant 640 : i32
    %mul3A_42 = arith.muli %arg1, %mul3A_41 : i32
    %add3A_43 = arith.constant 560 : i32
    %add3A_44 = arith.addi %mul3A_42, %add3A_43 : i32
    %run_scoped3A_45 = arith.constant 0 : i32
    "tpu.region"() ({
      %run_scoped3A_211 = tpu.sem_alloc : memref<!tpu.dma_semaphore, #tpu.memory_space<semaphore_mem>>
      %dma_start3A_212 = arith.constant 0 : i32
      %dma_start3A_213 = arith.constant 0 : i32
      %dma_start3A_214 = tpu.memref_slice %arg8[%run_scoped3A_45, %dma_start3A_212, %dma_start3A_213] : memref<4x80x128xf32, #tpu.memory_space<vmem>> -> memref<1x80x128xf32, #tpu.memory_space<vmem>>
      %dma_start3A_215 = tpu.memref_squeeze %dma_start3A_214 : memref<1x80x128xf32, #tpu.memory_space<vmem>> -> memref<80x128xf32, #tpu.memory_space<vmem>>
      %dma_start3A_216 = arith.constant 0 : i32
      %dma_start3A_217 = tpu.memref_slice %arg9[%add3A_44, %dma_start3A_216] : memref<10240x128xf32, #tpu.memory_space<vmem_shared>> -> memref<80x128xf32, #tpu.memory_space<vmem_shared>>
      %dma_start3A_218 = arith.constant 0 : i32
      %dma_start3A_219 = tpu.memref_slice %arg9[%add3A_44, %dma_start3A_218] : memref<10240x128xf32, #tpu.memory_space<vmem_shared>> -> memref<80x128xf32, #tpu.memory_space<vmem_shared>>
      %dma_start3A_220 = arith.constant 0 : i32
      %dma_start3A_221 = arith.constant 0 : i32
      %dma_start3A_222 = tpu.memref_slice %arg8[%run_scoped3A_45, %dma_start3A_220, %dma_start3A_221] : memref<4x80x128xf32, #tpu.memory_space<vmem>> -> memref<1x80x128xf32, #tpu.memory_space<vmem>>
      %dma_start3A_223 = tpu.memref_squeeze %dma_start3A_222 : memref<1x80x128xf32, #tpu.memory_space<vmem>> -> memref<80x128xf32, #tpu.memory_space<vmem>>
      tpu.enqueue_dma source(%dma_start3A_223 : memref<80x128xf32, #tpu.memory_space<vmem>>) target(%dma_start3A_219 : memref<80x128xf32, #tpu.memory_space<vmem_shared>>) target_semaphore(%run_scoped3A_211 : memref<!tpu.dma_semaphore, #tpu.memory_space<semaphore_mem>>)
      %dma_wait3A_224 = arith.constant 0 : i32
      %dma_wait3A_225 = arith.constant 0 : i32
      %dma_wait3A_226 = tpu.memref_slice %arg8[%run_scoped3A_45, %dma_wait3A_224, %dma_wait3A_225] : memref<4x80x128xf32, #tpu.memory_space<vmem>> -> memref<1x80x128xf32, #tpu.memory_space<vmem>>
      %dma_wait3A_227 = tpu.memref_squeeze %dma_wait3A_226 : memref<1x80x128xf32, #tpu.memory_space<vmem>> -> memref<80x128xf32, #tpu.memory_space<vmem>>
      %dma_wait3A_228 = arith.constant 0 : i32
      %dma_wait3A_229 = tpu.memref_slice %arg9[%add3A_44, %dma_wait3A_228] : memref<10240x128xf32, #tpu.memory_space<vmem_shared>> -> memref<80x128xf32, #tpu.memory_space<vmem_shared>>
      %dma_wait3A_230 = arith.constant 0 : i32
      %dma_wait3A_231 = tpu.memref_slice %arg9[%add3A_44, %dma_wait3A_230] : memref<10240x128xf32, #tpu.memory_space<vmem_shared>> -> memref<80x128xf32, #tpu.memory_space<vmem_shared>>
      %dma_wait3A_232 = arith.constant 0 : i32
      %dma_wait3A_233 = arith.constant 0 : i32
      %dma_wait3A_234 = tpu.memref_slice %arg8[%run_scoped3A_45, %dma_wait3A_232, %dma_wait3A_233] : memref<4x80x128xf32, #tpu.memory_space<vmem>> -> memref<1x80x128xf32, #tpu.memory_space<vmem>>
      %dma_wait3A_235 = tpu.memref_squeeze %dma_wait3A_234 : memref<1x80x128xf32, #tpu.memory_space<vmem>> -> memref<80x128xf32, #tpu.memory_space<vmem>>
      tpu.wait_dma2 semaphore(%run_scoped3A_211 : memref<!tpu.dma_semaphore, #tpu.memory_space<semaphore_mem>>) src(%dma_wait3A_235 : memref<80x128xf32, #tpu.memory_space<vmem>>) dst(%dma_wait3A_231 : memref<80x128xf32, #tpu.memory_space<vmem_shared>>)
      tpu.yield
    }) : () -> ()
    %barrier3A = arith.constant 0 : index
    tpu.barrier barrier_id(%barrier3A)
    %dma_start3A = arith.constant 0 : i32
    %dma_start3A_46 = arith.constant 0 : i32
    %dma_start3A_47 = arith.constant 0 : i32
    %dma_start3A_48 = tpu.memref_slice %arg6[%dma_start3A_46, %dma_start3A_47] : memref<4x80xi32, #tpu.memory_space<vmem>> -> memref<1x80xi32, #tpu.memory_space<vmem>>
    %dma_start3A_49 = tpu.memref_squeeze %dma_start3A_48 : memref<1x80xi32, #tpu.memory_space<vmem>> -> memref<80xi32, #tpu.memory_space<vmem>>
    %dma_start3A_50 = arith.constant 0 : i32
    %dma_start3A_51 = tpu.memref_slice %arg3[%add3A, %dma_start3A, %dma_start3A_50] : memref<32x125x80xi32, #tpu.memory_space<hbm>> -> memref<1x1x80xi32, #tpu.memory_space<hbm>>
    %dma_start3A_52 = tpu.memref_squeeze %dma_start3A_51 : memref<1x1x80xi32, #tpu.memory_space<hbm>> -> memref<80xi32, #tpu.memory_space<hbm>>
    %dma_start3A_53 = arith.constant 0 : i32
    %dma_start3A_54 = tpu.memref_slice %arg6[%dma_start3A_46, %dma_start3A_53] : memref<4x80xi32, #tpu.memory_space<vmem>> -> memref<1x80xi32, #tpu.memory_space<vmem>>
    %dma_start3A_55 = tpu.memref_squeeze %dma_start3A_54 : memref<1x80xi32, #tpu.memory_space<vmem>> -> memref<80xi32, #tpu.memory_space<vmem>>
    %dma_start3A_56 = arith.constant 0 : i32
    %dma_start3A_57 = tpu.memref_slice %arg3[%add3A, %dma_start3A, %dma_start3A_56] : memref<32x125x80xi32, #tpu.memory_space<hbm>> -> memref<1x1x80xi32, #tpu.memory_space<hbm>>
    %dma_start3A_58 = tpu.memref_squeeze %dma_start3A_57 : memref<1x1x80xi32, #tpu.memory_space<hbm>> -> memref<80xi32, #tpu.memory_space<hbm>>
    tpu.enqueue_dma source(%dma_start3A_58 : memref<80xi32, #tpu.memory_space<hbm>>) target(%dma_start3A_55 : memref<80xi32, #tpu.memory_space<vmem>>) target_semaphore(%arg10 : memref<!tpu.dma_semaphore, #tpu.memory_space<semaphore_mem>>)
    %dma_start3A_59 = arith.constant 0 : i32
    %dma_start3A_60 = arith.constant 0 : i32
    %dma_start3A_61 = arith.constant 0 : i32
    %dma_start3A_62 = tpu.memref_slice %arg7[%dma_start3A_60, %dma_start3A_61] : memref<4x80xi32, #tpu.memory_space<vmem>> -> memref<1x80xi32, #tpu.memory_space<vmem>>
    %dma_start3A_63 = tpu.memref_squeeze %dma_start3A_62 : memref<1x80xi32, #tpu.memory_space<vmem>> -> memref<80xi32, #tpu.memory_space<vmem>>
    %dma_start3A_64 = arith.constant 0 : i32
    %dma_start3A_65 = tpu.memref_slice %arg4[%add3A, %dma_start3A_59, %dma_start3A_64] : memref<32x125x80xi32, #tpu.memory_space<hbm>> -> memref<1x1x80xi32, #tpu.memory_space<hbm>>
    %dma_start3A_66 = tpu.memref_squeeze %dma_start3A_65 : memref<1x1x80xi32, #tpu.memory_space<hbm>> -> memref<80xi32, #tpu.memory_space<hbm>>
    %dma_start3A_67 = arith.constant 0 : i32
    %dma_start3A_68 = tpu.memref_slice %arg7[%dma_start3A_60, %dma_start3A_67] : memref<4x80xi32, #tpu.memory_space<vmem>> -> memref<1x80xi32, #tpu.memory_space<vmem>>
    %dma_start3A_69 = tpu.memref_squeeze %dma_start3A_68 : memref<1x80xi32, #tpu.memory_space<vmem>> -> memref<80xi32, #tpu.memory_space<vmem>>
    %dma_start3A_70 = arith.constant 0 : i32
    %dma_start3A_71 = tpu.memref_slice %arg4[%add3A, %dma_start3A_59, %dma_start3A_70] : memref<32x125x80xi32, #tpu.memory_space<hbm>> -> memref<1x1x80xi32, #tpu.memory_space<hbm>>
    %dma_start3A_72 = tpu.memref_squeeze %dma_start3A_71 : memref<1x1x80xi32, #tpu.memory_space<hbm>> -> memref<80xi32, #tpu.memory_space<hbm>>
    tpu.enqueue_dma source(%dma_start3A_72 : memref<80xi32, #tpu.memory_space<hbm>>) target(%dma_start3A_69 : memref<80xi32, #tpu.memory_space<vmem>>) target_semaphore(%arg10 : memref<!tpu.dma_semaphore, #tpu.memory_space<semaphore_mem>>)
    %dma_start3A_73 = arith.constant 1 : i32
    %dma_start3A_74 = arith.constant 1 : i32
    %dma_start3A_75 = arith.constant 0 : i32
    %dma_start3A_76 = tpu.memref_slice %arg6[%dma_start3A_74, %dma_start3A_75] : memref<4x80xi32, #tpu.memory_space<vmem>> -> memref<1x80xi32, #tpu.memory_space<vmem>>
    %dma_start3A_77 = tpu.memref_squeeze %dma_start3A_76 : memref<1x80xi32, #tpu.memory_space<vmem>> -> memref<80xi32, #tpu.memory_space<vmem>>
    %dma_start3A_78 = arith.constant 0 : i32
    %dma_start3A_79 = tpu.memref_slice %arg3[%add3A, %dma_start3A_73, %dma_start3A_78] : memref<32x125x80xi32, #tpu.memory_space<hbm>> -> memref<1x1x80xi32, #tpu.memory_space<hbm>>
    %dma_start3A_80 = tpu.memref_squeeze %dma_start3A_79 : memref<1x1x80xi32, #tpu.memory_space<hbm>> -> memref<80xi32, #tpu.memory_space<hbm>>
    %dma_start3A_81 = arith.constant 0 : i32
    %dma_start3A_82 = tpu.memref_slice %arg6[%dma_start3A_74, %dma_start3A_81] : memref<4x80xi32, #tpu.memory_space<vmem>> -> memref<1x80xi32, #tpu.memory_space<vmem>>
    %dma_start3A_83 = tpu.memref_squeeze %dma_start3A_82 : memref<1x80xi32, #tpu.memory_space<vmem>> -> memref<80xi32, #tpu.memory_space<vmem>>
    %dma_start3A_84 = arith.constant 0 : i32
    %dma_start3A_85 = tpu.memref_slice %arg3[%add3A, %dma_start3A_73, %dma_start3A_84] : memref<32x125x80xi32, #tpu.memory_space<hbm>> -> memref<1x1x80xi32, #tpu.memory_space<hbm>>
    %dma_start3A_86 = tpu.memref_squeeze %dma_start3A_85 : memref<1x1x80xi32, #tpu.memory_space<hbm>> -> memref<80xi32, #tpu.memory_space<hbm>>
    tpu.enqueue_dma source(%dma_start3A_86 : memref<80xi32, #tpu.memory_space<hbm>>) target(%dma_start3A_83 : memref<80xi32, #tpu.memory_space<vmem>>) target_semaphore(%arg11 : memref<!tpu.dma_semaphore, #tpu.memory_space<semaphore_mem>>)
    %dma_start3A_87 = arith.constant 1 : i32
    %dma_start3A_88 = arith.constant 1 : i32
    %dma_start3A_89 = arith.constant 0 : i32
    %dma_start3A_90 = tpu.memref_slice %arg7[%dma_start3A_88, %dma_start3A_89] : memref<4x80xi32, #tpu.memory_space<vmem>> -> memref<1x80xi32, #tpu.memory_space<vmem>>
    %dma_start3A_91 = tpu.memref_squeeze %dma_start3A_90 : memref<1x80xi32, #tpu.memory_space<vmem>> -> memref<80xi32, #tpu.memory_space<vmem>>
    %dma_start3A_92 = arith.constant 0 : i32
    %dma_start3A_93 = tpu.memref_slice %arg4[%add3A, %dma_start3A_87, %dma_start3A_92] : memref<32x125x80xi32, #tpu.memory_space<hbm>> -> memref<1x1x80xi32, #tpu.memory_space<hbm>>
    %dma_start3A_94 = tpu.memref_squeeze %dma_start3A_93 : memref<1x1x80xi32, #tpu.memory_space<hbm>> -> memref<80xi32, #tpu.memory_space<hbm>>
    %dma_start3A_95 = arith.constant 0 : i32
    %dma_start3A_96 = tpu.memref_slice %arg7[%dma_start3A_88, %dma_start3A_95] : memref<4x80xi32, #tpu.memory_space<vmem>> -> memref<1x80xi32, #tpu.memory_space<vmem>>
    %dma_start3A_97 = tpu.memref_squeeze %dma_start3A_96 : memref<1x80xi32, #tpu.memory_space<vmem>> -> memref<80xi32, #tpu.memory_space<vmem>>
    %dma_start3A_98 = arith.constant 0 : i32
    %dma_start3A_99 = tpu.memref_slice %arg4[%add3A, %dma_start3A_87, %dma_start3A_98] : memref<32x125x80xi32, #tpu.memory_space<hbm>> -> memref<1x1x80xi32, #tpu.memory_space<hbm>>
    %dma_start3A_100 = tpu.memref_squeeze %dma_start3A_99 : memref<1x1x80xi32, #tpu.memory_space<hbm>> -> memref<80xi32, #tpu.memory_space<hbm>>
    tpu.enqueue_dma source(%dma_start3A_100 : memref<80xi32, #tpu.memory_space<hbm>>) target(%dma_start3A_97 : memref<80xi32, #tpu.memory_space<vmem>>) target_semaphore(%arg11 : memref<!tpu.dma_semaphore, #tpu.memory_space<semaphore_mem>>)
    %dma_wait3A = arith.constant 0 : i32
    %dma_wait3A_101 = arith.constant 0 : i32
    %dma_wait3A_102 = arith.constant 0 : i32
    %dma_wait3A_103 = tpu.memref_slice %arg6[%dma_wait3A_101, %dma_wait3A_102] : memref<4x80xi32, #tpu.memory_space<vmem>> -> memref<1x80xi32, #tpu.memory_space<vmem>>
    %dma_wait3A_104 = tpu.memref_squeeze %dma_wait3A_103 : memref<1x80xi32, #tpu.memory_space<vmem>> -> memref<80xi32, #tpu.memory_space<vmem>>
    %dma_wait3A_105 = arith.constant 0 : i32
    %dma_wait3A_106 = tpu.memref_slice %arg3[%add3A, %dma_wait3A, %dma_wait3A_105] : memref<32x125x80xi32, #tpu.memory_space<hbm>> -> memref<1x1x80xi32, #tpu.memory_space<hbm>>
    %dma_wait3A_107 = tpu.memref_squeeze %dma_wait3A_106 : memref<1x1x80xi32, #tpu.memory_space<hbm>> -> memref<80xi32, #tpu.memory_space<hbm>>
    %dma_wait3A_108 = arith.constant 0 : i32
    %dma_wait3A_109 = tpu.memref_slice %arg6[%dma_wait3A_101, %dma_wait3A_108] : memref<4x80xi32, #tpu.memory_space<vmem>> -> memref<1x80xi32, #tpu.memory_space<vmem>>
    %dma_wait3A_110 = tpu.memref_squeeze %dma_wait3A_109 : memref<1x80xi32, #tpu.memory_space<vmem>> -> memref<80xi32, #tpu.memory_space<vmem>>
    %dma_wait3A_111 = arith.constant 0 : i32
    %dma_wait3A_112 = tpu.memref_slice %arg3[%add3A, %dma_wait3A, %dma_wait3A_111] : memref<32x125x80xi32, #tpu.memory_space<hbm>> -> memref<1x1x80xi32, #tpu.memory_space<hbm>>
    %dma_wait3A_113 = tpu.memref_squeeze %dma_wait3A_112 : memref<1x1x80xi32, #tpu.memory_space<hbm>> -> memref<80xi32, #tpu.memory_space<hbm>>
    tpu.wait_dma2 semaphore(%arg10 : memref<!tpu.dma_semaphore, #tpu.memory_space<semaphore_mem>>) src(%dma_wait3A_113 : memref<80xi32, #tpu.memory_space<hbm>>) dst(%dma_wait3A_110 : memref<80xi32, #tpu.memory_space<vmem>>)
    %dma_wait3A_114 = arith.constant 0 : i32
    %dma_wait3A_115 = arith.constant 0 : i32
    %dma_wait3A_116 = arith.constant 0 : i32
    %dma_wait3A_117 = tpu.memref_slice %arg7[%dma_wait3A_115, %dma_wait3A_116] : memref<4x80xi32, #tpu.memory_space<vmem>> -> memref<1x80xi32, #tpu.memory_space<vmem>>
    %dma_wait3A_118 = tpu.memref_squeeze %dma_wait3A_117 : memref<1x80xi32, #tpu.memory_space<vmem>> -> memref<80xi32, #tpu.memory_space<vmem>>
    %dma_wait3A_119 = arith.constant 0 : i32
    %dma_wait3A_120 = tpu.memref_slice %arg4[%add3A, %dma_wait3A_114, %dma_wait3A_119] : memref<32x125x80xi32, #tpu.memory_space<hbm>> -> memref<1x1x80xi32, #tpu.memory_space<hbm>>
    %dma_wait3A_121 = tpu.memref_squeeze %dma_wait3A_120 : memref<1x1x80xi32, #tpu.memory_space<hbm>> -> memref<80xi32, #tpu.memory_space<hbm>>
    %dma_wait3A_122 = arith.constant 0 : i32
    %dma_wait3A_123 = tpu.memref_slice %arg7[%dma_wait3A_115, %dma_wait3A_122] : memref<4x80xi32, #tpu.memory_space<vmem>> -> memref<1x80xi32, #tpu.memory_space<vmem>>
    %dma_wait3A_124 = tpu.memref_squeeze %dma_wait3A_123 : memref<1x80xi32, #tpu.memory_space<vmem>> -> memref<80xi32, #tpu.memory_space<vmem>>
    %dma_wait3A_125 = arith.constant 0 : i32
    %dma_wait3A_126 = tpu.memref_slice %arg4[%add3A, %dma_wait3A_114, %dma_wait3A_125] : memref<32x125x80xi32, #tpu.memory_space<hbm>> -> memref<1x1x80xi32, #tpu.memory_space<hbm>>
    %dma_wait3A_127 = tpu.memref_squeeze %dma_wait3A_126 : memref<1x1x80xi32, #tpu.memory_space<hbm>> -> memref<80xi32, #tpu.memory_space<hbm>>
    tpu.wait_dma2 semaphore(%arg10 : memref<!tpu.dma_semaphore, #tpu.memory_space<semaphore_mem>>) src(%dma_wait3A_127 : memref<80xi32, #tpu.memory_space<hbm>>) dst(%dma_wait3A_124 : memref<80xi32, #tpu.memory_space<vmem>>)
    %dma_start3A_128 = arith.constant 0 : i32
    %dma_start3A_129 = arith.constant 0 : i32
    %dma_start3A_130 = arith.constant 0 : i32
    %dma_start3A_131 = arith.constant 0 : i32
    %dma_start3A_132 = tpu.memref_slice %arg8[%dma_start3A_129, %dma_start3A_130, %dma_start3A_131] : memref<4x80x128xf32, #tpu.memory_space<vmem>> -> memref<1x80x128xf32, #tpu.memory_space<vmem>>
    %dma_start3A_133 = tpu.memref_squeeze %dma_start3A_132 : memref<1x80x128xf32, #tpu.memory_space<vmem>> -> memref<80x128xf32, #tpu.memory_space<vmem>>
    %dma_start3A_134 = arith.constant 0 : i32
    %dma_start3A_135 = tpu.memref_slice %arg6[%dma_start3A_128, %dma_start3A_134] : memref<4x80xi32, #tpu.memory_space<vmem>> -> memref<1x80xi32, #tpu.memory_space<vmem>>
    %dma_start3A_136 = tpu.memref_squeeze %dma_start3A_135 : memref<1x80xi32, #tpu.memory_space<vmem>> -> memref<80xi32, #tpu.memory_space<vmem>>
    %dma_start3A_137 = arith.constant 0 : i32
    %dma_start3A_138 = arith.constant 0 : i32
    %dma_start3A_139 = tpu.memref_slice %arg2[%dma_start3A_137, %dma_start3A_138] : memref<10240x128xf32, #tpu.memory_space<hbm>> -> memref<10240x128xf32, #tpu.memory_space<hbm>>
    tpu.enqueue_indirect_dma source(%dma_start3A_139 : memref<10240x128xf32, #tpu.memory_space<hbm>>) target(%dma_start3A_133 : memref<80x128xf32, #tpu.memory_space<vmem>>) offsets(%dma_start3A_136 : memref<80xi32, #tpu.memory_space<vmem>>) semaphore(%arg14 : memref<!tpu.dma_semaphore, #tpu.memory_space<semaphore_mem>>)
    %scan3A_140 = arith.constant 0 : i32
    %scan3A_141 = arith.constant 0 : i32
    %scan3A_142 = arith.constant 31 : i32
    %scan3A_143 = arith.addi %scan3A_141, %scan3A_142 : i32
    %scan3A_144 = arith.constant 1 : i32
    scf.for %scan3A_211 = %scan3A_141 to %scan3A_143 step %scan3A_144  : i32 {
      %mul3A_212 = arith.constant 4 : i32
      %mul3A_213 = arith.muli %scan3A_211, %mul3A_212 : i32
      %add3A_214 = arith.constant 0 : i32
      %add3A_215 = arith.addi %mul3A_213, %add3A_214 : i32
      %gt3A = arith.constant 1 : i32
      %gt3A_216 = arith.cmpi sgt, %add3A_215, %gt3A : i32
      %convert_element_type3A = arith.extui %gt3A_216 : i1 to i32
      %cond3A = arith.constant 0 : i32
      %cond3A_217 = arith.cmpi ne, %convert_element_type3A, %cond3A : i32
      scf.if %cond3A_217 {
        %sub3A = arith.constant 2 : i32
        %sub3A_536 = arith.subi %add3A_215, %sub3A : i32
        %dma_wait3A_537 = arith.constant 2 : i32
        %dma_wait3A_538 = arith.constant 2 : i32
        %dma_wait3A_539 = arith.constant 0 : i32
        %dma_wait3A_540 = arith.constant 0 : i32
        %dma_wait3A_541 = tpu.memref_slice %arg8[%dma_wait3A_537, %dma_wait3A_539, %dma_wait3A_540] : memref<4x80x128xf32, #tpu.memory_space<vmem>> -> memref<1x80x128xf32, #tpu.memory_space<vmem>>
        %dma_wait3A_542 = tpu.memref_squeeze %dma_wait3A_541 : memref<1x80x128xf32, #tpu.memory_space<vmem>> -> memref<80x128xf32, #tpu.memory_space<vmem>>
        %dma_wait3A_543 = arith.constant 0 : i32
        %dma_wait3A_544 = tpu.memref_slice %arg7[%dma_wait3A_538, %dma_wait3A_543] : memref<4x80xi32, #tpu.memory_space<vmem>> -> memref<1x80xi32, #tpu.memory_space<vmem>>
        %dma_wait3A_545 = tpu.memref_squeeze %dma_wait3A_544 : memref<1x80xi32, #tpu.memory_space<vmem>> -> memref<80xi32, #tpu.memory_space<vmem>>
        %dma_wait3A_546 = arith.constant 0 : i32
        %dma_wait3A_547 = arith.constant 0 : i32
        %dma_wait3A_548 = tpu.memref_slice %arg9[%dma_wait3A_546, %dma_wait3A_547] : memref<10240x128xf32, #tpu.memory_space<vmem_shared>> -> memref<10240x128xf32, #tpu.memory_space<vmem_shared>>
        tpu.wait_indirect_dma semaphore(%arg18 : memref<!tpu.dma_semaphore, #tpu.memory_space<semaphore_mem>>) src(%dma_wait3A_542 : memref<80x128xf32, #tpu.memory_space<vmem>>) dst(%dma_wait3A_548 : memref<10240x128xf32, #tpu.memory_space<vmem_shared>>)
      } else {
      }
      %add3A_218 = arith.constant 2 : i32
      %add3A_219 = arith.addi %add3A_215, %add3A_218 : i32
      %lt3A = arith.constant 125 : i32
      %lt3A_220 = arith.cmpi slt, %add3A_219, %lt3A : i32
      %convert_element_type3A_221 = arith.extui %lt3A_220 : i1 to i32
      %cond3A_222 = arith.constant 0 : i32
      %cond3A_223 = arith.cmpi ne, %convert_element_type3A_221, %cond3A_222 : i32
      scf.if %cond3A_223 {
        %add3A_536 = arith.constant 2 : i32
        %add3A_537 = arith.addi %add3A_215, %add3A_536 : i32
        %dma_start3A_538 = arith.constant 2 : i32
        %dma_start3A_539 = arith.constant 0 : i32
        %dma_start3A_540 = tpu.memref_slice %arg6[%dma_start3A_538, %dma_start3A_539] : memref<4x80xi32, #tpu.memory_space<vmem>> -> memref<1x80xi32, #tpu.memory_space<vmem>>
        %dma_start3A_541 = tpu.memref_squeeze %dma_start3A_540 : memref<1x80xi32, #tpu.memory_space<vmem>> -> memref<80xi32, #tpu.memory_space<vmem>>
        %dma_start3A_542 = arith.constant 0 : i32
        %dma_start3A_543 = tpu.memref_slice %arg3[%add3A, %add3A_537, %dma_start3A_542] : memref<32x125x80xi32, #tpu.memory_space<hbm>> -> memref<1x1x80xi32, #tpu.memory_space<hbm>>
        %dma_start3A_544 = tpu.memref_squeeze %dma_start3A_543 : memref<1x1x80xi32, #tpu.memory_space<hbm>> -> memref<80xi32, #tpu.memory_space<hbm>>
        %dma_start3A_545 = arith.constant 0 : i32
        %dma_start3A_546 = tpu.memref_slice %arg6[%dma_start3A_538, %dma_start3A_545] : memref<4x80xi32, #tpu.memory_space<vmem>> -> memref<1x80xi32, #tpu.memory_space<vmem>>
        %dma_start3A_547 = tpu.memref_squeeze %dma_start3A_546 : memref<1x80xi32, #tpu.memory_space<vmem>> -> memref<80xi32, #tpu.memory_space<vmem>>
        %dma_start3A_548 = arith.constant 0 : i32
        %dma_start3A_549 = tpu.memref_slice %arg3[%add3A, %add3A_537, %dma_start3A_548] : memref<32x125x80xi32, #tpu.memory_space<hbm>> -> memref<1x1x80xi32, #tpu.memory_space<hbm>>
        %dma_start3A_550 = tpu.memref_squeeze %dma_start3A_549 : memref<1x1x80xi32, #tpu.memory_space<hbm>> -> memref<80xi32, #tpu.memory_space<hbm>>
        tpu.enqueue_dma source(%dma_start3A_550 : memref<80xi32, #tpu.memory_space<hbm>>) target(%dma_start3A_547 : memref<80xi32, #tpu.memory_space<vmem>>) target_semaphore(%arg12 : memref<!tpu.dma_semaphore, #tpu.memory_space<semaphore_mem>>)
        %dma_start3A_551 = arith.constant 2 : i32
        %dma_start3A_552 = arith.constant 0 : i32
        %dma_start3A_553 = tpu.memref_slice %arg7[%dma_start3A_551, %dma_start3A_552] : memref<4x80xi32, #tpu.memory_space<vmem>> -> memref<1x80xi32, #tpu.memory_space<vmem>>
        %dma_start3A_554 = tpu.memref_squeeze %dma_start3A_553 : memref<1x80xi32, #tpu.memory_space<vmem>> -> memref<80xi32, #tpu.memory_space<vmem>>
        %dma_start3A_555 = arith.constant 0 : i32
        %dma_start3A_556 = tpu.memref_slice %arg4[%add3A, %add3A_537, %dma_start3A_555] : memref<32x125x80xi32, #tpu.memory_space<hbm>> -> memref<1x1x80xi32, #tpu.memory_space<hbm>>
        %dma_start3A_557 = tpu.memref_squeeze %dma_start3A_556 : memref<1x1x80xi32, #tpu.memory_space<hbm>> -> memref<80xi32, #tpu.memory_space<hbm>>
        %dma_start3A_558 = arith.constant 0 : i32
        %dma_start3A_559 = tpu.memref_slice %arg7[%dma_start3A_551, %dma_start3A_558] : memref<4x80xi32, #tpu.memory_space<vmem>> -> memref<1x80xi32, #tpu.memory_space<vmem>>
        %dma_start3A_560 = tpu.memref_squeeze %dma_start3A_559 : memref<1x80xi32, #tpu.memory_space<vmem>> -> memref<80xi32, #tpu.memory_space<vmem>>
        %dma_start3A_561 = arith.constant 0 : i32
        %dma_start3A_562 = tpu.memref_slice %arg4[%add3A, %add3A_537, %dma_start3A_561] : memref<32x125x80xi32, #tpu.memory_space<hbm>> -> memref<1x1x80xi32, #tpu.memory_space<hbm>>
        %dma_start3A_563 = tpu.memref_squeeze %dma_start3A_562 : memref<1x1x80xi32, #tpu.memory_space<hbm>> -> memref<80xi32, #tpu.memory_space<hbm>>
        tpu.enqueue_dma source(%dma_start3A_563 : memref<80xi32, #tpu.memory_space<hbm>>) target(%dma_start3A_560 : memref<80xi32, #tpu.memory_space<vmem>>) target_semaphore(%arg12 : memref<!tpu.dma_semaphore, #tpu.memory_space<semaphore_mem>>)
      } else {
      }
      %add3A_224 = arith.constant 1 : i32
      %add3A_225 = arith.addi %add3A_215, %add3A_224 : i32
      %dma_wait3A_226 = arith.constant 1 : i32
      %dma_wait3A_227 = arith.constant 0 : i32
      %dma_wait3A_228 = tpu.memref_slice %arg6[%dma_wait3A_226, %dma_wait3A_227] : memref<4x80xi32, #tpu.memory_space<vmem>> -> memref<1x80xi32, #tpu.memory_space<vmem>>
      %dma_wait3A_229 = tpu.memref_squeeze %dma_wait3A_228 : memref<1x80xi32, #tpu.memory_space<vmem>> -> memref<80xi32, #tpu.memory_space<vmem>>
      %dma_wait3A_230 = arith.constant 0 : i32
      %dma_wait3A_231 = tpu.memref_slice %arg3[%add3A, %add3A_225, %dma_wait3A_230] : memref<32x125x80xi32, #tpu.memory_space<hbm>> -> memref<1x1x80xi32, #tpu.memory_space<hbm>>
      %dma_wait3A_232 = tpu.memref_squeeze %dma_wait3A_231 : memref<1x1x80xi32, #tpu.memory_space<hbm>> -> memref<80xi32, #tpu.memory_space<hbm>>
      %dma_wait3A_233 = arith.constant 0 : i32
      %dma_wait3A_234 = tpu.memref_slice %arg6[%dma_wait3A_226, %dma_wait3A_233] : memref<4x80xi32, #tpu.memory_space<vmem>> -> memref<1x80xi32, #tpu.memory_space<vmem>>
      %dma_wait3A_235 = tpu.memref_squeeze %dma_wait3A_234 : memref<1x80xi32, #tpu.memory_space<vmem>> -> memref<80xi32, #tpu.memory_space<vmem>>
      %dma_wait3A_236 = arith.constant 0 : i32
      %dma_wait3A_237 = tpu.memref_slice %arg3[%add3A, %add3A_225, %dma_wait3A_236] : memref<32x125x80xi32, #tpu.memory_space<hbm>> -> memref<1x1x80xi32, #tpu.memory_space<hbm>>
      %dma_wait3A_238 = tpu.memref_squeeze %dma_wait3A_237 : memref<1x1x80xi32, #tpu.memory_space<hbm>> -> memref<80xi32, #tpu.memory_space<hbm>>
      tpu.wait_dma2 semaphore(%arg11 : memref<!tpu.dma_semaphore, #tpu.memory_space<semaphore_mem>>) src(%dma_wait3A_238 : memref<80xi32, #tpu.memory_space<hbm>>) dst(%dma_wait3A_235 : memref<80xi32, #tpu.memory_space<vmem>>)
      %dma_wait3A_239 = arith.constant 1 : i32
      %dma_wait3A_240 = arith.constant 0 : i32
      %dma_wait3A_241 = tpu.memref_slice %arg7[%dma_wait3A_239, %dma_wait3A_240] : memref<4x80xi32, #tpu.memory_space<vmem>> -> memref<1x80xi32, #tpu.memory_space<vmem>>
      %dma_wait3A_242 = tpu.memref_squeeze %dma_wait3A_241 : memref<1x80xi32, #tpu.memory_space<vmem>> -> memref<80xi32, #tpu.memory_space<vmem>>
      %dma_wait3A_243 = arith.constant 0 : i32
      %dma_wait3A_244 = tpu.memref_slice %arg4[%add3A, %add3A_225, %dma_wait3A_243] : memref<32x125x80xi32, #tpu.memory_space<hbm>> -> memref<1x1x80xi32, #tpu.memory_space<hbm>>
      %dma_wait3A_245 = tpu.memref_squeeze %dma_wait3A_244 : memref<1x1x80xi32, #tpu.memory_space<hbm>> -> memref<80xi32, #tpu.memory_space<hbm>>
      %dma_wait3A_246 = arith.constant 0 : i32
      %dma_wait3A_247 = tpu.memref_slice %arg7[%dma_wait3A_239, %dma_wait3A_246] : memref<4x80xi32, #tpu.memory_space<vmem>> -> memref<1x80xi32, #tpu.memory_space<vmem>>
      %dma_wait3A_248 = tpu.memref_squeeze %dma_wait3A_247 : memref<1x80xi32, #tpu.memory_space<vmem>> -> memref<80xi32, #tpu.memory_space<vmem>>
      %dma_wait3A_249 = arith.constant 0 : i32
      %dma_wait3A_250 = tpu.memref_slice %arg4[%add3A, %add3A_225, %dma_wait3A_249] : memref<32x125x80xi32, #tpu.memory_space<hbm>> -> memref<1x1x80xi32, #tpu.memory_space<hbm>>
      %dma_wait3A_251 = tpu.memref_squeeze %dma_wait3A_250 : memref<1x1x80xi32, #tpu.memory_space<hbm>> -> memref<80xi32, #tpu.memory_space<hbm>>
      tpu.wait_dma2 semaphore(%arg11 : memref<!tpu.dma_semaphore, #tpu.memory_space<semaphore_mem>>) src(%dma_wait3A_251 : memref<80xi32, #tpu.memory_space<hbm>>) dst(%dma_wait3A_248 : memref<80xi32, #tpu.memory_space<vmem>>)
      %add3A_252 = arith.constant 1 : i32
      %add3A_253 = arith.addi %add3A_215, %add3A_252 : i32
      %dma_start3A_254 = arith.constant 1 : i32
      %dma_start3A_255 = arith.constant 1 : i32
      %dma_start3A_256 = arith.constant 0 : i32
      %dma_start3A_257 = arith.constant 0 : i32
      %dma_start3A_258 = tpu.memref_slice %arg8[%dma_start3A_255, %dma_start3A_256, %dma_start3A_257] : memref<4x80x128xf32, #tpu.memory_space<vmem>> -> memref<1x80x128xf32, #tpu.memory_space<vmem>>
      %dma_start3A_259 = tpu.memref_squeeze %dma_start3A_258 : memref<1x80x128xf32, #tpu.memory_space<vmem>> -> memref<80x128xf32, #tpu.memory_space<vmem>>
      %dma_start3A_260 = arith.constant 0 : i32
      %dma_start3A_261 = tpu.memref_slice %arg6[%dma_start3A_254, %dma_start3A_260] : memref<4x80xi32, #tpu.memory_space<vmem>> -> memref<1x80xi32, #tpu.memory_space<vmem>>
      %dma_start3A_262 = tpu.memref_squeeze %dma_start3A_261 : memref<1x80xi32, #tpu.memory_space<vmem>> -> memref<80xi32, #tpu.memory_space<vmem>>
      %dma_start3A_263 = arith.constant 0 : i32
      %dma_start3A_264 = arith.constant 0 : i32
      %dma_start3A_265 = tpu.memref_slice %arg2[%dma_start3A_263, %dma_start3A_264] : memref<10240x128xf32, #tpu.memory_space<hbm>> -> memref<10240x128xf32, #tpu.memory_space<hbm>>
      tpu.enqueue_indirect_dma source(%dma_start3A_265 : memref<10240x128xf32, #tpu.memory_space<hbm>>) target(%dma_start3A_259 : memref<80x128xf32, #tpu.memory_space<vmem>>) offsets(%dma_start3A_262 : memref<80xi32, #tpu.memory_space<vmem>>) semaphore(%arg15 : memref<!tpu.dma_semaphore, #tpu.memory_space<semaphore_mem>>)
      %dma_wait3A_266 = arith.constant 0 : i32
      %dma_wait3A_267 = arith.constant 0 : i32
      %dma_wait3A_268 = arith.constant 0 : i32
      %dma_wait3A_269 = arith.constant 0 : i32
      %dma_wait3A_270 = tpu.memref_slice %arg8[%dma_wait3A_267, %dma_wait3A_268, %dma_wait3A_269] : memref<4x80x128xf32, #tpu.memory_space<vmem>> -> memref<1x80x128xf32, #tpu.memory_space<vmem>>
      %dma_wait3A_271 = tpu.memref_squeeze %dma_wait3A_270 : memref<1x80x128xf32, #tpu.memory_space<vmem>> -> memref<80x128xf32, #tpu.memory_space<vmem>>
      %dma_wait3A_272 = arith.constant 0 : i32
      %dma_wait3A_273 = tpu.memref_slice %arg6[%dma_wait3A_266, %dma_wait3A_272] : memref<4x80xi32, #tpu.memory_space<vmem>> -> memref<1x80xi32, #tpu.memory_space<vmem>>
      %dma_wait3A_274 = tpu.memref_squeeze %dma_wait3A_273 : memref<1x80xi32, #tpu.memory_space<vmem>> -> memref<80xi32, #tpu.memory_space<vmem>>
      %dma_wait3A_275 = arith.constant 0 : i32
      %dma_wait3A_276 = arith.constant 0 : i32
      %dma_wait3A_277 = tpu.memref_slice %arg2[%dma_wait3A_275, %dma_wait3A_276] : memref<10240x128xf32, #tpu.memory_space<hbm>> -> memref<10240x128xf32, #tpu.memory_space<hbm>>
      tpu.wait_indirect_dma semaphore(%arg14 : memref<!tpu.dma_semaphore, #tpu.memory_space<semaphore_mem>>) src(%dma_wait3A_277 : memref<10240x128xf32, #tpu.memory_space<hbm>>) dst(%dma_wait3A_271 : memref<80x128xf32, #tpu.memory_space<vmem>>)
      %dma_start3A_278 = arith.constant 0 : i32
      %dma_start3A_279 = arith.constant 0 : i32
      %dma_start3A_280 = arith.constant 0 : i32
      %dma_start3A_281 = arith.constant 0 : i32
      %dma_start3A_282 = tpu.memref_slice %arg8[%dma_start3A_278, %dma_start3A_280, %dma_start3A_281] : memref<4x80x128xf32, #tpu.memory_space<vmem>> -> memref<1x80x128xf32, #tpu.memory_space<vmem>>
      %dma_start3A_283 = tpu.memref_squeeze %dma_start3A_282 : memref<1x80x128xf32, #tpu.memory_space<vmem>> -> memref<80x128xf32, #tpu.memory_space<vmem>>
      %dma_start3A_284 = arith.constant 0 : i32
      %dma_start3A_285 = tpu.memref_slice %arg7[%dma_start3A_279, %dma_start3A_284] : memref<4x80xi32, #tpu.memory_space<vmem>> -> memref<1x80xi32, #tpu.memory_space<vmem>>
      %dma_start3A_286 = tpu.memref_squeeze %dma_start3A_285 : memref<1x80xi32, #tpu.memory_space<vmem>> -> memref<80xi32, #tpu.memory_space<vmem>>
      %dma_start3A_287 = arith.constant 0 : i32
      %dma_start3A_288 = arith.constant 0 : i32
      %dma_start3A_289 = tpu.memref_slice %arg9[%dma_start3A_287, %dma_start3A_288] : memref<10240x128xf32, #tpu.memory_space<vmem_shared>> -> memref<10240x128xf32, #tpu.memory_space<vmem_shared>>
      tpu.enqueue_indirect_dma source(%dma_start3A_283 : memref<80x128xf32, #tpu.memory_space<vmem>>) target(%dma_start3A_289 : memref<10240x128xf32, #tpu.memory_space<vmem_shared>>) offsets(%dma_start3A_286 : memref<80xi32, #tpu.memory_space<vmem>>) semaphore(%arg18 : memref<!tpu.dma_semaphore, #tpu.memory_space<semaphore_mem>>) {add = true}
      %mul3A_290 = arith.constant 4 : i32
      %mul3A_291 = arith.muli %scan3A_211, %mul3A_290 : i32
      %add3A_292 = arith.constant 1 : i32
      %add3A_293 = arith.addi %mul3A_291, %add3A_292 : i32
      %gt3A_294 = arith.constant 1 : i32
      %gt3A_295 = arith.cmpi sgt, %add3A_293, %gt3A_294 : i32
      %convert_element_type3A_296 = arith.extui %gt3A_295 : i1 to i32
      %cond3A_297 = arith.constant 0 : i32
      %cond3A_298 = arith.cmpi ne, %convert_element_type3A_296, %cond3A_297 : i32
      scf.if %cond3A_298 {
        %sub3A = arith.constant 2 : i32
        %sub3A_536 = arith.subi %add3A_293, %sub3A : i32
        %dma_wait3A_537 = arith.constant 3 : i32
        %dma_wait3A_538 = arith.constant 3 : i32
        %dma_wait3A_539 = arith.constant 0 : i32
        %dma_wait3A_540 = arith.constant 0 : i32
        %dma_wait3A_541 = tpu.memref_slice %arg8[%dma_wait3A_537, %dma_wait3A_539, %dma_wait3A_540] : memref<4x80x128xf32, #tpu.memory_space<vmem>> -> memref<1x80x128xf32, #tpu.memory_space<vmem>>
        %dma_wait3A_542 = tpu.memref_squeeze %dma_wait3A_541 : memref<1x80x128xf32, #tpu.memory_space<vmem>> -> memref<80x128xf32, #tpu.memory_space<vmem>>
        %dma_wait3A_543 = arith.constant 0 : i32
        %dma_wait3A_544 = tpu.memref_slice %arg7[%dma_wait3A_538, %dma_wait3A_543] : memref<4x80xi32, #tpu.memory_space<vmem>> -> memref<1x80xi32, #tpu.memory_space<vmem>>
        %dma_wait3A_545 = tpu.memref_squeeze %dma_wait3A_544 : memref<1x80xi32, #tpu.memory_space<vmem>> -> memref<80xi32, #tpu.memory_space<vmem>>
        %dma_wait3A_546 = arith.constant 0 : i32
        %dma_wait3A_547 = arith.constant 0 : i32
        %dma_wait3A_548 = tpu.memref_slice %arg9[%dma_wait3A_546, %dma_wait3A_547] : memref<10240x128xf32, #tpu.memory_space<vmem_shared>> -> memref<10240x128xf32, #tpu.memory_space<vmem_shared>>
        tpu.wait_indirect_dma semaphore(%arg18 : memref<!tpu.dma_semaphore, #tpu.memory_space<semaphore_mem>>) src(%dma_wait3A_542 : memref<80x128xf32, #tpu.memory_space<vmem>>) dst(%dma_wait3A_548 : memref<10240x128xf32, #tpu.memory_space<vmem_shared>>)
      } else {
      }
      %add3A_299 = arith.constant 2 : i32
      %add3A_300 = arith.addi %add3A_293, %add3A_299 : i32
      %lt3A_301 = arith.constant 125 : i32
      %lt3A_302 = arith.cmpi slt, %add3A_300, %lt3A_301 : i32
      %convert_element_type3A_303 = arith.extui %lt3A_302 : i1 to i32
      %cond3A_304 = arith.constant 0 : i32
      %cond3A_305 = arith.cmpi ne, %convert_element_type3A_303, %cond3A_304 : i32
      scf.if %cond3A_305 {
        %add3A_536 = arith.constant 2 : i32
        %add3A_537 = arith.addi %add3A_293, %add3A_536 : i32
        %dma_start3A_538 = arith.constant 3 : i32
        %dma_start3A_539 = arith.constant 0 : i32
        %dma_start3A_540 = tpu.memref_slice %arg6[%dma_start3A_538, %dma_start3A_539] : memref<4x80xi32, #tpu.memory_space<vmem>> -> memref<1x80xi32, #tpu.memory_space<vmem>>
        %dma_start3A_541 = tpu.memref_squeeze %dma_start3A_540 : memref<1x80xi32, #tpu.memory_space<vmem>> -> memref<80xi32, #tpu.memory_space<vmem>>
        %dma_start3A_542 = arith.constant 0 : i32
        %dma_start3A_543 = tpu.memref_slice %arg3[%add3A, %add3A_537, %dma_start3A_542] : memref<32x125x80xi32, #tpu.memory_space<hbm>> -> memref<1x1x80xi32, #tpu.memory_space<hbm>>
        %dma_start3A_544 = tpu.memref_squeeze %dma_start3A_543 : memref<1x1x80xi32, #tpu.memory_space<hbm>> -> memref<80xi32, #tpu.memory_space<hbm>>
        %dma_start3A_545 = arith.constant 0 : i32
        %dma_start3A_546 = tpu.memref_slice %arg6[%dma_start3A_538, %dma_start3A_545] : memref<4x80xi32, #tpu.memory_space<vmem>> -> memref<1x80xi32, #tpu.memory_space<vmem>>
        %dma_start3A_547 = tpu.memref_squeeze %dma_start3A_546 : memref<1x80xi32, #tpu.memory_space<vmem>> -> memref<80xi32, #tpu.memory_space<vmem>>
        %dma_start3A_548 = arith.constant 0 : i32
        %dma_start3A_549 = tpu.memref_slice %arg3[%add3A, %add3A_537, %dma_start3A_548] : memref<32x125x80xi32, #tpu.memory_space<hbm>> -> memref<1x1x80xi32, #tpu.memory_space<hbm>>
        %dma_start3A_550 = tpu.memref_squeeze %dma_start3A_549 : memref<1x1x80xi32, #tpu.memory_space<hbm>> -> memref<80xi32, #tpu.memory_space<hbm>>
        tpu.enqueue_dma source(%dma_start3A_550 : memref<80xi32, #tpu.memory_space<hbm>>) target(%dma_start3A_547 : memref<80xi32, #tpu.memory_space<vmem>>) target_semaphore(%arg13 : memref<!tpu.dma_semaphore, #tpu.memory_space<semaphore_mem>>)
        %dma_start3A_551 = arith.constant 3 : i32
        %dma_start3A_552 = arith.constant 0 : i32
        %dma_start3A_553 = tpu.memref_slice %arg7[%dma_start3A_551, %dma_start3A_552] : memref<4x80xi32, #tpu.memory_space<vmem>> -> memref<1x80xi32, #tpu.memory_space<vmem>>
        %dma_start3A_554 = tpu.memref_squeeze %dma_start3A_553 : memref<1x80xi32, #tpu.memory_space<vmem>> -> memref<80xi32, #tpu.memory_space<vmem>>
        %dma_start3A_555 = arith.constant 0 : i32
        %dma_start3A_556 = tpu.memref_slice %arg4[%add3A, %add3A_537, %dma_start3A_555] : memref<32x125x80xi32, #tpu.memory_space<hbm>> -> memref<1x1x80xi32, #tpu.memory_space<hbm>>
        %dma_start3A_557 = tpu.memref_squeeze %dma_start3A_556 : memref<1x1x80xi32, #tpu.memory_space<hbm>> -> memref<80xi32, #tpu.memory_space<hbm>>
        %dma_start3A_558 = arith.constant 0 : i32
        %dma_start3A_559 = tpu.memref_slice %arg7[%dma_start3A_551, %dma_start3A_558] : memref<4x80xi32, #tpu.memory_space<vmem>> -> memref<1x80xi32, #tpu.memory_space<vmem>>
        %dma_start3A_560 = tpu.memref_squeeze %dma_start3A_559 : memref<1x80xi32, #tpu.memory_space<vmem>> -> memref<80xi32, #tpu.memory_space<vmem>>
        %dma_start3A_561 = arith.constant 0 : i32
        %dma_start3A_562 = tpu.memref_slice %arg4[%add3A, %add3A_537, %dma_start3A_561] : memref<32x125x80xi32, #tpu.memory_space<hbm>> -> memref<1x1x80xi32, #tpu.memory_space<hbm>>
        %dma_start3A_563 = tpu.memref_squeeze %dma_start3A_562 : memref<1x1x80xi32, #tpu.memory_space<hbm>> -> memref<80xi32, #tpu.memory_space<hbm>>
        tpu.enqueue_dma source(%dma_start3A_563 : memref<80xi32, #tpu.memory_space<hbm>>) target(%dma_start3A_560 : memref<80xi32, #tpu.memory_space<vmem>>) target_semaphore(%arg13 : memref<!tpu.dma_semaphore, #tpu.memory_space<semaphore_mem>>)
      } else {
      }
      %add3A_306 = arith.constant 1 : i32
      %add3A_307 = arith.addi %add3A_293, %add3A_306 : i32
      %dma_wait3A_308 = arith.constant 2 : i32
      %dma_wait3A_309 = arith.constant 0 : i32
      %dma_wait3A_310 = tpu.memref_slice %arg6[%dma_wait3A_308, %dma_wait3A_309] : memref<4x80xi32, #tpu.memory_space<vmem>> -> memref<1x80xi32, #tpu.memory_space<vmem>>
      %dma_wait3A_311 = tpu.memref_squeeze %dma_wait3A_310 : memref<1x80xi32, #tpu.memory_space<vmem>> -> memref<80xi32, #tpu.memory_space<vmem>>
      %dma_wait3A_312 = arith.constant 0 : i32
      %dma_wait3A_313 = tpu.memref_slice %arg3[%add3A, %add3A_307, %dma_wait3A_312] : memref<32x125x80xi32, #tpu.memory_space<hbm>> -> memref<1x1x80xi32, #tpu.memory_space<hbm>>
      %dma_wait3A_314 = tpu.memref_squeeze %dma_wait3A_313 : memref<1x1x80xi32, #tpu.memory_space<hbm>> -> memref<80xi32, #tpu.memory_space<hbm>>
      %dma_wait3A_315 = arith.constant 0 : i32
      %dma_wait3A_316 = tpu.memref_slice %arg6[%dma_wait3A_308, %dma_wait3A_315] : memref<4x80xi32, #tpu.memory_space<vmem>> -> memref<1x80xi32, #tpu.memory_space<vmem>>
      %dma_wait3A_317 = tpu.memref_squeeze %dma_wait3A_316 : memref<1x80xi32, #tpu.memory_space<vmem>> -> memref<80xi32, #tpu.memory_space<vmem>>
      %dma_wait3A_318 = arith.constant 0 : i32
      %dma_wait3A_319 = tpu.memref_slice %arg3[%add3A, %add3A_307, %dma_wait3A_318] : memref<32x125x80xi32, #tpu.memory_space<hbm>> -> memref<1x1x80xi32, #tpu.memory_space<hbm>>
      %dma_wait3A_320 = tpu.memref_squeeze %dma_wait3A_319 : memref<1x1x80xi32, #tpu.memory_space<hbm>> -> memref<80xi32, #tpu.memory_space<hbm>>
      tpu.wait_dma2 semaphore(%arg12 : memref<!tpu.dma_semaphore, #tpu.memory_space<semaphore_mem>>) src(%dma_wait3A_320 : memref<80xi32, #tpu.memory_space<hbm>>) dst(%dma_wait3A_317 : memref<80xi32, #tpu.memory_space<vmem>>)
      %dma_wait3A_321 = arith.constant 2 : i32
      %dma_wait3A_322 = arith.constant 0 : i32
      %dma_wait3A_323 = tpu.memref_slice %arg7[%dma_wait3A_321, %dma_wait3A_322] : memref<4x80xi32, #tpu.memory_space<vmem>> -> memref<1x80xi32, #tpu.memory_space<vmem>>
      %dma_wait3A_324 = tpu.memref_squeeze %dma_wait3A_323 : memref<1x80xi32, #tpu.memory_space<vmem>> -> memref<80xi32, #tpu.memory_space<vmem>>
      %dma_wait3A_325 = arith.constant 0 : i32
      %dma_wait3A_326 = tpu.memref_slice %arg4[%add3A, %add3A_307, %dma_wait3A_325] : memref<32x125x80xi32, #tpu.memory_space<hbm>> -> memref<1x1x80xi32, #tpu.memory_space<hbm>>
      %dma_wait3A_327 = tpu.memref_squeeze %dma_wait3A_326 : memref<1x1x80xi32, #tpu.memory_space<hbm>> -> memref<80xi32, #tpu.memory_space<hbm>>
      %dma_wait3A_328 = arith.constant 0 : i32
      %dma_wait3A_329 = tpu.memref_slice %arg7[%dma_wait3A_321, %dma_wait3A_328] : memref<4x80xi32, #tpu.memory_space<vmem>> -> memref<1x80xi32, #tpu.memory_space<vmem>>
      %dma_wait3A_330 = tpu.memref_squeeze %dma_wait3A_329 : memref<1x80xi32, #tpu.memory_space<vmem>> -> memref<80xi32, #tpu.memory_space<vmem>>
      %dma_wait3A_331 = arith.constant 0 : i32
      %dma_wait3A_332 = tpu.memref_slice %arg4[%add3A, %add3A_307, %dma_wait3A_331] : memref<32x125x80xi32, #tpu.memory_space<hbm>> -> memref<1x1x80xi32, #tpu.memory_space<hbm>>
      %dma_wait3A_333 = tpu.memref_squeeze %dma_wait3A_332 : memref<1x1x80xi32, #tpu.memory_space<hbm>> -> memref<80xi32, #tpu.memory_space<hbm>>
      tpu.wait_dma2 semaphore(%arg12 : memref<!tpu.dma_semaphore, #tpu.memory_space<semaphore_mem>>) src(%dma_wait3A_333 : memref<80xi32, #tpu.memory_space<hbm>>) dst(%dma_wait3A_330 : memref<80xi32, #tpu.memory_space<vmem>>)
      %add3A_334 = arith.constant 1 : i32
      %add3A_335 = arith.addi %add3A_293, %add3A_334 : i32
      %dma_start3A_336 = arith.constant 2 : i32
      %dma_start3A_337 = arith.constant 2 : i32
      %dma_start3A_338 = arith.constant 0 : i32
      %dma_start3A_339 = arith.constant 0 : i32
      %dma_start3A_340 = tpu.memref_slice %arg8[%dma_start3A_337, %dma_start3A_338, %dma_start3A_339] : memref<4x80x128xf32, #tpu.memory_space<vmem>> -> memref<1x80x128xf32, #tpu.memory_space<vmem>>
      %dma_start3A_341 = tpu.memref_squeeze %dma_start3A_340 : memref<1x80x128xf32, #tpu.memory_space<vmem>> -> memref<80x128xf32, #tpu.memory_space<vmem>>
      %dma_start3A_342 = arith.constant 0 : i32
      %dma_start3A_343 = tpu.memref_slice %arg6[%dma_start3A_336, %dma_start3A_342] : memref<4x80xi32, #tpu.memory_space<vmem>> -> memref<1x80xi32, #tpu.memory_space<vmem>>
      %dma_start3A_344 = tpu.memref_squeeze %dma_start3A_343 : memref<1x80xi32, #tpu.memory_space<vmem>> -> memref<80xi32, #tpu.memory_space<vmem>>
      %dma_start3A_345 = arith.constant 0 : i32
      %dma_start3A_346 = arith.constant 0 : i32
      %dma_start3A_347 = tpu.memref_slice %arg2[%dma_start3A_345, %dma_start3A_346] : memref<10240x128xf32, #tpu.memory_space<hbm>> -> memref<10240x128xf32, #tpu.memory_space<hbm>>
      tpu.enqueue_indirect_dma source(%dma_start3A_347 : memref<10240x128xf32, #tpu.memory_space<hbm>>) target(%dma_start3A_341 : memref<80x128xf32, #tpu.memory_space<vmem>>) offsets(%dma_start3A_344 : memref<80xi32, #tpu.memory_space<vmem>>) semaphore(%arg16 : memref<!tpu.dma_semaphore, #tpu.memory_space<semaphore_mem>>)
      %dma_wait3A_348 = arith.constant 1 : i32
      %dma_wait3A_349 = arith.constant 1 : i32
      %dma_wait3A_350 = arith.constant 0 : i32
      %dma_wait3A_351 = arith.constant 0 : i32
      %dma_wait3A_352 = tpu.memref_slice %arg8[%dma_wait3A_349, %dma_wait3A_350, %dma_wait3A_351] : memref<4x80x128xf32, #tpu.memory_space<vmem>> -> memref<1x80x128xf32, #tpu.memory_space<vmem>>
      %dma_wait3A_353 = tpu.memref_squeeze %dma_wait3A_352 : memref<1x80x128xf32, #tpu.memory_space<vmem>> -> memref<80x128xf32, #tpu.memory_space<vmem>>
      %dma_wait3A_354 = arith.constant 0 : i32
      %dma_wait3A_355 = tpu.memref_slice %arg6[%dma_wait3A_348, %dma_wait3A_354] : memref<4x80xi32, #tpu.memory_space<vmem>> -> memref<1x80xi32, #tpu.memory_space<vmem>>
      %dma_wait3A_356 = tpu.memref_squeeze %dma_wait3A_355 : memref<1x80xi32, #tpu.memory_space<vmem>> -> memref<80xi32, #tpu.memory_space<vmem>>
      %dma_wait3A_357 = arith.constant 0 : i32
      %dma_wait3A_358 = arith.constant 0 : i32
      %dma_wait3A_359 = tpu.memref_slice %arg2[%dma_wait3A_357, %dma_wait3A_358] : memref<10240x128xf32, #tpu.memory_space<hbm>> -> memref<10240x128xf32, #tpu.memory_space<hbm>>
      tpu.wait_indirect_dma semaphore(%arg15 : memref<!tpu.dma_semaphore, #tpu.memory_space<semaphore_mem>>) src(%dma_wait3A_359 : memref<10240x128xf32, #tpu.memory_space<hbm>>) dst(%dma_wait3A_353 : memref<80x128xf32, #tpu.memory_space<vmem>>)
      %dma_start3A_360 = arith.constant 1 : i32
      %dma_start3A_361 = arith.constant 1 : i32
      %dma_start3A_362 = arith.constant 0 : i32
      %dma_start3A_363 = arith.constant 0 : i32
      %dma_start3A_364 = tpu.memref_slice %arg8[%dma_start3A_360, %dma_start3A_362, %dma_start3A_363] : memref<4x80x128xf32, #tpu.memory_space<vmem>> -> memref<1x80x128xf32, #tpu.memory_space<vmem>>
      %dma_start3A_365 = tpu.memref_squeeze %dma_start3A_364 : memref<1x80x128xf32, #tpu.memory_space<vmem>> -> memref<80x128xf32, #tpu.memory_space<vmem>>
      %dma_start3A_366 = arith.constant 0 : i32
      %dma_start3A_367 = tpu.memref_slice %arg7[%dma_start3A_361, %dma_start3A_366] : memref<4x80xi32, #tpu.memory_space<vmem>> -> memref<1x80xi32, #tpu.memory_space<vmem>>
      %dma_start3A_368 = tpu.memref_squeeze %dma_start3A_367 : memref<1x80xi32, #tpu.memory_space<vmem>> -> memref<80xi32, #tpu.memory_space<vmem>>
      %dma_start3A_369 = arith.constant 0 : i32
      %dma_start3A_370 = arith.constant 0 : i32
      %dma_start3A_371 = tpu.memref_slice %arg9[%dma_start3A_369, %dma_start3A_370] : memref<10240x128xf32, #tpu.memory_space<vmem_shared>> -> memref<10240x128xf32, #tpu.memory_space<vmem_shared>>
      tpu.enqueue_indirect_dma source(%dma_start3A_365 : memref<80x128xf32, #tpu.memory_space<vmem>>) target(%dma_start3A_371 : memref<10240x128xf32, #tpu.memory_space<vmem_shared>>) offsets(%dma_start3A_368 : memref<80xi32, #tpu.memory_space<vmem>>) semaphore(%arg18 : memref<!tpu.dma_semaphore, #tpu.memory_space<semaphore_mem>>) {add = true}
      %mul3A_372 = arith.constant 4 : i32
      %mul3A_373 = arith.muli %scan3A_211, %mul3A_372 : i32
      %add3A_374 = arith.constant 2 : i32
      %add3A_375 = arith.addi %mul3A_373, %add3A_374 : i32
      %gt3A_376 = arith.constant 1 : i32
      %gt3A_377 = arith.cmpi sgt, %add3A_375, %gt3A_376 : i32
      %convert_element_type3A_378 = arith.extui %gt3A_377 : i1 to i32
      %cond3A_379 = arith.constant 0 : i32
      %cond3A_380 = arith.cmpi ne, %convert_element_type3A_378, %cond3A_379 : i32
      scf.if %cond3A_380 {
        %sub3A = arith.constant 2 : i32
        %sub3A_536 = arith.subi %add3A_375, %sub3A : i32
        %dma_wait3A_537 = arith.constant 0 : i32
        %dma_wait3A_538 = arith.constant 0 : i32
        %dma_wait3A_539 = arith.constant 0 : i32
        %dma_wait3A_540 = arith.constant 0 : i32
        %dma_wait3A_541 = tpu.memref_slice %arg8[%dma_wait3A_537, %dma_wait3A_539, %dma_wait3A_540] : memref<4x80x128xf32, #tpu.memory_space<vmem>> -> memref<1x80x128xf32, #tpu.memory_space<vmem>>
        %dma_wait3A_542 = tpu.memref_squeeze %dma_wait3A_541 : memref<1x80x128xf32, #tpu.memory_space<vmem>> -> memref<80x128xf32, #tpu.memory_space<vmem>>
        %dma_wait3A_543 = arith.constant 0 : i32
        %dma_wait3A_544 = tpu.memref_slice %arg7[%dma_wait3A_538, %dma_wait3A_543] : memref<4x80xi32, #tpu.memory_space<vmem>> -> memref<1x80xi32, #tpu.memory_space<vmem>>
        %dma_wait3A_545 = tpu.memref_squeeze %dma_wait3A_544 : memref<1x80xi32, #tpu.memory_space<vmem>> -> memref<80xi32, #tpu.memory_space<vmem>>
        %dma_wait3A_546 = arith.constant 0 : i32
        %dma_wait3A_547 = arith.constant 0 : i32
        %dma_wait3A_548 = tpu.memref_slice %arg9[%dma_wait3A_546, %dma_wait3A_547] : memref<10240x128xf32, #tpu.memory_space<vmem_shared>> -> memref<10240x128xf32, #tpu.memory_space<vmem_shared>>
        tpu.wait_indirect_dma semaphore(%arg18 : memref<!tpu.dma_semaphore, #tpu.memory_space<semaphore_mem>>) src(%dma_wait3A_542 : memref<80x128xf32, #tpu.memory_space<vmem>>) dst(%dma_wait3A_548 : memref<10240x128xf32, #tpu.memory_space<vmem_shared>>)
      } else {
      }
      %add3A_381 = arith.constant 2 : i32
      %add3A_382 = arith.addi %add3A_375, %add3A_381 : i32
      %lt3A_383 = arith.constant 125 : i32
      %lt3A_384 = arith.cmpi slt, %add3A_382, %lt3A_383 : i32
      %convert_element_type3A_385 = arith.extui %lt3A_384 : i1 to i32
      %cond3A_386 = arith.constant 0 : i32
      %cond3A_387 = arith.cmpi ne, %convert_element_type3A_385, %cond3A_386 : i32
      scf.if %cond3A_387 {
        %add3A_536 = arith.constant 2 : i32
        %add3A_537 = arith.addi %add3A_375, %add3A_536 : i32
        %dma_start3A_538 = arith.constant 0 : i32
        %dma_start3A_539 = arith.constant 0 : i32
        %dma_start3A_540 = tpu.memref_slice %arg6[%dma_start3A_538, %dma_start3A_539] : memref<4x80xi32, #tpu.memory_space<vmem>> -> memref<1x80xi32, #tpu.memory_space<vmem>>
        %dma_start3A_541 = tpu.memref_squeeze %dma_start3A_540 : memref<1x80xi32, #tpu.memory_space<vmem>> -> memref<80xi32, #tpu.memory_space<vmem>>
        %dma_start3A_542 = arith.constant 0 : i32
        %dma_start3A_543 = tpu.memref_slice %arg3[%add3A, %add3A_537, %dma_start3A_542] : memref<32x125x80xi32, #tpu.memory_space<hbm>> -> memref<1x1x80xi32, #tpu.memory_space<hbm>>
        %dma_start3A_544 = tpu.memref_squeeze %dma_start3A_543 : memref<1x1x80xi32, #tpu.memory_space<hbm>> -> memref<80xi32, #tpu.memory_space<hbm>>
        %dma_start3A_545 = arith.constant 0 : i32
        %dma_start3A_546 = tpu.memref_slice %arg6[%dma_start3A_538, %dma_start3A_545] : memref<4x80xi32, #tpu.memory_space<vmem>> -> memref<1x80xi32, #tpu.memory_space<vmem>>
        %dma_start3A_547 = tpu.memref_squeeze %dma_start3A_546 : memref<1x80xi32, #tpu.memory_space<vmem>> -> memref<80xi32, #tpu.memory_space<vmem>>
        %dma_start3A_548 = arith.constant 0 : i32
        %dma_start3A_549 = tpu.memref_slice %arg3[%add3A, %add3A_537, %dma_start3A_548] : memref<32x125x80xi32, #tpu.memory_space<hbm>> -> memref<1x1x80xi32, #tpu.memory_space<hbm>>
        %dma_start3A_550 = tpu.memref_squeeze %dma_start3A_549 : memref<1x1x80xi32, #tpu.memory_space<hbm>> -> memref<80xi32, #tpu.memory_space<hbm>>
        tpu.enqueue_dma source(%dma_start3A_550 : memref<80xi32, #tpu.memory_space<hbm>>) target(%dma_start3A_547 : memref<80xi32, #tpu.memory_space<vmem>>) target_semaphore(%arg10 : memref<!tpu.dma_semaphore, #tpu.memory_space<semaphore_mem>>)
        %dma_start3A_551 = arith.constant 0 : i32
        %dma_start3A_552 = arith.constant 0 : i32
        %dma_start3A_553 = tpu.memref_slice %arg7[%dma_start3A_551, %dma_start3A_552] : memref<4x80xi32, #tpu.memory_space<vmem>> -> memref<1x80xi32, #tpu.memory_space<vmem>>
        %dma_start3A_554 = tpu.memref_squeeze %dma_start3A_553 : memref<1x80xi32, #tpu.memory_space<vmem>> -> memref<80xi32, #tpu.memory_space<vmem>>
        %dma_start3A_555 = arith.constant 0 : i32
        %dma_start3A_556 = tpu.memref_slice %arg4[%add3A, %add3A_537, %dma_start3A_555] : memref<32x125x80xi32, #tpu.memory_space<hbm>> -> memref<1x1x80xi32, #tpu.memory_space<hbm>>
        %dma_start3A_557 = tpu.memref_squeeze %dma_start3A_556 : memref<1x1x80xi32, #tpu.memory_space<hbm>> -> memref<80xi32, #tpu.memory_space<hbm>>
        %dma_start3A_558 = arith.constant 0 : i32
        %dma_start3A_559 = tpu.memref_slice %arg7[%dma_start3A_551, %dma_start3A_558] : memref<4x80xi32, #tpu.memory_space<vmem>> -> memref<1x80xi32, #tpu.memory_space<vmem>>
        %dma_start3A_560 = tpu.memref_squeeze %dma_start3A_559 : memref<1x80xi32, #tpu.memory_space<vmem>> -> memref<80xi32, #tpu.memory_space<vmem>>
        %dma_start3A_561 = arith.constant 0 : i32
        %dma_start3A_562 = tpu.memref_slice %arg4[%add3A, %add3A_537, %dma_start3A_561] : memref<32x125x80xi32, #tpu.memory_space<hbm>> -> memref<1x1x80xi32, #tpu.memory_space<hbm>>
        %dma_start3A_563 = tpu.memref_squeeze %dma_start3A_562 : memref<1x1x80xi32, #tpu.memory_space<hbm>> -> memref<80xi32, #tpu.memory_space<hbm>>
        tpu.enqueue_dma source(%dma_start3A_563 : memref<80xi32, #tpu.memory_space<hbm>>) target(%dma_start3A_560 : memref<80xi32, #tpu.memory_space<vmem>>) target_semaphore(%arg10 : memref<!tpu.dma_semaphore, #tpu.memory_space<semaphore_mem>>)
      } else {
      }
      %add3A_388 = arith.constant 1 : i32
      %add3A_389 = arith.addi %add3A_375, %add3A_388 : i32
      %dma_wait3A_390 = arith.constant 3 : i32
      %dma_wait3A_391 = arith.constant 0 : i32
      %dma_wait3A_392 = tpu.memref_slice %arg6[%dma_wait3A_390, %dma_wait3A_391] : memref<4x80xi32, #tpu.memory_space<vmem>> -> memref<1x80xi32, #tpu.memory_space<vmem>>
      %dma_wait3A_393 = tpu.memref_squeeze %dma_wait3A_392 : memref<1x80xi32, #tpu.memory_space<vmem>> -> memref<80xi32, #tpu.memory_space<vmem>>
      %dma_wait3A_394 = arith.constant 0 : i32
      %dma_wait3A_395 = tpu.memref_slice %arg3[%add3A, %add3A_389, %dma_wait3A_394] : memref<32x125x80xi32, #tpu.memory_space<hbm>> -> memref<1x1x80xi32, #tpu.memory_space<hbm>>
      %dma_wait3A_396 = tpu.memref_squeeze %dma_wait3A_395 : memref<1x1x80xi32, #tpu.memory_space<hbm>> -> memref<80xi32, #tpu.memory_space<hbm>>
      %dma_wait3A_397 = arith.constant 0 : i32
      %dma_wait3A_398 = tpu.memref_slice %arg6[%dma_wait3A_390, %dma_wait3A_397] : memref<4x80xi32, #tpu.memory_space<vmem>> -> memref<1x80xi32, #tpu.memory_space<vmem>>
      %dma_wait3A_399 = tpu.memref_squeeze %dma_wait3A_398 : memref<1x80xi32, #tpu.memory_space<vmem>> -> memref<80xi32, #tpu.memory_space<vmem>>
      %dma_wait3A_400 = arith.constant 0 : i32
      %dma_wait3A_401 = tpu.memref_slice %arg3[%add3A, %add3A_389, %dma_wait3A_400] : memref<32x125x80xi32, #tpu.memory_space<hbm>> -> memref<1x1x80xi32, #tpu.memory_space<hbm>>
      %dma_wait3A_402 = tpu.memref_squeeze %dma_wait3A_401 : memref<1x1x80xi32, #tpu.memory_space<hbm>> -> memref<80xi32, #tpu.memory_space<hbm>>
      tpu.wait_dma2 semaphore(%arg13 : memref<!tpu.dma_semaphore, #tpu.memory_space<semaphore_mem>>) src(%dma_wait3A_402 : memref<80xi32, #tpu.memory_space<hbm>>) dst(%dma_wait3A_399 : memref<80xi32, #tpu.memory_space<vmem>>)
      %dma_wait3A_403 = arith.constant 3 : i32
      %dma_wait3A_404 = arith.constant 0 : i32
      %dma_wait3A_405 = tpu.memref_slice %arg7[%dma_wait3A_403, %dma_wait3A_404] : memref<4x80xi32, #tpu.memory_space<vmem>> -> memref<1x80xi32, #tpu.memory_space<vmem>>
      %dma_wait3A_406 = tpu.memref_squeeze %dma_wait3A_405 : memref<1x80xi32, #tpu.memory_space<vmem>> -> memref<80xi32, #tpu.memory_space<vmem>>
      %dma_wait3A_407 = arith.constant 0 : i32
      %dma_wait3A_408 = tpu.memref_slice %arg4[%add3A, %add3A_389, %dma_wait3A_407] : memref<32x125x80xi32, #tpu.memory_space<hbm>> -> memref<1x1x80xi32, #tpu.memory_space<hbm>>
      %dma_wait3A_409 = tpu.memref_squeeze %dma_wait3A_408 : memref<1x1x80xi32, #tpu.memory_space<hbm>> -> memref<80xi32, #tpu.memory_space<hbm>>
      %dma_wait3A_410 = arith.constant 0 : i32
      %dma_wait3A_411 = tpu.memref_slice %arg7[%dma_wait3A_403, %dma_wait3A_410] : memref<4x80xi32, #tpu.memory_space<vmem>> -> memref<1x80xi32, #tpu.memory_space<vmem>>
      %dma_wait3A_412 = tpu.memref_squeeze %dma_wait3A_411 : memref<1x80xi32, #tpu.memory_space<vmem>> -> memref<80xi32, #tpu.memory_space<vmem>>
      %dma_wait3A_413 = arith.constant 0 : i32
      %dma_wait3A_414 = tpu.memref_slice %arg4[%add3A, %add3A_389, %dma_wait3A_413] : memref<32x125x80xi32, #tpu.memory_space<hbm>> -> memref<1x1x80xi32, #tpu.memory_space<hbm>>
      %dma_wait3A_415 = tpu.memref_squeeze %dma_wait3A_414 : memref<1x1x80xi32, #tpu.memory_space<hbm>> -> memref<80xi32, #tpu.memory_space<hbm>>
      tpu.wait_dma2 semaphore(%arg13 : memref<!tpu.dma_semaphore, #tpu.memory_space<semaphore_mem>>) src(%dma_wait3A_415 : memref<80xi32, #tpu.memory_space<hbm>>) dst(%dma_wait3A_412 : memref<80xi32, #tpu.memory_space<vmem>>)
      %add3A_416 = arith.constant 1 : i32
      %add3A_417 = arith.addi %add3A_375, %add3A_416 : i32
      %dma_start3A_418 = arith.constant 3 : i32
      %dma_start3A_419 = arith.constant 3 : i32
      %dma_start3A_420 = arith.constant 0 : i32
      %dma_start3A_421 = arith.constant 0 : i32
      %dma_start3A_422 = tpu.memref_slice %arg8[%dma_start3A_419, %dma_start3A_420, %dma_start3A_421] : memref<4x80x128xf32, #tpu.memory_space<vmem>> -> memref<1x80x128xf32, #tpu.memory_space<vmem>>
      %dma_start3A_423 = tpu.memref_squeeze %dma_start3A_422 : memref<1x80x128xf32, #tpu.memory_space<vmem>> -> memref<80x128xf32, #tpu.memory_space<vmem>>
      %dma_start3A_424 = arith.constant 0 : i32
      %dma_start3A_425 = tpu.memref_slice %arg6[%dma_start3A_418, %dma_start3A_424] : memref<4x80xi32, #tpu.memory_space<vmem>> -> memref<1x80xi32, #tpu.memory_space<vmem>>
      %dma_start3A_426 = tpu.memref_squeeze %dma_start3A_425 : memref<1x80xi32, #tpu.memory_space<vmem>> -> memref<80xi32, #tpu.memory_space<vmem>>
      %dma_start3A_427 = arith.constant 0 : i32
      %dma_start3A_428 = arith.constant 0 : i32
      %dma_start3A_429 = tpu.memref_slice %arg2[%dma_start3A_427, %dma_start3A_428] : memref<10240x128xf32, #tpu.memory_space<hbm>> -> memref<10240x128xf32, #tpu.memory_space<hbm>>
      tpu.enqueue_indirect_dma source(%dma_start3A_429 : memref<10240x128xf32, #tpu.memory_space<hbm>>) target(%dma_start3A_423 : memref<80x128xf32, #tpu.memory_space<vmem>>) offsets(%dma_start3A_426 : memref<80xi32, #tpu.memory_space<vmem>>) semaphore(%arg17 : memref<!tpu.dma_semaphore, #tpu.memory_space<semaphore_mem>>)
      %dma_wait3A_430 = arith.constant 2 : i32
      %dma_wait3A_431 = arith.constant 2 : i32
      %dma_wait3A_432 = arith.constant 0 : i32
      %dma_wait3A_433 = arith.constant 0 : i32
      %dma_wait3A_434 = tpu.memref_slice %arg8[%dma_wait3A_431, %dma_wait3A_432, %dma_wait3A_433] : memref<4x80x128xf32, #tpu.memory_space<vmem>> -> memref<1x80x128xf32, #tpu.memory_space<vmem>>
      %dma_wait3A_435 = tpu.memref_squeeze %dma_wait3A_434 : memref<1x80x128xf32, #tpu.memory_space<vmem>> -> memref<80x128xf32, #tpu.memory_space<vmem>>
      %dma_wait3A_436 = arith.constant 0 : i32
      %dma_wait3A_437 = tpu.memref_slice %arg6[%dma_wait3A_430, %dma_wait3A_436] : memref<4x80xi32, #tpu.memory_space<vmem>> -> memref<1x80xi32, #tpu.memory_space<vmem>>
      %dma_wait3A_438 = tpu.memref_squeeze %dma_wait3A_437 : memref<1x80xi32, #tpu.memory_space<vmem>> -> memref<80xi32, #tpu.memory_space<vmem>>
      %dma_wait3A_439 = arith.constant 0 : i32
      %dma_wait3A_440 = arith.constant 0 : i32
      %dma_wait3A_441 = tpu.memref_slice %arg2[%dma_wait3A_439, %dma_wait3A_440] : memref<10240x128xf32, #tpu.memory_space<hbm>> -> memref<10240x128xf32, #tpu.memory_space<hbm>>
      tpu.wait_indirect_dma semaphore(%arg16 : memref<!tpu.dma_semaphore, #tpu.memory_space<semaphore_mem>>) src(%dma_wait3A_441 : memref<10240x128xf32, #tpu.memory_space<hbm>>) dst(%dma_wait3A_435 : memref<80x128xf32, #tpu.memory_space<vmem>>)
      %dma_start3A_442 = arith.constant 2 : i32
      %dma_start3A_443 = arith.constant 2 : i32
      %dma_start3A_444 = arith.constant 0 : i32
      %dma_start3A_445 = arith.constant 0 : i32
      %dma_start3A_446 = tpu.memref_slice %arg8[%dma_start3A_442, %dma_start3A_444, %dma_start3A_445] : memref<4x80x128xf32, #tpu.memory_space<vmem>> -> memref<1x80x128xf32, #tpu.memory_space<vmem>>
      %dma_start3A_447 = tpu.memref_squeeze %dma_start3A_446 : memref<1x80x128xf32, #tpu.memory_space<vmem>> -> memref<80x128xf32, #tpu.memory_space<vmem>>
      %dma_start3A_448 = arith.constant 0 : i32
      %dma_start3A_449 = tpu.memref_slice %arg7[%dma_start3A_443, %dma_start3A_448] : memref<4x80xi32, #tpu.memory_space<vmem>> -> memref<1x80xi32, #tpu.memory_space<vmem>>
      %dma_start3A_450 = tpu.memref_squeeze %dma_start3A_449 : memref<1x80xi32, #tpu.memory_space<vmem>> -> memref<80xi32, #tpu.memory_space<vmem>>
      %dma_start3A_451 = arith.constant 0 : i32
      %dma_start3A_452 = arith.constant 0 : i32
      %dma_start3A_453 = tpu.memref_slice %arg9[%dma_start3A_451, %dma_start3A_452] : memref<10240x128xf32, #tpu.memory_space<vmem_shared>> -> memref<10240x128xf32, #tpu.memory_space<vmem_shared>>
      tpu.enqueue_indirect_dma source(%dma_start3A_447 : memref<80x128xf32, #tpu.memory_space<vmem>>) target(%dma_start3A_453 : memref<10240x128xf32, #tpu.memory_space<vmem_shared>>) offsets(%dma_start3A_450 : memref<80xi32, #tpu.memory_space<vmem>>) semaphore(%arg18 : memref<!tpu.dma_semaphore, #tpu.memory_space<semaphore_mem>>) {add = true}
      %mul3A_454 = arith.constant 4 : i32
      %mul3A_455 = arith.muli %scan3A_211, %mul3A_454 : i32
      %add3A_456 = arith.constant 3 : i32
      %add3A_457 = arith.addi %mul3A_455, %add3A_456 : i32
      %gt3A_458 = arith.constant 1 : i32
      %gt3A_459 = arith.cmpi sgt, %add3A_457, %gt3A_458 : i32
      %convert_element_type3A_460 = arith.extui %gt3A_459 : i1 to i32
      %cond3A_461 = arith.constant 0 : i32
      %cond3A_462 = arith.cmpi ne, %convert_element_type3A_460, %cond3A_461 : i32
      scf.if %cond3A_462 {
        %sub3A = arith.constant 2 : i32
        %sub3A_536 = arith.subi %add3A_457, %sub3A : i32
        %dma_wait3A_537 = arith.constant 1 : i32
        %dma_wait3A_538 = arith.constant 1 : i32
        %dma_wait3A_539 = arith.constant 0 : i32
        %dma_wait3A_540 = arith.constant 0 : i32
        %dma_wait3A_541 = tpu.memref_slice %arg8[%dma_wait3A_537, %dma_wait3A_539, %dma_wait3A_540] : memref<4x80x128xf32, #tpu.memory_space<vmem>> -> memref<1x80x128xf32, #tpu.memory_space<vmem>>
        %dma_wait3A_542 = tpu.memref_squeeze %dma_wait3A_541 : memref<1x80x128xf32, #tpu.memory_space<vmem>> -> memref<80x128xf32, #tpu.memory_space<vmem>>
        %dma_wait3A_543 = arith.constant 0 : i32
        %dma_wait3A_544 = tpu.memref_slice %arg7[%dma_wait3A_538, %dma_wait3A_543] : memref<4x80xi32, #tpu.memory_space<vmem>> -> memref<1x80xi32, #tpu.memory_space<vmem>>
        %dma_wait3A_545 = tpu.memref_squeeze %dma_wait3A_544 : memref<1x80xi32, #tpu.memory_space<vmem>> -> memref<80xi32, #tpu.memory_space<vmem>>
        %dma_wait3A_546 = arith.constant 0 : i32
        %dma_wait3A_547 = arith.constant 0 : i32
        %dma_wait3A_548 = tpu.memref_slice %arg9[%dma_wait3A_546, %dma_wait3A_547] : memref<10240x128xf32, #tpu.memory_space<vmem_shared>> -> memref<10240x128xf32, #tpu.memory_space<vmem_shared>>
        tpu.wait_indirect_dma semaphore(%arg18 : memref<!tpu.dma_semaphore, #tpu.memory_space<semaphore_mem>>) src(%dma_wait3A_542 : memref<80x128xf32, #tpu.memory_space<vmem>>) dst(%dma_wait3A_548 : memref<10240x128xf32, #tpu.memory_space<vmem_shared>>)
      } else {
      }
      %add3A_463 = arith.constant 2 : i32
      %add3A_464 = arith.addi %add3A_457, %add3A_463 : i32
      %lt3A_465 = arith.constant 125 : i32
      %lt3A_466 = arith.cmpi slt, %add3A_464, %lt3A_465 : i32
      %convert_element_type3A_467 = arith.extui %lt3A_466 : i1 to i32
      %cond3A_468 = arith.constant 0 : i32
      %cond3A_469 = arith.cmpi ne, %convert_element_type3A_467, %cond3A_468 : i32
      scf.if %cond3A_469 {
        %add3A_536 = arith.constant 2 : i32
        %add3A_537 = arith.addi %add3A_457, %add3A_536 : i32
        %dma_start3A_538 = arith.constant 1 : i32
        %dma_start3A_539 = arith.constant 0 : i32
        %dma_start3A_540 = tpu.memref_slice %arg6[%dma_start3A_538, %dma_start3A_539] : memref<4x80xi32, #tpu.memory_space<vmem>> -> memref<1x80xi32, #tpu.memory_space<vmem>>
        %dma_start3A_541 = tpu.memref_squeeze %dma_start3A_540 : memref<1x80xi32, #tpu.memory_space<vmem>> -> memref<80xi32, #tpu.memory_space<vmem>>
        %dma_start3A_542 = arith.constant 0 : i32
        %dma_start3A_543 = tpu.memref_slice %arg3[%add3A, %add3A_537, %dma_start3A_542] : memref<32x125x80xi32, #tpu.memory_space<hbm>> -> memref<1x1x80xi32, #tpu.memory_space<hbm>>
        %dma_start3A_544 = tpu.memref_squeeze %dma_start3A_543 : memref<1x1x80xi32, #tpu.memory_space<hbm>> -> memref<80xi32, #tpu.memory_space<hbm>>
        %dma_start3A_545 = arith.constant 0 : i32
        %dma_start3A_546 = tpu.memref_slice %arg6[%dma_start3A_538, %dma_start3A_545] : memref<4x80xi32, #tpu.memory_space<vmem>> -> memref<1x80xi32, #tpu.memory_space<vmem>>
        %dma_start3A_547 = tpu.memref_squeeze %dma_start3A_546 : memref<1x80xi32, #tpu.memory_space<vmem>> -> memref<80xi32, #tpu.memory_space<vmem>>
        %dma_start3A_548 = arith.constant 0 : i32
        %dma_start3A_549 = tpu.memref_slice %arg3[%add3A, %add3A_537, %dma_start3A_548] : memref<32x125x80xi32, #tpu.memory_space<hbm>> -> memref<1x1x80xi32, #tpu.memory_space<hbm>>
        %dma_start3A_550 = tpu.memref_squeeze %dma_start3A_549 : memref<1x1x80xi32, #tpu.memory_space<hbm>> -> memref<80xi32, #tpu.memory_space<hbm>>
        tpu.enqueue_dma source(%dma_start3A_550 : memref<80xi32, #tpu.memory_space<hbm>>) target(%dma_start3A_547 : memref<80xi32, #tpu.memory_space<vmem>>) target_semaphore(%arg11 : memref<!tpu.dma_semaphore, #tpu.memory_space<semaphore_mem>>)
        %dma_start3A_551 = arith.constant 1 : i32
        %dma_start3A_552 = arith.constant 0 : i32
        %dma_start3A_553 = tpu.memref_slice %arg7[%dma_start3A_551, %dma_start3A_552] : memref<4x80xi32, #tpu.memory_space<vmem>> -> memref<1x80xi32, #tpu.memory_space<vmem>>
        %dma_start3A_554 = tpu.memref_squeeze %dma_start3A_553 : memref<1x80xi32, #tpu.memory_space<vmem>> -> memref<80xi32, #tpu.memory_space<vmem>>
        %dma_start3A_555 = arith.constant 0 : i32
        %dma_start3A_556 = tpu.memref_slice %arg4[%add3A, %add3A_537, %dma_start3A_555] : memref<32x125x80xi32, #tpu.memory_space<hbm>> -> memref<1x1x80xi32, #tpu.memory_space<hbm>>
        %dma_start3A_557 = tpu.memref_squeeze %dma_start3A_556 : memref<1x1x80xi32, #tpu.memory_space<hbm>> -> memref<80xi32, #tpu.memory_space<hbm>>
        %dma_start3A_558 = arith.constant 0 : i32
        %dma_start3A_559 = tpu.memref_slice %arg7[%dma_start3A_551, %dma_start3A_558] : memref<4x80xi32, #tpu.memory_space<vmem>> -> memref<1x80xi32, #tpu.memory_space<vmem>>
        %dma_start3A_560 = tpu.memref_squeeze %dma_start3A_559 : memref<1x80xi32, #tpu.memory_space<vmem>> -> memref<80xi32, #tpu.memory_space<vmem>>
        %dma_start3A_561 = arith.constant 0 : i32
        %dma_start3A_562 = tpu.memref_slice %arg4[%add3A, %add3A_537, %dma_start3A_561] : memref<32x125x80xi32, #tpu.memory_space<hbm>> -> memref<1x1x80xi32, #tpu.memory_space<hbm>>
        %dma_start3A_563 = tpu.memref_squeeze %dma_start3A_562 : memref<1x1x80xi32, #tpu.memory_space<hbm>> -> memref<80xi32, #tpu.memory_space<hbm>>
        tpu.enqueue_dma source(%dma_start3A_563 : memref<80xi32, #tpu.memory_space<hbm>>) target(%dma_start3A_560 : memref<80xi32, #tpu.memory_space<vmem>>) target_semaphore(%arg11 : memref<!tpu.dma_semaphore, #tpu.memory_space<semaphore_mem>>)
      } else {
      }
      %add3A_470 = arith.constant 1 : i32
      %add3A_471 = arith.addi %add3A_457, %add3A_470 : i32
      %dma_wait3A_472 = arith.constant 0 : i32
      %dma_wait3A_473 = arith.constant 0 : i32
      %dma_wait3A_474 = tpu.memref_slice %arg6[%dma_wait3A_472, %dma_wait3A_473] : memref<4x80xi32, #tpu.memory_space<vmem>> -> memref<1x80xi32, #tpu.memory_space<vmem>>
      %dma_wait3A_475 = tpu.memref_squeeze %dma_wait3A_474 : memref<1x80xi32, #tpu.memory_space<vmem>> -> memref<80xi32, #tpu.memory_space<vmem>>
      %dma_wait3A_476 = arith.constant 0 : i32
      %dma_wait3A_477 = tpu.memref_slice %arg3[%add3A, %add3A_471, %dma_wait3A_476] : memref<32x125x80xi32, #tpu.memory_space<hbm>> -> memref<1x1x80xi32, #tpu.memory_space<hbm>>
      %dma_wait3A_478 = tpu.memref_squeeze %dma_wait3A_477 : memref<1x1x80xi32, #tpu.memory_space<hbm>> -> memref<80xi32, #tpu.memory_space<hbm>>
      %dma_wait3A_479 = arith.constant 0 : i32
      %dma_wait3A_480 = tpu.memref_slice %arg6[%dma_wait3A_472, %dma_wait3A_479] : memref<4x80xi32, #tpu.memory_space<vmem>> -> memref<1x80xi32, #tpu.memory_space<vmem>>
      %dma_wait3A_481 = tpu.memref_squeeze %dma_wait3A_480 : memref<1x80xi32, #tpu.memory_space<vmem>> -> memref<80xi32, #tpu.memory_space<vmem>>
      %dma_wait3A_482 = arith.constant 0 : i32
      %dma_wait3A_483 = tpu.memref_slice %arg3[%add3A, %add3A_471, %dma_wait3A_482] : memref<32x125x80xi32, #tpu.memory_space<hbm>> -> memref<1x1x80xi32, #tpu.memory_space<hbm>>
      %dma_wait3A_484 = tpu.memref_squeeze %dma_wait3A_483 : memref<1x1x80xi32, #tpu.memory_space<hbm>> -> memref<80xi32, #tpu.memory_space<hbm>>
      tpu.wait_dma2 semaphore(%arg10 : memref<!tpu.dma_semaphore, #tpu.memory_space<semaphore_mem>>) src(%dma_wait3A_484 : memref<80xi32, #tpu.memory_space<hbm>>) dst(%dma_wait3A_481 : memref<80xi32, #tpu.memory_space<vmem>>)
      %dma_wait3A_485 = arith.constant 0 : i32
      %dma_wait3A_486 = arith.constant 0 : i32
      %dma_wait3A_487 = tpu.memref_slice %arg7[%dma_wait3A_485, %dma_wait3A_486] : memref<4x80xi32, #tpu.memory_space<vmem>> -> memref<1x80xi32, #tpu.memory_space<vmem>>
      %dma_wait3A_488 = tpu.memref_squeeze %dma_wait3A_487 : memref<1x80xi32, #tpu.memory_space<vmem>> -> memref<80xi32, #tpu.memory_space<vmem>>
      %dma_wait3A_489 = arith.constant 0 : i32
      %dma_wait3A_490 = tpu.memref_slice %arg4[%add3A, %add3A_471, %dma_wait3A_489] : memref<32x125x80xi32, #tpu.memory_space<hbm>> -> memref<1x1x80xi32, #tpu.memory_space<hbm>>
      %dma_wait3A_491 = tpu.memref_squeeze %dma_wait3A_490 : memref<1x1x80xi32, #tpu.memory_space<hbm>> -> memref<80xi32, #tpu.memory_space<hbm>>
      %dma_wait3A_492 = arith.constant 0 : i32
      %dma_wait3A_493 = tpu.memref_slice %arg7[%dma_wait3A_485, %dma_wait3A_492] : memref<4x80xi32, #tpu.memory_space<vmem>> -> memref<1x80xi32, #tpu.memory_space<vmem>>
      %dma_wait3A_494 = tpu.memref_squeeze %dma_wait3A_493 : memref<1x80xi32, #tpu.memory_space<vmem>> -> memref<80xi32, #tpu.memory_space<vmem>>
      %dma_wait3A_495 = arith.constant 0 : i32
      %dma_wait3A_496 = tpu.memref_slice %arg4[%add3A, %add3A_471, %dma_wait3A_495] : memref<32x125x80xi32, #tpu.memory_space<hbm>> -> memref<1x1x80xi32, #tpu.memory_space<hbm>>
      %dma_wait3A_497 = tpu.memref_squeeze %dma_wait3A_496 : memref<1x1x80xi32, #tpu.memory_space<hbm>> -> memref<80xi32, #tpu.memory_space<hbm>>
      tpu.wait_dma2 semaphore(%arg10 : memref<!tpu.dma_semaphore, #tpu.memory_space<semaphore_mem>>) src(%dma_wait3A_497 : memref<80xi32, #tpu.memory_space<hbm>>) dst(%dma_wait3A_494 : memref<80xi32, #tpu.memory_space<vmem>>)
      %add3A_498 = arith.constant 1 : i32
      %add3A_499 = arith.addi %add3A_457, %add3A_498 : i32
      %dma_start3A_500 = arith.constant 0 : i32
      %dma_start3A_501 = arith.constant 0 : i32
      %dma_start3A_502 = arith.constant 0 : i32
      %dma_start3A_503 = arith.constant 0 : i32
      %dma_start3A_504 = tpu.memref_slice %arg8[%dma_start3A_501, %dma_start3A_502, %dma_start3A_503] : memref<4x80x128xf32, #tpu.memory_space<vmem>> -> memref<1x80x128xf32, #tpu.memory_space<vmem>>
      %dma_start3A_505 = tpu.memref_squeeze %dma_start3A_504 : memref<1x80x128xf32, #tpu.memory_space<vmem>> -> memref<80x128xf32, #tpu.memory_space<vmem>>
      %dma_start3A_506 = arith.constant 0 : i32
      %dma_start3A_507 = tpu.memref_slice %arg6[%dma_start3A_500, %dma_start3A_506] : memref<4x80xi32, #tpu.memory_space<vmem>> -> memref<1x80xi32, #tpu.memory_space<vmem>>
      %dma_start3A_508 = tpu.memref_squeeze %dma_start3A_507 : memref<1x80xi32, #tpu.memory_space<vmem>> -> memref<80xi32, #tpu.memory_space<vmem>>
      %dma_start3A_509 = arith.constant 0 : i32
      %dma_start3A_510 = arith.constant 0 : i32
      %dma_start3A_511 = tpu.memref_slice %arg2[%dma_start3A_509, %dma_start3A_510] : memref<10240x128xf32, #tpu.memory_space<hbm>> -> memref<10240x128xf32, #tpu.memory_space<hbm>>
      tpu.enqueue_indirect_dma source(%dma_start3A_511 : memref<10240x128xf32, #tpu.memory_space<hbm>>) target(%dma_start3A_505 : memref<80x128xf32, #tpu.memory_space<vmem>>) offsets(%dma_start3A_508 : memref<80xi32, #tpu.memory_space<vmem>>) semaphore(%arg14 : memref<!tpu.dma_semaphore, #tpu.memory_space<semaphore_mem>>)
      %dma_wait3A_512 = arith.constant 3 : i32
      %dma_wait3A_513 = arith.constant 3 : i32
      %dma_wait3A_514 = arith.constant 0 : i32
      %dma_wait3A_515 = arith.constant 0 : i32
      %dma_wait3A_516 = tpu.memref_slice %arg8[%dma_wait3A_513, %dma_wait3A_514, %dma_wait3A_515] : memref<4x80x128xf32, #tpu.memory_space<vmem>> -> memref<1x80x128xf32, #tpu.memory_space<vmem>>
      %dma_wait3A_517 = tpu.memref_squeeze %dma_wait3A_516 : memref<1x80x128xf32, #tpu.memory_space<vmem>> -> memref<80x128xf32, #tpu.memory_space<vmem>>
      %dma_wait3A_518 = arith.constant 0 : i32
      %dma_wait3A_519 = tpu.memref_slice %arg6[%dma_wait3A_512, %dma_wait3A_518] : memref<4x80xi32, #tpu.memory_space<vmem>> -> memref<1x80xi32, #tpu.memory_space<vmem>>
      %dma_wait3A_520 = tpu.memref_squeeze %dma_wait3A_519 : memref<1x80xi32, #tpu.memory_space<vmem>> -> memref<80xi32, #tpu.memory_space<vmem>>
      %dma_wait3A_521 = arith.constant 0 : i32
      %dma_wait3A_522 = arith.constant 0 : i32
      %dma_wait3A_523 = tpu.memref_slice %arg2[%dma_wait3A_521, %dma_wait3A_522] : memref<10240x128xf32, #tpu.memory_space<hbm>> -> memref<10240x128xf32, #tpu.memory_space<hbm>>
      tpu.wait_indirect_dma semaphore(%arg17 : memref<!tpu.dma_semaphore, #tpu.memory_space<semaphore_mem>>) src(%dma_wait3A_523 : memref<10240x128xf32, #tpu.memory_space<hbm>>) dst(%dma_wait3A_517 : memref<80x128xf32, #tpu.memory_space<vmem>>)
      %dma_start3A_524 = arith.constant 3 : i32
      %dma_start3A_525 = arith.constant 3 : i32
      %dma_start3A_526 = arith.constant 0 : i32
      %dma_start3A_527 = arith.constant 0 : i32
      %dma_start3A_528 = tpu.memref_slice %arg8[%dma_start3A_524, %dma_start3A_526, %dma_start3A_527] : memref<4x80x128xf32, #tpu.memory_space<vmem>> -> memref<1x80x128xf32, #tpu.memory_space<vmem>>
      %dma_start3A_529 = tpu.memref_squeeze %dma_start3A_528 : memref<1x80x128xf32, #tpu.memory_space<vmem>> -> memref<80x128xf32, #tpu.memory_space<vmem>>
      %dma_start3A_530 = arith.constant 0 : i32
      %dma_start3A_531 = tpu.memref_slice %arg7[%dma_start3A_525, %dma_start3A_530] : memref<4x80xi32, #tpu.memory_space<vmem>> -> memref<1x80xi32, #tpu.memory_space<vmem>>
      %dma_start3A_532 = tpu.memref_squeeze %dma_start3A_531 : memref<1x80xi32, #tpu.memory_space<vmem>> -> memref<80xi32, #tpu.memory_space<vmem>>
      %dma_start3A_533 = arith.constant 0 : i32
      %dma_start3A_534 = arith.constant 0 : i32
      %dma_start3A_535 = tpu.memref_slice %arg9[%dma_start3A_533, %dma_start3A_534] : memref<10240x128xf32, #tpu.memory_space<vmem_shared>> -> memref<10240x128xf32, #tpu.memory_space<vmem_shared>>
      tpu.enqueue_indirect_dma source(%dma_start3A_529 : memref<80x128xf32, #tpu.memory_space<vmem>>) target(%dma_start3A_535 : memref<10240x128xf32, #tpu.memory_space<vmem_shared>>) offsets(%dma_start3A_532 : memref<80xi32, #tpu.memory_space<vmem>>) semaphore(%arg18 : memref<!tpu.dma_semaphore, #tpu.memory_space<semaphore_mem>>) {add = true}
    }
    %scan3A_145 = arith.constant 31 : i32
    %dma_wait3A_146 = arith.constant 2 : i32
    %dma_wait3A_147 = arith.constant 2 : i32
    %dma_wait3A_148 = arith.constant 0 : i32
    %dma_wait3A_149 = arith.constant 0 : i32
    %dma_wait3A_150 = tpu.memref_slice %arg8[%dma_wait3A_146, %dma_wait3A_148, %dma_wait3A_149] : memref<4x80x128xf32, #tpu.memory_space<vmem>> -> memref<1x80x128xf32, #tpu.memory_space<vmem>>
    %dma_wait3A_151 = tpu.memref_squeeze %dma_wait3A_150 : memref<1x80x128xf32, #tpu.memory_space<vmem>> -> memref<80x128xf32, #tpu.memory_space<vmem>>
    %dma_wait3A_152 = arith.constant 0 : i32
    %dma_wait3A_153 = tpu.memref_slice %arg7[%dma_wait3A_147, %dma_wait3A_152] : memref<4x80xi32, #tpu.memory_space<vmem>> -> memref<1x80xi32, #tpu.memory_space<vmem>>
    %dma_wait3A_154 = tpu.memref_squeeze %dma_wait3A_153 : memref<1x80xi32, #tpu.memory_space<vmem>> -> memref<80xi32, #tpu.memory_space<vmem>>
    %dma_wait3A_155 = arith.constant 0 : i32
    %dma_wait3A_156 = arith.constant 0 : i32
    %dma_wait3A_157 = tpu.memref_slice %arg9[%dma_wait3A_155, %dma_wait3A_156] : memref<10240x128xf32, #tpu.memory_space<vmem_shared>> -> memref<10240x128xf32, #tpu.memory_space<vmem_shared>>
    tpu.wait_indirect_dma semaphore(%arg18 : memref<!tpu.dma_semaphore, #tpu.memory_space<semaphore_mem>>) src(%dma_wait3A_151 : memref<80x128xf32, #tpu.memory_space<vmem>>) dst(%dma_wait3A_157 : memref<10240x128xf32, #tpu.memory_space<vmem_shared>>)
    %dma_wait3A_158 = arith.constant 0 : i32
    %dma_wait3A_159 = arith.constant 0 : i32
    %dma_wait3A_160 = arith.constant 0 : i32
    %dma_wait3A_161 = arith.constant 0 : i32
    %dma_wait3A_162 = tpu.memref_slice %arg8[%dma_wait3A_159, %dma_wait3A_160, %dma_wait3A_161] : memref<4x80x128xf32, #tpu.memory_space<vmem>> -> memref<1x80x128xf32, #tpu.memory_space<vmem>>
    %dma_wait3A_163 = tpu.memref_squeeze %dma_wait3A_162 : memref<1x80x128xf32, #tpu.memory_space<vmem>> -> memref<80x128xf32, #tpu.memory_space<vmem>>
    %dma_wait3A_164 = arith.constant 0 : i32
    %dma_wait3A_165 = tpu.memref_slice %arg6[%dma_wait3A_158, %dma_wait3A_164] : memref<4x80xi32, #tpu.memory_space<vmem>> -> memref<1x80xi32, #tpu.memory_space<vmem>>
    %dma_wait3A_166 = tpu.memref_squeeze %dma_wait3A_165 : memref<1x80xi32, #tpu.memory_space<vmem>> -> memref<80xi32, #tpu.memory_space<vmem>>
    %dma_wait3A_167 = arith.constant 0 : i32
    %dma_wait3A_168 = arith.constant 0 : i32
    %dma_wait3A_169 = tpu.memref_slice %arg2[%dma_wait3A_167, %dma_wait3A_168] : memref<10240x128xf32, #tpu.memory_space<hbm>> -> memref<10240x128xf32, #tpu.memory_space<hbm>>
    tpu.wait_indirect_dma semaphore(%arg14 : memref<!tpu.dma_semaphore, #tpu.memory_space<semaphore_mem>>) src(%dma_wait3A_169 : memref<10240x128xf32, #tpu.memory_space<hbm>>) dst(%dma_wait3A_163 : memref<80x128xf32, #tpu.memory_space<vmem>>)
    %dma_start3A_170 = arith.constant 0 : i32
    %dma_start3A_171 = arith.constant 0 : i32
    %dma_start3A_172 = arith.constant 0 : i32
    %dma_start3A_173 = arith.constant 0 : i32
    %dma_start3A_174 = tpu.memref_slice %arg8[%dma_start3A_170, %dma_start3A_172, %dma_start3A_173] : memref<4x80x128xf32, #tpu.memory_space<vmem>> -> memref<1x80x128xf32, #tpu.memory_space<vmem>>
    %dma_start3A_175 = tpu.memref_squeeze %dma_start3A_174 : memref<1x80x128xf32, #tpu.memory_space<vmem>> -> memref<80x128xf32, #tpu.memory_space<vmem>>
    %dma_start3A_176 = arith.constant 0 : i32
    %dma_start3A_177 = tpu.memref_slice %arg7[%dma_start3A_171, %dma_start3A_176] : memref<4x80xi32, #tpu.memory_space<vmem>> -> memref<1x80xi32, #tpu.memory_space<vmem>>
    %dma_start3A_178 = tpu.memref_squeeze %dma_start3A_177 : memref<1x80xi32, #tpu.memory_space<vmem>> -> memref<80xi32, #tpu.memory_space<vmem>>
    %dma_start3A_179 = arith.constant 0 : i32
    %dma_start3A_180 = arith.constant 0 : i32
    %dma_start3A_181 = tpu.memref_slice %arg9[%dma_start3A_179, %dma_start3A_180] : memref<10240x128xf32, #tpu.memory_space<vmem_shared>> -> memref<10240x128xf32, #tpu.memory_space<vmem_shared>>
    tpu.enqueue_indirect_dma source(%dma_start3A_175 : memref<80x128xf32, #tpu.memory_space<vmem>>) target(%dma_start3A_181 : memref<10240x128xf32, #tpu.memory_space<vmem_shared>>) offsets(%dma_start3A_178 : memref<80xi32, #tpu.memory_space<vmem>>) semaphore(%arg18 : memref<!tpu.dma_semaphore, #tpu.memory_space<semaphore_mem>>) {add = true}
    %dma_wait3A_182 = arith.constant 3 : i32
    %dma_wait3A_183 = arith.constant 3 : i32
    %dma_wait3A_184 = arith.constant 0 : i32
    %dma_wait3A_185 = arith.constant 0 : i32
    %dma_wait3A_186 = tpu.memref_slice %arg8[%dma_wait3A_182, %dma_wait3A_184, %dma_wait3A_185] : memref<4x80x128xf32, #tpu.memory_space<vmem>> -> memref<1x80x128xf32, #tpu.memory_space<vmem>>
    %dma_wait3A_187 = tpu.memref_squeeze %dma_wait3A_186 : memref<1x80x128xf32, #tpu.memory_space<vmem>> -> memref<80x128xf32, #tpu.memory_space<vmem>>
    %dma_wait3A_188 = arith.constant 0 : i32
    %dma_wait3A_189 = tpu.memref_slice %arg7[%dma_wait3A_183, %dma_wait3A_188] : memref<4x80xi32, #tpu.memory_space<vmem>> -> memref<1x80xi32, #tpu.memory_space<vmem>>
    %dma_wait3A_190 = tpu.memref_squeeze %dma_wait3A_189 : memref<1x80xi32, #tpu.memory_space<vmem>> -> memref<80xi32, #tpu.memory_space<vmem>>
    %dma_wait3A_191 = arith.constant 0 : i32
    %dma_wait3A_192 = arith.constant 0 : i32
    %dma_wait3A_193 = tpu.memref_slice %arg9[%dma_wait3A_191, %dma_wait3A_192] : memref<10240x128xf32, #tpu.memory_space<vmem_shared>> -> memref<10240x128xf32, #tpu.memory_space<vmem_shared>>
    tpu.wait_indirect_dma semaphore(%arg18 : memref<!tpu.dma_semaphore, #tpu.memory_space<semaphore_mem>>) src(%dma_wait3A_187 : memref<80x128xf32, #tpu.memory_space<vmem>>) dst(%dma_wait3A_193 : memref<10240x128xf32, #tpu.memory_space<vmem_shared>>)
    %dma_wait3A_194 = arith.constant 0 : i32
    %dma_wait3A_195 = arith.constant 0 : i32
    %dma_wait3A_196 = arith.constant 0 : i32
    %dma_wait3A_197 = arith.constant 0 : i32
    %dma_wait3A_198 = tpu.memref_slice %arg8[%dma_wait3A_194, %dma_wait3A_196, %dma_wait3A_197] : memref<4x80x128xf32, #tpu.memory_space<vmem>> -> memref<1x80x128xf32, #tpu.memory_space<vmem>>
    %dma_wait3A_199 = tpu.memref_squeeze %dma_wait3A_198 : memref<1x80x128xf32, #tpu.memory_space<vmem>> -> memref<80x128xf32, #tpu.memory_space<vmem>>
    %dma_wait3A_200 = arith.constant 0 : i32
    %dma_wait3A_201 = tpu.memref_slice %arg7[%dma_wait3A_195, %dma_wait3A_200] : memref<4x80xi32, #tpu.memory_space<vmem>> -> memref<1x80xi32, #tpu.memory_space<vmem>>
    %dma_wait3A_202 = tpu.memref_squeeze %dma_wait3A_201 : memref<1x80xi32, #tpu.memory_space<vmem>> -> memref<80xi32, #tpu.memory_space<vmem>>
    %dma_wait3A_203 = arith.constant 0 : i32
    %dma_wait3A_204 = arith.constant 0 : i32
    %dma_wait3A_205 = tpu.memref_slice %arg9[%dma_wait3A_203, %dma_wait3A_204] : memref<10240x128xf32, #tpu.memory_space<vmem_shared>> -> memref<10240x128xf32, #tpu.memory_space<vmem_shared>>
    tpu.wait_indirect_dma semaphore(%arg18 : memref<!tpu.dma_semaphore, #tpu.memory_space<semaphore_mem>>) src(%dma_wait3A_199 : memref<80x128xf32, #tpu.memory_space<vmem>>) dst(%dma_wait3A_205 : memref<10240x128xf32, #tpu.memory_space<vmem_shared>>)
    %barrier3A_206 = arith.constant 0 : index
    tpu.barrier barrier_id(%barrier3A_206)
    %mul3A_207 = arith.constant 640 : i32
    %mul3A_208 = arith.muli %arg1, %mul3A_207 : i32
    %mul3A_209 = arith.constant 640 : i32
    %mul3A_210 = arith.muli %arg1, %mul3A_209 : i32
    "tpu.region"() ({
      %run_scoped3A_211 = tpu.sem_alloc : memref<!tpu.dma_semaphore, #tpu.memory_space<semaphore_mem>>
      %dma_start3A_212 = arith.constant 0 : i32
      %dma_start3A_213 = tpu.memref_slice %arg5[%arg0, %mul3A_210, %dma_start3A_212] : memref<2x10240x128xf32, #tpu.memory_space<hbm>> -> memref<1x640x128xf32, #tpu.memory_space<hbm>>
      %dma_start3A_214 = tpu.memref_squeeze %dma_start3A_213 : memref<1x640x128xf32, #tpu.memory_space<hbm>> -> memref<640x128xf32, #tpu.memory_space<hbm>>
      %dma_start3A_215 = arith.constant 0 : i32
      %dma_start3A_216 = tpu.memref_slice %arg9[%mul3A_208, %dma_start3A_215] : memref<10240x128xf32, #tpu.memory_space<vmem_shared>> -> memref<640x128xf32, #tpu.memory_space<vmem_shared>>
      tpu.enqueue_dma source(%dma_start3A_216 : memref<640x128xf32, #tpu.memory_space<vmem_shared>>) target(%dma_start3A_214 : memref<640x128xf32, #tpu.memory_space<hbm>>) target_semaphore(%run_scoped3A_211 : memref<!tpu.dma_semaphore, #tpu.memory_space<semaphore_mem>>)
      %dma_wait3A_217 = arith.constant 0 : i32
      %dma_wait3A_218 = tpu.memref_slice %arg5[%arg0, %mul3A_210, %dma_wait3A_217] : memref<2x10240x128xf32, #tpu.memory_space<hbm>> -> memref<1x640x128xf32, #tpu.memory_space<hbm>>
      %dma_wait3A_219 = tpu.memref_squeeze %dma_wait3A_218 : memref<1x640x128xf32, #tpu.memory_space<hbm>> -> memref<640x128xf32, #tpu.memory_space<hbm>>
      %dma_wait3A_220 = arith.constant 0 : i32
      %dma_wait3A_221 = tpu.memref_slice %arg9[%mul3A_208, %dma_wait3A_220] : memref<10240x128xf32, #tpu.memory_space<vmem_shared>> -> memref<640x128xf32, #tpu.memory_space<vmem_shared>>
      tpu.wait_dma2 semaphore(%run_scoped3A_211 : memref<!tpu.dma_semaphore, #tpu.memory_space<semaphore_mem>>) src(%dma_wait3A_221 : memref<640x128xf32, #tpu.memory_space<vmem_shared>>) dst(%dma_wait3A_219 : memref<640x128xf32, #tpu.memory_space<hbm>>)
      tpu.yield
    }) : () -> ()
    return
  }
}

#map = affine_map<(d0, d1) -> (0, 0, 0)>
#map1 = affine_map<(d0, d1) -> (0, 0)>
module attributes {stable_mosaic.version = 14 : i64} {
  func.func @_sc_hist(%arg0: i32, %arg1: i32, %arg2: memref<32x125x80xi32, #tpu.memory_space<hbm>>, %arg3: memref<2x10240xf32, #tpu.memory_space<hbm>>, %arg4: memref<125x80xi32, #tpu.memory_space<vmem>>, %arg5: memref<80xf32, #tpu.memory_space<vmem>>, %arg6: memref<640xf32, #tpu.memory_space<vmem>>, %arg7: memref<10240xf32, #tpu.memory_space<vmem_shared>>, %arg8: memref<!tpu.dma_semaphore, #tpu.memory_space<semaphore_mem>>) attributes {dimension_semantics = [#tpu.dimension_semantics<core_parallel>, #tpu.dimension_semantics<subcore_parallel>], iteration_bounds = array<i64: 2, 16>, scalar_prefetch = 0 : i64, scratch_operands = 5 : i64, tpu.core_type = #tpu.core_type<sc_vector_subcore>, window_params = [{transform_indices = #map}, {transform_indices = #map1}]} {
    %mul3A = arith.constant 16 : i32
    %mul3A_0 = arith.muli %arg0, %mul3A : i32
    %add3A = arith.addi %mul3A_0, %arg1 : i32
    %broadcast_in_dim3A = arith.constant 0.000000e+00 : f32
    %broadcast_in_dim3A_1 = vector.broadcast %broadcast_in_dim3A : f32 to vector<16xf32>
    %broadcast_in_dim3A_2 = arith.constant 1.000000e+00 : f32
    %broadcast_in_dim3A_3 = vector.broadcast %broadcast_in_dim3A_2 : f32 to vector<16xf32>
    %scan3A = arith.constant 0 : i32
    %scan3A_4 = arith.constant 0 : i32
    %scan3A_5 = arith.constant 40 : i32
    %scan3A_6 = arith.addi %scan3A_4, %scan3A_5 : i32
    %scan3A_7 = arith.constant 1 : i32
    scf.for %scan3A_46 = %scan3A_4 to %scan3A_6 step %scan3A_7  : i32 {
      %mul3A_47 = arith.constant 16 : i32
      %mul3A_48 = arith.muli %scan3A_46, %mul3A_47 : i32
      %swap3A_49 = arith.index_cast %mul3A_48 : i32 to index
      %swap3A_50 = tpu.vector_load %arg6[%swap3A_49] {strides = array<i32>} : memref<640xf32, #tpu.memory_space<vmem>>, vector<16xf32>,
      %swap3A_51 = vector.shape_cast %swap3A_50 : vector<16xf32> to vector<16xf32>
      %swap3A_52 = vector.shape_cast %broadcast_in_dim3A_1 : vector<16xf32> to vector<16xf32>
      tpu.vector_store %arg6[%swap3A_49], %swap3A_52 {strides = array<i32>} : memref<640xf32, #tpu.memory_space<vmem>>, vector<16xf32>,
    }
    %scan3A_8 = arith.constant 40 : i32
    %mul3A_9 = arith.constant 640 : i32
    %mul3A_10 = arith.muli %arg1, %mul3A_9 : i32
    "tpu.region"() ({
      %run_scoped3A = tpu.sem_alloc : memref<!tpu.dma_semaphore, #tpu.memory_space<semaphore_mem>>
      %dma_start3A = tpu.memref_slice %arg7[%mul3A_10] : memref<10240xf32, #tpu.memory_space<vmem_shared>> -> memref<640xf32, #tpu.memory_space<vmem_shared>>
      %dma_start3A_46 = tpu.memref_slice %arg7[%mul3A_10] : memref<10240xf32, #tpu.memory_space<vmem_shared>> -> memref<640xf32, #tpu.memory_space<vmem_shared>>
      tpu.enqueue_dma source(%arg6 : memref<640xf32, #tpu.memory_space<vmem>>) target(%dma_start3A_46 : memref<640xf32, #tpu.memory_space<vmem_shared>>) target_semaphore(%run_scoped3A : memref<!tpu.dma_semaphore, #tpu.memory_space<semaphore_mem>>)
      %dma_wait3A_47 = tpu.memref_slice %arg7[%mul3A_10] : memref<10240xf32, #tpu.memory_space<vmem_shared>> -> memref<640xf32, #tpu.memory_space<vmem_shared>>
      %dma_wait3A_48 = tpu.memref_slice %arg7[%mul3A_10] : memref<10240xf32, #tpu.memory_space<vmem_shared>> -> memref<640xf32, #tpu.memory_space<vmem_shared>>
      tpu.wait_dma2 semaphore(%run_scoped3A : memref<!tpu.dma_semaphore, #tpu.memory_space<semaphore_mem>>) src(%arg6 : memref<640xf32, #tpu.memory_space<vmem>>) dst(%dma_wait3A_48 : memref<640xf32, #tpu.memory_space<vmem_shared>>)
      tpu.yield
    }) : () -> ()
    %swap3A = arith.constant 0 : index
    %swap3A_11 = tpu.vector_load %arg5[%swap3A] {strides = array<i32>} : memref<80xf32, #tpu.memory_space<vmem>>, vector<16xf32>,
    %swap3A_12 = vector.shape_cast %swap3A_11 : vector<16xf32> to vector<16xf32>
    %swap3A_13 = vector.shape_cast %broadcast_in_dim3A_3 : vector<16xf32> to vector<16xf32>
    tpu.vector_store %arg5[%swap3A], %swap3A_13 {strides = array<i32>} : memref<80xf32, #tpu.memory_space<vmem>>, vector<16xf32>,
    %swap3A_14 = arith.constant 16 : index
    %swap3A_15 = tpu.vector_load %arg5[%swap3A_14] {strides = array<i32>} : memref<80xf32, #tpu.memory_space<vmem>>, vector<16xf32>,
    %swap3A_16 = vector.shape_cast %swap3A_15 : vector<16xf32> to vector<16xf32>
    %swap3A_17 = vector.shape_cast %broadcast_in_dim3A_3 : vector<16xf32> to vector<16xf32>
    tpu.vector_store %arg5[%swap3A_14], %swap3A_17 {strides = array<i32>} : memref<80xf32, #tpu.memory_space<vmem>>, vector<16xf32>,
    %swap3A_18 = arith.constant 32 : index
    %swap3A_19 = tpu.vector_load %arg5[%swap3A_18] {strides = array<i32>} : memref<80xf32, #tpu.memory_space<vmem>>, vector<16xf32>,
    %swap3A_20 = vector.shape_cast %swap3A_19 : vector<16xf32> to vector<16xf32>
    %swap3A_21 = vector.shape_cast %broadcast_in_dim3A_3 : vector<16xf32> to vector<16xf32>
    tpu.vector_store %arg5[%swap3A_18], %swap3A_21 {strides = array<i32>} : memref<80xf32, #tpu.memory_space<vmem>>, vector<16xf32>,
    %swap3A_22 = arith.constant 48 : index
    %swap3A_23 = tpu.vector_load %arg5[%swap3A_22] {strides = array<i32>} : memref<80xf32, #tpu.memory_space<vmem>>, vector<16xf32>,
    %swap3A_24 = vector.shape_cast %swap3A_23 : vector<16xf32> to vector<16xf32>
    %swap3A_25 = vector.shape_cast %broadcast_in_dim3A_3 : vector<16xf32> to vector<16xf32>
    tpu.vector_store %arg5[%swap3A_22], %swap3A_25 {strides = array<i32>} : memref<80xf32, #tpu.memory_space<vmem>>, vector<16xf32>,
    %swap3A_26 = arith.constant 64 : index
    %swap3A_27 = tpu.vector_load %arg5[%swap3A_26] {strides = array<i32>} : memref<80xf32, #tpu.memory_space<vmem>>, vector<16xf32>,
    %swap3A_28 = vector.shape_cast %swap3A_27 : vector<16xf32> to vector<16xf32>
    %swap3A_29 = vector.shape_cast %broadcast_in_dim3A_3 : vector<16xf32> to vector<16xf32>
    tpu.vector_store %arg5[%swap3A_26], %swap3A_29 {strides = array<i32>} : memref<80xf32, #tpu.memory_space<vmem>>, vector<16xf32>,
    "tpu.region"() ({
      %run_scoped3A = tpu.sem_alloc : memref<!tpu.dma_semaphore, #tpu.memory_space<semaphore_mem>>
      %dma_start3A = arith.constant 0 : i32
      %dma_start3A_46 = arith.constant 0 : i32
      %dma_start3A_47 = tpu.memref_slice %arg2[%add3A, %dma_start3A, %dma_start3A_46] : memref<32x125x80xi32, #tpu.memory_space<hbm>> -> memref<1x125x80xi32, #tpu.memory_space<hbm>>
      %dma_start3A_48 = tpu.memref_squeeze %dma_start3A_47 : memref<1x125x80xi32, #tpu.memory_space<hbm>> -> memref<125x80xi32, #tpu.memory_space<hbm>>
      %dma_start3A_49 = arith.constant 0 : i32
      %dma_start3A_50 = arith.constant 0 : i32
      %dma_start3A_51 = tpu.memref_slice %arg2[%add3A, %dma_start3A_49, %dma_start3A_50] : memref<32x125x80xi32, #tpu.memory_space<hbm>> -> memref<1x125x80xi32, #tpu.memory_space<hbm>>
      %dma_start3A_52 = tpu.memref_squeeze %dma_start3A_51 : memref<1x125x80xi32, #tpu.memory_space<hbm>> -> memref<125x80xi32, #tpu.memory_space<hbm>>
      tpu.enqueue_dma source(%dma_start3A_52 : memref<125x80xi32, #tpu.memory_space<hbm>>) target(%arg4 : memref<125x80xi32, #tpu.memory_space<vmem>>) target_semaphore(%run_scoped3A : memref<!tpu.dma_semaphore, #tpu.memory_space<semaphore_mem>>)
      %dma_wait3A_53 = arith.constant 0 : i32
      %dma_wait3A_54 = arith.constant 0 : i32
      %dma_wait3A_55 = tpu.memref_slice %arg2[%add3A, %dma_wait3A_53, %dma_wait3A_54] : memref<32x125x80xi32, #tpu.memory_space<hbm>> -> memref<1x125x80xi32, #tpu.memory_space<hbm>>
      %dma_wait3A_56 = tpu.memref_squeeze %dma_wait3A_55 : memref<1x125x80xi32, #tpu.memory_space<hbm>> -> memref<125x80xi32, #tpu.memory_space<hbm>>
      %dma_wait3A_57 = arith.constant 0 : i32
      %dma_wait3A_58 = arith.constant 0 : i32
      %dma_wait3A_59 = tpu.memref_slice %arg2[%add3A, %dma_wait3A_57, %dma_wait3A_58] : memref<32x125x80xi32, #tpu.memory_space<hbm>> -> memref<1x125x80xi32, #tpu.memory_space<hbm>>
      %dma_wait3A_60 = tpu.memref_squeeze %dma_wait3A_59 : memref<1x125x80xi32, #tpu.memory_space<hbm>> -> memref<125x80xi32, #tpu.memory_space<hbm>>
      tpu.wait_dma2 semaphore(%run_scoped3A : memref<!tpu.dma_semaphore, #tpu.memory_space<semaphore_mem>>) src(%dma_wait3A_60 : memref<125x80xi32, #tpu.memory_space<hbm>>) dst(%arg4 : memref<125x80xi32, #tpu.memory_space<vmem>>)
      tpu.yield
    }) : () -> ()
    %barrier3A = arith.constant 0 : index
    tpu.barrier barrier_id(%barrier3A)
    %scan3A_30 = arith.constant 0 : i32
    %scan3A_31 = arith.constant 0 : i32
    %scan3A_32 = arith.constant 125 : i32
    %scan3A_33 = arith.addi %scan3A_31, %scan3A_32 : i32
    %scan3A_34 = arith.constant 1 : i32
    scf.for %scan3A_46 = %scan3A_31 to %scan3A_33 step %scan3A_34  : i32 {
      %dma_start3A = arith.constant 0 : i32
      %dma_start3A_47 = tpu.memref_slice %arg4[%scan3A_46, %dma_start3A] : memref<125x80xi32, #tpu.memory_space<vmem>> -> memref<1x80xi32, #tpu.memory_space<vmem>>
      %dma_start3A_48 = tpu.memref_squeeze %dma_start3A_47 : memref<1x80xi32, #tpu.memory_space<vmem>> -> memref<80xi32, #tpu.memory_space<vmem>>
      %dma_start3A_49 = arith.constant 0 : i32
      %dma_start3A_50 = tpu.memref_slice %arg7[%dma_start3A_49] : memref<10240xf32, #tpu.memory_space<vmem_shared>> -> memref<10240xf32, #tpu.memory_space<vmem_shared>>
      tpu.enqueue_indirect_dma source(%arg5 : memref<80xf32, #tpu.memory_space<vmem>>) target(%dma_start3A_50 : memref<10240xf32, #tpu.memory_space<vmem_shared>>) offsets(%dma_start3A_48 : memref<80xi32, #tpu.memory_space<vmem>>) semaphore(%arg8 : memref<!tpu.dma_semaphore, #tpu.memory_space<semaphore_mem>>) {add = true}
      %gt3A = arith.constant 0 : i32
      %gt3A_51 = arith.cmpi sgt, %scan3A_46, %gt3A : i32
      %convert_element_type3A = arith.extui %gt3A_51 : i1 to i32
      %cond3A = arith.constant 0 : i32
      %cond3A_52 = arith.cmpi ne, %convert_element_type3A, %cond3A : i32
      scf.if %cond3A_52 {
        %sub3A = arith.constant 1 : i32
        %sub3A_53 = arith.subi %scan3A_46, %sub3A : i32
        %dma_wait3A_54 = arith.constant 0 : i32
        %dma_wait3A_55 = tpu.memref_slice %arg4[%sub3A_53, %dma_wait3A_54] : memref<125x80xi32, #tpu.memory_space<vmem>> -> memref<1x80xi32, #tpu.memory_space<vmem>>
        %dma_wait3A_56 = tpu.memref_squeeze %dma_wait3A_55 : memref<1x80xi32, #tpu.memory_space<vmem>> -> memref<80xi32, #tpu.memory_space<vmem>>
        %dma_wait3A_57 = arith.constant 0 : i32
        %dma_wait3A_58 = tpu.memref_slice %arg7[%dma_wait3A_57] : memref<10240xf32, #tpu.memory_space<vmem_shared>> -> memref<10240xf32, #tpu.memory_space<vmem_shared>>
        tpu.wait_indirect_dma semaphore(%arg8 : memref<!tpu.dma_semaphore, #tpu.memory_space<semaphore_mem>>) src(%arg5 : memref<80xf32, #tpu.memory_space<vmem>>) dst(%dma_wait3A_58 : memref<10240xf32, #tpu.memory_space<vmem_shared>>)
      } else {
      }
    }
    %scan3A_35 = arith.constant 125 : i32
    %dma_wait3A = arith.constant 124 : i32
    %dma_wait3A_36 = arith.constant 0 : i32
    %dma_wait3A_37 = tpu.memref_slice %arg4[%dma_wait3A, %dma_wait3A_36] : memref<125x80xi32, #tpu.memory_space<vmem>> -> memref<1x80xi32, #tpu.memory_space<vmem>>
    %dma_wait3A_38 = tpu.memref_squeeze %dma_wait3A_37 : memref<1x80xi32, #tpu.memory_space<vmem>> -> memref<80xi32, #tpu.memory_space<vmem>>
    %dma_wait3A_39 = arith.constant 0 : i32
    %dma_wait3A_40 = tpu.memref_slice %arg7[%dma_wait3A_39] : memref<10240xf32, #tpu.memory_space<vmem_shared>> -> memref<10240xf32, #tpu.memory_space<vmem_shared>>
    tpu.wait_indirect_dma semaphore(%arg8 : memref<!tpu.dma_semaphore, #tpu.memory_space<semaphore_mem>>) src(%arg5 : memref<80xf32, #tpu.memory_space<vmem>>) dst(%dma_wait3A_40 : memref<10240xf32, #tpu.memory_space<vmem_shared>>)
    %barrier3A_41 = arith.constant 0 : index
    tpu.barrier barrier_id(%barrier3A_41)
    %mul3A_42 = arith.constant 640 : i32
    %mul3A_43 = arith.muli %arg1, %mul3A_42 : i32
    "tpu.region"() ({
      %run_scoped3A = tpu.sem_alloc : memref<!tpu.dma_semaphore, #tpu.memory_space<semaphore_mem>>
      %dma_start3A = tpu.memref_slice %arg7[%mul3A_43] : memref<10240xf32, #tpu.memory_space<vmem_shared>> -> memref<640xf32, #tpu.memory_space<vmem_shared>>
      %dma_start3A_46 = tpu.memref_slice %arg7[%mul3A_43] : memref<10240xf32, #tpu.memory_space<vmem_shared>> -> memref<640xf32, #tpu.memory_space<vmem_shared>>
      tpu.enqueue_dma source(%dma_start3A_46 : memref<640xf32, #tpu.memory_space<vmem_shared>>) target(%arg6 : memref<640xf32, #tpu.memory_space<vmem>>) target_semaphore(%run_scoped3A : memref<!tpu.dma_semaphore, #tpu.memory_space<semaphore_mem>>)
      %dma_wait3A_47 = tpu.memref_slice %arg7[%mul3A_43] : memref<10240xf32, #tpu.memory_space<vmem_shared>> -> memref<640xf32, #tpu.memory_space<vmem_shared>>
      %dma_wait3A_48 = tpu.memref_slice %arg7[%mul3A_43] : memref<10240xf32, #tpu.memory_space<vmem_shared>> -> memref<640xf32, #tpu.memory_space<vmem_shared>>
      tpu.wait_dma2 semaphore(%run_scoped3A : memref<!tpu.dma_semaphore, #tpu.memory_space<semaphore_mem>>) src(%dma_wait3A_48 : memref<640xf32, #tpu.memory_space<vmem_shared>>) dst(%arg6 : memref<640xf32, #tpu.memory_space<vmem>>)
      tpu.yield
    }) : () -> ()
    %mul3A_44 = arith.constant 640 : i32
    %mul3A_45 = arith.muli %arg1, %mul3A_44 : i32
    "tpu.region"() ({
      %run_scoped3A = tpu.sem_alloc : memref<!tpu.dma_semaphore, #tpu.memory_space<semaphore_mem>>
      %dma_start3A = tpu.memref_slice %arg3[%arg0, %mul3A_45] : memref<2x10240xf32, #tpu.memory_space<hbm>> -> memref<1x640xf32, #tpu.memory_space<hbm>>
      %dma_start3A_46 = tpu.memref_squeeze %dma_start3A : memref<1x640xf32, #tpu.memory_space<hbm>> -> memref<640xf32, #tpu.memory_space<hbm>>
      %dma_start3A_47 = tpu.memref_slice %arg3[%arg0, %mul3A_45] : memref<2x10240xf32, #tpu.memory_space<hbm>> -> memref<1x640xf32, #tpu.memory_space<hbm>>
      %dma_start3A_48 = tpu.memref_squeeze %dma_start3A_47 : memref<1x640xf32, #tpu.memory_space<hbm>> -> memref<640xf32, #tpu.memory_space<hbm>>
      tpu.enqueue_dma source(%arg6 : memref<640xf32, #tpu.memory_space<vmem>>) target(%dma_start3A_48 : memref<640xf32, #tpu.memory_space<hbm>>) target_semaphore(%run_scoped3A : memref<!tpu.dma_semaphore, #tpu.memory_space<semaphore_mem>>)
      %dma_wait3A_49 = tpu.memref_slice %arg3[%arg0, %mul3A_45] : memref<2x10240xf32, #tpu.memory_space<hbm>> -> memref<1x640xf32, #tpu.memory_space<hbm>>
      %dma_wait3A_50 = tpu.memref_squeeze %dma_wait3A_49 : memref<1x640xf32, #tpu.memory_space<hbm>> -> memref<640xf32, #tpu.memory_space<hbm>>
      %dma_wait3A_51 = tpu.memref_slice %arg3[%arg0, %mul3A_45] : memref<2x10240xf32, #tpu.memory_space<hbm>> -> memref<1x640xf32, #tpu.memory_space<hbm>>
      %dma_wait3A_52 = tpu.memref_squeeze %dma_wait3A_51 : memref<1x640xf32, #tpu.memory_space<hbm>> -> memref<640xf32, #tpu.memory_space<hbm>>
      tpu.wait_dma2 semaphore(%run_scoped3A : memref<!tpu.dma_semaphore, #tpu.memory_space<semaphore_mem>>) src(%arg6 : memref<640xf32, #tpu.memory_space<vmem>>) dst(%dma_wait3A_52 : memref<640xf32, #tpu.memory_space<hbm>>)
      tpu.yield
    }) : () -> ()
    return
  }
}

#map = affine_map<(d0, d1) -> (0, 0)>
#map1 = affine_map<(d0, d1) -> (0, 0, 0)>
module attributes {stable_mosaic.version = 14 : i64} {
  func.func @prop(%arg0: i32, %arg1: i32, %arg2: memref<10240x128xf32, #tpu.memory_space<hbm>>, %arg3: memref<32x125x80xi32, #tpu.memory_space<hbm>>, %arg4: memref<32x125x80xi32, #tpu.memory_space<hbm>>, %arg5: memref<2x10240x128xf32, #tpu.memory_space<hbm>>, %arg6: memref<4x80xi32, #tpu.memory_space<vmem>>, %arg7: memref<4x80xi32, #tpu.memory_space<vmem>>, %arg8: memref<4x80x128xf32, #tpu.memory_space<vmem>>, %arg9: memref<10240x128xf32, #tpu.memory_space<vmem_shared>>, %arg10: memref<!tpu.dma_semaphore, #tpu.memory_space<semaphore_mem>>, %arg11: memref<!tpu.dma_semaphore, #tpu.memory_space<semaphore_mem>>, %arg12: memref<!tpu.dma_semaphore, #tpu.memory_space<semaphore_mem>>, %arg13: memref<!tpu.dma_semaphore, #tpu.memory_space<semaphore_mem>>, %arg14: memref<!tpu.dma_semaphore, #tpu.memory_space<semaphore_mem>>, %arg15: memref<!tpu.dma_semaphore, #tpu.memory_space<semaphore_mem>>, %arg16: memref<!tpu.dma_semaphore, #tpu.memory_space<semaphore_mem>>, %arg17: memref<!tpu.dma_semaphore, #tpu.memory_space<semaphore_mem>>, %arg18: memref<!tpu.dma_semaphore, #tpu.memory_space<semaphore_mem>>) attributes {dimension_semantics = [#tpu.dimension_semantics<core_parallel>, #tpu.dimension_semantics<subcore_parallel>], iteration_bounds = array<i64: 2, 16>, scalar_prefetch = 0 : i64, scratch_operands = 13 : i64, tpu.core_type = #tpu.core_type<sc_vector_subcore>, window_params = [{transform_indices = #map}, {transform_indices = #map1}, {transform_indices = #map1}, {transform_indices = #map1}]} {
    %mul3A = arith.constant 16 : i32
    %mul3A_0 = arith.muli %arg0, %mul3A : i32
    %add3A = arith.addi %mul3A_0, %arg1 : i32
    %broadcast_in_dim3A = arith.constant 0.000000e+00 : f32
    %broadcast_in_dim3A_1 = vector.broadcast %broadcast_in_dim3A : f32 to vector<16xf32>
    %scan3A = arith.constant 0 : i32
    %scan3A_2 = arith.constant 0 : i32
    %scan3A_3 = arith.constant 80 : i32
    %scan3A_4 = arith.addi %scan3A_2, %scan3A_3 : i32
    %scan3A_5 = arith.constant 1 : i32
    scf.for %scan3A_211 = %scan3A_2 to %scan3A_4 step %scan3A_5  : i32 {
      %scan3A_212 = arith.constant 0 : i32
      %scan3A_213 = arith.constant 8 : i32
      %scan3A_214 = arith.addi %scan3A_212, %scan3A_213 : i32
      %scan3A_215 = arith.constant 1 : i32
      scf.for %scan3A_217 = %scan3A_212 to %scan3A_214 step %scan3A_215  : i32 {
        %mul3A_218 = arith.constant 16 : i32
        %mul3A_219 = arith.muli %scan3A_217, %mul3A_218 : i32
        %swap3A = arith.constant 0 : i32
        %swap3A_220 = arith.index_cast %swap3A : i32 to index
        %swap3A_221 = arith.index_cast %scan3A_211 : i32 to index
        %swap3A_222 = arith.index_cast %mul3A_219 : i32 to index
        %swap3A_223 = tpu.vector_load %arg8[%swap3A_220, %swap3A_221, %swap3A_222] {strides = array<i32>} : memref<4x80x128xf32, #tpu.memory_space<vmem>>, vector<1x1x16xf32>,
        %swap3A_224 = vector.shape_cast %swap3A_223 : vector<1x1x16xf32> to vector<16xf32>
        %swap3A_225 = vector.shape_cast %broadcast_in_dim3A_1 : vector<16xf32> to vector<1x1x16xf32>
        tpu.vector_store %arg8[%swap3A_220, %swap3A_221, %swap3A_222], %swap3A_225 {strides = array<i32>} : memref<4x80x128xf32, #tpu.memory_space<vmem>>, vector<1x1x16xf32>,
      }
      %scan3A_216 = arith.constant 8 : i32
    }
    %scan3A_6 = arith.constant 80 : i32
    %mul3A_7 = arith.constant 640 : i32
    %mul3A_8 = arith.muli %arg1, %mul3A_7 : i32
    %add3A_9 = arith.constant 0 : i32
    %add3A_10 = arith.addi %mul3A_8, %add3A_9 : i32
    %run_scoped3A = arith.constant 0 : i32
    "tpu.region"() ({
      %run_scoped3A_211 = tpu.sem_alloc : memref<!tpu.dma_semaphore, #tpu.memory_space<semaphore_mem>>
      %dma_start3A_212 = arith.constant 0 : i32
      %dma_start3A_213 = arith.constant 0 : i32
      %dma_start3A_214 = tpu.memref_slice %arg8[%run_scoped3A, %dma_start3A_212, %dma_start3A_213] : memref<4x80x128xf32, #tpu.memory_space<vmem>> -> memref<1x80x128xf32, #tpu.memory_space<vmem>>
      %dma_start3A_215 = tpu.memref_squeeze %dma_start3A_214 : memref<1x80x128xf32, #tpu.memory_space<vmem>> -> memref<80x128xf32, #tpu.memory_space<vmem>>
      %dma_start3A_216 = arith.constant 0 : i32
      %dma_start3A_217 = tpu.memref_slice %arg9[%add3A_10, %dma_start3A_216] : memref<10240x128xf32, #tpu.memory_space<vmem_shared>> -> memref<80x128xf32, #tpu.memory_space<vmem_shared>>
      %dma_start3A_218 = arith.constant 0 : i32
      %dma_start3A_219 = tpu.memref_slice %arg9[%add3A_10, %dma_start3A_218] : memref<10240x128xf32, #tpu.memory_space<vmem_shared>> -> memref<80x128xf32, #tpu.memory_space<vmem_shared>>
      %dma_start3A_220 = arith.constant 0 : i32
      %dma_start3A_221 = arith.constant 0 : i32
      %dma_start3A_222 = tpu.memref_slice %arg8[%run_scoped3A, %dma_start3A_220, %dma_start3A_221] : memref<4x80x128xf32, #tpu.memory_space<vmem>> -> memref<1x80x128xf32, #tpu.memory_space<vmem>>
      %dma_start3A_223 = tpu.memref_squeeze %dma_start3A_222 : memref<1x80x128xf32, #tpu.memory_space<vmem>> -> memref<80x128xf32, #tpu.memory_space<vmem>>
      tpu.enqueue_dma source(%dma_start3A_223 : memref<80x128xf32, #tpu.memory_space<vmem>>) target(%dma_start3A_219 : memref<80x128xf32, #tpu.memory_space<vmem_shared>>) target_semaphore(%run_scoped3A_211 : memref<!tpu.dma_semaphore, #tpu.memory_space<semaphore_mem>>)
      %dma_wait3A_224 = arith.constant 0 : i32
      %dma_wait3A_225 = arith.constant 0 : i32
      %dma_wait3A_226 = tpu.memref_slice %arg8[%run_scoped3A, %dma_wait3A_224, %dma_wait3A_225] : memref<4x80x128xf32, #tpu.memory_space<vmem>> -> memref<1x80x128xf32, #tpu.memory_space<vmem>>
      %dma_wait3A_227 = tpu.memref_squeeze %dma_wait3A_226 : memref<1x80x128xf32, #tpu.memory_space<vmem>> -> memref<80x128xf32, #tpu.memory_space<vmem>>
      %dma_wait3A_228 = arith.constant 0 : i32
      %dma_wait3A_229 = tpu.memref_slice %arg9[%add3A_10, %dma_wait3A_228] : memref<10240x128xf32, #tpu.memory_space<vmem_shared>> -> memref<80x128xf32, #tpu.memory_space<vmem_shared>>
      %dma_wait3A_230 = arith.constant 0 : i32
      %dma_wait3A_231 = tpu.memref_slice %arg9[%add3A_10, %dma_wait3A_230] : memref<10240x128xf32, #tpu.memory_space<vmem_shared>> -> memref<80x128xf32, #tpu.memory_space<vmem_shared>>
      %dma_wait3A_232 = arith.constant 0 : i32
      %dma_wait3A_233 = arith.constant 0 : i32
      %dma_wait3A_234 = tpu.memref_slice %arg8[%run_scoped3A, %dma_wait3A_232, %dma_wait3A_233] : memref<4x80x128xf32, #tpu.memory_space<vmem>> -> memref<1x80x128xf32, #tpu.memory_space<vmem>>
      %dma_wait3A_235 = tpu.memref_squeeze %dma_wait3A_234 : memref<1x80x128xf32, #tpu.memory_space<vmem>> -> memref<80x128xf32, #tpu.memory_space<vmem>>
      tpu.wait_dma2 semaphore(%run_scoped3A_211 : memref<!tpu.dma_semaphore, #tpu.memory_space<semaphore_mem>>) src(%dma_wait3A_235 : memref<80x128xf32, #tpu.memory_space<vmem>>) dst(%dma_wait3A_231 : memref<80x128xf32, #tpu.memory_space<vmem_shared>>)
      tpu.yield
    }) : () -> ()
    %mul3A_11 = arith.constant 640 : i32
    %mul3A_12 = arith.muli %arg1, %mul3A_11 : i32
    %add3A_13 = arith.constant 80 : i32
    %add3A_14 = arith.addi %mul3A_12, %add3A_13 : i32
    %run_scoped3A_15 = arith.constant 0 : i32
    "tpu.region"() ({
      %run_scoped3A_211 = tpu.sem_alloc : memref<!tpu.dma_semaphore, #tpu.memory_space<semaphore_mem>>
      %dma_start3A_212 = arith.constant 0 : i32
      %dma_start3A_213 = arith.constant 0 : i32
      %dma_start3A_214 = tpu.memref_slice %arg8[%run_scoped3A_15, %dma_start3A_212, %dma_start3A_213] : memref<4x80x128xf32, #tpu.memory_space<vmem>> -> memref<1x80x128xf32, #tpu.memory_space<vmem>>
      %dma_start3A_215 = tpu.memref_squeeze %dma_start3A_214 : memref<1x80x128xf32, #tpu.memory_space<vmem>> -> memref<80x128xf32, #tpu.memory_space<vmem>>
      %dma_start3A_216 = arith.constant 0 : i32
      %dma_start3A_217 = tpu.memref_slice %arg9[%add3A_14, %dma_start3A_216] : memref<10240x128xf32, #tpu.memory_space<vmem_shared>> -> memref<80x128xf32, #tpu.memory_space<vmem_shared>>
      %dma_start3A_218 = arith.constant 0 : i32
      %dma_start3A_219 = tpu.memref_slice %arg9[%add3A_14, %dma_start3A_218] : memref<10240x128xf32, #tpu.memory_space<vmem_shared>> -> memref<80x128xf32, #tpu.memory_space<vmem_shared>>
      %dma_start3A_220 = arith.constant 0 : i32
      %dma_start3A_221 = arith.constant 0 : i32
      %dma_start3A_222 = tpu.memref_slice %arg8[%run_scoped3A_15, %dma_start3A_220, %dma_start3A_221] : memref<4x80x128xf32, #tpu.memory_space<vmem>> -> memref<1x80x128xf32, #tpu.memory_space<vmem>>
      %dma_start3A_223 = tpu.memref_squeeze %dma_start3A_222 : memref<1x80x128xf32, #tpu.memory_space<vmem>> -> memref<80x128xf32, #tpu.memory_space<vmem>>
      tpu.enqueue_dma source(%dma_start3A_223 : memref<80x128xf32, #tpu.memory_space<vmem>>) target(%dma_start3A_219 : memref<80x128xf32, #tpu.memory_space<vmem_shared>>) target_semaphore(%run_scoped3A_211 : memref<!tpu.dma_semaphore, #tpu.memory_space<semaphore_mem>>)
      %dma_wait3A_224 = arith.constant 0 : i32
      %dma_wait3A_225 = arith.constant 0 : i32
      %dma_wait3A_226 = tpu.memref_slice %arg8[%run_scoped3A_15, %dma_wait3A_224, %dma_wait3A_225] : memref<4x80x128xf32, #tpu.memory_space<vmem>> -> memref<1x80x128xf32, #tpu.memory_space<vmem>>
      %dma_wait3A_227 = tpu.memref_squeeze %dma_wait3A_226 : memref<1x80x128xf32, #tpu.memory_space<vmem>> -> memref<80x128xf32, #tpu.memory_space<vmem>>
      %dma_wait3A_228 = arith.constant 0 : i32
      %dma_wait3A_229 = tpu.memref_slice %arg9[%add3A_14, %dma_wait3A_228] : memref<10240x128xf32, #tpu.memory_space<vmem_shared>> -> memref<80x128xf32, #tpu.memory_space<vmem_shared>>
      %dma_wait3A_230 = arith.constant 0 : i32
      %dma_wait3A_231 = tpu.memref_slice %arg9[%add3A_14, %dma_wait3A_230] : memref<10240x128xf32, #tpu.memory_space<vmem_shared>> -> memref<80x128xf32, #tpu.memory_space<vmem_shared>>
      %dma_wait3A_232 = arith.constant 0 : i32
      %dma_wait3A_233 = arith.constant 0 : i32
      %dma_wait3A_234 = tpu.memref_slice %arg8[%run_scoped3A_15, %dma_wait3A_232, %dma_wait3A_233] : memref<4x80x128xf32, #tpu.memory_space<vmem>> -> memref<1x80x128xf32, #tpu.memory_space<vmem>>
      %dma_wait3A_235 = tpu.memref_squeeze %dma_wait3A_234 : memref<1x80x128xf32, #tpu.memory_space<vmem>> -> memref<80x128xf32, #tpu.memory_space<vmem>>
      tpu.wait_dma2 semaphore(%run_scoped3A_211 : memref<!tpu.dma_semaphore, #tpu.memory_space<semaphore_mem>>) src(%dma_wait3A_235 : memref<80x128xf32, #tpu.memory_space<vmem>>) dst(%dma_wait3A_231 : memref<80x128xf32, #tpu.memory_space<vmem_shared>>)
      tpu.yield
    }) : () -> ()
    %mul3A_16 = arith.constant 640 : i32
    %mul3A_17 = arith.muli %arg1, %mul3A_16 : i32
    %add3A_18 = arith.constant 160 : i32
    %add3A_19 = arith.addi %mul3A_17, %add3A_18 : i32
    %run_scoped3A_20 = arith.constant 0 : i32
    "tpu.region"() ({
      %run_scoped3A_211 = tpu.sem_alloc : memref<!tpu.dma_semaphore, #tpu.memory_space<semaphore_mem>>
      %dma_start3A_212 = arith.constant 0 : i32
      %dma_start3A_213 = arith.constant 0 : i32
      %dma_start3A_214 = tpu.memref_slice %arg8[%run_scoped3A_20, %dma_start3A_212, %dma_start3A_213] : memref<4x80x128xf32, #tpu.memory_space<vmem>> -> memref<1x80x128xf32, #tpu.memory_space<vmem>>
      %dma_start3A_215 = tpu.memref_squeeze %dma_start3A_214 : memref<1x80x128xf32, #tpu.memory_space<vmem>> -> memref<80x128xf32, #tpu.memory_space<vmem>>
      %dma_start3A_216 = arith.constant 0 : i32
      %dma_start3A_217 = tpu.memref_slice %arg9[%add3A_19, %dma_start3A_216] : memref<10240x128xf32, #tpu.memory_space<vmem_shared>> -> memref<80x128xf32, #tpu.memory_space<vmem_shared>>
      %dma_start3A_218 = arith.constant 0 : i32
      %dma_start3A_219 = tpu.memref_slice %arg9[%add3A_19, %dma_start3A_218] : memref<10240x128xf32, #tpu.memory_space<vmem_shared>> -> memref<80x128xf32, #tpu.memory_space<vmem_shared>>
      %dma_start3A_220 = arith.constant 0 : i32
      %dma_start3A_221 = arith.constant 0 : i32
      %dma_start3A_222 = tpu.memref_slice %arg8[%run_scoped3A_20, %dma_start3A_220, %dma_start3A_221] : memref<4x80x128xf32, #tpu.memory_space<vmem>> -> memref<1x80x128xf32, #tpu.memory_space<vmem>>
      %dma_start3A_223 = tpu.memref_squeeze %dma_start3A_222 : memref<1x80x128xf32, #tpu.memory_space<vmem>> -> memref<80x128xf32, #tpu.memory_space<vmem>>
      tpu.enqueue_dma source(%dma_start3A_223 : memref<80x128xf32, #tpu.memory_space<vmem>>) target(%dma_start3A_219 : memref<80x128xf32, #tpu.memory_space<vmem_shared>>) target_semaphore(%run_scoped3A_211 : memref<!tpu.dma_semaphore, #tpu.memory_space<semaphore_mem>>)
      %dma_wait3A_224 = arith.constant 0 : i32
      %dma_wait3A_225 = arith.constant 0 : i32
      %dma_wait3A_226 = tpu.memref_slice %arg8[%run_scoped3A_20, %dma_wait3A_224, %dma_wait3A_225] : memref<4x80x128xf32, #tpu.memory_space<vmem>> -> memref<1x80x128xf32, #tpu.memory_space<vmem>>
      %dma_wait3A_227 = tpu.memref_squeeze %dma_wait3A_226 : memref<1x80x128xf32, #tpu.memory_space<vmem>> -> memref<80x128xf32, #tpu.memory_space<vmem>>
      %dma_wait3A_228 = arith.constant 0 : i32
      %dma_wait3A_229 = tpu.memref_slice %arg9[%add3A_19, %dma_wait3A_228] : memref<10240x128xf32, #tpu.memory_space<vmem_shared>> -> memref<80x128xf32, #tpu.memory_space<vmem_shared>>
      %dma_wait3A_230 = arith.constant 0 : i32
      %dma_wait3A_231 = tpu.memref_slice %arg9[%add3A_19, %dma_wait3A_230] : memref<10240x128xf32, #tpu.memory_space<vmem_shared>> -> memref<80x128xf32, #tpu.memory_space<vmem_shared>>
      %dma_wait3A_232 = arith.constant 0 : i32
      %dma_wait3A_233 = arith.constant 0 : i32
      %dma_wait3A_234 = tpu.memref_slice %arg8[%run_scoped3A_20, %dma_wait3A_232, %dma_wait3A_233] : memref<4x80x128xf32, #tpu.memory_space<vmem>> -> memref<1x80x128xf32, #tpu.memory_space<vmem>>
      %dma_wait3A_235 = tpu.memref_squeeze %dma_wait3A_234 : memref<1x80x128xf32, #tpu.memory_space<vmem>> -> memref<80x128xf32, #tpu.memory_space<vmem>>
      tpu.wait_dma2 semaphore(%run_scoped3A_211 : memref<!tpu.dma_semaphore, #tpu.memory_space<semaphore_mem>>) src(%dma_wait3A_235 : memref<80x128xf32, #tpu.memory_space<vmem>>) dst(%dma_wait3A_231 : memref<80x128xf32, #tpu.memory_space<vmem_shared>>)
      tpu.yield
    }) : () -> ()
    %mul3A_21 = arith.constant 640 : i32
    %mul3A_22 = arith.muli %arg1, %mul3A_21 : i32
    %add3A_23 = arith.constant 240 : i32
    %add3A_24 = arith.addi %mul3A_22, %add3A_23 : i32
    %run_scoped3A_25 = arith.constant 0 : i32
    "tpu.region"() ({
      %run_scoped3A_211 = tpu.sem_alloc : memref<!tpu.dma_semaphore, #tpu.memory_space<semaphore_mem>>
      %dma_start3A_212 = arith.constant 0 : i32
      %dma_start3A_213 = arith.constant 0 : i32
      %dma_start3A_214 = tpu.memref_slice %arg8[%run_scoped3A_25, %dma_start3A_212, %dma_start3A_213] : memref<4x80x128xf32, #tpu.memory_space<vmem>> -> memref<1x80x128xf32, #tpu.memory_space<vmem>>
      %dma_start3A_215 = tpu.memref_squeeze %dma_start3A_214 : memref<1x80x128xf32, #tpu.memory_space<vmem>> -> memref<80x128xf32, #tpu.memory_space<vmem>>
      %dma_start3A_216 = arith.constant 0 : i32
      %dma_start3A_217 = tpu.memref_slice %arg9[%add3A_24, %dma_start3A_216] : memref<10240x128xf32, #tpu.memory_space<vmem_shared>> -> memref<80x128xf32, #tpu.memory_space<vmem_shared>>
      %dma_start3A_218 = arith.constant 0 : i32
      %dma_start3A_219 = tpu.memref_slice %arg9[%add3A_24, %dma_start3A_218] : memref<10240x128xf32, #tpu.memory_space<vmem_shared>> -> memref<80x128xf32, #tpu.memory_space<vmem_shared>>
      %dma_start3A_220 = arith.constant 0 : i32
      %dma_start3A_221 = arith.constant 0 : i32
      %dma_start3A_222 = tpu.memref_slice %arg8[%run_scoped3A_25, %dma_start3A_220, %dma_start3A_221] : memref<4x80x128xf32, #tpu.memory_space<vmem>> -> memref<1x80x128xf32, #tpu.memory_space<vmem>>
      %dma_start3A_223 = tpu.memref_squeeze %dma_start3A_222 : memref<1x80x128xf32, #tpu.memory_space<vmem>> -> memref<80x128xf32, #tpu.memory_space<vmem>>
      tpu.enqueue_dma source(%dma_start3A_223 : memref<80x128xf32, #tpu.memory_space<vmem>>) target(%dma_start3A_219 : memref<80x128xf32, #tpu.memory_space<vmem_shared>>) target_semaphore(%run_scoped3A_211 : memref<!tpu.dma_semaphore, #tpu.memory_space<semaphore_mem>>)
      %dma_wait3A_224 = arith.constant 0 : i32
      %dma_wait3A_225 = arith.constant 0 : i32
      %dma_wait3A_226 = tpu.memref_slice %arg8[%run_scoped3A_25, %dma_wait3A_224, %dma_wait3A_225] : memref<4x80x128xf32, #tpu.memory_space<vmem>> -> memref<1x80x128xf32, #tpu.memory_space<vmem>>
      %dma_wait3A_227 = tpu.memref_squeeze %dma_wait3A_226 : memref<1x80x128xf32, #tpu.memory_space<vmem>> -> memref<80x128xf32, #tpu.memory_space<vmem>>
      %dma_wait3A_228 = arith.constant 0 : i32
      %dma_wait3A_229 = tpu.memref_slice %arg9[%add3A_24, %dma_wait3A_228] : memref<10240x128xf32, #tpu.memory_space<vmem_shared>> -> memref<80x128xf32, #tpu.memory_space<vmem_shared>>
      %dma_wait3A_230 = arith.constant 0 : i32
      %dma_wait3A_231 = tpu.memref_slice %arg9[%add3A_24, %dma_wait3A_230] : memref<10240x128xf32, #tpu.memory_space<vmem_shared>> -> memref<80x128xf32, #tpu.memory_space<vmem_shared>>
      %dma_wait3A_232 = arith.constant 0 : i32
      %dma_wait3A_233 = arith.constant 0 : i32
      %dma_wait3A_234 = tpu.memref_slice %arg8[%run_scoped3A_25, %dma_wait3A_232, %dma_wait3A_233] : memref<4x80x128xf32, #tpu.memory_space<vmem>> -> memref<1x80x128xf32, #tpu.memory_space<vmem>>
      %dma_wait3A_235 = tpu.memref_squeeze %dma_wait3A_234 : memref<1x80x128xf32, #tpu.memory_space<vmem>> -> memref<80x128xf32, #tpu.memory_space<vmem>>
      tpu.wait_dma2 semaphore(%run_scoped3A_211 : memref<!tpu.dma_semaphore, #tpu.memory_space<semaphore_mem>>) src(%dma_wait3A_235 : memref<80x128xf32, #tpu.memory_space<vmem>>) dst(%dma_wait3A_231 : memref<80x128xf32, #tpu.memory_space<vmem_shared>>)
      tpu.yield
    }) : () -> ()
    %mul3A_26 = arith.constant 640 : i32
    %mul3A_27 = arith.muli %arg1, %mul3A_26 : i32
    %add3A_28 = arith.constant 320 : i32
    %add3A_29 = arith.addi %mul3A_27, %add3A_28 : i32
    %run_scoped3A_30 = arith.constant 0 : i32
    "tpu.region"() ({
      %run_scoped3A_211 = tpu.sem_alloc : memref<!tpu.dma_semaphore, #tpu.memory_space<semaphore_mem>>
      %dma_start3A_212 = arith.constant 0 : i32
      %dma_start3A_213 = arith.constant 0 : i32
      %dma_start3A_214 = tpu.memref_slice %arg8[%run_scoped3A_30, %dma_start3A_212, %dma_start3A_213] : memref<4x80x128xf32, #tpu.memory_space<vmem>> -> memref<1x80x128xf32, #tpu.memory_space<vmem>>
      %dma_start3A_215 = tpu.memref_squeeze %dma_start3A_214 : memref<1x80x128xf32, #tpu.memory_space<vmem>> -> memref<80x128xf32, #tpu.memory_space<vmem>>
      %dma_start3A_216 = arith.constant 0 : i32
      %dma_start3A_217 = tpu.memref_slice %arg9[%add3A_29, %dma_start3A_216] : memref<10240x128xf32, #tpu.memory_space<vmem_shared>> -> memref<80x128xf32, #tpu.memory_space<vmem_shared>>
      %dma_start3A_218 = arith.constant 0 : i32
      %dma_start3A_219 = tpu.memref_slice %arg9[%add3A_29, %dma_start3A_218] : memref<10240x128xf32, #tpu.memory_space<vmem_shared>> -> memref<80x128xf32, #tpu.memory_space<vmem_shared>>
      %dma_start3A_220 = arith.constant 0 : i32
      %dma_start3A_221 = arith.constant 0 : i32
      %dma_start3A_222 = tpu.memref_slice %arg8[%run_scoped3A_30, %dma_start3A_220, %dma_start3A_221] : memref<4x80x128xf32, #tpu.memory_space<vmem>> -> memref<1x80x128xf32, #tpu.memory_space<vmem>>
      %dma_start3A_223 = tpu.memref_squeeze %dma_start3A_222 : memref<1x80x128xf32, #tpu.memory_space<vmem>> -> memref<80x128xf32, #tpu.memory_space<vmem>>
      tpu.enqueue_dma source(%dma_start3A_223 : memref<80x128xf32, #tpu.memory_space<vmem>>) target(%dma_start3A_219 : memref<80x128xf32, #tpu.memory_space<vmem_shared>>) target_semaphore(%run_scoped3A_211 : memref<!tpu.dma_semaphore, #tpu.memory_space<semaphore_mem>>)
      %dma_wait3A_224 = arith.constant 0 : i32
      %dma_wait3A_225 = arith.constant 0 : i32
      %dma_wait3A_226 = tpu.memref_slice %arg8[%run_scoped3A_30, %dma_wait3A_224, %dma_wait3A_225] : memref<4x80x128xf32, #tpu.memory_space<vmem>> -> memref<1x80x128xf32, #tpu.memory_space<vmem>>
      %dma_wait3A_227 = tpu.memref_squeeze %dma_wait3A_226 : memref<1x80x128xf32, #tpu.memory_space<vmem>> -> memref<80x128xf32, #tpu.memory_space<vmem>>
      %dma_wait3A_228 = arith.constant 0 : i32
      %dma_wait3A_229 = tpu.memref_slice %arg9[%add3A_29, %dma_wait3A_228] : memref<10240x128xf32, #tpu.memory_space<vmem_shared>> -> memref<80x128xf32, #tpu.memory_space<vmem_shared>>
      %dma_wait3A_230 = arith.constant 0 : i32
      %dma_wait3A_231 = tpu.memref_slice %arg9[%add3A_29, %dma_wait3A_230] : memref<10240x128xf32, #tpu.memory_space<vmem_shared>> -> memref<80x128xf32, #tpu.memory_space<vmem_shared>>
      %dma_wait3A_232 = arith.constant 0 : i32
      %dma_wait3A_233 = arith.constant 0 : i32
      %dma_wait3A_234 = tpu.memref_slice %arg8[%run_scoped3A_30, %dma_wait3A_232, %dma_wait3A_233] : memref<4x80x128xf32, #tpu.memory_space<vmem>> -> memref<1x80x128xf32, #tpu.memory_space<vmem>>
      %dma_wait3A_235 = tpu.memref_squeeze %dma_wait3A_234 : memref<1x80x128xf32, #tpu.memory_space<vmem>> -> memref<80x128xf32, #tpu.memory_space<vmem>>
      tpu.wait_dma2 semaphore(%run_scoped3A_211 : memref<!tpu.dma_semaphore, #tpu.memory_space<semaphore_mem>>) src(%dma_wait3A_235 : memref<80x128xf32, #tpu.memory_space<vmem>>) dst(%dma_wait3A_231 : memref<80x128xf32, #tpu.memory_space<vmem_shared>>)
      tpu.yield
    }) : () -> ()
    %mul3A_31 = arith.constant 640 : i32
    %mul3A_32 = arith.muli %arg1, %mul3A_31 : i32
    %add3A_33 = arith.constant 400 : i32
    %add3A_34 = arith.addi %mul3A_32, %add3A_33 : i32
    %run_scoped3A_35 = arith.constant 0 : i32
    "tpu.region"() ({
      %run_scoped3A_211 = tpu.sem_alloc : memref<!tpu.dma_semaphore, #tpu.memory_space<semaphore_mem>>
      %dma_start3A_212 = arith.constant 0 : i32
      %dma_start3A_213 = arith.constant 0 : i32
      %dma_start3A_214 = tpu.memref_slice %arg8[%run_scoped3A_35, %dma_start3A_212, %dma_start3A_213] : memref<4x80x128xf32, #tpu.memory_space<vmem>> -> memref<1x80x128xf32, #tpu.memory_space<vmem>>
      %dma_start3A_215 = tpu.memref_squeeze %dma_start3A_214 : memref<1x80x128xf32, #tpu.memory_space<vmem>> -> memref<80x128xf32, #tpu.memory_space<vmem>>
      %dma_start3A_216 = arith.constant 0 : i32
      %dma_start3A_217 = tpu.memref_slice %arg9[%add3A_34, %dma_start3A_216] : memref<10240x128xf32, #tpu.memory_space<vmem_shared>> -> memref<80x128xf32, #tpu.memory_space<vmem_shared>>
      %dma_start3A_218 = arith.constant 0 : i32
      %dma_start3A_219 = tpu.memref_slice %arg9[%add3A_34, %dma_start3A_218] : memref<10240x128xf32, #tpu.memory_space<vmem_shared>> -> memref<80x128xf32, #tpu.memory_space<vmem_shared>>
      %dma_start3A_220 = arith.constant 0 : i32
      %dma_start3A_221 = arith.constant 0 : i32
      %dma_start3A_222 = tpu.memref_slice %arg8[%run_scoped3A_35, %dma_start3A_220, %dma_start3A_221] : memref<4x80x128xf32, #tpu.memory_space<vmem>> -> memref<1x80x128xf32, #tpu.memory_space<vmem>>
      %dma_start3A_223 = tpu.memref_squeeze %dma_start3A_222 : memref<1x80x128xf32, #tpu.memory_space<vmem>> -> memref<80x128xf32, #tpu.memory_space<vmem>>
      tpu.enqueue_dma source(%dma_start3A_223 : memref<80x128xf32, #tpu.memory_space<vmem>>) target(%dma_start3A_219 : memref<80x128xf32, #tpu.memory_space<vmem_shared>>) target_semaphore(%run_scoped3A_211 : memref<!tpu.dma_semaphore, #tpu.memory_space<semaphore_mem>>)
      %dma_wait3A_224 = arith.constant 0 : i32
      %dma_wait3A_225 = arith.constant 0 : i32
      %dma_wait3A_226 = tpu.memref_slice %arg8[%run_scoped3A_35, %dma_wait3A_224, %dma_wait3A_225] : memref<4x80x128xf32, #tpu.memory_space<vmem>> -> memref<1x80x128xf32, #tpu.memory_space<vmem>>
      %dma_wait3A_227 = tpu.memref_squeeze %dma_wait3A_226 : memref<1x80x128xf32, #tpu.memory_space<vmem>> -> memref<80x128xf32, #tpu.memory_space<vmem>>
      %dma_wait3A_228 = arith.constant 0 : i32
      %dma_wait3A_229 = tpu.memref_slice %arg9[%add3A_34, %dma_wait3A_228] : memref<10240x128xf32, #tpu.memory_space<vmem_shared>> -> memref<80x128xf32, #tpu.memory_space<vmem_shared>>
      %dma_wait3A_230 = arith.constant 0 : i32
      %dma_wait3A_231 = tpu.memref_slice %arg9[%add3A_34, %dma_wait3A_230] : memref<10240x128xf32, #tpu.memory_space<vmem_shared>> -> memref<80x128xf32, #tpu.memory_space<vmem_shared>>
      %dma_wait3A_232 = arith.constant 0 : i32
      %dma_wait3A_233 = arith.constant 0 : i32
      %dma_wait3A_234 = tpu.memref_slice %arg8[%run_scoped3A_35, %dma_wait3A_232, %dma_wait3A_233] : memref<4x80x128xf32, #tpu.memory_space<vmem>> -> memref<1x80x128xf32, #tpu.memory_space<vmem>>
      %dma_wait3A_235 = tpu.memref_squeeze %dma_wait3A_234 : memref<1x80x128xf32, #tpu.memory_space<vmem>> -> memref<80x128xf32, #tpu.memory_space<vmem>>
      tpu.wait_dma2 semaphore(%run_scoped3A_211 : memref<!tpu.dma_semaphore, #tpu.memory_space<semaphore_mem>>) src(%dma_wait3A_235 : memref<80x128xf32, #tpu.memory_space<vmem>>) dst(%dma_wait3A_231 : memref<80x128xf32, #tpu.memory_space<vmem_shared>>)
      tpu.yield
    }) : () -> ()
    %mul3A_36 = arith.constant 640 : i32
    %mul3A_37 = arith.muli %arg1, %mul3A_36 : i32
    %add3A_38 = arith.constant 480 : i32
    %add3A_39 = arith.addi %mul3A_37, %add3A_38 : i32
    %run_scoped3A_40 = arith.constant 0 : i32
    "tpu.region"() ({
      %run_scoped3A_211 = tpu.sem_alloc : memref<!tpu.dma_semaphore, #tpu.memory_space<semaphore_mem>>
      %dma_start3A_212 = arith.constant 0 : i32
      %dma_start3A_213 = arith.constant 0 : i32
      %dma_start3A_214 = tpu.memref_slice %arg8[%run_scoped3A_40, %dma_start3A_212, %dma_start3A_213] : memref<4x80x128xf32, #tpu.memory_space<vmem>> -> memref<1x80x128xf32, #tpu.memory_space<vmem>>
      %dma_start3A_215 = tpu.memref_squeeze %dma_start3A_214 : memref<1x80x128xf32, #tpu.memory_space<vmem>> -> memref<80x128xf32, #tpu.memory_space<vmem>>
      %dma_start3A_216 = arith.constant 0 : i32
      %dma_start3A_217 = tpu.memref_slice %arg9[%add3A_39, %dma_start3A_216] : memref<10240x128xf32, #tpu.memory_space<vmem_shared>> -> memref<80x128xf32, #tpu.memory_space<vmem_shared>>
      %dma_start3A_218 = arith.constant 0 : i32
      %dma_start3A_219 = tpu.memref_slice %arg9[%add3A_39, %dma_start3A_218] : memref<10240x128xf32, #tpu.memory_space<vmem_shared>> -> memref<80x128xf32, #tpu.memory_space<vmem_shared>>
      %dma_start3A_220 = arith.constant 0 : i32
      %dma_start3A_221 = arith.constant 0 : i32
      %dma_start3A_222 = tpu.memref_slice %arg8[%run_scoped3A_40, %dma_start3A_220, %dma_start3A_221] : memref<4x80x128xf32, #tpu.memory_space<vmem>> -> memref<1x80x128xf32, #tpu.memory_space<vmem>>
      %dma_start3A_223 = tpu.memref_squeeze %dma_start3A_222 : memref<1x80x128xf32, #tpu.memory_space<vmem>> -> memref<80x128xf32, #tpu.memory_space<vmem>>
      tpu.enqueue_dma source(%dma_start3A_223 : memref<80x128xf32, #tpu.memory_space<vmem>>) target(%dma_start3A_219 : memref<80x128xf32, #tpu.memory_space<vmem_shared>>) target_semaphore(%run_scoped3A_211 : memref<!tpu.dma_semaphore, #tpu.memory_space<semaphore_mem>>)
      %dma_wait3A_224 = arith.constant 0 : i32
      %dma_wait3A_225 = arith.constant 0 : i32
      %dma_wait3A_226 = tpu.memref_slice %arg8[%run_scoped3A_40, %dma_wait3A_224, %dma_wait3A_225] : memref<4x80x128xf32, #tpu.memory_space<vmem>> -> memref<1x80x128xf32, #tpu.memory_space<vmem>>
      %dma_wait3A_227 = tpu.memref_squeeze %dma_wait3A_226 : memref<1x80x128xf32, #tpu.memory_space<vmem>> -> memref<80x128xf32, #tpu.memory_space<vmem>>
      %dma_wait3A_228 = arith.constant 0 : i32
      %dma_wait3A_229 = tpu.memref_slice %arg9[%add3A_39, %dma_wait3A_228] : memref<10240x128xf32, #tpu.memory_space<vmem_shared>> -> memref<80x128xf32, #tpu.memory_space<vmem_shared>>
      %dma_wait3A_230 = arith.constant 0 : i32
      %dma_wait3A_231 = tpu.memref_slice %arg9[%add3A_39, %dma_wait3A_230] : memref<10240x128xf32, #tpu.memory_space<vmem_shared>> -> memref<80x128xf32, #tpu.memory_space<vmem_shared>>
      %dma_wait3A_232 = arith.constant 0 : i32
      %dma_wait3A_233 = arith.constant 0 : i32
      %dma_wait3A_234 = tpu.memref_slice %arg8[%run_scoped3A_40, %dma_wait3A_232, %dma_wait3A_233] : memref<4x80x128xf32, #tpu.memory_space<vmem>> -> memref<1x80x128xf32, #tpu.memory_space<vmem>>
      %dma_wait3A_235 = tpu.memref_squeeze %dma_wait3A_234 : memref<1x80x128xf32, #tpu.memory_space<vmem>> -> memref<80x128xf32, #tpu.memory_space<vmem>>
      tpu.wait_dma2 semaphore(%run_scoped3A_211 : memref<!tpu.dma_semaphore, #tpu.memory_space<semaphore_mem>>) src(%dma_wait3A_235 : memref<80x128xf32, #tpu.memory_space<vmem>>) dst(%dma_wait3A_231 : memref<80x128xf32, #tpu.memory_space<vmem_shared>>)
      tpu.yield
    }) : () -> ()
    %mul3A_41 = arith.constant 640 : i32
    %mul3A_42 = arith.muli %arg1, %mul3A_41 : i32
    %add3A_43 = arith.constant 560 : i32
    %add3A_44 = arith.addi %mul3A_42, %add3A_43 : i32
    %run_scoped3A_45 = arith.constant 0 : i32
    "tpu.region"() ({
      %run_scoped3A_211 = tpu.sem_alloc : memref<!tpu.dma_semaphore, #tpu.memory_space<semaphore_mem>>
      %dma_start3A_212 = arith.constant 0 : i32
      %dma_start3A_213 = arith.constant 0 : i32
      %dma_start3A_214 = tpu.memref_slice %arg8[%run_scoped3A_45, %dma_start3A_212, %dma_start3A_213] : memref<4x80x128xf32, #tpu.memory_space<vmem>> -> memref<1x80x128xf32, #tpu.memory_space<vmem>>
      %dma_start3A_215 = tpu.memref_squeeze %dma_start3A_214 : memref<1x80x128xf32, #tpu.memory_space<vmem>> -> memref<80x128xf32, #tpu.memory_space<vmem>>
      %dma_start3A_216 = arith.constant 0 : i32
      %dma_start3A_217 = tpu.memref_slice %arg9[%add3A_44, %dma_start3A_216] : memref<10240x128xf32, #tpu.memory_space<vmem_shared>> -> memref<80x128xf32, #tpu.memory_space<vmem_shared>>
      %dma_start3A_218 = arith.constant 0 : i32
      %dma_start3A_219 = tpu.memref_slice %arg9[%add3A_44, %dma_start3A_218] : memref<10240x128xf32, #tpu.memory_space<vmem_shared>> -> memref<80x128xf32, #tpu.memory_space<vmem_shared>>
      %dma_start3A_220 = arith.constant 0 : i32
      %dma_start3A_221 = arith.constant 0 : i32
      %dma_start3A_222 = tpu.memref_slice %arg8[%run_scoped3A_45, %dma_start3A_220, %dma_start3A_221] : memref<4x80x128xf32, #tpu.memory_space<vmem>> -> memref<1x80x128xf32, #tpu.memory_space<vmem>>
      %dma_start3A_223 = tpu.memref_squeeze %dma_start3A_222 : memref<1x80x128xf32, #tpu.memory_space<vmem>> -> memref<80x128xf32, #tpu.memory_space<vmem>>
      tpu.enqueue_dma source(%dma_start3A_223 : memref<80x128xf32, #tpu.memory_space<vmem>>) target(%dma_start3A_219 : memref<80x128xf32, #tpu.memory_space<vmem_shared>>) target_semaphore(%run_scoped3A_211 : memref<!tpu.dma_semaphore, #tpu.memory_space<semaphore_mem>>)
      %dma_wait3A_224 = arith.constant 0 : i32
      %dma_wait3A_225 = arith.constant 0 : i32
      %dma_wait3A_226 = tpu.memref_slice %arg8[%run_scoped3A_45, %dma_wait3A_224, %dma_wait3A_225] : memref<4x80x128xf32, #tpu.memory_space<vmem>> -> memref<1x80x128xf32, #tpu.memory_space<vmem>>
      %dma_wait3A_227 = tpu.memref_squeeze %dma_wait3A_226 : memref<1x80x128xf32, #tpu.memory_space<vmem>> -> memref<80x128xf32, #tpu.memory_space<vmem>>
      %dma_wait3A_228 = arith.constant 0 : i32
      %dma_wait3A_229 = tpu.memref_slice %arg9[%add3A_44, %dma_wait3A_228] : memref<10240x128xf32, #tpu.memory_space<vmem_shared>> -> memref<80x128xf32, #tpu.memory_space<vmem_shared>>
      %dma_wait3A_230 = arith.constant 0 : i32
      %dma_wait3A_231 = tpu.memref_slice %arg9[%add3A_44, %dma_wait3A_230] : memref<10240x128xf32, #tpu.memory_space<vmem_shared>> -> memref<80x128xf32, #tpu.memory_space<vmem_shared>>
      %dma_wait3A_232 = arith.constant 0 : i32
      %dma_wait3A_233 = arith.constant 0 : i32
      %dma_wait3A_234 = tpu.memref_slice %arg8[%run_scoped3A_45, %dma_wait3A_232, %dma_wait3A_233] : memref<4x80x128xf32, #tpu.memory_space<vmem>> -> memref<1x80x128xf32, #tpu.memory_space<vmem>>
      %dma_wait3A_235 = tpu.memref_squeeze %dma_wait3A_234 : memref<1x80x128xf32, #tpu.memory_space<vmem>> -> memref<80x128xf32, #tpu.memory_space<vmem>>
      tpu.wait_dma2 semaphore(%run_scoped3A_211 : memref<!tpu.dma_semaphore, #tpu.memory_space<semaphore_mem>>) src(%dma_wait3A_235 : memref<80x128xf32, #tpu.memory_space<vmem>>) dst(%dma_wait3A_231 : memref<80x128xf32, #tpu.memory_space<vmem_shared>>)
      tpu.yield
    }) : () -> ()
    %barrier3A = arith.constant 0 : index
    tpu.barrier barrier_id(%barrier3A)
    %dma_start3A = arith.constant 0 : i32
    %dma_start3A_46 = arith.constant 0 : i32
    %dma_start3A_47 = arith.constant 0 : i32
    %dma_start3A_48 = tpu.memref_slice %arg6[%dma_start3A_46, %dma_start3A_47] : memref<4x80xi32, #tpu.memory_space<vmem>> -> memref<1x80xi32, #tpu.memory_space<vmem>>
    %dma_start3A_49 = tpu.memref_squeeze %dma_start3A_48 : memref<1x80xi32, #tpu.memory_space<vmem>> -> memref<80xi32, #tpu.memory_space<vmem>>
    %dma_start3A_50 = arith.constant 0 : i32
    %dma_start3A_51 = tpu.memref_slice %arg3[%add3A, %dma_start3A, %dma_start3A_50] : memref<32x125x80xi32, #tpu.memory_space<hbm>> -> memref<1x1x80xi32, #tpu.memory_space<hbm>>
    %dma_start3A_52 = tpu.memref_squeeze %dma_start3A_51 : memref<1x1x80xi32, #tpu.memory_space<hbm>> -> memref<80xi32, #tpu.memory_space<hbm>>
    %dma_start3A_53 = arith.constant 0 : i32
    %dma_start3A_54 = tpu.memref_slice %arg6[%dma_start3A_46, %dma_start3A_53] : memref<4x80xi32, #tpu.memory_space<vmem>> -> memref<1x80xi32, #tpu.memory_space<vmem>>
    %dma_start3A_55 = tpu.memref_squeeze %dma_start3A_54 : memref<1x80xi32, #tpu.memory_space<vmem>> -> memref<80xi32, #tpu.memory_space<vmem>>
    %dma_start3A_56 = arith.constant 0 : i32
    %dma_start3A_57 = tpu.memref_slice %arg3[%add3A, %dma_start3A, %dma_start3A_56] : memref<32x125x80xi32, #tpu.memory_space<hbm>> -> memref<1x1x80xi32, #tpu.memory_space<hbm>>
    %dma_start3A_58 = tpu.memref_squeeze %dma_start3A_57 : memref<1x1x80xi32, #tpu.memory_space<hbm>> -> memref<80xi32, #tpu.memory_space<hbm>>
    tpu.enqueue_dma source(%dma_start3A_58 : memref<80xi32, #tpu.memory_space<hbm>>) target(%dma_start3A_55 : memref<80xi32, #tpu.memory_space<vmem>>) target_semaphore(%arg10 : memref<!tpu.dma_semaphore, #tpu.memory_space<semaphore_mem>>)
    %dma_start3A_59 = arith.constant 0 : i32
    %dma_start3A_60 = arith.constant 0 : i32
    %dma_start3A_61 = arith.constant 0 : i32
    %dma_start3A_62 = tpu.memref_slice %arg7[%dma_start3A_60, %dma_start3A_61] : memref<4x80xi32, #tpu.memory_space<vmem>> -> memref<1x80xi32, #tpu.memory_space<vmem>>
    %dma_start3A_63 = tpu.memref_squeeze %dma_start3A_62 : memref<1x80xi32, #tpu.memory_space<vmem>> -> memref<80xi32, #tpu.memory_space<vmem>>
    %dma_start3A_64 = arith.constant 0 : i32
    %dma_start3A_65 = tpu.memref_slice %arg4[%add3A, %dma_start3A_59, %dma_start3A_64] : memref<32x125x80xi32, #tpu.memory_space<hbm>> -> memref<1x1x80xi32, #tpu.memory_space<hbm>>
    %dma_start3A_66 = tpu.memref_squeeze %dma_start3A_65 : memref<1x1x80xi32, #tpu.memory_space<hbm>> -> memref<80xi32, #tpu.memory_space<hbm>>
    %dma_start3A_67 = arith.constant 0 : i32
    %dma_start3A_68 = tpu.memref_slice %arg7[%dma_start3A_60, %dma_start3A_67] : memref<4x80xi32, #tpu.memory_space<vmem>> -> memref<1x80xi32, #tpu.memory_space<vmem>>
    %dma_start3A_69 = tpu.memref_squeeze %dma_start3A_68 : memref<1x80xi32, #tpu.memory_space<vmem>> -> memref<80xi32, #tpu.memory_space<vmem>>
    %dma_start3A_70 = arith.constant 0 : i32
    %dma_start3A_71 = tpu.memref_slice %arg4[%add3A, %dma_start3A_59, %dma_start3A_70] : memref<32x125x80xi32, #tpu.memory_space<hbm>> -> memref<1x1x80xi32, #tpu.memory_space<hbm>>
    %dma_start3A_72 = tpu.memref_squeeze %dma_start3A_71 : memref<1x1x80xi32, #tpu.memory_space<hbm>> -> memref<80xi32, #tpu.memory_space<hbm>>
    tpu.enqueue_dma source(%dma_start3A_72 : memref<80xi32, #tpu.memory_space<hbm>>) target(%dma_start3A_69 : memref<80xi32, #tpu.memory_space<vmem>>) target_semaphore(%arg10 : memref<!tpu.dma_semaphore, #tpu.memory_space<semaphore_mem>>)
    %dma_start3A_73 = arith.constant 1 : i32
    %dma_start3A_74 = arith.constant 1 : i32
    %dma_start3A_75 = arith.constant 0 : i32
    %dma_start3A_76 = tpu.memref_slice %arg6[%dma_start3A_74, %dma_start3A_75] : memref<4x80xi32, #tpu.memory_space<vmem>> -> memref<1x80xi32, #tpu.memory_space<vmem>>
    %dma_start3A_77 = tpu.memref_squeeze %dma_start3A_76 : memref<1x80xi32, #tpu.memory_space<vmem>> -> memref<80xi32, #tpu.memory_space<vmem>>
    %dma_start3A_78 = arith.constant 0 : i32
    %dma_start3A_79 = tpu.memref_slice %arg3[%add3A, %dma_start3A_73, %dma_start3A_78] : memref<32x125x80xi32, #tpu.memory_space<hbm>> -> memref<1x1x80xi32, #tpu.memory_space<hbm>>
    %dma_start3A_80 = tpu.memref_squeeze %dma_start3A_79 : memref<1x1x80xi32, #tpu.memory_space<hbm>> -> memref<80xi32, #tpu.memory_space<hbm>>
    %dma_start3A_81 = arith.constant 0 : i32
    %dma_start3A_82 = tpu.memref_slice %arg6[%dma_start3A_74, %dma_start3A_81] : memref<4x80xi32, #tpu.memory_space<vmem>> -> memref<1x80xi32, #tpu.memory_space<vmem>>
    %dma_start3A_83 = tpu.memref_squeeze %dma_start3A_82 : memref<1x80xi32, #tpu.memory_space<vmem>> -> memref<80xi32, #tpu.memory_space<vmem>>
    %dma_start3A_84 = arith.constant 0 : i32
    %dma_start3A_85 = tpu.memref_slice %arg3[%add3A, %dma_start3A_73, %dma_start3A_84] : memref<32x125x80xi32, #tpu.memory_space<hbm>> -> memref<1x1x80xi32, #tpu.memory_space<hbm>>
    %dma_start3A_86 = tpu.memref_squeeze %dma_start3A_85 : memref<1x1x80xi32, #tpu.memory_space<hbm>> -> memref<80xi32, #tpu.memory_space<hbm>>
    tpu.enqueue_dma source(%dma_start3A_86 : memref<80xi32, #tpu.memory_space<hbm>>) target(%dma_start3A_83 : memref<80xi32, #tpu.memory_space<vmem>>) target_semaphore(%arg11 : memref<!tpu.dma_semaphore, #tpu.memory_space<semaphore_mem>>)
    %dma_start3A_87 = arith.constant 1 : i32
    %dma_start3A_88 = arith.constant 1 : i32
    %dma_start3A_89 = arith.constant 0 : i32
    %dma_start3A_90 = tpu.memref_slice %arg7[%dma_start3A_88, %dma_start3A_89] : memref<4x80xi32, #tpu.memory_space<vmem>> -> memref<1x80xi32, #tpu.memory_space<vmem>>
    %dma_start3A_91 = tpu.memref_squeeze %dma_start3A_90 : memref<1x80xi32, #tpu.memory_space<vmem>> -> memref<80xi32, #tpu.memory_space<vmem>>
    %dma_start3A_92 = arith.constant 0 : i32
    %dma_start3A_93 = tpu.memref_slice %arg4[%add3A, %dma_start3A_87, %dma_start3A_92] : memref<32x125x80xi32, #tpu.memory_space<hbm>> -> memref<1x1x80xi32, #tpu.memory_space<hbm>>
    %dma_start3A_94 = tpu.memref_squeeze %dma_start3A_93 : memref<1x1x80xi32, #tpu.memory_space<hbm>> -> memref<80xi32, #tpu.memory_space<hbm>>
    %dma_start3A_95 = arith.constant 0 : i32
    %dma_start3A_96 = tpu.memref_slice %arg7[%dma_start3A_88, %dma_start3A_95] : memref<4x80xi32, #tpu.memory_space<vmem>> -> memref<1x80xi32, #tpu.memory_space<vmem>>
    %dma_start3A_97 = tpu.memref_squeeze %dma_start3A_96 : memref<1x80xi32, #tpu.memory_space<vmem>> -> memref<80xi32, #tpu.memory_space<vmem>>
    %dma_start3A_98 = arith.constant 0 : i32
    %dma_start3A_99 = tpu.memref_slice %arg4[%add3A, %dma_start3A_87, %dma_start3A_98] : memref<32x125x80xi32, #tpu.memory_space<hbm>> -> memref<1x1x80xi32, #tpu.memory_space<hbm>>
    %dma_start3A_100 = tpu.memref_squeeze %dma_start3A_99 : memref<1x1x80xi32, #tpu.memory_space<hbm>> -> memref<80xi32, #tpu.memory_space<hbm>>
    tpu.enqueue_dma source(%dma_start3A_100 : memref<80xi32, #tpu.memory_space<hbm>>) target(%dma_start3A_97 : memref<80xi32, #tpu.memory_space<vmem>>) target_semaphore(%arg11 : memref<!tpu.dma_semaphore, #tpu.memory_space<semaphore_mem>>)
    %dma_wait3A = arith.constant 0 : i32
    %dma_wait3A_101 = arith.constant 0 : i32
    %dma_wait3A_102 = arith.constant 0 : i32
    %dma_wait3A_103 = tpu.memref_slice %arg6[%dma_wait3A_101, %dma_wait3A_102] : memref<4x80xi32, #tpu.memory_space<vmem>> -> memref<1x80xi32, #tpu.memory_space<vmem>>
    %dma_wait3A_104 = tpu.memref_squeeze %dma_wait3A_103 : memref<1x80xi32, #tpu.memory_space<vmem>> -> memref<80xi32, #tpu.memory_space<vmem>>
    %dma_wait3A_105 = arith.constant 0 : i32
    %dma_wait3A_106 = tpu.memref_slice %arg3[%add3A, %dma_wait3A, %dma_wait3A_105] : memref<32x125x80xi32, #tpu.memory_space<hbm>> -> memref<1x1x80xi32, #tpu.memory_space<hbm>>
    %dma_wait3A_107 = tpu.memref_squeeze %dma_wait3A_106 : memref<1x1x80xi32, #tpu.memory_space<hbm>> -> memref<80xi32, #tpu.memory_space<hbm>>
    %dma_wait3A_108 = arith.constant 0 : i32
    %dma_wait3A_109 = tpu.memref_slice %arg6[%dma_wait3A_101, %dma_wait3A_108] : memref<4x80xi32, #tpu.memory_space<vmem>> -> memref<1x80xi32, #tpu.memory_space<vmem>>
    %dma_wait3A_110 = tpu.memref_squeeze %dma_wait3A_109 : memref<1x80xi32, #tpu.memory_space<vmem>> -> memref<80xi32, #tpu.memory_space<vmem>>
    %dma_wait3A_111 = arith.constant 0 : i32
    %dma_wait3A_112 = tpu.memref_slice %arg3[%add3A, %dma_wait3A, %dma_wait3A_111] : memref<32x125x80xi32, #tpu.memory_space<hbm>> -> memref<1x1x80xi32, #tpu.memory_space<hbm>>
    %dma_wait3A_113 = tpu.memref_squeeze %dma_wait3A_112 : memref<1x1x80xi32, #tpu.memory_space<hbm>> -> memref<80xi32, #tpu.memory_space<hbm>>
    tpu.wait_dma2 semaphore(%arg10 : memref<!tpu.dma_semaphore, #tpu.memory_space<semaphore_mem>>) src(%dma_wait3A_113 : memref<80xi32, #tpu.memory_space<hbm>>) dst(%dma_wait3A_110 : memref<80xi32, #tpu.memory_space<vmem>>)
    %dma_wait3A_114 = arith.constant 0 : i32
    %dma_wait3A_115 = arith.constant 0 : i32
    %dma_wait3A_116 = arith.constant 0 : i32
    %dma_wait3A_117 = tpu.memref_slice %arg7[%dma_wait3A_115, %dma_wait3A_116] : memref<4x80xi32, #tpu.memory_space<vmem>> -> memref<1x80xi32, #tpu.memory_space<vmem>>
    %dma_wait3A_118 = tpu.memref_squeeze %dma_wait3A_117 : memref<1x80xi32, #tpu.memory_space<vmem>> -> memref<80xi32, #tpu.memory_space<vmem>>
    %dma_wait3A_119 = arith.constant 0 : i32
    %dma_wait3A_120 = tpu.memref_slice %arg4[%add3A, %dma_wait3A_114, %dma_wait3A_119] : memref<32x125x80xi32, #tpu.memory_space<hbm>> -> memref<1x1x80xi32, #tpu.memory_space<hbm>>
    %dma_wait3A_121 = tpu.memref_squeeze %dma_wait3A_120 : memref<1x1x80xi32, #tpu.memory_space<hbm>> -> memref<80xi32, #tpu.memory_space<hbm>>
    %dma_wait3A_122 = arith.constant 0 : i32
    %dma_wait3A_123 = tpu.memref_slice %arg7[%dma_wait3A_115, %dma_wait3A_122] : memref<4x80xi32, #tpu.memory_space<vmem>> -> memref<1x80xi32, #tpu.memory_space<vmem>>
    %dma_wait3A_124 = tpu.memref_squeeze %dma_wait3A_123 : memref<1x80xi32, #tpu.memory_space<vmem>> -> memref<80xi32, #tpu.memory_space<vmem>>
    %dma_wait3A_125 = arith.constant 0 : i32
    %dma_wait3A_126 = tpu.memref_slice %arg4[%add3A, %dma_wait3A_114, %dma_wait3A_125] : memref<32x125x80xi32, #tpu.memory_space<hbm>> -> memref<1x1x80xi32, #tpu.memory_space<hbm>>
    %dma_wait3A_127 = tpu.memref_squeeze %dma_wait3A_126 : memref<1x1x80xi32, #tpu.memory_space<hbm>> -> memref<80xi32, #tpu.memory_space<hbm>>
    tpu.wait_dma2 semaphore(%arg10 : memref<!tpu.dma_semaphore, #tpu.memory_space<semaphore_mem>>) src(%dma_wait3A_127 : memref<80xi32, #tpu.memory_space<hbm>>) dst(%dma_wait3A_124 : memref<80xi32, #tpu.memory_space<vmem>>)
    %dma_start3A_128 = arith.constant 0 : i32
    %dma_start3A_129 = arith.constant 0 : i32
    %dma_start3A_130 = arith.constant 0 : i32
    %dma_start3A_131 = arith.constant 0 : i32
    %dma_start3A_132 = tpu.memref_slice %arg8[%dma_start3A_129, %dma_start3A_130, %dma_start3A_131] : memref<4x80x128xf32, #tpu.memory_space<vmem>> -> memref<1x80x128xf32, #tpu.memory_space<vmem>>
    %dma_start3A_133 = tpu.memref_squeeze %dma_start3A_132 : memref<1x80x128xf32, #tpu.memory_space<vmem>> -> memref<80x128xf32, #tpu.memory_space<vmem>>
    %dma_start3A_134 = arith.constant 0 : i32
    %dma_start3A_135 = tpu.memref_slice %arg6[%dma_start3A_128, %dma_start3A_134] : memref<4x80xi32, #tpu.memory_space<vmem>> -> memref<1x80xi32, #tpu.memory_space<vmem>>
    %dma_start3A_136 = tpu.memref_squeeze %dma_start3A_135 : memref<1x80xi32, #tpu.memory_space<vmem>> -> memref<80xi32, #tpu.memory_space<vmem>>
    %dma_start3A_137 = arith.constant 0 : i32
    %dma_start3A_138 = arith.constant 0 : i32
    %dma_start3A_139 = tpu.memref_slice %arg2[%dma_start3A_137, %dma_start3A_138] : memref<10240x128xf32, #tpu.memory_space<hbm>> -> memref<10240x128xf32, #tpu.memory_space<hbm>>
    tpu.enqueue_indirect_dma source(%dma_start3A_139 : memref<10240x128xf32, #tpu.memory_space<hbm>>) target(%dma_start3A_133 : memref<80x128xf32, #tpu.memory_space<vmem>>) offsets(%dma_start3A_136 : memref<80xi32, #tpu.memory_space<vmem>>) semaphore(%arg14 : memref<!tpu.dma_semaphore, #tpu.memory_space<semaphore_mem>>)
    %scan3A_140 = arith.constant 0 : i32
    %scan3A_141 = arith.constant 0 : i32
    %scan3A_142 = arith.constant 31 : i32
    %scan3A_143 = arith.addi %scan3A_141, %scan3A_142 : i32
    %scan3A_144 = arith.constant 1 : i32
    scf.for %scan3A_211 = %scan3A_141 to %scan3A_143 step %scan3A_144  : i32 {
      %mul3A_212 = arith.constant 4 : i32
      %mul3A_213 = arith.muli %scan3A_211, %mul3A_212 : i32
      %add3A_214 = arith.constant 0 : i32
      %add3A_215 = arith.addi %mul3A_213, %add3A_214 : i32
      %gt3A = arith.constant 1 : i32
      %gt3A_216 = arith.cmpi sgt, %add3A_215, %gt3A : i32
      %convert_element_type3A = arith.extui %gt3A_216 : i1 to i32
      %cond3A = arith.constant 0 : i32
      %cond3A_217 = arith.cmpi ne, %convert_element_type3A, %cond3A : i32
      scf.if %cond3A_217 {
        %sub3A = arith.constant 2 : i32
        %sub3A_536 = arith.subi %add3A_215, %sub3A : i32
        %dma_wait3A_537 = arith.constant 2 : i32
        %dma_wait3A_538 = arith.constant 2 : i32
        %dma_wait3A_539 = arith.constant 0 : i32
        %dma_wait3A_540 = arith.constant 0 : i32
        %dma_wait3A_541 = tpu.memref_slice %arg8[%dma_wait3A_537, %dma_wait3A_539, %dma_wait3A_540] : memref<4x80x128xf32, #tpu.memory_space<vmem>> -> memref<1x80x128xf32, #tpu.memory_space<vmem>>
        %dma_wait3A_542 = tpu.memref_squeeze %dma_wait3A_541 : memref<1x80x128xf32, #tpu.memory_space<vmem>> -> memref<80x128xf32, #tpu.memory_space<vmem>>
        %dma_wait3A_543 = arith.constant 0 : i32
        %dma_wait3A_544 = tpu.memref_slice %arg7[%dma_wait3A_538, %dma_wait3A_543] : memref<4x80xi32, #tpu.memory_space<vmem>> -> memref<1x80xi32, #tpu.memory_space<vmem>>
        %dma_wait3A_545 = tpu.memref_squeeze %dma_wait3A_544 : memref<1x80xi32, #tpu.memory_space<vmem>> -> memref<80xi32, #tpu.memory_space<vmem>>
        %dma_wait3A_546 = arith.constant 0 : i32
        %dma_wait3A_547 = arith.constant 0 : i32
        %dma_wait3A_548 = tpu.memref_slice %arg9[%dma_wait3A_546, %dma_wait3A_547] : memref<10240x128xf32, #tpu.memory_space<vmem_shared>> -> memref<10240x128xf32, #tpu.memory_space<vmem_shared>>
        tpu.wait_indirect_dma semaphore(%arg18 : memref<!tpu.dma_semaphore, #tpu.memory_space<semaphore_mem>>) src(%dma_wait3A_542 : memref<80x128xf32, #tpu.memory_space<vmem>>) dst(%dma_wait3A_548 : memref<10240x128xf32, #tpu.memory_space<vmem_shared>>)
      } else {
      }
      %add3A_218 = arith.constant 2 : i32
      %add3A_219 = arith.addi %add3A_215, %add3A_218 : i32
      %lt3A = arith.constant 125 : i32
      %lt3A_220 = arith.cmpi slt, %add3A_219, %lt3A : i32
      %convert_element_type3A_221 = arith.extui %lt3A_220 : i1 to i32
      %cond3A_222 = arith.constant 0 : i32
      %cond3A_223 = arith.cmpi ne, %convert_element_type3A_221, %cond3A_222 : i32
      scf.if %cond3A_223 {
        %add3A_536 = arith.constant 2 : i32
        %add3A_537 = arith.addi %add3A_215, %add3A_536 : i32
        %dma_start3A_538 = arith.constant 2 : i32
        %dma_start3A_539 = arith.constant 0 : i32
        %dma_start3A_540 = tpu.memref_slice %arg6[%dma_start3A_538, %dma_start3A_539] : memref<4x80xi32, #tpu.memory_space<vmem>> -> memref<1x80xi32, #tpu.memory_space<vmem>>
        %dma_start3A_541 = tpu.memref_squeeze %dma_start3A_540 : memref<1x80xi32, #tpu.memory_space<vmem>> -> memref<80xi32, #tpu.memory_space<vmem>>
        %dma_start3A_542 = arith.constant 0 : i32
        %dma_start3A_543 = tpu.memref_slice %arg3[%add3A, %add3A_537, %dma_start3A_542] : memref<32x125x80xi32, #tpu.memory_space<hbm>> -> memref<1x1x80xi32, #tpu.memory_space<hbm>>
        %dma_start3A_544 = tpu.memref_squeeze %dma_start3A_543 : memref<1x1x80xi32, #tpu.memory_space<hbm>> -> memref<80xi32, #tpu.memory_space<hbm>>
        %dma_start3A_545 = arith.constant 0 : i32
        %dma_start3A_546 = tpu.memref_slice %arg6[%dma_start3A_538, %dma_start3A_545] : memref<4x80xi32, #tpu.memory_space<vmem>> -> memref<1x80xi32, #tpu.memory_space<vmem>>
        %dma_start3A_547 = tpu.memref_squeeze %dma_start3A_546 : memref<1x80xi32, #tpu.memory_space<vmem>> -> memref<80xi32, #tpu.memory_space<vmem>>
        %dma_start3A_548 = arith.constant 0 : i32
        %dma_start3A_549 = tpu.memref_slice %arg3[%add3A, %add3A_537, %dma_start3A_548] : memref<32x125x80xi32, #tpu.memory_space<hbm>> -> memref<1x1x80xi32, #tpu.memory_space<hbm>>
        %dma_start3A_550 = tpu.memref_squeeze %dma_start3A_549 : memref<1x1x80xi32, #tpu.memory_space<hbm>> -> memref<80xi32, #tpu.memory_space<hbm>>
        tpu.enqueue_dma source(%dma_start3A_550 : memref<80xi32, #tpu.memory_space<hbm>>) target(%dma_start3A_547 : memref<80xi32, #tpu.memory_space<vmem>>) target_semaphore(%arg12 : memref<!tpu.dma_semaphore, #tpu.memory_space<semaphore_mem>>)
        %dma_start3A_551 = arith.constant 2 : i32
        %dma_start3A_552 = arith.constant 0 : i32
        %dma_start3A_553 = tpu.memref_slice %arg7[%dma_start3A_551, %dma_start3A_552] : memref<4x80xi32, #tpu.memory_space<vmem>> -> memref<1x80xi32, #tpu.memory_space<vmem>>
        %dma_start3A_554 = tpu.memref_squeeze %dma_start3A_553 : memref<1x80xi32, #tpu.memory_space<vmem>> -> memref<80xi32, #tpu.memory_space<vmem>>
        %dma_start3A_555 = arith.constant 0 : i32
        %dma_start3A_556 = tpu.memref_slice %arg4[%add3A, %add3A_537, %dma_start3A_555] : memref<32x125x80xi32, #tpu.memory_space<hbm>> -> memref<1x1x80xi32, #tpu.memory_space<hbm>>
        %dma_start3A_557 = tpu.memref_squeeze %dma_start3A_556 : memref<1x1x80xi32, #tpu.memory_space<hbm>> -> memref<80xi32, #tpu.memory_space<hbm>>
        %dma_start3A_558 = arith.constant 0 : i32
        %dma_start3A_559 = tpu.memref_slice %arg7[%dma_start3A_551, %dma_start3A_558] : memref<4x80xi32, #tpu.memory_space<vmem>> -> memref<1x80xi32, #tpu.memory_space<vmem>>
        %dma_start3A_560 = tpu.memref_squeeze %dma_start3A_559 : memref<1x80xi32, #tpu.memory_space<vmem>> -> memref<80xi32, #tpu.memory_space<vmem>>
        %dma_start3A_561 = arith.constant 0 : i32
        %dma_start3A_562 = tpu.memref_slice %arg4[%add3A, %add3A_537, %dma_start3A_561] : memref<32x125x80xi32, #tpu.memory_space<hbm>> -> memref<1x1x80xi32, #tpu.memory_space<hbm>>
        %dma_start3A_563 = tpu.memref_squeeze %dma_start3A_562 : memref<1x1x80xi32, #tpu.memory_space<hbm>> -> memref<80xi32, #tpu.memory_space<hbm>>
        tpu.enqueue_dma source(%dma_start3A_563 : memref<80xi32, #tpu.memory_space<hbm>>) target(%dma_start3A_560 : memref<80xi32, #tpu.memory_space<vmem>>) target_semaphore(%arg12 : memref<!tpu.dma_semaphore, #tpu.memory_space<semaphore_mem>>)
      } else {
      }
      %add3A_224 = arith.constant 1 : i32
      %add3A_225 = arith.addi %add3A_215, %add3A_224 : i32
      %dma_wait3A_226 = arith.constant 1 : i32
      %dma_wait3A_227 = arith.constant 0 : i32
      %dma_wait3A_228 = tpu.memref_slice %arg6[%dma_wait3A_226, %dma_wait3A_227] : memref<4x80xi32, #tpu.memory_space<vmem>> -> memref<1x80xi32, #tpu.memory_space<vmem>>
      %dma_wait3A_229 = tpu.memref_squeeze %dma_wait3A_228 : memref<1x80xi32, #tpu.memory_space<vmem>> -> memref<80xi32, #tpu.memory_space<vmem>>
      %dma_wait3A_230 = arith.constant 0 : i32
      %dma_wait3A_231 = tpu.memref_slice %arg3[%add3A, %add3A_225, %dma_wait3A_230] : memref<32x125x80xi32, #tpu.memory_space<hbm>> -> memref<1x1x80xi32, #tpu.memory_space<hbm>>
      %dma_wait3A_232 = tpu.memref_squeeze %dma_wait3A_231 : memref<1x1x80xi32, #tpu.memory_space<hbm>> -> memref<80xi32, #tpu.memory_space<hbm>>
      %dma_wait3A_233 = arith.constant 0 : i32
      %dma_wait3A_234 = tpu.memref_slice %arg6[%dma_wait3A_226, %dma_wait3A_233] : memref<4x80xi32, #tpu.memory_space<vmem>> -> memref<1x80xi32, #tpu.memory_space<vmem>>
      %dma_wait3A_235 = tpu.memref_squeeze %dma_wait3A_234 : memref<1x80xi32, #tpu.memory_space<vmem>> -> memref<80xi32, #tpu.memory_space<vmem>>
      %dma_wait3A_236 = arith.constant 0 : i32
      %dma_wait3A_237 = tpu.memref_slice %arg3[%add3A, %add3A_225, %dma_wait3A_236] : memref<32x125x80xi32, #tpu.memory_space<hbm>> -> memref<1x1x80xi32, #tpu.memory_space<hbm>>
      %dma_wait3A_238 = tpu.memref_squeeze %dma_wait3A_237 : memref<1x1x80xi32, #tpu.memory_space<hbm>> -> memref<80xi32, #tpu.memory_space<hbm>>
      tpu.wait_dma2 semaphore(%arg11 : memref<!tpu.dma_semaphore, #tpu.memory_space<semaphore_mem>>) src(%dma_wait3A_238 : memref<80xi32, #tpu.memory_space<hbm>>) dst(%dma_wait3A_235 : memref<80xi32, #tpu.memory_space<vmem>>)
      %dma_wait3A_239 = arith.constant 1 : i32
      %dma_wait3A_240 = arith.constant 0 : i32
      %dma_wait3A_241 = tpu.memref_slice %arg7[%dma_wait3A_239, %dma_wait3A_240] : memref<4x80xi32, #tpu.memory_space<vmem>> -> memref<1x80xi32, #tpu.memory_space<vmem>>
      %dma_wait3A_242 = tpu.memref_squeeze %dma_wait3A_241 : memref<1x80xi32, #tpu.memory_space<vmem>> -> memref<80xi32, #tpu.memory_space<vmem>>
      %dma_wait3A_243 = arith.constant 0 : i32
      %dma_wait3A_244 = tpu.memref_slice %arg4[%add3A, %add3A_225, %dma_wait3A_243] : memref<32x125x80xi32, #tpu.memory_space<hbm>> -> memref<1x1x80xi32, #tpu.memory_space<hbm>>
      %dma_wait3A_245 = tpu.memref_squeeze %dma_wait3A_244 : memref<1x1x80xi32, #tpu.memory_space<hbm>> -> memref<80xi32, #tpu.memory_space<hbm>>
      %dma_wait3A_246 = arith.constant 0 : i32
      %dma_wait3A_247 = tpu.memref_slice %arg7[%dma_wait3A_239, %dma_wait3A_246] : memref<4x80xi32, #tpu.memory_space<vmem>> -> memref<1x80xi32, #tpu.memory_space<vmem>>
      %dma_wait3A_248 = tpu.memref_squeeze %dma_wait3A_247 : memref<1x80xi32, #tpu.memory_space<vmem>> -> memref<80xi32, #tpu.memory_space<vmem>>
      %dma_wait3A_249 = arith.constant 0 : i32
      %dma_wait3A_250 = tpu.memref_slice %arg4[%add3A, %add3A_225, %dma_wait3A_249] : memref<32x125x80xi32, #tpu.memory_space<hbm>> -> memref<1x1x80xi32, #tpu.memory_space<hbm>>
      %dma_wait3A_251 = tpu.memref_squeeze %dma_wait3A_250 : memref<1x1x80xi32, #tpu.memory_space<hbm>> -> memref<80xi32, #tpu.memory_space<hbm>>
      tpu.wait_dma2 semaphore(%arg11 : memref<!tpu.dma_semaphore, #tpu.memory_space<semaphore_mem>>) src(%dma_wait3A_251 : memref<80xi32, #tpu.memory_space<hbm>>) dst(%dma_wait3A_248 : memref<80xi32, #tpu.memory_space<vmem>>)
      %add3A_252 = arith.constant 1 : i32
      %add3A_253 = arith.addi %add3A_215, %add3A_252 : i32
      %dma_start3A_254 = arith.constant 1 : i32
      %dma_start3A_255 = arith.constant 1 : i32
      %dma_start3A_256 = arith.constant 0 : i32
      %dma_start3A_257 = arith.constant 0 : i32
      %dma_start3A_258 = tpu.memref_slice %arg8[%dma_start3A_255, %dma_start3A_256, %dma_start3A_257] : memref<4x80x128xf32, #tpu.memory_space<vmem>> -> memref<1x80x128xf32, #tpu.memory_space<vmem>>
      %dma_start3A_259 = tpu.memref_squeeze %dma_start3A_258 : memref<1x80x128xf32, #tpu.memory_space<vmem>> -> memref<80x128xf32, #tpu.memory_space<vmem>>
      %dma_start3A_260 = arith.constant 0 : i32
      %dma_start3A_261 = tpu.memref_slice %arg6[%dma_start3A_254, %dma_start3A_260] : memref<4x80xi32, #tpu.memory_space<vmem>> -> memref<1x80xi32, #tpu.memory_space<vmem>>
      %dma_start3A_262 = tpu.memref_squeeze %dma_start3A_261 : memref<1x80xi32, #tpu.memory_space<vmem>> -> memref<80xi32, #tpu.memory_space<vmem>>
      %dma_start3A_263 = arith.constant 0 : i32
      %dma_start3A_264 = arith.constant 0 : i32
      %dma_start3A_265 = tpu.memref_slice %arg2[%dma_start3A_263, %dma_start3A_264] : memref<10240x128xf32, #tpu.memory_space<hbm>> -> memref<10240x128xf32, #tpu.memory_space<hbm>>
      tpu.enqueue_indirect_dma source(%dma_start3A_265 : memref<10240x128xf32, #tpu.memory_space<hbm>>) target(%dma_start3A_259 : memref<80x128xf32, #tpu.memory_space<vmem>>) offsets(%dma_start3A_262 : memref<80xi32, #tpu.memory_space<vmem>>) semaphore(%arg15 : memref<!tpu.dma_semaphore, #tpu.memory_space<semaphore_mem>>)
      %dma_wait3A_266 = arith.constant 0 : i32
      %dma_wait3A_267 = arith.constant 0 : i32
      %dma_wait3A_268 = arith.constant 0 : i32
      %dma_wait3A_269 = arith.constant 0 : i32
      %dma_wait3A_270 = tpu.memref_slice %arg8[%dma_wait3A_267, %dma_wait3A_268, %dma_wait3A_269] : memref<4x80x128xf32, #tpu.memory_space<vmem>> -> memref<1x80x128xf32, #tpu.memory_space<vmem>>
      %dma_wait3A_271 = tpu.memref_squeeze %dma_wait3A_270 : memref<1x80x128xf32, #tpu.memory_space<vmem>> -> memref<80x128xf32, #tpu.memory_space<vmem>>
      %dma_wait3A_272 = arith.constant 0 : i32
      %dma_wait3A_273 = tpu.memref_slice %arg6[%dma_wait3A_266, %dma_wait3A_272] : memref<4x80xi32, #tpu.memory_space<vmem>> -> memref<1x80xi32, #tpu.memory_space<vmem>>
      %dma_wait3A_274 = tpu.memref_squeeze %dma_wait3A_273 : memref<1x80xi32, #tpu.memory_space<vmem>> -> memref<80xi32, #tpu.memory_space<vmem>>
      %dma_wait3A_275 = arith.constant 0 : i32
      %dma_wait3A_276 = arith.constant 0 : i32
      %dma_wait3A_277 = tpu.memref_slice %arg2[%dma_wait3A_275, %dma_wait3A_276] : memref<10240x128xf32, #tpu.memory_space<hbm>> -> memref<10240x128xf32, #tpu.memory_space<hbm>>
      tpu.wait_indirect_dma semaphore(%arg14 : memref<!tpu.dma_semaphore, #tpu.memory_space<semaphore_mem>>) src(%dma_wait3A_277 : memref<10240x128xf32, #tpu.memory_space<hbm>>) dst(%dma_wait3A_271 : memref<80x128xf32, #tpu.memory_space<vmem>>)
      %dma_start3A_278 = arith.constant 0 : i32
      %dma_start3A_279 = arith.constant 0 : i32
      %dma_start3A_280 = arith.constant 0 : i32
      %dma_start3A_281 = arith.constant 0 : i32
      %dma_start3A_282 = tpu.memref_slice %arg8[%dma_start3A_278, %dma_start3A_280, %dma_start3A_281] : memref<4x80x128xf32, #tpu.memory_space<vmem>> -> memref<1x80x128xf32, #tpu.memory_space<vmem>>
      %dma_start3A_283 = tpu.memref_squeeze %dma_start3A_282 : memref<1x80x128xf32, #tpu.memory_space<vmem>> -> memref<80x128xf32, #tpu.memory_space<vmem>>
      %dma_start3A_284 = arith.constant 0 : i32
      %dma_start3A_285 = tpu.memref_slice %arg7[%dma_start3A_279, %dma_start3A_284] : memref<4x80xi32, #tpu.memory_space<vmem>> -> memref<1x80xi32, #tpu.memory_space<vmem>>
      %dma_start3A_286 = tpu.memref_squeeze %dma_start3A_285 : memref<1x80xi32, #tpu.memory_space<vmem>> -> memref<80xi32, #tpu.memory_space<vmem>>
      %dma_start3A_287 = arith.constant 0 : i32
      %dma_start3A_288 = arith.constant 0 : i32
      %dma_start3A_289 = tpu.memref_slice %arg9[%dma_start3A_287, %dma_start3A_288] : memref<10240x128xf32, #tpu.memory_space<vmem_shared>> -> memref<10240x128xf32, #tpu.memory_space<vmem_shared>>
      tpu.enqueue_indirect_dma source(%dma_start3A_283 : memref<80x128xf32, #tpu.memory_space<vmem>>) target(%dma_start3A_289 : memref<10240x128xf32, #tpu.memory_space<vmem_shared>>) offsets(%dma_start3A_286 : memref<80xi32, #tpu.memory_space<vmem>>) semaphore(%arg18 : memref<!tpu.dma_semaphore, #tpu.memory_space<semaphore_mem>>) {add = true}
      %mul3A_290 = arith.constant 4 : i32
      %mul3A_291 = arith.muli %scan3A_211, %mul3A_290 : i32
      %add3A_292 = arith.constant 1 : i32
      %add3A_293 = arith.addi %mul3A_291, %add3A_292 : i32
      %gt3A_294 = arith.constant 1 : i32
      %gt3A_295 = arith.cmpi sgt, %add3A_293, %gt3A_294 : i32
      %convert_element_type3A_296 = arith.extui %gt3A_295 : i1 to i32
      %cond3A_297 = arith.constant 0 : i32
      %cond3A_298 = arith.cmpi ne, %convert_element_type3A_296, %cond3A_297 : i32
      scf.if %cond3A_298 {
        %sub3A = arith.constant 2 : i32
        %sub3A_536 = arith.subi %add3A_293, %sub3A : i32
        %dma_wait3A_537 = arith.constant 3 : i32
        %dma_wait3A_538 = arith.constant 3 : i32
        %dma_wait3A_539 = arith.constant 0 : i32
        %dma_wait3A_540 = arith.constant 0 : i32
        %dma_wait3A_541 = tpu.memref_slice %arg8[%dma_wait3A_537, %dma_wait3A_539, %dma_wait3A_540] : memref<4x80x128xf32, #tpu.memory_space<vmem>> -> memref<1x80x128xf32, #tpu.memory_space<vmem>>
        %dma_wait3A_542 = tpu.memref_squeeze %dma_wait3A_541 : memref<1x80x128xf32, #tpu.memory_space<vmem>> -> memref<80x128xf32, #tpu.memory_space<vmem>>
        %dma_wait3A_543 = arith.constant 0 : i32
        %dma_wait3A_544 = tpu.memref_slice %arg7[%dma_wait3A_538, %dma_wait3A_543] : memref<4x80xi32, #tpu.memory_space<vmem>> -> memref<1x80xi32, #tpu.memory_space<vmem>>
        %dma_wait3A_545 = tpu.memref_squeeze %dma_wait3A_544 : memref<1x80xi32, #tpu.memory_space<vmem>> -> memref<80xi32, #tpu.memory_space<vmem>>
        %dma_wait3A_546 = arith.constant 0 : i32
        %dma_wait3A_547 = arith.constant 0 : i32
        %dma_wait3A_548 = tpu.memref_slice %arg9[%dma_wait3A_546, %dma_wait3A_547] : memref<10240x128xf32, #tpu.memory_space<vmem_shared>> -> memref<10240x128xf32, #tpu.memory_space<vmem_shared>>
        tpu.wait_indirect_dma semaphore(%arg18 : memref<!tpu.dma_semaphore, #tpu.memory_space<semaphore_mem>>) src(%dma_wait3A_542 : memref<80x128xf32, #tpu.memory_space<vmem>>) dst(%dma_wait3A_548 : memref<10240x128xf32, #tpu.memory_space<vmem_shared>>)
      } else {
      }
      %add3A_299 = arith.constant 2 : i32
      %add3A_300 = arith.addi %add3A_293, %add3A_299 : i32
      %lt3A_301 = arith.constant 125 : i32
      %lt3A_302 = arith.cmpi slt, %add3A_300, %lt3A_301 : i32
      %convert_element_type3A_303 = arith.extui %lt3A_302 : i1 to i32
      %cond3A_304 = arith.constant 0 : i32
      %cond3A_305 = arith.cmpi ne, %convert_element_type3A_303, %cond3A_304 : i32
      scf.if %cond3A_305 {
        %add3A_536 = arith.constant 2 : i32
        %add3A_537 = arith.addi %add3A_293, %add3A_536 : i32
        %dma_start3A_538 = arith.constant 3 : i32
        %dma_start3A_539 = arith.constant 0 : i32
        %dma_start3A_540 = tpu.memref_slice %arg6[%dma_start3A_538, %dma_start3A_539] : memref<4x80xi32, #tpu.memory_space<vmem>> -> memref<1x80xi32, #tpu.memory_space<vmem>>
        %dma_start3A_541 = tpu.memref_squeeze %dma_start3A_540 : memref<1x80xi32, #tpu.memory_space<vmem>> -> memref<80xi32, #tpu.memory_space<vmem>>
        %dma_start3A_542 = arith.constant 0 : i32
        %dma_start3A_543 = tpu.memref_slice %arg3[%add3A, %add3A_537, %dma_start3A_542] : memref<32x125x80xi32, #tpu.memory_space<hbm>> -> memref<1x1x80xi32, #tpu.memory_space<hbm>>
        %dma_start3A_544 = tpu.memref_squeeze %dma_start3A_543 : memref<1x1x80xi32, #tpu.memory_space<hbm>> -> memref<80xi32, #tpu.memory_space<hbm>>
        %dma_start3A_545 = arith.constant 0 : i32
        %dma_start3A_546 = tpu.memref_slice %arg6[%dma_start3A_538, %dma_start3A_545] : memref<4x80xi32, #tpu.memory_space<vmem>> -> memref<1x80xi32, #tpu.memory_space<vmem>>
        %dma_start3A_547 = tpu.memref_squeeze %dma_start3A_546 : memref<1x80xi32, #tpu.memory_space<vmem>> -> memref<80xi32, #tpu.memory_space<vmem>>
        %dma_start3A_548 = arith.constant 0 : i32
        %dma_start3A_549 = tpu.memref_slice %arg3[%add3A, %add3A_537, %dma_start3A_548] : memref<32x125x80xi32, #tpu.memory_space<hbm>> -> memref<1x1x80xi32, #tpu.memory_space<hbm>>
        %dma_start3A_550 = tpu.memref_squeeze %dma_start3A_549 : memref<1x1x80xi32, #tpu.memory_space<hbm>> -> memref<80xi32, #tpu.memory_space<hbm>>
        tpu.enqueue_dma source(%dma_start3A_550 : memref<80xi32, #tpu.memory_space<hbm>>) target(%dma_start3A_547 : memref<80xi32, #tpu.memory_space<vmem>>) target_semaphore(%arg13 : memref<!tpu.dma_semaphore, #tpu.memory_space<semaphore_mem>>)
        %dma_start3A_551 = arith.constant 3 : i32
        %dma_start3A_552 = arith.constant 0 : i32
        %dma_start3A_553 = tpu.memref_slice %arg7[%dma_start3A_551, %dma_start3A_552] : memref<4x80xi32, #tpu.memory_space<vmem>> -> memref<1x80xi32, #tpu.memory_space<vmem>>
        %dma_start3A_554 = tpu.memref_squeeze %dma_start3A_553 : memref<1x80xi32, #tpu.memory_space<vmem>> -> memref<80xi32, #tpu.memory_space<vmem>>
        %dma_start3A_555 = arith.constant 0 : i32
        %dma_start3A_556 = tpu.memref_slice %arg4[%add3A, %add3A_537, %dma_start3A_555] : memref<32x125x80xi32, #tpu.memory_space<hbm>> -> memref<1x1x80xi32, #tpu.memory_space<hbm>>
        %dma_start3A_557 = tpu.memref_squeeze %dma_start3A_556 : memref<1x1x80xi32, #tpu.memory_space<hbm>> -> memref<80xi32, #tpu.memory_space<hbm>>
        %dma_start3A_558 = arith.constant 0 : i32
        %dma_start3A_559 = tpu.memref_slice %arg7[%dma_start3A_551, %dma_start3A_558] : memref<4x80xi32, #tpu.memory_space<vmem>> -> memref<1x80xi32, #tpu.memory_space<vmem>>
        %dma_start3A_560 = tpu.memref_squeeze %dma_start3A_559 : memref<1x80xi32, #tpu.memory_space<vmem>> -> memref<80xi32, #tpu.memory_space<vmem>>
        %dma_start3A_561 = arith.constant 0 : i32
        %dma_start3A_562 = tpu.memref_slice %arg4[%add3A, %add3A_537, %dma_start3A_561] : memref<32x125x80xi32, #tpu.memory_space<hbm>> -> memref<1x1x80xi32, #tpu.memory_space<hbm>>
        %dma_start3A_563 = tpu.memref_squeeze %dma_start3A_562 : memref<1x1x80xi32, #tpu.memory_space<hbm>> -> memref<80xi32, #tpu.memory_space<hbm>>
        tpu.enqueue_dma source(%dma_start3A_563 : memref<80xi32, #tpu.memory_space<hbm>>) target(%dma_start3A_560 : memref<80xi32, #tpu.memory_space<vmem>>) target_semaphore(%arg13 : memref<!tpu.dma_semaphore, #tpu.memory_space<semaphore_mem>>)
      } else {
      }
      %add3A_306 = arith.constant 1 : i32
      %add3A_307 = arith.addi %add3A_293, %add3A_306 : i32
      %dma_wait3A_308 = arith.constant 2 : i32
      %dma_wait3A_309 = arith.constant 0 : i32
      %dma_wait3A_310 = tpu.memref_slice %arg6[%dma_wait3A_308, %dma_wait3A_309] : memref<4x80xi32, #tpu.memory_space<vmem>> -> memref<1x80xi32, #tpu.memory_space<vmem>>
      %dma_wait3A_311 = tpu.memref_squeeze %dma_wait3A_310 : memref<1x80xi32, #tpu.memory_space<vmem>> -> memref<80xi32, #tpu.memory_space<vmem>>
      %dma_wait3A_312 = arith.constant 0 : i32
      %dma_wait3A_313 = tpu.memref_slice %arg3[%add3A, %add3A_307, %dma_wait3A_312] : memref<32x125x80xi32, #tpu.memory_space<hbm>> -> memref<1x1x80xi32, #tpu.memory_space<hbm>>
      %dma_wait3A_314 = tpu.memref_squeeze %dma_wait3A_313 : memref<1x1x80xi32, #tpu.memory_space<hbm>> -> memref<80xi32, #tpu.memory_space<hbm>>
      %dma_wait3A_315 = arith.constant 0 : i32
      %dma_wait3A_316 = tpu.memref_slice %arg6[%dma_wait3A_308, %dma_wait3A_315] : memref<4x80xi32, #tpu.memory_space<vmem>> -> memref<1x80xi32, #tpu.memory_space<vmem>>
      %dma_wait3A_317 = tpu.memref_squeeze %dma_wait3A_316 : memref<1x80xi32, #tpu.memory_space<vmem>> -> memref<80xi32, #tpu.memory_space<vmem>>
      %dma_wait3A_318 = arith.constant 0 : i32
      %dma_wait3A_319 = tpu.memref_slice %arg3[%add3A, %add3A_307, %dma_wait3A_318] : memref<32x125x80xi32, #tpu.memory_space<hbm>> -> memref<1x1x80xi32, #tpu.memory_space<hbm>>
      %dma_wait3A_320 = tpu.memref_squeeze %dma_wait3A_319 : memref<1x1x80xi32, #tpu.memory_space<hbm>> -> memref<80xi32, #tpu.memory_space<hbm>>
      tpu.wait_dma2 semaphore(%arg12 : memref<!tpu.dma_semaphore, #tpu.memory_space<semaphore_mem>>) src(%dma_wait3A_320 : memref<80xi32, #tpu.memory_space<hbm>>) dst(%dma_wait3A_317 : memref<80xi32, #tpu.memory_space<vmem>>)
      %dma_wait3A_321 = arith.constant 2 : i32
      %dma_wait3A_322 = arith.constant 0 : i32
      %dma_wait3A_323 = tpu.memref_slice %arg7[%dma_wait3A_321, %dma_wait3A_322] : memref<4x80xi32, #tpu.memory_space<vmem>> -> memref<1x80xi32, #tpu.memory_space<vmem>>
      %dma_wait3A_324 = tpu.memref_squeeze %dma_wait3A_323 : memref<1x80xi32, #tpu.memory_space<vmem>> -> memref<80xi32, #tpu.memory_space<vmem>>
      %dma_wait3A_325 = arith.constant 0 : i32
      %dma_wait3A_326 = tpu.memref_slice %arg4[%add3A, %add3A_307, %dma_wait3A_325] : memref<32x125x80xi32, #tpu.memory_space<hbm>> -> memref<1x1x80xi32, #tpu.memory_space<hbm>>
      %dma_wait3A_327 = tpu.memref_squeeze %dma_wait3A_326 : memref<1x1x80xi32, #tpu.memory_space<hbm>> -> memref<80xi32, #tpu.memory_space<hbm>>
      %dma_wait3A_328 = arith.constant 0 : i32
      %dma_wait3A_329 = tpu.memref_slice %arg7[%dma_wait3A_321, %dma_wait3A_328] : memref<4x80xi32, #tpu.memory_space<vmem>> -> memref<1x80xi32, #tpu.memory_space<vmem>>
      %dma_wait3A_330 = tpu.memref_squeeze %dma_wait3A_329 : memref<1x80xi32, #tpu.memory_space<vmem>> -> memref<80xi32, #tpu.memory_space<vmem>>
      %dma_wait3A_331 = arith.constant 0 : i32
      %dma_wait3A_332 = tpu.memref_slice %arg4[%add3A, %add3A_307, %dma_wait3A_331] : memref<32x125x80xi32, #tpu.memory_space<hbm>> -> memref<1x1x80xi32, #tpu.memory_space<hbm>>
      %dma_wait3A_333 = tpu.memref_squeeze %dma_wait3A_332 : memref<1x1x80xi32, #tpu.memory_space<hbm>> -> memref<80xi32, #tpu.memory_space<hbm>>
      tpu.wait_dma2 semaphore(%arg12 : memref<!tpu.dma_semaphore, #tpu.memory_space<semaphore_mem>>) src(%dma_wait3A_333 : memref<80xi32, #tpu.memory_space<hbm>>) dst(%dma_wait3A_330 : memref<80xi32, #tpu.memory_space<vmem>>)
      %add3A_334 = arith.constant 1 : i32
      %add3A_335 = arith.addi %add3A_293, %add3A_334 : i32
      %dma_start3A_336 = arith.constant 2 : i32
      %dma_start3A_337 = arith.constant 2 : i32
      %dma_start3A_338 = arith.constant 0 : i32
      %dma_start3A_339 = arith.constant 0 : i32
      %dma_start3A_340 = tpu.memref_slice %arg8[%dma_start3A_337, %dma_start3A_338, %dma_start3A_339] : memref<4x80x128xf32, #tpu.memory_space<vmem>> -> memref<1x80x128xf32, #tpu.memory_space<vmem>>
      %dma_start3A_341 = tpu.memref_squeeze %dma_start3A_340 : memref<1x80x128xf32, #tpu.memory_space<vmem>> -> memref<80x128xf32, #tpu.memory_space<vmem>>
      %dma_start3A_342 = arith.constant 0 : i32
      %dma_start3A_343 = tpu.memref_slice %arg6[%dma_start3A_336, %dma_start3A_342] : memref<4x80xi32, #tpu.memory_space<vmem>> -> memref<1x80xi32, #tpu.memory_space<vmem>>
      %dma_start3A_344 = tpu.memref_squeeze %dma_start3A_343 : memref<1x80xi32, #tpu.memory_space<vmem>> -> memref<80xi32, #tpu.memory_space<vmem>>
      %dma_start3A_345 = arith.constant 0 : i32
      %dma_start3A_346 = arith.constant 0 : i32
      %dma_start3A_347 = tpu.memref_slice %arg2[%dma_start3A_345, %dma_start3A_346] : memref<10240x128xf32, #tpu.memory_space<hbm>> -> memref<10240x128xf32, #tpu.memory_space<hbm>>
      tpu.enqueue_indirect_dma source(%dma_start3A_347 : memref<10240x128xf32, #tpu.memory_space<hbm>>) target(%dma_start3A_341 : memref<80x128xf32, #tpu.memory_space<vmem>>) offsets(%dma_start3A_344 : memref<80xi32, #tpu.memory_space<vmem>>) semaphore(%arg16 : memref<!tpu.dma_semaphore, #tpu.memory_space<semaphore_mem>>)
      %dma_wait3A_348 = arith.constant 1 : i32
      %dma_wait3A_349 = arith.constant 1 : i32
      %dma_wait3A_350 = arith.constant 0 : i32
      %dma_wait3A_351 = arith.constant 0 : i32
      %dma_wait3A_352 = tpu.memref_slice %arg8[%dma_wait3A_349, %dma_wait3A_350, %dma_wait3A_351] : memref<4x80x128xf32, #tpu.memory_space<vmem>> -> memref<1x80x128xf32, #tpu.memory_space<vmem>>
      %dma_wait3A_353 = tpu.memref_squeeze %dma_wait3A_352 : memref<1x80x128xf32, #tpu.memory_space<vmem>> -> memref<80x128xf32, #tpu.memory_space<vmem>>
      %dma_wait3A_354 = arith.constant 0 : i32
      %dma_wait3A_355 = tpu.memref_slice %arg6[%dma_wait3A_348, %dma_wait3A_354] : memref<4x80xi32, #tpu.memory_space<vmem>> -> memref<1x80xi32, #tpu.memory_space<vmem>>
      %dma_wait3A_356 = tpu.memref_squeeze %dma_wait3A_355 : memref<1x80xi32, #tpu.memory_space<vmem>> -> memref<80xi32, #tpu.memory_space<vmem>>
      %dma_wait3A_357 = arith.constant 0 : i32
      %dma_wait3A_358 = arith.constant 0 : i32
      %dma_wait3A_359 = tpu.memref_slice %arg2[%dma_wait3A_357, %dma_wait3A_358] : memref<10240x128xf32, #tpu.memory_space<hbm>> -> memref<10240x128xf32, #tpu.memory_space<hbm>>
      tpu.wait_indirect_dma semaphore(%arg15 : memref<!tpu.dma_semaphore, #tpu.memory_space<semaphore_mem>>) src(%dma_wait3A_359 : memref<10240x128xf32, #tpu.memory_space<hbm>>) dst(%dma_wait3A_353 : memref<80x128xf32, #tpu.memory_space<vmem>>)
      %dma_start3A_360 = arith.constant 1 : i32
      %dma_start3A_361 = arith.constant 1 : i32
      %dma_start3A_362 = arith.constant 0 : i32
      %dma_start3A_363 = arith.constant 0 : i32
      %dma_start3A_364 = tpu.memref_slice %arg8[%dma_start3A_360, %dma_start3A_362, %dma_start3A_363] : memref<4x80x128xf32, #tpu.memory_space<vmem>> -> memref<1x80x128xf32, #tpu.memory_space<vmem>>
      %dma_start3A_365 = tpu.memref_squeeze %dma_start3A_364 : memref<1x80x128xf32, #tpu.memory_space<vmem>> -> memref<80x128xf32, #tpu.memory_space<vmem>>
      %dma_start3A_366 = arith.constant 0 : i32
      %dma_start3A_367 = tpu.memref_slice %arg7[%dma_start3A_361, %dma_start3A_366] : memref<4x80xi32, #tpu.memory_space<vmem>> -> memref<1x80xi32, #tpu.memory_space<vmem>>
      %dma_start3A_368 = tpu.memref_squeeze %dma_start3A_367 : memref<1x80xi32, #tpu.memory_space<vmem>> -> memref<80xi32, #tpu.memory_space<vmem>>
      %dma_start3A_369 = arith.constant 0 : i32
      %dma_start3A_370 = arith.constant 0 : i32
      %dma_start3A_371 = tpu.memref_slice %arg9[%dma_start3A_369, %dma_start3A_370] : memref<10240x128xf32, #tpu.memory_space<vmem_shared>> -> memref<10240x128xf32, #tpu.memory_space<vmem_shared>>
      tpu.enqueue_indirect_dma source(%dma_start3A_365 : memref<80x128xf32, #tpu.memory_space<vmem>>) target(%dma_start3A_371 : memref<10240x128xf32, #tpu.memory_space<vmem_shared>>) offsets(%dma_start3A_368 : memref<80xi32, #tpu.memory_space<vmem>>) semaphore(%arg18 : memref<!tpu.dma_semaphore, #tpu.memory_space<semaphore_mem>>) {add = true}
      %mul3A_372 = arith.constant 4 : i32
      %mul3A_373 = arith.muli %scan3A_211, %mul3A_372 : i32
      %add3A_374 = arith.constant 2 : i32
      %add3A_375 = arith.addi %mul3A_373, %add3A_374 : i32
      %gt3A_376 = arith.constant 1 : i32
      %gt3A_377 = arith.cmpi sgt, %add3A_375, %gt3A_376 : i32
      %convert_element_type3A_378 = arith.extui %gt3A_377 : i1 to i32
      %cond3A_379 = arith.constant 0 : i32
      %cond3A_380 = arith.cmpi ne, %convert_element_type3A_378, %cond3A_379 : i32
      scf.if %cond3A_380 {
        %sub3A = arith.constant 2 : i32
        %sub3A_536 = arith.subi %add3A_375, %sub3A : i32
        %dma_wait3A_537 = arith.constant 0 : i32
        %dma_wait3A_538 = arith.constant 0 : i32
        %dma_wait3A_539 = arith.constant 0 : i32
        %dma_wait3A_540 = arith.constant 0 : i32
        %dma_wait3A_541 = tpu.memref_slice %arg8[%dma_wait3A_537, %dma_wait3A_539, %dma_wait3A_540] : memref<4x80x128xf32, #tpu.memory_space<vmem>> -> memref<1x80x128xf32, #tpu.memory_space<vmem>>
        %dma_wait3A_542 = tpu.memref_squeeze %dma_wait3A_541 : memref<1x80x128xf32, #tpu.memory_space<vmem>> -> memref<80x128xf32, #tpu.memory_space<vmem>>
        %dma_wait3A_543 = arith.constant 0 : i32
        %dma_wait3A_544 = tpu.memref_slice %arg7[%dma_wait3A_538, %dma_wait3A_543] : memref<4x80xi32, #tpu.memory_space<vmem>> -> memref<1x80xi32, #tpu.memory_space<vmem>>
        %dma_wait3A_545 = tpu.memref_squeeze %dma_wait3A_544 : memref<1x80xi32, #tpu.memory_space<vmem>> -> memref<80xi32, #tpu.memory_space<vmem>>
        %dma_wait3A_546 = arith.constant 0 : i32
        %dma_wait3A_547 = arith.constant 0 : i32
        %dma_wait3A_548 = tpu.memref_slice %arg9[%dma_wait3A_546, %dma_wait3A_547] : memref<10240x128xf32, #tpu.memory_space<vmem_shared>> -> memref<10240x128xf32, #tpu.memory_space<vmem_shared>>
        tpu.wait_indirect_dma semaphore(%arg18 : memref<!tpu.dma_semaphore, #tpu.memory_space<semaphore_mem>>) src(%dma_wait3A_542 : memref<80x128xf32, #tpu.memory_space<vmem>>) dst(%dma_wait3A_548 : memref<10240x128xf32, #tpu.memory_space<vmem_shared>>)
      } else {
      }
      %add3A_381 = arith.constant 2 : i32
      %add3A_382 = arith.addi %add3A_375, %add3A_381 : i32
      %lt3A_383 = arith.constant 125 : i32
      %lt3A_384 = arith.cmpi slt, %add3A_382, %lt3A_383 : i32
      %convert_element_type3A_385 = arith.extui %lt3A_384 : i1 to i32
      %cond3A_386 = arith.constant 0 : i32
      %cond3A_387 = arith.cmpi ne, %convert_element_type3A_385, %cond3A_386 : i32
      scf.if %cond3A_387 {
        %add3A_536 = arith.constant 2 : i32
        %add3A_537 = arith.addi %add3A_375, %add3A_536 : i32
        %dma_start3A_538 = arith.constant 0 : i32
        %dma_start3A_539 = arith.constant 0 : i32
        %dma_start3A_540 = tpu.memref_slice %arg6[%dma_start3A_538, %dma_start3A_539] : memref<4x80xi32, #tpu.memory_space<vmem>> -> memref<1x80xi32, #tpu.memory_space<vmem>>
        %dma_start3A_541 = tpu.memref_squeeze %dma_start3A_540 : memref<1x80xi32, #tpu.memory_space<vmem>> -> memref<80xi32, #tpu.memory_space<vmem>>
        %dma_start3A_542 = arith.constant 0 : i32
        %dma_start3A_543 = tpu.memref_slice %arg3[%add3A, %add3A_537, %dma_start3A_542] : memref<32x125x80xi32, #tpu.memory_space<hbm>> -> memref<1x1x80xi32, #tpu.memory_space<hbm>>
        %dma_start3A_544 = tpu.memref_squeeze %dma_start3A_543 : memref<1x1x80xi32, #tpu.memory_space<hbm>> -> memref<80xi32, #tpu.memory_space<hbm>>
        %dma_start3A_545 = arith.constant 0 : i32
        %dma_start3A_546 = tpu.memref_slice %arg6[%dma_start3A_538, %dma_start3A_545] : memref<4x80xi32, #tpu.memory_space<vmem>> -> memref<1x80xi32, #tpu.memory_space<vmem>>
        %dma_start3A_547 = tpu.memref_squeeze %dma_start3A_546 : memref<1x80xi32, #tpu.memory_space<vmem>> -> memref<80xi32, #tpu.memory_space<vmem>>
        %dma_start3A_548 = arith.constant 0 : i32
        %dma_start3A_549 = tpu.memref_slice %arg3[%add3A, %add3A_537, %dma_start3A_548] : memref<32x125x80xi32, #tpu.memory_space<hbm>> -> memref<1x1x80xi32, #tpu.memory_space<hbm>>
        %dma_start3A_550 = tpu.memref_squeeze %dma_start3A_549 : memref<1x1x80xi32, #tpu.memory_space<hbm>> -> memref<80xi32, #tpu.memory_space<hbm>>
        tpu.enqueue_dma source(%dma_start3A_550 : memref<80xi32, #tpu.memory_space<hbm>>) target(%dma_start3A_547 : memref<80xi32, #tpu.memory_space<vmem>>) target_semaphore(%arg10 : memref<!tpu.dma_semaphore, #tpu.memory_space<semaphore_mem>>)
        %dma_start3A_551 = arith.constant 0 : i32
        %dma_start3A_552 = arith.constant 0 : i32
        %dma_start3A_553 = tpu.memref_slice %arg7[%dma_start3A_551, %dma_start3A_552] : memref<4x80xi32, #tpu.memory_space<vmem>> -> memref<1x80xi32, #tpu.memory_space<vmem>>
        %dma_start3A_554 = tpu.memref_squeeze %dma_start3A_553 : memref<1x80xi32, #tpu.memory_space<vmem>> -> memref<80xi32, #tpu.memory_space<vmem>>
        %dma_start3A_555 = arith.constant 0 : i32
        %dma_start3A_556 = tpu.memref_slice %arg4[%add3A, %add3A_537, %dma_start3A_555] : memref<32x125x80xi32, #tpu.memory_space<hbm>> -> memref<1x1x80xi32, #tpu.memory_space<hbm>>
        %dma_start3A_557 = tpu.memref_squeeze %dma_start3A_556 : memref<1x1x80xi32, #tpu.memory_space<hbm>> -> memref<80xi32, #tpu.memory_space<hbm>>
        %dma_start3A_558 = arith.constant 0 : i32
        %dma_start3A_559 = tpu.memref_slice %arg7[%dma_start3A_551, %dma_start3A_558] : memref<4x80xi32, #tpu.memory_space<vmem>> -> memref<1x80xi32, #tpu.memory_space<vmem>>
        %dma_start3A_560 = tpu.memref_squeeze %dma_start3A_559 : memref<1x80xi32, #tpu.memory_space<vmem>> -> memref<80xi32, #tpu.memory_space<vmem>>
        %dma_start3A_561 = arith.constant 0 : i32
        %dma_start3A_562 = tpu.memref_slice %arg4[%add3A, %add3A_537, %dma_start3A_561] : memref<32x125x80xi32, #tpu.memory_space<hbm>> -> memref<1x1x80xi32, #tpu.memory_space<hbm>>
        %dma_start3A_563 = tpu.memref_squeeze %dma_start3A_562 : memref<1x1x80xi32, #tpu.memory_space<hbm>> -> memref<80xi32, #tpu.memory_space<hbm>>
        tpu.enqueue_dma source(%dma_start3A_563 : memref<80xi32, #tpu.memory_space<hbm>>) target(%dma_start3A_560 : memref<80xi32, #tpu.memory_space<vmem>>) target_semaphore(%arg10 : memref<!tpu.dma_semaphore, #tpu.memory_space<semaphore_mem>>)
      } else {
      }
      %add3A_388 = arith.constant 1 : i32
      %add3A_389 = arith.addi %add3A_375, %add3A_388 : i32
      %dma_wait3A_390 = arith.constant 3 : i32
      %dma_wait3A_391 = arith.constant 0 : i32
      %dma_wait3A_392 = tpu.memref_slice %arg6[%dma_wait3A_390, %dma_wait3A_391] : memref<4x80xi32, #tpu.memory_space<vmem>> -> memref<1x80xi32, #tpu.memory_space<vmem>>
      %dma_wait3A_393 = tpu.memref_squeeze %dma_wait3A_392 : memref<1x80xi32, #tpu.memory_space<vmem>> -> memref<80xi32, #tpu.memory_space<vmem>>
      %dma_wait3A_394 = arith.constant 0 : i32
      %dma_wait3A_395 = tpu.memref_slice %arg3[%add3A, %add3A_389, %dma_wait3A_394] : memref<32x125x80xi32, #tpu.memory_space<hbm>> -> memref<1x1x80xi32, #tpu.memory_space<hbm>>
      %dma_wait3A_396 = tpu.memref_squeeze %dma_wait3A_395 : memref<1x1x80xi32, #tpu.memory_space<hbm>> -> memref<80xi32, #tpu.memory_space<hbm>>
      %dma_wait3A_397 = arith.constant 0 : i32
      %dma_wait3A_398 = tpu.memref_slice %arg6[%dma_wait3A_390, %dma_wait3A_397] : memref<4x80xi32, #tpu.memory_space<vmem>> -> memref<1x80xi32, #tpu.memory_space<vmem>>
      %dma_wait3A_399 = tpu.memref_squeeze %dma_wait3A_398 : memref<1x80xi32, #tpu.memory_space<vmem>> -> memref<80xi32, #tpu.memory_space<vmem>>
      %dma_wait3A_400 = arith.constant 0 : i32
      %dma_wait3A_401 = tpu.memref_slice %arg3[%add3A, %add3A_389, %dma_wait3A_400] : memref<32x125x80xi32, #tpu.memory_space<hbm>> -> memref<1x1x80xi32, #tpu.memory_space<hbm>>
      %dma_wait3A_402 = tpu.memref_squeeze %dma_wait3A_401 : memref<1x1x80xi32, #tpu.memory_space<hbm>> -> memref<80xi32, #tpu.memory_space<hbm>>
      tpu.wait_dma2 semaphore(%arg13 : memref<!tpu.dma_semaphore, #tpu.memory_space<semaphore_mem>>) src(%dma_wait3A_402 : memref<80xi32, #tpu.memory_space<hbm>>) dst(%dma_wait3A_399 : memref<80xi32, #tpu.memory_space<vmem>>)
      %dma_wait3A_403 = arith.constant 3 : i32
      %dma_wait3A_404 = arith.constant 0 : i32
      %dma_wait3A_405 = tpu.memref_slice %arg7[%dma_wait3A_403, %dma_wait3A_404] : memref<4x80xi32, #tpu.memory_space<vmem>> -> memref<1x80xi32, #tpu.memory_space<vmem>>
      %dma_wait3A_406 = tpu.memref_squeeze %dma_wait3A_405 : memref<1x80xi32, #tpu.memory_space<vmem>> -> memref<80xi32, #tpu.memory_space<vmem>>
      %dma_wait3A_407 = arith.constant 0 : i32
      %dma_wait3A_408 = tpu.memref_slice %arg4[%add3A, %add3A_389, %dma_wait3A_407] : memref<32x125x80xi32, #tpu.memory_space<hbm>> -> memref<1x1x80xi32, #tpu.memory_space<hbm>>
      %dma_wait3A_409 = tpu.memref_squeeze %dma_wait3A_408 : memref<1x1x80xi32, #tpu.memory_space<hbm>> -> memref<80xi32, #tpu.memory_space<hbm>>
      %dma_wait3A_410 = arith.constant 0 : i32
      %dma_wait3A_411 = tpu.memref_slice %arg7[%dma_wait3A_403, %dma_wait3A_410] : memref<4x80xi32, #tpu.memory_space<vmem>> -> memref<1x80xi32, #tpu.memory_space<vmem>>
      %dma_wait3A_412 = tpu.memref_squeeze %dma_wait3A_411 : memref<1x80xi32, #tpu.memory_space<vmem>> -> memref<80xi32, #tpu.memory_space<vmem>>
      %dma_wait3A_413 = arith.constant 0 : i32
      %dma_wait3A_414 = tpu.memref_slice %arg4[%add3A, %add3A_389, %dma_wait3A_413] : memref<32x125x80xi32, #tpu.memory_space<hbm>> -> memref<1x1x80xi32, #tpu.memory_space<hbm>>
      %dma_wait3A_415 = tpu.memref_squeeze %dma_wait3A_414 : memref<1x1x80xi32, #tpu.memory_space<hbm>> -> memref<80xi32, #tpu.memory_space<hbm>>
      tpu.wait_dma2 semaphore(%arg13 : memref<!tpu.dma_semaphore, #tpu.memory_space<semaphore_mem>>) src(%dma_wait3A_415 : memref<80xi32, #tpu.memory_space<hbm>>) dst(%dma_wait3A_412 : memref<80xi32, #tpu.memory_space<vmem>>)
      %add3A_416 = arith.constant 1 : i32
      %add3A_417 = arith.addi %add3A_375, %add3A_416 : i32
      %dma_start3A_418 = arith.constant 3 : i32
      %dma_start3A_419 = arith.constant 3 : i32
      %dma_start3A_420 = arith.constant 0 : i32
      %dma_start3A_421 = arith.constant 0 : i32
      %dma_start3A_422 = tpu.memref_slice %arg8[%dma_start3A_419, %dma_start3A_420, %dma_start3A_421] : memref<4x80x128xf32, #tpu.memory_space<vmem>> -> memref<1x80x128xf32, #tpu.memory_space<vmem>>
      %dma_start3A_423 = tpu.memref_squeeze %dma_start3A_422 : memref<1x80x128xf32, #tpu.memory_space<vmem>> -> memref<80x128xf32, #tpu.memory_space<vmem>>
      %dma_start3A_424 = arith.constant 0 : i32
      %dma_start3A_425 = tpu.memref_slice %arg6[%dma_start3A_418, %dma_start3A_424] : memref<4x80xi32, #tpu.memory_space<vmem>> -> memref<1x80xi32, #tpu.memory_space<vmem>>
      %dma_start3A_426 = tpu.memref_squeeze %dma_start3A_425 : memref<1x80xi32, #tpu.memory_space<vmem>> -> memref<80xi32, #tpu.memory_space<vmem>>
      %dma_start3A_427 = arith.constant 0 : i32
      %dma_start3A_428 = arith.constant 0 : i32
      %dma_start3A_429 = tpu.memref_slice %arg2[%dma_start3A_427, %dma_start3A_428] : memref<10240x128xf32, #tpu.memory_space<hbm>> -> memref<10240x128xf32, #tpu.memory_space<hbm>>
      tpu.enqueue_indirect_dma source(%dma_start3A_429 : memref<10240x128xf32, #tpu.memory_space<hbm>>) target(%dma_start3A_423 : memref<80x128xf32, #tpu.memory_space<vmem>>) offsets(%dma_start3A_426 : memref<80xi32, #tpu.memory_space<vmem>>) semaphore(%arg17 : memref<!tpu.dma_semaphore, #tpu.memory_space<semaphore_mem>>)
      %dma_wait3A_430 = arith.constant 2 : i32
      %dma_wait3A_431 = arith.constant 2 : i32
      %dma_wait3A_432 = arith.constant 0 : i32
      %dma_wait3A_433 = arith.constant 0 : i32
      %dma_wait3A_434 = tpu.memref_slice %arg8[%dma_wait3A_431, %dma_wait3A_432, %dma_wait3A_433] : memref<4x80x128xf32, #tpu.memory_space<vmem>> -> memref<1x80x128xf32, #tpu.memory_space<vmem>>
      %dma_wait3A_435 = tpu.memref_squeeze %dma_wait3A_434 : memref<1x80x128xf32, #tpu.memory_space<vmem>> -> memref<80x128xf32, #tpu.memory_space<vmem>>
      %dma_wait3A_436 = arith.constant 0 : i32
      %dma_wait3A_437 = tpu.memref_slice %arg6[%dma_wait3A_430, %dma_wait3A_436] : memref<4x80xi32, #tpu.memory_space<vmem>> -> memref<1x80xi32, #tpu.memory_space<vmem>>
      %dma_wait3A_438 = tpu.memref_squeeze %dma_wait3A_437 : memref<1x80xi32, #tpu.memory_space<vmem>> -> memref<80xi32, #tpu.memory_space<vmem>>
      %dma_wait3A_439 = arith.constant 0 : i32
      %dma_wait3A_440 = arith.constant 0 : i32
      %dma_wait3A_441 = tpu.memref_slice %arg2[%dma_wait3A_439, %dma_wait3A_440] : memref<10240x128xf32, #tpu.memory_space<hbm>> -> memref<10240x128xf32, #tpu.memory_space<hbm>>
      tpu.wait_indirect_dma semaphore(%arg16 : memref<!tpu.dma_semaphore, #tpu.memory_space<semaphore_mem>>) src(%dma_wait3A_441 : memref<10240x128xf32, #tpu.memory_space<hbm>>) dst(%dma_wait3A_435 : memref<80x128xf32, #tpu.memory_space<vmem>>)
      %dma_start3A_442 = arith.constant 2 : i32
      %dma_start3A_443 = arith.constant 2 : i32
      %dma_start3A_444 = arith.constant 0 : i32
      %dma_start3A_445 = arith.constant 0 : i32
      %dma_start3A_446 = tpu.memref_slice %arg8[%dma_start3A_442, %dma_start3A_444, %dma_start3A_445] : memref<4x80x128xf32, #tpu.memory_space<vmem>> -> memref<1x80x128xf32, #tpu.memory_space<vmem>>
      %dma_start3A_447 = tpu.memref_squeeze %dma_start3A_446 : memref<1x80x128xf32, #tpu.memory_space<vmem>> -> memref<80x128xf32, #tpu.memory_space<vmem>>
      %dma_start3A_448 = arith.constant 0 : i32
      %dma_start3A_449 = tpu.memref_slice %arg7[%dma_start3A_443, %dma_start3A_448] : memref<4x80xi32, #tpu.memory_space<vmem>> -> memref<1x80xi32, #tpu.memory_space<vmem>>
      %dma_start3A_450 = tpu.memref_squeeze %dma_start3A_449 : memref<1x80xi32, #tpu.memory_space<vmem>> -> memref<80xi32, #tpu.memory_space<vmem>>
      %dma_start3A_451 = arith.constant 0 : i32
      %dma_start3A_452 = arith.constant 0 : i32
      %dma_start3A_453 = tpu.memref_slice %arg9[%dma_start3A_451, %dma_start3A_452] : memref<10240x128xf32, #tpu.memory_space<vmem_shared>> -> memref<10240x128xf32, #tpu.memory_space<vmem_shared>>
      tpu.enqueue_indirect_dma source(%dma_start3A_447 : memref<80x128xf32, #tpu.memory_space<vmem>>) target(%dma_start3A_453 : memref<10240x128xf32, #tpu.memory_space<vmem_shared>>) offsets(%dma_start3A_450 : memref<80xi32, #tpu.memory_space<vmem>>) semaphore(%arg18 : memref<!tpu.dma_semaphore, #tpu.memory_space<semaphore_mem>>) {add = true}
      %mul3A_454 = arith.constant 4 : i32
      %mul3A_455 = arith.muli %scan3A_211, %mul3A_454 : i32
      %add3A_456 = arith.constant 3 : i32
      %add3A_457 = arith.addi %mul3A_455, %add3A_456 : i32
      %gt3A_458 = arith.constant 1 : i32
      %gt3A_459 = arith.cmpi sgt, %add3A_457, %gt3A_458 : i32
      %convert_element_type3A_460 = arith.extui %gt3A_459 : i1 to i32
      %cond3A_461 = arith.constant 0 : i32
      %cond3A_462 = arith.cmpi ne, %convert_element_type3A_460, %cond3A_461 : i32
      scf.if %cond3A_462 {
        %sub3A = arith.constant 2 : i32
        %sub3A_536 = arith.subi %add3A_457, %sub3A : i32
        %dma_wait3A_537 = arith.constant 1 : i32
        %dma_wait3A_538 = arith.constant 1 : i32
        %dma_wait3A_539 = arith.constant 0 : i32
        %dma_wait3A_540 = arith.constant 0 : i32
        %dma_wait3A_541 = tpu.memref_slice %arg8[%dma_wait3A_537, %dma_wait3A_539, %dma_wait3A_540] : memref<4x80x128xf32, #tpu.memory_space<vmem>> -> memref<1x80x128xf32, #tpu.memory_space<vmem>>
        %dma_wait3A_542 = tpu.memref_squeeze %dma_wait3A_541 : memref<1x80x128xf32, #tpu.memory_space<vmem>> -> memref<80x128xf32, #tpu.memory_space<vmem>>
        %dma_wait3A_543 = arith.constant 0 : i32
        %dma_wait3A_544 = tpu.memref_slice %arg7[%dma_wait3A_538, %dma_wait3A_543] : memref<4x80xi32, #tpu.memory_space<vmem>> -> memref<1x80xi32, #tpu.memory_space<vmem>>
        %dma_wait3A_545 = tpu.memref_squeeze %dma_wait3A_544 : memref<1x80xi32, #tpu.memory_space<vmem>> -> memref<80xi32, #tpu.memory_space<vmem>>
        %dma_wait3A_546 = arith.constant 0 : i32
        %dma_wait3A_547 = arith.constant 0 : i32
        %dma_wait3A_548 = tpu.memref_slice %arg9[%dma_wait3A_546, %dma_wait3A_547] : memref<10240x128xf32, #tpu.memory_space<vmem_shared>> -> memref<10240x128xf32, #tpu.memory_space<vmem_shared>>
        tpu.wait_indirect_dma semaphore(%arg18 : memref<!tpu.dma_semaphore, #tpu.memory_space<semaphore_mem>>) src(%dma_wait3A_542 : memref<80x128xf32, #tpu.memory_space<vmem>>) dst(%dma_wait3A_548 : memref<10240x128xf32, #tpu.memory_space<vmem_shared>>)
      } else {
      }
      %add3A_463 = arith.constant 2 : i32
      %add3A_464 = arith.addi %add3A_457, %add3A_463 : i32
      %lt3A_465 = arith.constant 125 : i32
      %lt3A_466 = arith.cmpi slt, %add3A_464, %lt3A_465 : i32
      %convert_element_type3A_467 = arith.extui %lt3A_466 : i1 to i32
      %cond3A_468 = arith.constant 0 : i32
      %cond3A_469 = arith.cmpi ne, %convert_element_type3A_467, %cond3A_468 : i32
      scf.if %cond3A_469 {
        %add3A_536 = arith.constant 2 : i32
        %add3A_537 = arith.addi %add3A_457, %add3A_536 : i32
        %dma_start3A_538 = arith.constant 1 : i32
        %dma_start3A_539 = arith.constant 0 : i32
        %dma_start3A_540 = tpu.memref_slice %arg6[%dma_start3A_538, %dma_start3A_539] : memref<4x80xi32, #tpu.memory_space<vmem>> -> memref<1x80xi32, #tpu.memory_space<vmem>>
        %dma_start3A_541 = tpu.memref_squeeze %dma_start3A_540 : memref<1x80xi32, #tpu.memory_space<vmem>> -> memref<80xi32, #tpu.memory_space<vmem>>
        %dma_start3A_542 = arith.constant 0 : i32
        %dma_start3A_543 = tpu.memref_slice %arg3[%add3A, %add3A_537, %dma_start3A_542] : memref<32x125x80xi32, #tpu.memory_space<hbm>> -> memref<1x1x80xi32, #tpu.memory_space<hbm>>
        %dma_start3A_544 = tpu.memref_squeeze %dma_start3A_543 : memref<1x1x80xi32, #tpu.memory_space<hbm>> -> memref<80xi32, #tpu.memory_space<hbm>>
        %dma_start3A_545 = arith.constant 0 : i32
        %dma_start3A_546 = tpu.memref_slice %arg6[%dma_start3A_538, %dma_start3A_545] : memref<4x80xi32, #tpu.memory_space<vmem>> -> memref<1x80xi32, #tpu.memory_space<vmem>>
        %dma_start3A_547 = tpu.memref_squeeze %dma_start3A_546 : memref<1x80xi32, #tpu.memory_space<vmem>> -> memref<80xi32, #tpu.memory_space<vmem>>
        %dma_start3A_548 = arith.constant 0 : i32
        %dma_start3A_549 = tpu.memref_slice %arg3[%add3A, %add3A_537, %dma_start3A_548] : memref<32x125x80xi32, #tpu.memory_space<hbm>> -> memref<1x1x80xi32, #tpu.memory_space<hbm>>
        %dma_start3A_550 = tpu.memref_squeeze %dma_start3A_549 : memref<1x1x80xi32, #tpu.memory_space<hbm>> -> memref<80xi32, #tpu.memory_space<hbm>>
        tpu.enqueue_dma source(%dma_start3A_550 : memref<80xi32, #tpu.memory_space<hbm>>) target(%dma_start3A_547 : memref<80xi32, #tpu.memory_space<vmem>>) target_semaphore(%arg11 : memref<!tpu.dma_semaphore, #tpu.memory_space<semaphore_mem>>)
        %dma_start3A_551 = arith.constant 1 : i32
        %dma_start3A_552 = arith.constant 0 : i32
        %dma_start3A_553 = tpu.memref_slice %arg7[%dma_start3A_551, %dma_start3A_552] : memref<4x80xi32, #tpu.memory_space<vmem>> -> memref<1x80xi32, #tpu.memory_space<vmem>>
        %dma_start3A_554 = tpu.memref_squeeze %dma_start3A_553 : memref<1x80xi32, #tpu.memory_space<vmem>> -> memref<80xi32, #tpu.memory_space<vmem>>
        %dma_start3A_555 = arith.constant 0 : i32
        %dma_start3A_556 = tpu.memref_slice %arg4[%add3A, %add3A_537, %dma_start3A_555] : memref<32x125x80xi32, #tpu.memory_space<hbm>> -> memref<1x1x80xi32, #tpu.memory_space<hbm>>
        %dma_start3A_557 = tpu.memref_squeeze %dma_start3A_556 : memref<1x1x80xi32, #tpu.memory_space<hbm>> -> memref<80xi32, #tpu.memory_space<hbm>>
        %dma_start3A_558 = arith.constant 0 : i32
        %dma_start3A_559 = tpu.memref_slice %arg7[%dma_start3A_551, %dma_start3A_558] : memref<4x80xi32, #tpu.memory_space<vmem>> -> memref<1x80xi32, #tpu.memory_space<vmem>>
        %dma_start3A_560 = tpu.memref_squeeze %dma_start3A_559 : memref<1x80xi32, #tpu.memory_space<vmem>> -> memref<80xi32, #tpu.memory_space<vmem>>
        %dma_start3A_561 = arith.constant 0 : i32
        %dma_start3A_562 = tpu.memref_slice %arg4[%add3A, %add3A_537, %dma_start3A_561] : memref<32x125x80xi32, #tpu.memory_space<hbm>> -> memref<1x1x80xi32, #tpu.memory_space<hbm>>
        %dma_start3A_563 = tpu.memref_squeeze %dma_start3A_562 : memref<1x1x80xi32, #tpu.memory_space<hbm>> -> memref<80xi32, #tpu.memory_space<hbm>>
        tpu.enqueue_dma source(%dma_start3A_563 : memref<80xi32, #tpu.memory_space<hbm>>) target(%dma_start3A_560 : memref<80xi32, #tpu.memory_space<vmem>>) target_semaphore(%arg11 : memref<!tpu.dma_semaphore, #tpu.memory_space<semaphore_mem>>)
      } else {
      }
      %add3A_470 = arith.constant 1 : i32
      %add3A_471 = arith.addi %add3A_457, %add3A_470 : i32
      %dma_wait3A_472 = arith.constant 0 : i32
      %dma_wait3A_473 = arith.constant 0 : i32
      %dma_wait3A_474 = tpu.memref_slice %arg6[%dma_wait3A_472, %dma_wait3A_473] : memref<4x80xi32, #tpu.memory_space<vmem>> -> memref<1x80xi32, #tpu.memory_space<vmem>>
      %dma_wait3A_475 = tpu.memref_squeeze %dma_wait3A_474 : memref<1x80xi32, #tpu.memory_space<vmem>> -> memref<80xi32, #tpu.memory_space<vmem>>
      %dma_wait3A_476 = arith.constant 0 : i32
      %dma_wait3A_477 = tpu.memref_slice %arg3[%add3A, %add3A_471, %dma_wait3A_476] : memref<32x125x80xi32, #tpu.memory_space<hbm>> -> memref<1x1x80xi32, #tpu.memory_space<hbm>>
      %dma_wait3A_478 = tpu.memref_squeeze %dma_wait3A_477 : memref<1x1x80xi32, #tpu.memory_space<hbm>> -> memref<80xi32, #tpu.memory_space<hbm>>
      %dma_wait3A_479 = arith.constant 0 : i32
      %dma_wait3A_480 = tpu.memref_slice %arg6[%dma_wait3A_472, %dma_wait3A_479] : memref<4x80xi32, #tpu.memory_space<vmem>> -> memref<1x80xi32, #tpu.memory_space<vmem>>
      %dma_wait3A_481 = tpu.memref_squeeze %dma_wait3A_480 : memref<1x80xi32, #tpu.memory_space<vmem>> -> memref<80xi32, #tpu.memory_space<vmem>>
      %dma_wait3A_482 = arith.constant 0 : i32
      %dma_wait3A_483 = tpu.memref_slice %arg3[%add3A, %add3A_471, %dma_wait3A_482] : memref<32x125x80xi32, #tpu.memory_space<hbm>> -> memref<1x1x80xi32, #tpu.memory_space<hbm>>
      %dma_wait3A_484 = tpu.memref_squeeze %dma_wait3A_483 : memref<1x1x80xi32, #tpu.memory_space<hbm>> -> memref<80xi32, #tpu.memory_space<hbm>>
      tpu.wait_dma2 semaphore(%arg10 : memref<!tpu.dma_semaphore, #tpu.memory_space<semaphore_mem>>) src(%dma_wait3A_484 : memref<80xi32, #tpu.memory_space<hbm>>) dst(%dma_wait3A_481 : memref<80xi32, #tpu.memory_space<vmem>>)
      %dma_wait3A_485 = arith.constant 0 : i32
      %dma_wait3A_486 = arith.constant 0 : i32
      %dma_wait3A_487 = tpu.memref_slice %arg7[%dma_wait3A_485, %dma_wait3A_486] : memref<4x80xi32, #tpu.memory_space<vmem>> -> memref<1x80xi32, #tpu.memory_space<vmem>>
      %dma_wait3A_488 = tpu.memref_squeeze %dma_wait3A_487 : memref<1x80xi32, #tpu.memory_space<vmem>> -> memref<80xi32, #tpu.memory_space<vmem>>
      %dma_wait3A_489 = arith.constant 0 : i32
      %dma_wait3A_490 = tpu.memref_slice %arg4[%add3A, %add3A_471, %dma_wait3A_489] : memref<32x125x80xi32, #tpu.memory_space<hbm>> -> memref<1x1x80xi32, #tpu.memory_space<hbm>>
      %dma_wait3A_491 = tpu.memref_squeeze %dma_wait3A_490 : memref<1x1x80xi32, #tpu.memory_space<hbm>> -> memref<80xi32, #tpu.memory_space<hbm>>
      %dma_wait3A_492 = arith.constant 0 : i32
      %dma_wait3A_493 = tpu.memref_slice %arg7[%dma_wait3A_485, %dma_wait3A_492] : memref<4x80xi32, #tpu.memory_space<vmem>> -> memref<1x80xi32, #tpu.memory_space<vmem>>
      %dma_wait3A_494 = tpu.memref_squeeze %dma_wait3A_493 : memref<1x80xi32, #tpu.memory_space<vmem>> -> memref<80xi32, #tpu.memory_space<vmem>>
      %dma_wait3A_495 = arith.constant 0 : i32
      %dma_wait3A_496 = tpu.memref_slice %arg4[%add3A, %add3A_471, %dma_wait3A_495] : memref<32x125x80xi32, #tpu.memory_space<hbm>> -> memref<1x1x80xi32, #tpu.memory_space<hbm>>
      %dma_wait3A_497 = tpu.memref_squeeze %dma_wait3A_496 : memref<1x1x80xi32, #tpu.memory_space<hbm>> -> memref<80xi32, #tpu.memory_space<hbm>>
      tpu.wait_dma2 semaphore(%arg10 : memref<!tpu.dma_semaphore, #tpu.memory_space<semaphore_mem>>) src(%dma_wait3A_497 : memref<80xi32, #tpu.memory_space<hbm>>) dst(%dma_wait3A_494 : memref<80xi32, #tpu.memory_space<vmem>>)
      %add3A_498 = arith.constant 1 : i32
      %add3A_499 = arith.addi %add3A_457, %add3A_498 : i32
      %dma_start3A_500 = arith.constant 0 : i32
      %dma_start3A_501 = arith.constant 0 : i32
      %dma_start3A_502 = arith.constant 0 : i32
      %dma_start3A_503 = arith.constant 0 : i32
      %dma_start3A_504 = tpu.memref_slice %arg8[%dma_start3A_501, %dma_start3A_502, %dma_start3A_503] : memref<4x80x128xf32, #tpu.memory_space<vmem>> -> memref<1x80x128xf32, #tpu.memory_space<vmem>>
      %dma_start3A_505 = tpu.memref_squeeze %dma_start3A_504 : memref<1x80x128xf32, #tpu.memory_space<vmem>> -> memref<80x128xf32, #tpu.memory_space<vmem>>
      %dma_start3A_506 = arith.constant 0 : i32
      %dma_start3A_507 = tpu.memref_slice %arg6[%dma_start3A_500, %dma_start3A_506] : memref<4x80xi32, #tpu.memory_space<vmem>> -> memref<1x80xi32, #tpu.memory_space<vmem>>
      %dma_start3A_508 = tpu.memref_squeeze %dma_start3A_507 : memref<1x80xi32, #tpu.memory_space<vmem>> -> memref<80xi32, #tpu.memory_space<vmem>>
      %dma_start3A_509 = arith.constant 0 : i32
      %dma_start3A_510 = arith.constant 0 : i32
      %dma_start3A_511 = tpu.memref_slice %arg2[%dma_start3A_509, %dma_start3A_510] : memref<10240x128xf32, #tpu.memory_space<hbm>> -> memref<10240x128xf32, #tpu.memory_space<hbm>>
      tpu.enqueue_indirect_dma source(%dma_start3A_511 : memref<10240x128xf32, #tpu.memory_space<hbm>>) target(%dma_start3A_505 : memref<80x128xf32, #tpu.memory_space<vmem>>) offsets(%dma_start3A_508 : memref<80xi32, #tpu.memory_space<vmem>>) semaphore(%arg14 : memref<!tpu.dma_semaphore, #tpu.memory_space<semaphore_mem>>)
      %dma_wait3A_512 = arith.constant 3 : i32
      %dma_wait3A_513 = arith.constant 3 : i32
      %dma_wait3A_514 = arith.constant 0 : i32
      %dma_wait3A_515 = arith.constant 0 : i32
      %dma_wait3A_516 = tpu.memref_slice %arg8[%dma_wait3A_513, %dma_wait3A_514, %dma_wait3A_515] : memref<4x80x128xf32, #tpu.memory_space<vmem>> -> memref<1x80x128xf32, #tpu.memory_space<vmem>>
      %dma_wait3A_517 = tpu.memref_squeeze %dma_wait3A_516 : memref<1x80x128xf32, #tpu.memory_space<vmem>> -> memref<80x128xf32, #tpu.memory_space<vmem>>
      %dma_wait3A_518 = arith.constant 0 : i32
      %dma_wait3A_519 = tpu.memref_slice %arg6[%dma_wait3A_512, %dma_wait3A_518] : memref<4x80xi32, #tpu.memory_space<vmem>> -> memref<1x80xi32, #tpu.memory_space<vmem>>
      %dma_wait3A_520 = tpu.memref_squeeze %dma_wait3A_519 : memref<1x80xi32, #tpu.memory_space<vmem>> -> memref<80xi32, #tpu.memory_space<vmem>>
      %dma_wait3A_521 = arith.constant 0 : i32
      %dma_wait3A_522 = arith.constant 0 : i32
      %dma_wait3A_523 = tpu.memref_slice %arg2[%dma_wait3A_521, %dma_wait3A_522] : memref<10240x128xf32, #tpu.memory_space<hbm>> -> memref<10240x128xf32, #tpu.memory_space<hbm>>
      tpu.wait_indirect_dma semaphore(%arg17 : memref<!tpu.dma_semaphore, #tpu.memory_space<semaphore_mem>>) src(%dma_wait3A_523 : memref<10240x128xf32, #tpu.memory_space<hbm>>) dst(%dma_wait3A_517 : memref<80x128xf32, #tpu.memory_space<vmem>>)
      %dma_start3A_524 = arith.constant 3 : i32
      %dma_start3A_525 = arith.constant 3 : i32
      %dma_start3A_526 = arith.constant 0 : i32
      %dma_start3A_527 = arith.constant 0 : i32
      %dma_start3A_528 = tpu.memref_slice %arg8[%dma_start3A_524, %dma_start3A_526, %dma_start3A_527] : memref<4x80x128xf32, #tpu.memory_space<vmem>> -> memref<1x80x128xf32, #tpu.memory_space<vmem>>
      %dma_start3A_529 = tpu.memref_squeeze %dma_start3A_528 : memref<1x80x128xf32, #tpu.memory_space<vmem>> -> memref<80x128xf32, #tpu.memory_space<vmem>>
      %dma_start3A_530 = arith.constant 0 : i32
      %dma_start3A_531 = tpu.memref_slice %arg7[%dma_start3A_525, %dma_start3A_530] : memref<4x80xi32, #tpu.memory_space<vmem>> -> memref<1x80xi32, #tpu.memory_space<vmem>>
      %dma_start3A_532 = tpu.memref_squeeze %dma_start3A_531 : memref<1x80xi32, #tpu.memory_space<vmem>> -> memref<80xi32, #tpu.memory_space<vmem>>
      %dma_start3A_533 = arith.constant 0 : i32
      %dma_start3A_534 = arith.constant 0 : i32
      %dma_start3A_535 = tpu.memref_slice %arg9[%dma_start3A_533, %dma_start3A_534] : memref<10240x128xf32, #tpu.memory_space<vmem_shared>> -> memref<10240x128xf32, #tpu.memory_space<vmem_shared>>
      tpu.enqueue_indirect_dma source(%dma_start3A_529 : memref<80x128xf32, #tpu.memory_space<vmem>>) target(%dma_start3A_535 : memref<10240x128xf32, #tpu.memory_space<vmem_shared>>) offsets(%dma_start3A_532 : memref<80xi32, #tpu.memory_space<vmem>>) semaphore(%arg18 : memref<!tpu.dma_semaphore, #tpu.memory_space<semaphore_mem>>) {add = true}
    }
    %scan3A_145 = arith.constant 31 : i32
    %dma_wait3A_146 = arith.constant 2 : i32
    %dma_wait3A_147 = arith.constant 2 : i32
    %dma_wait3A_148 = arith.constant 0 : i32
    %dma_wait3A_149 = arith.constant 0 : i32
    %dma_wait3A_150 = tpu.memref_slice %arg8[%dma_wait3A_146, %dma_wait3A_148, %dma_wait3A_149] : memref<4x80x128xf32, #tpu.memory_space<vmem>> -> memref<1x80x128xf32, #tpu.memory_space<vmem>>
    %dma_wait3A_151 = tpu.memref_squeeze %dma_wait3A_150 : memref<1x80x128xf32, #tpu.memory_space<vmem>> -> memref<80x128xf32, #tpu.memory_space<vmem>>
    %dma_wait3A_152 = arith.constant 0 : i32
    %dma_wait3A_153 = tpu.memref_slice %arg7[%dma_wait3A_147, %dma_wait3A_152] : memref<4x80xi32, #tpu.memory_space<vmem>> -> memref<1x80xi32, #tpu.memory_space<vmem>>
    %dma_wait3A_154 = tpu.memref_squeeze %dma_wait3A_153 : memref<1x80xi32, #tpu.memory_space<vmem>> -> memref<80xi32, #tpu.memory_space<vmem>>
    %dma_wait3A_155 = arith.constant 0 : i32
    %dma_wait3A_156 = arith.constant 0 : i32
    %dma_wait3A_157 = tpu.memref_slice %arg9[%dma_wait3A_155, %dma_wait3A_156] : memref<10240x128xf32, #tpu.memory_space<vmem_shared>> -> memref<10240x128xf32, #tpu.memory_space<vmem_shared>>
    tpu.wait_indirect_dma semaphore(%arg18 : memref<!tpu.dma_semaphore, #tpu.memory_space<semaphore_mem>>) src(%dma_wait3A_151 : memref<80x128xf32, #tpu.memory_space<vmem>>) dst(%dma_wait3A_157 : memref<10240x128xf32, #tpu.memory_space<vmem_shared>>)
    %dma_wait3A_158 = arith.constant 0 : i32
    %dma_wait3A_159 = arith.constant 0 : i32
    %dma_wait3A_160 = arith.constant 0 : i32
    %dma_wait3A_161 = arith.constant 0 : i32
    %dma_wait3A_162 = tpu.memref_slice %arg8[%dma_wait3A_159, %dma_wait3A_160, %dma_wait3A_161] : memref<4x80x128xf32, #tpu.memory_space<vmem>> -> memref<1x80x128xf32, #tpu.memory_space<vmem>>
    %dma_wait3A_163 = tpu.memref_squeeze %dma_wait3A_162 : memref<1x80x128xf32, #tpu.memory_space<vmem>> -> memref<80x128xf32, #tpu.memory_space<vmem>>
    %dma_wait3A_164 = arith.constant 0 : i32
    %dma_wait3A_165 = tpu.memref_slice %arg6[%dma_wait3A_158, %dma_wait3A_164] : memref<4x80xi32, #tpu.memory_space<vmem>> -> memref<1x80xi32, #tpu.memory_space<vmem>>
    %dma_wait3A_166 = tpu.memref_squeeze %dma_wait3A_165 : memref<1x80xi32, #tpu.memory_space<vmem>> -> memref<80xi32, #tpu.memory_space<vmem>>
    %dma_wait3A_167 = arith.constant 0 : i32
    %dma_wait3A_168 = arith.constant 0 : i32
    %dma_wait3A_169 = tpu.memref_slice %arg2[%dma_wait3A_167, %dma_wait3A_168] : memref<10240x128xf32, #tpu.memory_space<hbm>> -> memref<10240x128xf32, #tpu.memory_space<hbm>>
    tpu.wait_indirect_dma semaphore(%arg14 : memref<!tpu.dma_semaphore, #tpu.memory_space<semaphore_mem>>) src(%dma_wait3A_169 : memref<10240x128xf32, #tpu.memory_space<hbm>>) dst(%dma_wait3A_163 : memref<80x128xf32, #tpu.memory_space<vmem>>)
    %dma_start3A_170 = arith.constant 0 : i32
    %dma_start3A_171 = arith.constant 0 : i32
    %dma_start3A_172 = arith.constant 0 : i32
    %dma_start3A_173 = arith.constant 0 : i32
    %dma_start3A_174 = tpu.memref_slice %arg8[%dma_start3A_170, %dma_start3A_172, %dma_start3A_173] : memref<4x80x128xf32, #tpu.memory_space<vmem>> -> memref<1x80x128xf32, #tpu.memory_space<vmem>>
    %dma_start3A_175 = tpu.memref_squeeze %dma_start3A_174 : memref<1x80x128xf32, #tpu.memory_space<vmem>> -> memref<80x128xf32, #tpu.memory_space<vmem>>
    %dma_start3A_176 = arith.constant 0 : i32
    %dma_start3A_177 = tpu.memref_slice %arg7[%dma_start3A_171, %dma_start3A_176] : memref<4x80xi32, #tpu.memory_space<vmem>> -> memref<1x80xi32, #tpu.memory_space<vmem>>
    %dma_start3A_178 = tpu.memref_squeeze %dma_start3A_177 : memref<1x80xi32, #tpu.memory_space<vmem>> -> memref<80xi32, #tpu.memory_space<vmem>>
    %dma_start3A_179 = arith.constant 0 : i32
    %dma_start3A_180 = arith.constant 0 : i32
    %dma_start3A_181 = tpu.memref_slice %arg9[%dma_start3A_179, %dma_start3A_180] : memref<10240x128xf32, #tpu.memory_space<vmem_shared>> -> memref<10240x128xf32, #tpu.memory_space<vmem_shared>>
    tpu.enqueue_indirect_dma source(%dma_start3A_175 : memref<80x128xf32, #tpu.memory_space<vmem>>) target(%dma_start3A_181 : memref<10240x128xf32, #tpu.memory_space<vmem_shared>>) offsets(%dma_start3A_178 : memref<80xi32, #tpu.memory_space<vmem>>) semaphore(%arg18 : memref<!tpu.dma_semaphore, #tpu.memory_space<semaphore_mem>>) {add = true}
    %dma_wait3A_182 = arith.constant 3 : i32
    %dma_wait3A_183 = arith.constant 3 : i32
    %dma_wait3A_184 = arith.constant 0 : i32
    %dma_wait3A_185 = arith.constant 0 : i32
    %dma_wait3A_186 = tpu.memref_slice %arg8[%dma_wait3A_182, %dma_wait3A_184, %dma_wait3A_185] : memref<4x80x128xf32, #tpu.memory_space<vmem>> -> memref<1x80x128xf32, #tpu.memory_space<vmem>>
    %dma_wait3A_187 = tpu.memref_squeeze %dma_wait3A_186 : memref<1x80x128xf32, #tpu.memory_space<vmem>> -> memref<80x128xf32, #tpu.memory_space<vmem>>
    %dma_wait3A_188 = arith.constant 0 : i32
    %dma_wait3A_189 = tpu.memref_slice %arg7[%dma_wait3A_183, %dma_wait3A_188] : memref<4x80xi32, #tpu.memory_space<vmem>> -> memref<1x80xi32, #tpu.memory_space<vmem>>
    %dma_wait3A_190 = tpu.memref_squeeze %dma_wait3A_189 : memref<1x80xi32, #tpu.memory_space<vmem>> -> memref<80xi32, #tpu.memory_space<vmem>>
    %dma_wait3A_191 = arith.constant 0 : i32
    %dma_wait3A_192 = arith.constant 0 : i32
    %dma_wait3A_193 = tpu.memref_slice %arg9[%dma_wait3A_191, %dma_wait3A_192] : memref<10240x128xf32, #tpu.memory_space<vmem_shared>> -> memref<10240x128xf32, #tpu.memory_space<vmem_shared>>
    tpu.wait_indirect_dma semaphore(%arg18 : memref<!tpu.dma_semaphore, #tpu.memory_space<semaphore_mem>>) src(%dma_wait3A_187 : memref<80x128xf32, #tpu.memory_space<vmem>>) dst(%dma_wait3A_193 : memref<10240x128xf32, #tpu.memory_space<vmem_shared>>)
    %dma_wait3A_194 = arith.constant 0 : i32
    %dma_wait3A_195 = arith.constant 0 : i32
    %dma_wait3A_196 = arith.constant 0 : i32
    %dma_wait3A_197 = arith.constant 0 : i32
    %dma_wait3A_198 = tpu.memref_slice %arg8[%dma_wait3A_194, %dma_wait3A_196, %dma_wait3A_197] : memref<4x80x128xf32, #tpu.memory_space<vmem>> -> memref<1x80x128xf32, #tpu.memory_space<vmem>>
    %dma_wait3A_199 = tpu.memref_squeeze %dma_wait3A_198 : memref<1x80x128xf32, #tpu.memory_space<vmem>> -> memref<80x128xf32, #tpu.memory_space<vmem>>
    %dma_wait3A_200 = arith.constant 0 : i32
    %dma_wait3A_201 = tpu.memref_slice %arg7[%dma_wait3A_195, %dma_wait3A_200] : memref<4x80xi32, #tpu.memory_space<vmem>> -> memref<1x80xi32, #tpu.memory_space<vmem>>
    %dma_wait3A_202 = tpu.memref_squeeze %dma_wait3A_201 : memref<1x80xi32, #tpu.memory_space<vmem>> -> memref<80xi32, #tpu.memory_space<vmem>>
    %dma_wait3A_203 = arith.constant 0 : i32
    %dma_wait3A_204 = arith.constant 0 : i32
    %dma_wait3A_205 = tpu.memref_slice %arg9[%dma_wait3A_203, %dma_wait3A_204] : memref<10240x128xf32, #tpu.memory_space<vmem_shared>> -> memref<10240x128xf32, #tpu.memory_space<vmem_shared>>
    tpu.wait_indirect_dma semaphore(%arg18 : memref<!tpu.dma_semaphore, #tpu.memory_space<semaphore_mem>>) src(%dma_wait3A_199 : memref<80x128xf32, #tpu.memory_space<vmem>>) dst(%dma_wait3A_205 : memref<10240x128xf32, #tpu.memory_space<vmem_shared>>)
    %barrier3A_206 = arith.constant 0 : index
    tpu.barrier barrier_id(%barrier3A_206)
    %mul3A_207 = arith.constant 640 : i32
    %mul3A_208 = arith.muli %arg1, %mul3A_207 : i32
    %mul3A_209 = arith.constant 640 : i32
    %mul3A_210 = arith.muli %arg1, %mul3A_209 : i32
    "tpu.region"() ({
      %run_scoped3A_211 = tpu.sem_alloc : memref<!tpu.dma_semaphore, #tpu.memory_space<semaphore_mem>>
      %dma_start3A_212 = arith.constant 0 : i32
      %dma_start3A_213 = tpu.memref_slice %arg5[%arg0, %mul3A_210, %dma_start3A_212] : memref<2x10240x128xf32, #tpu.memory_space<hbm>> -> memref<1x640x128xf32, #tpu.memory_space<hbm>>
      %dma_start3A_214 = tpu.memref_squeeze %dma_start3A_213 : memref<1x640x128xf32, #tpu.memory_space<hbm>> -> memref<640x128xf32, #tpu.memory_space<hbm>>
      %dma_start3A_215 = arith.constant 0 : i32
      %dma_start3A_216 = tpu.memref_slice %arg9[%mul3A_208, %dma_start3A_215] : memref<10240x128xf32, #tpu.memory_space<vmem_shared>> -> memref<640x128xf32, #tpu.memory_space<vmem_shared>>
      tpu.enqueue_dma source(%dma_start3A_216 : memref<640x128xf32, #tpu.memory_space<vmem_shared>>) target(%dma_start3A_214 : memref<640x128xf32, #tpu.memory_space<hbm>>) target_semaphore(%run_scoped3A_211 : memref<!tpu.dma_semaphore, #tpu.memory_space<semaphore_mem>>)
      %dma_wait3A_217 = arith.constant 0 : i32
      %dma_wait3A_218 = tpu.memref_slice %arg5[%arg0, %mul3A_210, %dma_wait3A_217] : memref<2x10240x128xf32, #tpu.memory_space<hbm>> -> memref<1x640x128xf32, #tpu.memory_space<hbm>>
      %dma_wait3A_219 = tpu.memref_squeeze %dma_wait3A_218 : memref<1x640x128xf32, #tpu.memory_space<hbm>> -> memref<640x128xf32, #tpu.memory_space<hbm>>
      %dma_wait3A_220 = arith.constant 0 : i32
      %dma_wait3A_221 = tpu.memref_slice %arg9[%mul3A_208, %dma_wait3A_220] : memref<10240x128xf32, #tpu.memory_space<vmem_shared>> -> memref<640x128xf32, #tpu.memory_space<vmem_shared>>
      tpu.wait_dma2 semaphore(%run_scoped3A_211 : memref<!tpu.dma_semaphore, #tpu.memory_space<semaphore_mem>>) src(%dma_wait3A_221 : memref<640x128xf32, #tpu.memory_space<vmem_shared>>) dst(%dma_wait3A_219 : memref<640x128xf32, #tpu.memory_space<hbm>>)
      tpu.yield
    }) : () -> ()
    return
  }
}

module attributes {stable_mosaic.version = 14 : i64} {
  func.func @body(%arg0: i32, %arg1: memref<1024x2xf32, #tpu.memory_space<vmem>>, %arg2: memref<1024x128xf32, #tpu.memory_space<vmem>>, %arg3: memref<128x128xf32, #tpu.memory_space<vmem>>, %arg4: memref<1024x1xf32, #tpu.memory_space<vmem>>, %arg5: memref<1024x128xf32, #tpu.memory_space<vmem>>) attributes {dimension_semantics = [#tpu.dimension_semantics<arbitrary>], iteration_bounds = array<i64: 10>, scalar_prefetch = 0 : i64, scratch_operands = 0 : i64, tpu.core_type = #tpu.core_type<tc>, window_params = [{transform_indices = @transform_0, window_bounds = array<i64: 1024, 2>}, {transform_indices = @transform_1, window_bounds = array<i64: 1024, 128>}, {pipeline_mode = #tpu.pipeline_mode<synchronous>, transform_indices = @transform_2, window_bounds = array<i64: 128, 128>}, {transform_indices = @transform_3, window_bounds = array<i64: 1024, 1>}, {transform_indices = @transform_4, window_bounds = array<i64: 1024, 128>}]} {
    %get3A = arith.constant 0 : index
    %get3A_0 = arith.constant 0 : index
    %get3A_1 = vector.load %arg1[%get3A, %get3A_0] : memref<1024x2xf32, #tpu.memory_space<vmem>>, vector<1024x1xf32>
    %get3A_2 = arith.constant 0 : index
    %get3A_3 = arith.constant 1 : index
    %get3A_4 = vector.load %arg1[%get3A_2, %get3A_3] : memref<1024x2xf32, #tpu.memory_space<vmem>>, vector<1024x1xf32>
    %add3A = arith.addf %get3A_1, %get3A_4 : vector<1024x1xf32>
    %add3A_5 = arith.constant 1.000000e+00 : f32
    %add3A_6 = vector.broadcast %add3A_5 : f32 to vector<1024x1xf32>
    %add3A_7 = arith.addf %add3A, %add3A_6 : vector<1024x1xf32>
    %rsqrt3A = math.rsqrt %add3A_7 : vector<1024x1xf32>
    %swap3A = arith.constant 0 : index
    %swap3A_8 = arith.constant 0 : index
    %swap3A_9 = vector.load %arg4[%swap3A, %swap3A_8] : memref<1024x1xf32, #tpu.memory_space<vmem>>, vector<1024x1xf32>
    tpu.vector_store %arg4[%swap3A, %swap3A_8], %rsqrt3A {strides = array<i32>} : memref<1024x1xf32, #tpu.memory_space<vmem>>, vector<1024x1xf32>,
    %get3A_10 = arith.constant 0 : index
    %get3A_11 = arith.constant 0 : index
    %get3A_12 = vector.load %arg2[%get3A_10, %get3A_11] : memref<1024x128xf32, #tpu.memory_space<vmem>>, vector<1024x128xf32>
    %get3A_13 = arith.constant 0 : index
    %get3A_14 = arith.constant 0 : index
    %get3A_15 = vector.load %arg3[%get3A_13, %get3A_14] : memref<128x128xf32, #tpu.memory_space<vmem>>, vector<128x128xf32>
    %dot_general3A = arith.constant dense<0.000000e+00> : vector<1024x128xf32>
    %dot_general3A_16 = tpu.matmul %get3A_12, %get3A_15, %dot_general3A {dimension_numbers = #tpu.dot_dimension_numbers<[1], [0], [0], [1], [0, 0, 1, 1], [], []>, precision = #tpu.contract_precision<fp32>, transpose_lhs_hint = false} : vector<1024x128xf32>, vector<128x128xf32>, vector<1024x128xf32> -> vector<1024x128xf32>
    %mul3A = vector.broadcast %rsqrt3A : vector<1024x1xf32> to vector<1024x128xf32>
    %mul3A_17 = arith.mulf %dot_general3A_16, %mul3A : vector<1024x128xf32>
    %swap3A_18 = arith.constant 0 : index
    %swap3A_19 = arith.constant 0 : index
    %swap3A_20 = vector.load %arg5[%swap3A_18, %swap3A_19] : memref<1024x128xf32, #tpu.memory_space<vmem>>, vector<1024x128xf32>
    tpu.vector_store %arg5[%swap3A_18, %swap3A_19], %mul3A_17 {strides = array<i32>} : memref<1024x128xf32, #tpu.memory_space<vmem>>, vector<1024x128xf32>,
    return
  }
  func.func @transform_0(%arg0: i32) -> (i32, i32) {
    %c0_i32 = arith.constant 0 : i32
    %c0_i32_0 = arith.constant 0 : i32
    return %arg0, %c0_i32 : i32, i32
  }
  func.func @transform_1(%arg0: i32) -> (i32, i32) {
    %c0_i32 = arith.constant 0 : i32
    %c0_i32_0 = arith.constant 0 : i32
    return %arg0, %c0_i32 : i32, i32
  }
  func.func @transform_2(%arg0: i32) -> (i32, i32) {
    %c0_i32 = arith.constant 0 : i32
    %c0_i32_0 = arith.constant 0 : i32
    %c0_i32_1 = arith.constant 0 : i32
    return %c0_i32, %c0_i32_0 : i32, i32
  }
  func.func @transform_3(%arg0: i32) -> (i32, i32) {
    %c0_i32 = arith.constant 0 : i32
    %c0_i32_0 = arith.constant 0 : i32
    return %arg0, %c0_i32 : i32, i32
  }
  func.func @transform_4(%arg0: i32) -> (i32, i32) {
    %c0_i32 = arith.constant 0 : i32
    %c0_i32_0 = arith.constant 0 : i32
    return %arg0, %c0_i32 : i32, i32
  }
}

module attributes {stable_mosaic.version = 14 : i64} {
  func.func @body(%arg0: i32, %arg1: memref<1024x128xf32, #tpu.memory_space<vmem>>, %arg2: memref<1024x128xf32, #tpu.memory_space<vmem>>, %arg3: memref<1024x128xf32, #tpu.memory_space<vmem>>, %arg4: memref<1024x1xf32, #tpu.memory_space<vmem>>, %arg5: memref<1x128xf32, #tpu.memory_space<vmem>>, %arg6: memref<128x128xf32, #tpu.memory_space<vmem>>, %arg7: memref<1024x128xf32, #tpu.memory_space<vmem>>) attributes {dimension_semantics = [#tpu.dimension_semantics<arbitrary>], iteration_bounds = array<i64: 10>, scalar_prefetch = 0 : i64, scratch_operands = 0 : i64, tpu.core_type = #tpu.core_type<tc>, window_params = [{transform_indices = @transform_0, window_bounds = array<i64: 1024, 128>}, {transform_indices = @transform_1, window_bounds = array<i64: 1024, 128>}, {transform_indices = @transform_2, window_bounds = array<i64: 1024, 128>}, {transform_indices = @transform_3, window_bounds = array<i64: 1024, 1>}, {pipeline_mode = #tpu.pipeline_mode<synchronous>, transform_indices = @transform_4, window_bounds = array<i64: 1, 128>}, {pipeline_mode = #tpu.pipeline_mode<synchronous>, transform_indices = @transform_5, window_bounds = array<i64: 128, 128>}, {transform_indices = @transform_6, window_bounds = array<i64: 1024, 128>}]} {
    %get3A = arith.constant 0 : index
    %get3A_0 = arith.constant 0 : index
    %get3A_1 = vector.load %arg4[%get3A, %get3A_0] : memref<1024x1xf32, #tpu.memory_space<vmem>>, vector<1024x1xf32>
    %get3A_2 = arith.constant 0 : index
    %get3A_3 = arith.constant 0 : index
    %get3A_4 = vector.load %arg1[%get3A_2, %get3A_3] : memref<1024x128xf32, #tpu.memory_space<vmem>>, vector<1024x128xf32>
    %get3A_5 = arith.constant 0 : index
    %get3A_6 = arith.constant 0 : index
    %get3A_7 = vector.load %arg2[%get3A_5, %get3A_6] : memref<1024x128xf32, #tpu.memory_space<vmem>>, vector<1024x128xf32>
    %add3A = arith.addf %get3A_4, %get3A_7 : vector<1024x128xf32>
    %get3A_8 = arith.constant 0 : index
    %get3A_9 = arith.constant 0 : index
    %get3A_10 = vector.load %arg3[%get3A_8, %get3A_9] : memref<1024x128xf32, #tpu.memory_space<vmem>>, vector<1024x128xf32>
    %add3A_11 = arith.addf %add3A, %get3A_10 : vector<1024x128xf32>
    %mul3A = vector.broadcast %get3A_1 : vector<1024x1xf32> to vector<1024x128xf32>
    %mul3A_12 = arith.mulf %add3A_11, %mul3A : vector<1024x128xf32>
    %get3A_13 = arith.constant 0 : index
    %get3A_14 = arith.constant 0 : index
    %get3A_15 = vector.load %arg5[%get3A_13, %get3A_14] : memref<1x128xf32, #tpu.memory_space<vmem>>, vector<1x128xf32>
    %add3A_16 = vector.broadcast %get3A_15 : vector<1x128xf32> to vector<1024x128xf32>
    %add3A_17 = arith.addf %mul3A_12, %add3A_16 : vector<1024x128xf32>
    %max3A = arith.constant 0.000000e+00 : f32
    %max3A_18 = vector.broadcast %max3A : f32 to vector<1024x128xf32>
    %max3A_19 = arith.maximumf %add3A_17, %max3A_18 : vector<1024x128xf32>
    %get3A_20 = arith.constant 0 : index
    %get3A_21 = arith.constant 0 : index
    %get3A_22 = vector.load %arg6[%get3A_20, %get3A_21] : memref<128x128xf32, #tpu.memory_space<vmem>>, vector<128x128xf32>
    %dot_general3A = arith.constant dense<0.000000e+00> : vector<1024x128xf32>
    %dot_general3A_23 = tpu.matmul %max3A_19, %get3A_22, %dot_general3A {dimension_numbers = #tpu.dot_dimension_numbers<[1], [0], [0], [1], [0, 0, 1, 1], [], []>, precision = #tpu.contract_precision<fp32>, transpose_lhs_hint = false} : vector<1024x128xf32>, vector<128x128xf32>, vector<1024x128xf32> -> vector<1024x128xf32>
    %mul3A_24 = vector.broadcast %get3A_1 : vector<1024x1xf32> to vector<1024x128xf32>
    %mul3A_25 = arith.mulf %dot_general3A_23, %mul3A_24 : vector<1024x128xf32>
    %swap3A = arith.constant 0 : index
    %swap3A_26 = arith.constant 0 : index
    %swap3A_27 = vector.load %arg7[%swap3A, %swap3A_26] : memref<1024x128xf32, #tpu.memory_space<vmem>>, vector<1024x128xf32>
    tpu.vector_store %arg7[%swap3A, %swap3A_26], %mul3A_25 {strides = array<i32>} : memref<1024x128xf32, #tpu.memory_space<vmem>>, vector<1024x128xf32>,
    return
  }
  func.func @transform_0(%arg0: i32) -> (i32, i32) {
    %c0_i32 = arith.constant 0 : i32
    %c0_i32_0 = arith.constant 0 : i32
    return %arg0, %c0_i32 : i32, i32
  }
  func.func @transform_1(%arg0: i32) -> (i32, i32) {
    %c0_i32 = arith.constant 0 : i32
    %c0_i32_0 = arith.constant 0 : i32
    return %arg0, %c0_i32 : i32, i32
  }
  func.func @transform_2(%arg0: i32) -> (i32, i32) {
    %c0_i32 = arith.constant 0 : i32
    %c0_i32_0 = arith.constant 0 : i32
    return %arg0, %c0_i32 : i32, i32
  }
  func.func @transform_3(%arg0: i32) -> (i32, i32) {
    %c0_i32 = arith.constant 0 : i32
    %c0_i32_0 = arith.constant 0 : i32
    return %arg0, %c0_i32 : i32, i32
  }
  func.func @transform_4(%arg0: i32) -> (i32, i32) {
    %c0_i32 = arith.constant 0 : i32
    %c0_i32_0 = arith.constant 0 : i32
    %c0_i32_1 = arith.constant 0 : i32
    return %c0_i32, %c0_i32_0 : i32, i32
  }
  func.func @transform_5(%arg0: i32) -> (i32, i32) {
    %c0_i32 = arith.constant 0 : i32
    %c0_i32_0 = arith.constant 0 : i32
    %c0_i32_1 = arith.constant 0 : i32
    return %c0_i32, %c0_i32_0 : i32, i32
  }
  func.func @transform_6(%arg0: i32) -> (i32, i32) {
    %c0_i32 = arith.constant 0 : i32
    %c0_i32_0 = arith.constant 0 : i32
    return %arg0, %c0_i32 : i32, i32
  }
}

module attributes {stable_mosaic.version = 14 : i64} {
  func.func @body(%arg0: i32, %arg1: memref<1024x128xf32, #tpu.memory_space<vmem>>, %arg2: memref<1024x128xf32, #tpu.memory_space<vmem>>, %arg3: memref<1024x128xf32, #tpu.memory_space<vmem>>, %arg4: memref<1024x1xf32, #tpu.memory_space<vmem>>, %arg5: memref<1x128xf32, #tpu.memory_space<vmem>>, %arg6: memref<1024x128xf32, #tpu.memory_space<vmem>>) attributes {dimension_semantics = [#tpu.dimension_semantics<arbitrary>], iteration_bounds = array<i64: 10>, scalar_prefetch = 0 : i64, scratch_operands = 0 : i64, tpu.core_type = #tpu.core_type<tc>, window_params = [{transform_indices = @transform_0, window_bounds = array<i64: 1024, 128>}, {transform_indices = @transform_1, window_bounds = array<i64: 1024, 128>}, {transform_indices = @transform_2, window_bounds = array<i64: 1024, 128>}, {transform_indices = @transform_3, window_bounds = array<i64: 1024, 1>}, {pipeline_mode = #tpu.pipeline_mode<synchronous>, transform_indices = @transform_4, window_bounds = array<i64: 1, 128>}, {transform_indices = @transform_5, window_bounds = array<i64: 1024, 128>}]} {
    %get3A = arith.constant 0 : index
    %get3A_0 = arith.constant 0 : index
    %get3A_1 = vector.load %arg1[%get3A, %get3A_0] : memref<1024x128xf32, #tpu.memory_space<vmem>>, vector<1024x128xf32>
    %get3A_2 = arith.constant 0 : index
    %get3A_3 = arith.constant 0 : index
    %get3A_4 = vector.load %arg2[%get3A_2, %get3A_3] : memref<1024x128xf32, #tpu.memory_space<vmem>>, vector<1024x128xf32>
    %add3A = arith.addf %get3A_1, %get3A_4 : vector<1024x128xf32>
    %get3A_5 = arith.constant 0 : index
    %get3A_6 = arith.constant 0 : index
    %get3A_7 = vector.load %arg3[%get3A_5, %get3A_6] : memref<1024x128xf32, #tpu.memory_space<vmem>>, vector<1024x128xf32>
    %add3A_8 = arith.addf %add3A, %get3A_7 : vector<1024x128xf32>
    %get3A_9 = arith.constant 0 : index
    %get3A_10 = arith.constant 0 : index
    %get3A_11 = vector.load %arg4[%get3A_9, %get3A_10] : memref<1024x1xf32, #tpu.memory_space<vmem>>, vector<1024x1xf32>
    %mul3A = vector.broadcast %get3A_11 : vector<1024x1xf32> to vector<1024x128xf32>
    %mul3A_12 = arith.mulf %add3A_8, %mul3A : vector<1024x128xf32>
    %get3A_13 = arith.constant 0 : index
    %get3A_14 = arith.constant 0 : index
    %get3A_15 = vector.load %arg5[%get3A_13, %get3A_14] : memref<1x128xf32, #tpu.memory_space<vmem>>, vector<1x128xf32>
    %add3A_16 = vector.broadcast %get3A_15 : vector<1x128xf32> to vector<1024x128xf32>
    %add3A_17 = arith.addf %mul3A_12, %add3A_16 : vector<1024x128xf32>
    %iota3A = tpu.iota {dimensions = array<i32: 1>} : vector<1024x128xi32>
    %lt3A = arith.constant 40 : i32
    %lt3A_18 = vector.broadcast %lt3A : i32 to vector<1024x128xi32>
    %lt3A_19 = arith.cmpi slt, %iota3A, %lt3A_18 : vector<1024x128xi32>
    %jit3A = arith.constant -1.000000e+30 : f32
    %broadcast_in_dim3A = vector.broadcast %jit3A : f32 to vector<1024x128xf32>
    %select_n3A = arith.select %lt3A_19, %add3A_17, %broadcast_in_dim3A : vector<1024x128xi1>, vector<1024x128xf32>
    %reduce_max3A = arith.constant dense<0xFF800000> : vector<1024xf32>
    %reduce_max3A_20 = vector.multi_reduction <maximumf>, %select_n3A, %reduce_max3A [1] : vector<1024x128xf32> to vector<1024xf32>
    %broadcast_in_dim3A_21 = vector.shape_cast %reduce_max3A_20 : vector<1024xf32> to vector<1024x1xf32>
    %sub3A = vector.broadcast %broadcast_in_dim3A_21 : vector<1024x1xf32> to vector<1024x128xf32>
    %sub3A_22 = arith.subf %select_n3A, %sub3A : vector<1024x128xf32>
    %exp3A = math.exp %sub3A_22 : vector<1024x128xf32>
    %reduce_sum3A = arith.constant dense<0.000000e+00> : vector<1024xf32>
    %reduce_sum3A_23 = vector.multi_reduction <add>, %exp3A, %reduce_sum3A [1] : vector<1024x128xf32> to vector<1024xf32>
    %broadcast_in_dim3A_24 = vector.shape_cast %reduce_sum3A_23 : vector<1024xf32> to vector<1024x1xf32>
    %sub3A_25 = vector.broadcast %broadcast_in_dim3A_21 : vector<1024x1xf32> to vector<1024x128xf32>
    %sub3A_26 = arith.subf %add3A_17, %sub3A_25 : vector<1024x128xf32>
    %log3A = math.log %broadcast_in_dim3A_24 : vector<1024x1xf32>
    %sub3A_27 = vector.broadcast %log3A : vector<1024x1xf32> to vector<1024x128xf32>
    %sub3A_28 = arith.subf %sub3A_26, %sub3A_27 : vector<1024x128xf32>
    %swap3A = arith.constant 0 : index
    %swap3A_29 = arith.constant 0 : index
    %swap3A_30 = vector.load %arg6[%swap3A, %swap3A_29] : memref<1024x128xf32, #tpu.memory_space<vmem>>, vector<1024x128xf32>
    tpu.vector_store %arg6[%swap3A, %swap3A_29], %sub3A_28 {strides = array<i32>} : memref<1024x128xf32, #tpu.memory_space<vmem>>, vector<1024x128xf32>,
    return
  }
  func.func @transform_0(%arg0: i32) -> (i32, i32) {
    %c0_i32 = arith.constant 0 : i32
    %c0_i32_0 = arith.constant 0 : i32
    return %arg0, %c0_i32 : i32, i32
  }
  func.func @transform_1(%arg0: i32) -> (i32, i32) {
    %c0_i32 = arith.constant 0 : i32
    %c0_i32_0 = arith.constant 0 : i32
    return %arg0, %c0_i32 : i32, i32
  }
  func.func @transform_2(%arg0: i32) -> (i32, i32) {
    %c0_i32 = arith.constant 0 : i32
    %c0_i32_0 = arith.constant 0 : i32
    return %arg0, %c0_i32 : i32, i32
  }
  func.func @transform_3(%arg0: i32) -> (i32, i32) {
    %c0_i32 = arith.constant 0 : i32
    %c0_i32_0 = arith.constant 0 : i32
    return %arg0, %c0_i32 : i32, i32
  }
  func.func @transform_4(%arg0: i32) -> (i32, i32) {
    %c0_i32 = arith.constant 0 : i32
    %c0_i32_0 = arith.constant 0 : i32
    %c0_i32_1 = arith.constant 0 : i32
    return %c0_i32, %c0_i32_0 : i32, i32
  }
  func.func @transform_5(%arg0: i32) -> (i32, i32) {
    %c0_i32 = arith.constant 0 : i32
    %c0_i32_0 = arith.constant 0 : i32
    return %arg0, %c0_i32 : i32, i32
  }
}

</mosaic_0001>

<sc_bundles>
// kernel: kernel.10.cloned.1.call-start
scs
__scs_entry_jumppad:
0x0: {  	(pc) =	sbr.rel $0x88, $3  }
0x1: {  	(tag) =	ssettag $0x0;
	lr =	simm.s32 $0x1  }
0x2: {  	[smem:$0x3F99] =	sst lr;
	_ =	strace $0xD0000000  }
0x3: {  	_ = 	snop  }
0x4: {  	_ = 	snop  }
0x5: {  	_ = 	snop  }
0x6: {  	_ = 	snop  }
0x7: {  	_ = 	snop  }
__scs_overlays_trampoline_lowered:
0x8: {  	[smem:$0x3FA8] =	sst s0  }
0x9: {  	[smem:$0x3FA9] =	sst s1  }
0xa: {  	[smem:$0x3FAA] =	sst s2  }
0xb: {  	[smem:$0x3FAB] =	sst s3  }
0xc: {  	[smem:$0x3FAC] =	sst s4  }
0xd: {  	[smem:$0x3FAD] =	sst s5  }
0xe: {  	[smem:$0x3FAE] =	sst s6  }
0xf: {  	[smem:$0x3FAF] =	sst s7  }
0x10: {  	[smem:$0x3FB0] =	sst s8  }
0x11: {  	[smem:$0x3FB1] =	sst s9;
	s0 =	simm.s32 @!p0 $0x0  }
0x12: {  	s1 =	sld [smem:$0x3F97];
	s0 =	simm.s32 @p0 $0x1  }
0x13: {  	[smem:$0x3FB2] =	sst s0;
	s0 =	simm.s32 @!p1 $0x0  }
0x14: {  	s2 =	sld [smem:$0x3F96];
	s0 =	simm.s32 @p1 $0x1  }
0x15: {  	[smem:$0x3FB3] =	sst s0;
	s0 =	simm.s32 @!p2 $0x0  }
0x16: {  	s3 =	sld [smem:$0x3FDB];
	s0 =	simm.s32 @p2 $0x1  }
0x17: {  	s4 =	simm.s32 $0x1BF5;
	[smem:$0x3FB5] =	sst s0  }
0x18: {  	s0 =	sld [smem:$0x3F98];
	_ =	swait.ge [sflag:s4], $0x0  }
0x19: {  	s7 =	sld [smem:$0x3F99]  }
0x1a: {  	s8 =	sadd.s32 $0xFFFFE003, lr  }
0x1b: {  	s9 =	sadd.s32 $0xFFFFFEF7, lr;
	s5 =	simm.s32 $0xFFFFFFFF;
	p2 =	slt.u32 s8, $0xFFFFF086  }
0x1c: {  	p1 =	slt.u32 s9, $0xF7A;
	s5 =	simm.s32 @!p2 $0x0  }
0x1d: {  	s5 =	simm.s32 @p1 $0x1;
	p0 =	seq.s32 s7, s2  }
0x1e: {  	s7 =	smul.u32 @!p0 $0xF7A, s2;
	p2 =	seq.s32 @!p0 s5, $0x0  }
0x1f: {  	s9 =	smul.u32 $0xF7A, s1;
	s8 =	simm.s32 @!p0 $0x1BF5;
	p2 =	por !p2, p0  }
0x20: {  	[sflag:s8] =	ssyncset.s32 @!p0 $0xFFFFF086;
	s6 =	sadd.s32 @!p0 s3, s7;
	s7 =	simm.s32 @!p0 $0x108  }
0x21: {  	s3 =	sadd.s32 s3, s9;
	s6 =	sadd.s32 @!p0 $0x88, s6;
	s7 =	simm.s32 @p2 $0x1082  }
0x22: {  	[simem:s7], [sflag:s8] =	dma.local @!p0 [hbm:s6], $0xF7A  }
0x23: {  	s9 =	sor.u32 $0xD0000000, s2;
	s6 =	simm.s32 $0x108;
	_ =	swait.ge @!p0 [sflag:s8], $0x0  }
0x24: {  	s3 =	sadd.s32 $0x88, s3;
	s6 =	simm.s32 @!p1 $0x1082;
	[sflag:s4] =	ssyncset.s32 $0xFFFFF086  }
0x25: {  	[simem:s6], [sflag:s4] =	dma.local [hbm:s3], $0xF7A  }
0x26: {  	[smem:$0x3F99] =	sst s1;
	(tag) =	ssettag s2;
	_ =	strace s9  }
0x27: {  	s1 =	sld [smem:$0x3FA9]  }
0x28: {  	s2 =	sld [smem:$0x3FAA]  }
0x29: {  	s4 =	sld [smem:$0x3FAC]  }
0x2a: {  	p0 =	seq.s32 s5, $0x0;
	s5 =	sld [smem:$0x3FAD]  }
0x2b: {  	s6 =	sld [smem:$0x3FAE]  }
0x2c: {  	s7 =	sld [smem:$0x3FAF]  }
0x2d: {  	s3 =	simm.s32 $0x108;
	s8 =	sld [smem:$0x3FB0]  }
0x2e: {  	s3 =	simm.s32 @!p0 $0x1082;
	s9 =	sld [smem:$0x3FB1]  }
0x2f: {  	lr =	sadd.s32 s0, s3;
	s0 =	sld [smem:$0x3FA8]  }
0x30: {  	s3 =	sld [smem:$0x3FAB]  }
0x31: {  	[smem:$0x3FB4] =	sst s10  }
0x32: {  	s10 =	sld [smem:$0x3FB2];
	_ =	sdelay $0x3  }
0x33: {  	p0 =	seq.s32 s10, $0x1;
	s10 =	sld [smem:$0x3FB4];
	_ =	sdelay $0x3  }
0x34: {  	[smem:$0x3FB4] =	sst s10  }
0x35: {  	s10 =	sld [smem:$0x3FB3];
	_ =	sdelay $0x3  }
0x36: {  	p1 =	seq.s32 s10, $0x1;
	s10 =	sld [smem:$0x3FB4];
	_ =	sdelay $0x3  }
0x37: {  	[smem:$0x3FB4] =	sst s10  }
0x38: {  	s10 =	sld [smem:$0x3FB5]  }
0x39: {  	_ = 	snop;
	(pc) =	sbr.ind lr, $3  }
0x3a: {  	_ = 	snop  }
0x3b: {  	_ = 	snop  }
0x3c: {  	p2 =	seq.s32 s10, $0x1;
	s10 =	sld [smem:$0x3FB4]  }
0x3d: {  	_ =	shalt  }
0x3e: {  	_ =	shalt  }
0x3f: {  	_ =	shalt  }
0x40: {  	_ =	shalt  }
0x41: {  	_ =	shalt  }
0x42: {  	_ =	shalt  }
0x43: {  	_ =	shalt  }
0x44: {  	_ =	shalt  }
0x45: {  	_ =	shalt  }
0x46: {  	_ =	shalt  }
0x47: {  	_ =	shalt  }
0x48: {  	_ =	shalt  }
0x49: {  	_ =	shalt  }
0x4a: {  	_ =	shalt  }
0x4b: {  	_ =	shalt  }
0x4c: {  	_ =	shalt  }
0x4d: {  	_ =	shalt  }
0x4e: {  	_ =	shalt  }
0x4f: {  	_ =	shalt  }
0x50: {  	_ =	shalt  }
0x51: {  	_ =	shalt  }
0x52: {  	_ =	shalt  }
0x53: {  	_ =	shalt  }
0x54: {  	_ =	shalt  }
0x55: {  	_ =	shalt  }
0x56: {  	_ =	shalt  }
0x57: {  	_ =	shalt  }
0x58: {  	_ =	shalt  }
0x59: {  	_ =	shalt  }
0x5a: {  	_ =	shalt  }
0x5b: {  	_ =	shalt  }
0x5c: {  	_ =	shalt  }
0x5d: {  	_ =	shalt  }
0x5e: {  	_ =	shalt  }
0x5f: {  	_ =	shalt  }
0x60: {  	_ =	shalt  }
0x61: {  	_ =	shalt  }
0x62: {  	_ =	shalt  }
0x63: {  	_ =	shalt  }
0x64: {  	_ =	shalt  }
0x65: {  	_ =	shalt  }
0x66: {  	_ =	shalt  }
0x67: {  	_ =	shalt  }
0x68: {  	_ =	shalt  }
0x69: {  	_ =	shalt  }
0x6a: {  	_ =	shalt  }
0x6b: {  	_ =	shalt  }
0x6c: {  	_ =	shalt  }
0x6d: {  	_ =	shalt  }
0x6e: {  	_ =	shalt  }
0x6f: {  	_ =	shalt  }
0x70: {  	_ =	shalt  }
0x71: {  	_ =	shalt  }
0x72: {  	_ =	shalt  }
0x73: {  	_ =	shalt  }
0x74: {  	_ =	shalt  }
0x75: {  	_ =	shalt  }
0x76: {  	_ =	shalt  }
0x77: {  	_ =	shalt  }
0x78: {  	_ =	shalt  }
0x79: {  	_ =	shalt  }
0x7a: {  	_ =	shalt  }
0x7b: {  	_ =	shalt  }
0x7c: {  	_ =	shalt  }
0x7d: {  	_ =	shalt  }
0x7e: {  	_ =	shalt  }
0x7f: {  	_ =	shalt  }
0x80: {  	_ =	shalt  }
0x81: {  	_ =	shalt  }
0x82: {  	_ =	shalt  }
0x83: {  	_ =	shalt  }
0x84: {  	_ =	shalt  }
0x85: {  	_ =	shalt  }
0x86: {  	_ =	shalt  }
0x87: {  	_ =	shalt  }
.Lfunc_end0:
.L_simem_size_0:
called_computation_lowered:
.L_overlay_start_0:
0x88: {  	s2 =	sld [smem:$0x3FD9]  }
0x89: {  	s3 =	sld [smem:$0x3FFE];
	_ =	sdelay $0x1  }
0x8a: {  	s1 =	srdreg.scid  }
0x8b: {  	s0 =	sand.u32 $0x1, s1  }
0x8c: {  	s17 =	sshll.u32 s0, $0xA;
	s2 =	sadd.s32 s3, s2  }
0x8d: {  	s2 =	sadd.s32 s2, s17  }
0x8e: {  	[smem:$0x3FC0] =	sst s2  }
0x8f: {  	_ = 	snop  }
0x90: {  	s2 =	sld [smem:$0x3FD0];
	(tm) =	ssettm $0x1  }
0x91: {  	s18 =	sld [smem:$0x3FFB];
	_ =	sdelay $0x3  }
0x92: {  	_ =	strace s18  }
0x93: {  	s3 =	sld [smem:$0x3FFC];
	_ =	sdelay $0x3  }
0x94: {  	_ =	strace s3  }
0x95: {  	s3 =	sld [smem:$0x3FFD];
	_ =	sdelay $0x3  }
0x96: {  	_ =	strace s3  }
0x97: {  	_ =	strace $0x8FFFFFFF  }
0x98: {  	s19 =	sld [smem:$0x3FDB];
	_ =	sdelay $0x1  }
0x99: {  	s4 =	simm.s32 $_scs_section_size  }
0x9a: {  	s5 =	simm.s32 $_size__tile_overlayer_lowered;
	s6 =	simm.s32 $_tile_overlayer_lowered  }
0x9b: {  	s22 =	simm.s32 $0x1BFF;
	s21 =	sshll.u32 s6, $0x1;
	s3 =	sadd.s32 s4, s19  }
0x9c: {  	s7 =	simm.s32 $0x0;
	s20 =	sshll.u32 s5, $0x1;
	s5 =	sadd.s32 s21, s3  }
0x9d: {  	[timem:s7], [sflag:s22] =	dma.local [hbm:s5], s20  }
0x9e: {  	_ =	swait.ge [sflag:s22], s20  }
0x9f: {  	s4 =	ssub.s32 $0x0, s20;
	[sflag:s22] =	ssyncset.done $0x0  }
0xa0: {  	[sflag:s22] =	ssyncadd.s32 s4;
	_ =	sdelay $0x1  }
0xa1: {  	s23 =	simm.s32 $0x1B8B  }
0xa2: {  	_ =	swait.ge [sflag:s23], $0x1  }
0xa3: {  	[sflag:s23] =	ssyncset.done $0x0  }
0xa4: {  	s25 =	simm.s32 $0x1B8E;
	s24 =	sld [smem:$0x3FFE];
	[sflag:s23] =	ssyncadd.s32 $0xFFFFFFFF  }
0xa5: {  	s26 =	simm.s32 $execute0_lowered;
	[smem:$0x3FD2] =	sst s25  }
0xa6: {  	s5 =	sshll.u32 s26, $0x1;
	_ =	strace $0x80000046;
	[dreg:$0x1] =	wrdreg $0xFFFFFFFF  }
0xa7: {  	s28 =	simm.s32 $_size_execute0_lowered;
	s3 =	sadd.s32 s3, s5;
	[dreg:$0x0] =	wrdreg $0x0  }
0xa8: {  	s5 =	sshll.u32 s28, $0x1;
	[dreg:$0x2] =	wrdreg s3  }
0xa9: {  	[dreg:$0x3] =	wrdreg s5  }
0xaa: {  	[dreg:$0x4] =	wrdreg $0xC0  }
0xab: {  	_ =	task [dreg:s7], $0x5FFFF  }
0xac: {  	[dreg:$0x1] =	wrdreg $0xFFFFFFFF  }
0xad: {  	[dreg:$0x0] =	wrdreg $0x60  }
0xae: {  	[dreg:$0x2] =	wrdreg s24  }
0xaf: {  	[dreg:$0x3] =	wrdreg s2  }
0xb0: {  	[dreg:$0x4] =	wrdreg $0x43000  }
0xb1: {  	[dreg:$0x5] =	wrdreg $0x9  }
0xb2: {  	_ =	task.clear_ibuf [dreg:s7], $0x6FFFF;
	_ =	strace $0x90000046  }
0xb3: {  	s29 =	simm.s32 $0x9;
	_ =	strace $0x80000048  }
0xb4: {  	_ =	swait.ge [sflag:s29], $0x1  }
0xb5: {  	[sflag:s29] =	ssyncadd.s32 $0xFFFFFFFF  }
0xb6: {  	_ =	strace $0x90000048  }
0xb7: {  	_ =	sfence  }
0xb8: {  	s30 =	sld [smem:$0x0];
	_ =	sdelay $0x2  }
0xb9: {  	s31 =	sshll.u32 s1, $0xD;
	s1 =	sshrl.u32 s1, $0x2  }
0xba: {  	s3 =	sand.u32 $0x4000, s31;
	s1 =	sadd.s32 s1, s30  }
0xbb: {  	s0 =	sor.u32 s3, s0;
	s1 =	sshll.u32 s1, $0x11  }
0xbc: {  	s0 =	sor.u32 s1, s0  }
0xbd: {  	s0 =	sadd.s32 $0x8F2B, s0  }
0xbe: {  	[sflag:s0] =	ssyncadd.remote.s32 $0x1  }
0xbf: {  	_ =	sfence.sel $0xFFFF  }
0xc0: {  	[dreg:$0x0] =	wrdreg $0xFFFFFFFF;
	(pc) =	sbr.abs _section_cstart, $3  }
0xc1: {  	[dreg:$0x1] =	wrdreg $0xFFFFFFFF  }
0xc2: {  	_ =	task.clear_ibuf [dreg:s7], $0x2FFFF;
	_ =	strace $0x9FFFFFFF  }
0xc3: {  	(tm) =	ssettm $0x7FFFFFFF  }
tec
execute0_lowered:
.L_overlay_start_1:
0x0: {  	(tag) =	ssettag $0x1  }
0x1: {  	s4 =	rddreg [dreg:$0x0]  }
0x2: {  	s6 =	rddreg [dreg:$0x1]  }
0x3: {  	s2 =	rddreg [dreg:$0x2]  }
0x4: {  	s0 =	rddreg [dreg:$0x3];
	s3 =	simm.s32 $0x0  }
0x5: {  	s1 =	stileid.u32;
	s5 =	srdreg.scid;
	s12 =	simm.s32 $0x1  }
0x6: {  	s13 =	simm.s32 $0x80;
	s14 =	simm.s32 $0x100;
	s15 =	simm.s32 $0x0  }
0x7: {  	[smem:$0x7FF] =	sst s3;
	s7 =	sshll.u32 s1, $0xB;
	s8 =	smul.u32 $0x500, s1  }
0x8: {  	s5 =	sand.u32 $0x1, s5;
	s10 =	smul.u32 $0xA00, s1;
	_ =	strace $0x80000047  }
0x9: {  	s4 =	sadd.s32 s7, s4;
	s30 =	ssub.s32 $0x2, s5;
	s11 =	sshll.u32 s5, $0x7  }
0xa: {  	s5 =	sshll.u32 s5, $0xF;
	s9 =	sshrl.u32 s30, $0x1;
	s8 =	sor.u32 s11, s8  }
0xb: {  	s31 =	sshrl.u32 s10, $0x2;
	s5 =	sadd.s32 s5, s4;
	s10 =	simm.s32 $0x50  }
0xc: {  	s11 =	simm.s32 $0x4000;
	s7 =	ssub.s32 s30, s9;
	s8 =	sshrl.u32 s8, $0x3  }
0xd: {  	s4 =	sadd.s32 s31, s2;
	s5 =	sadd.s32 $0x4400, s5;
	s9 =	simm.s32 $0x2  }
0xe: {  	v0 =	vimm.f32 $0.0e+00;
	v1 =	vimm.f32 $1.000000000e+00;
	s6 =	sadd.s32 s6, s8;
	s7 =	smax.u32 s7, $0x1;
	s8 =	simm.s32 $0x4080  }
.LBB2_1:
0xf: {  	[tilespmem:$0x4080] =	vst v0  }
0x10: {  	[tilespmem:$0x4090] =	vst v0  }
0x11: {  	[tilespmem:$0x40A0] =	vst v0  }
0x12: {  	[tilespmem:$0x40B0] =	vst v0  }
0x13: {  	[tilespmem:$0x40C0] =	vst v0  }
0x14: {  	[tilespmem:$0x40D0] =	vst v0  }
0x15: {  	[tilespmem:$0x40E0] =	vst v0  }
0x16: {  	[tilespmem:$0x40F0] =	vst v0  }
0x17: {  	[tilespmem:$0x4100] =	vst v0  }
0x18: {  	[tilespmem:$0x4110] =	vst v0  }
0x19: {  	[tilespmem:$0x4120] =	vst v0  }
0x1a: {  	[tilespmem:$0x4130] =	vst v0  }
0x1b: {  	[tilespmem:$0x4140] =	vst v0  }
0x1c: {  	[tilespmem:$0x4150] =	vst v0  }
0x1d: {  	[tilespmem:$0x4160] =	vst v0  }
0x1e: {  	[tilespmem:$0x4170] =	vst v0  }
0x1f: {  	[tilespmem:$0x4180] =	vst v0  }
0x20: {  	[tilespmem:$0x4190] =	vst v0  }
0x21: {  	[tilespmem:$0x41A0] =	vst v0  }
0x22: {  	[tilespmem:$0x41B0] =	vst v0  }
0x23: {  	[tilespmem:$0x41C0] =	vst v0  }
0x24: {  	[tilespmem:$0x41D0] =	vst v0  }
0x25: {  	[tilespmem:$0x41E0] =	vst v0  }
0x26: {  	[tilespmem:$0x41F0] =	vst v0  }
0x27: {  	[tilespmem:$0x4200] =	vst v0  }
0x28: {  	[tilespmem:$0x4210] =	vst v0  }
0x29: {  	[tilespmem:$0x4220] =	vst v0  }
0x2a: {  	[tilespmem:$0x4230] =	vst v0  }
0x2b: {  	[tilespmem:$0x4240] =	vst v0  }
0x2c: {  	[tilespmem:$0x4250] =	vst v0  }
0x2d: {  	[tilespmem:$0x4260] =	vst v0  }
0x2e: {  	[tilespmem:$0x4270] =	vst v0  }
0x2f: {  	[tilespmem:$0x4280] =	vst v0  }
0x30: {  	[tilespmem:$0x4290] =	vst v0  }
0x31: {  	[tilespmem:$0x42A0] =	vst v0  }
0x32: {  	[tilespmem:$0x42B0] =	vst v0  }
0x33: {  	[tilespmem:$0x42C0] =	vst v0  }
0x34: {  	[tilespmem:$0x42D0] =	vst v0  }
0x35: {  	[tilespmem:$0x42E0] =	vst v0  }
0x36: {  	[tilespmem:$0x42F0] =	vst v0  }
0x37: {  	[spmem:s4] =	stream.linear.scatter [tilespmem:s8], [sflag:$0x2], $0x280, $0x38;
	[tilespmem:$0x4580] =	vst v63  }
0x38: {  	_ =	swait.ge [sflag:s9], $0x280  }
0x39: {  	[sflag:s9] =	ssyncset.done $0x0  }
0x3a: {  	[sflag:s9] =	ssyncadd.s32 $0xFFFFFD80  }
0x3b: {  	[tilespmem:$0x4000] =	vst v1  }
0x3c: {  	[tilespmem:$0x4010] =	vst v1  }
0x3d: {  	[tilespmem:$0x4020] =	vst v1  }
0x3e: {  	[tilespmem:$0x4030] =	vst v1  }
0x3f: {  	[tilespmem:$0x4040] =	vst v1  }
0x40: {  	[tilespmem:s3], [sflag:$0x2] =	stream.linear.gather [hbm4b:s5+s3], $0x3E80, $0x38;
	[tilespmem:$0x4580] =	vst v63  }
0x41: {  	_ =	swait.ge [sflag:s9], $0x3E80  }
0x42: {  	[sflag:s9] =	ssyncset.done $0x0  }
0x43: {  	[sflag:s9] =	ssyncadd.s32 $0xFFFFC180  }
0x44: {  	[bflag:$0x0] =	sbarrier.arrive $0xFFFF  }
0x45: {  	[spmem:s2] =	stream.indirect.scatter.add.f32 [tilespmem:s11], [sflag:$0x1], $0x1, s3, s10, $0xb8;
	[tilespmem:$0x4580] =	vst v63  }
0x46: {  	s16 =	simm.s32 $0x80  }
0x47: {  	[spmem:s2] =	stream.indirect.scatter.add.f32 [tilespmem:s11], [sflag:$0x1], $0x1, s16, s10, $0xb8;
	[tilespmem:$0x4580] =	vst v63  }
0x48: {  	_ =	swait.ge [sflag:s12], $0x50  }
0x49: {  	s16 =	simm.s32 $0x400;
	[sflag:s12] =	ssyncset.done $0x0  }
.LBB2_2:
0x4a: {  	s17 =	sshra.s32 s16, $0x2;
	[sflag:s12] =	ssyncadd.s32 $0xFFFFFFB0;
	p0 =	sne.s32 s16, $0xF800  }
0x4b: {  	[spmem:s2] =	stream.indirect.scatter.add.f32 [tilespmem:s11], [sflag:$0x1], $0x1, s17, s10, $0xb8;
	[tilespmem:$0x4580] =	vst v63  }
.Ltmp0:
0x4c: {  	_ = 	snop;
	(pc) =	sbr.rel @p0 .LBB2_2-.Ltmp0, $4  }
0x4d: {  	_ = 	snop  }
0x4e: {  	s16 =	sadd.s32 $0x200, s16  }
0x4f: {  	_ =	swait.ge [sflag:s12], $0x50  }
0x50: {  	[sflag:s12] =	ssyncset.done $0x0  }
0x51: {  	[sflag:s12] =	ssyncadd.s32 $0xFFFFFFB0  }
0x52: {  	_ =	swait.ge [sflag:s12], $0x50  }
0x53: {  	[sflag:s12] =	ssyncset.done $0x0  }
0x54: {  	[sflag:s12] =	ssyncadd.s32 $0xFFFFFFB0  }
0x55: {  	[bflag:$0x0] =	sbarrier.arrive $0xFFFF  }
0x56: {  	[tilespmem:s8], [sflag:$0x2] =	stream.linear.gather [spmem:s4], $0x280, $0x38;
	[tilespmem:$0x4580] =	vst v63  }
0x57: {  	s15 =	sadd.s32 $0x1, s15;
	_ =	swait.ge [sflag:s9], $0x280  }
0x58: {  	p0 =	sne.s32 s15, s7;
	[sflag:s9] =	ssyncset.done $0x0  }
.Ltmp1:
0x59: {  	[sflag:s9] =	ssyncadd.s32 $0xFFFFFD80;
	(pc) =	sbr.rel @p0 .LBB2_1-.Ltmp1, $4  }
0x5a: {  	[hbm4b:s6+s13] =	stream.strided.scatter [tilespmem:s8], [sflag:$0x2], $0x280, s14, s13, $0x38;
	[tilespmem:$0x4580] =	vst v63  }
0x5b: {  	_ =	swait.ge [sflag:s9], $0x280  }
0x5c: {  	[sflag:s9] =	ssyncset.done $0x0  }
0x5d: {  	[sflag:s9] =	ssyncadd.s32 $0xFFFFFD80  }
0x5e: {  	_ =	sfence.sel $0x180000  }
0x5f: {  	[bflag:$0x0] =	sbarrier.arrive $0xFFFF  }
0x60: {  	p0 =	sne.s32 s1, $0x0;
	_ =	strace $0x90000047  }
0x61: {  	s0 =	sadd.s32 @!p0 $0x100000, s0;
	[bflag:$0x2] =	sbarrier.arrive $0xFFFF  }
0x62: {  	[sflag:s0] =	ssyncadd.tile.s32 @!p0 $0x1;
	_ =	shalt  }
.Lfunc_end2:
_tile_overlayer_lowered:
.L_overlay_start_2:
0x63: {  	(tag) =	ssettag $0x2  }
0x64: {  	s0 =	rddreg [dreg:$0x0];
	s2 =	stileid.u32  }
0x65: {  	s1 =	rddreg [dreg:$0x1];
	p0 =	sne.s32 s2, $0x0  }
0x66: {  	s3 =	rddreg [dreg:$0x2];
	[bflag:$0x3] =	sbarrier.arrive $0xFFFF;
	s2 =	simm.s32 @!p0 $0x1C02  }
0x67: {  	[timem:s3], [sflag:s2] =	dma.local @!p0 [hbm:s0], s1  }
0x68: {  	s0 =	simm.s32 @!p0 $0x2  }
0x69: {  	_ =	swait.ge @!p0 [sflag:s0], s1  }
0x6a: {  	s1 =	ssub.s32 @!p0 $0x0, s1;
	[sflag:s0] =	ssyncset.done @!p0 $0x0  }
0x6b: {  	[sflag:s0] =	ssyncadd.s32 @!p0 s1  }
0x6c: {  	[bflag:$0x3] =	sbarrier.arrive $0xFFFF  }
0x6d: {  	_ =	shalt  }

// kernel: kernel.13.cloned.1.call-start
scs
__scs_entry_jumppad:
0x0: {  	(pc) =	sbr.rel $0x88, $3  }
0x1: {  	(tag) =	ssettag $0x0;
	lr =	simm.s32 $0x1  }
0x2: {  	[smem:$0x3F99] =	sst lr;
	_ =	strace $0xD0000000  }
0x3: {  	_ = 	snop  }
0x4: {  	_ = 	snop  }
0x5: {  	_ = 	snop  }
0x6: {  	_ = 	snop  }
0x7: {  	_ = 	snop  }
__scs_overlays_trampoline_lowered:
0x8: {  	[smem:$0x3FA8] =	sst s0  }
0x9: {  	[smem:$0x3FA9] =	sst s1  }
0xa: {  	[smem:$0x3FAA] =	sst s2  }
0xb: {  	[smem:$0x3FAB] =	sst s3  }
0xc: {  	[smem:$0x3FAC] =	sst s4  }
0xd: {  	[smem:$0x3FAD] =	sst s5  }
0xe: {  	[smem:$0x3FAE] =	sst s6  }
0xf: {  	[smem:$0x3FAF] =	sst s7  }
0x10: {  	[smem:$0x3FB0] =	sst s8  }
0x11: {  	[smem:$0x3FB1] =	sst s9;
	s0 =	simm.s32 @!p0 $0x0  }
0x12: {  	s1 =	sld [smem:$0x3F97];
	s0 =	simm.s32 @p0 $0x1  }
0x13: {  	[smem:$0x3FB2] =	sst s0;
	s0 =	simm.s32 @!p1 $0x0  }
0x14: {  	s2 =	sld [smem:$0x3F96];
	s0 =	simm.s32 @p1 $0x1  }
0x15: {  	[smem:$0x3FB3] =	sst s0;
	s0 =	simm.s32 @!p2 $0x0  }
0x16: {  	s3 =	sld [smem:$0x3FDB];
	s0 =	simm.s32 @p2 $0x1  }
0x17: {  	s4 =	simm.s32 $0x1BF5;
	[smem:$0x3FB5] =	sst s0  }
0x18: {  	s0 =	sld [smem:$0x3F98];
	_ =	swait.ge [sflag:s4], $0x0  }
0x19: {  	s7 =	sld [smem:$0x3F99]  }
0x1a: {  	s8 =	sadd.s32 $0xFFFFE003, lr  }
0x1b: {  	s9 =	sadd.s32 $0xFFFFFEF7, lr;
	s5 =	simm.s32 $0xFFFFFFFF;
	p2 =	slt.u32 s8, $0xFFFFF086  }
0x1c: {  	p1 =	slt.u32 s9, $0xF7A;
	s5 =	simm.s32 @!p2 $0x0  }
0x1d: {  	s5 =	simm.s32 @p1 $0x1;
	p0 =	seq.s32 s7, s2  }
0x1e: {  	s7 =	smul.u32 @!p0 $0xF7A, s2;
	p2 =	seq.s32 @!p0 s5, $0x0  }
0x1f: {  	s9 =	smul.u32 $0xF7A, s1;
	s8 =	simm.s32 @!p0 $0x1BF5;
	p2 =	por !p2, p0  }
0x20: {  	[sflag:s8] =	ssyncset.s32 @!p0 $0xFFFFF086;
	s6 =	sadd.s32 @!p0 s3, s7;
	s7 =	simm.s32 @!p0 $0x108  }
0x21: {  	s3 =	sadd.s32 s3, s9;
	s6 =	sadd.s32 @!p0 $0x88, s6;
	s7 =	simm.s32 @p2 $0x1082  }
0x22: {  	[simem:s7], [sflag:s8] =	dma.local @!p0 [hbm:s6], $0xF7A  }
0x23: {  	s9 =	sor.u32 $0xD0000000, s2;
	s6 =	simm.s32 $0x108;
	_ =	swait.ge @!p0 [sflag:s8], $0x0  }
0x24: {  	s3 =	sadd.s32 $0x88, s3;
	s6 =	simm.s32 @!p1 $0x1082;
	[sflag:s4] =	ssyncset.s32 $0xFFFFF086  }
0x25: {  	[simem:s6], [sflag:s4] =	dma.local [hbm:s3], $0xF7A  }
0x26: {  	[smem:$0x3F99] =	sst s1;
	(tag) =	ssettag s2;
	_ =	strace s9  }
0x27: {  	s1 =	sld [smem:$0x3FA9]  }
0x28: {  	s2 =	sld [smem:$0x3FAA]  }
0x29: {  	s4 =	sld [smem:$0x3FAC]  }
0x2a: {  	p0 =	seq.s32 s5, $0x0;
	s5 =	sld [smem:$0x3FAD]  }
0x2b: {  	s6 =	sld [smem:$0x3FAE]  }
0x2c: {  	s7 =	sld [smem:$0x3FAF]  }
0x2d: {  	s3 =	simm.s32 $0x108;
	s8 =	sld [smem:$0x3FB0]  }
0x2e: {  	s3 =	simm.s32 @!p0 $0x1082;
	s9 =	sld [smem:$0x3FB1]  }
0x2f: {  	lr =	sadd.s32 s0, s3;
	s0 =	sld [smem:$0x3FA8]  }
0x30: {  	s3 =	sld [smem:$0x3FAB]  }
0x31: {  	[smem:$0x3FB4] =	sst s10  }
0x32: {  	s10 =	sld [smem:$0x3FB2];
	_ =	sdelay $0x3  }
0x33: {  	p0 =	seq.s32 s10, $0x1;
	s10 =	sld [smem:$0x3FB4];
	_ =	sdelay $0x3  }
0x34: {  	[smem:$0x3FB4] =	sst s10  }
0x35: {  	s10 =	sld [smem:$0x3FB3];
	_ =	sdelay $0x3  }
0x36: {  	p1 =	seq.s32 s10, $0x1;
	s10 =	sld [smem:$0x3FB4];
	_ =	sdelay $0x3  }
0x37: {  	[smem:$0x3FB4] =	sst s10  }
0x38: {  	s10 =	sld [smem:$0x3FB5]  }
0x39: {  	_ = 	snop;
	(pc) =	sbr.ind lr, $3  }
0x3a: {  	_ = 	snop  }
0x3b: {  	_ = 	snop  }
0x3c: {  	p2 =	seq.s32 s10, $0x1;
	s10 =	sld [smem:$0x3FB4]  }
0x3d: {  	_ =	shalt  }
0x3e: {  	_ =	shalt  }
0x3f: {  	_ =	shalt  }
0x40: {  	_ =	shalt  }
0x41: {  	_ =	shalt  }
0x42: {  	_ =	shalt  }
0x43: {  	_ =	shalt  }
0x44: {  	_ =	shalt  }
0x45: {  	_ =	shalt  }
0x46: {  	_ =	shalt  }
0x47: {  	_ =	shalt  }
0x48: {  	_ =	shalt  }
0x49: {  	_ =	shalt  }
0x4a: {  	_ =	shalt  }
0x4b: {  	_ =	shalt  }
0x4c: {  	_ =	shalt  }
0x4d: {  	_ =	shalt  }
0x4e: {  	_ =	shalt  }
0x4f: {  	_ =	shalt  }
0x50: {  	_ =	shalt  }
0x51: {  	_ =	shalt  }
0x52: {  	_ =	shalt  }
0x53: {  	_ =	shalt  }
0x54: {  	_ =	shalt  }
0x55: {  	_ =	shalt  }
0x56: {  	_ =	shalt  }
0x57: {  	_ =	shalt  }
0x58: {  	_ =	shalt  }
0x59: {  	_ =	shalt  }
0x5a: {  	_ =	shalt  }
0x5b: {  	_ =	shalt  }
0x5c: {  	_ =	shalt  }
0x5d: {  	_ =	shalt  }
0x5e: {  	_ =	shalt  }
0x5f: {  	_ =	shalt  }
0x60: {  	_ =	shalt  }
0x61: {  	_ =	shalt  }
0x62: {  	_ =	shalt  }
0x63: {  	_ =	shalt  }
0x64: {  	_ =	shalt  }
0x65: {  	_ =	shalt  }
0x66: {  	_ =	shalt  }
0x67: {  	_ =	shalt  }
0x68: {  	_ =	shalt  }
0x69: {  	_ =	shalt  }
0x6a: {  	_ =	shalt  }
0x6b: {  	_ =	shalt  }
0x6c: {  	_ =	shalt  }
0x6d: {  	_ =	shalt  }
0x6e: {  	_ =	shalt  }
0x6f: {  	_ =	shalt  }
0x70: {  	_ =	shalt  }
0x71: {  	_ =	shalt  }
0x72: {  	_ =	shalt  }
0x73: {  	_ =	shalt  }
0x74: {  	_ =	shalt  }
0x75: {  	_ =	shalt  }
0x76: {  	_ =	shalt  }
0x77: {  	_ =	shalt  }
0x78: {  	_ =	shalt  }
0x79: {  	_ =	shalt  }
0x7a: {  	_ =	shalt  }
0x7b: {  	_ =	shalt  }
0x7c: {  	_ =	shalt  }
0x7d: {  	_ =	shalt  }
0x7e: {  	_ =	shalt  }
0x7f: {  	_ =	shalt  }
0x80: {  	_ =	shalt  }
0x81: {  	_ =	shalt  }
0x82: {  	_ =	shalt  }
0x83: {  	_ =	shalt  }
0x84: {  	_ =	shalt  }
0x85: {  	_ =	shalt  }
0x86: {  	_ =	shalt  }
0x87: {  	_ =	shalt  }
.Lfunc_end0:
.L_simem_size_0:
called_computation.1_lowered:
.L_overlay_start_0:
0x88: {  	s2 =	sld [smem:$0x3FD9]  }
0x89: {  	s3 =	sld [smem:$0x3FFE];
	_ =	sdelay $0x1  }
0x8a: {  	s1 =	srdreg.scid  }
0x8b: {  	s0 =	sand.u32 $0x1, s1  }
0x8c: {  	s16 =	sshll.u32 s0, $0xA;
	s2 =	sadd.s32 s3, s2  }
0x8d: {  	s2 =	sadd.s32 s2, s16  }
0x8e: {  	[smem:$0x3FC0] =	sst s2  }
0x8f: {  	_ = 	snop  }
0x90: {  	(tm) =	ssettm $0x1  }
0x91: {  	s17 =	sld [smem:$0x3FFB];
	_ =	sdelay $0x3  }
0x92: {  	_ =	strace s17  }
0x93: {  	s2 =	sld [smem:$0x3FFC];
	_ =	sdelay $0x3  }
0x94: {  	_ =	strace s2  }
0x95: {  	s2 =	sld [smem:$0x3FFD];
	_ =	sdelay $0x3  }
0x96: {  	_ =	strace s2  }
0x97: {  	_ =	strace $0x8FFFFFFF  }
0x98: {  	s18 =	sld [smem:$0x3FDB];
	_ =	sdelay $0x1  }
0x99: {  	s19 =	simm.s32 $_scs_section_size  }
0x9a: {  	s4 =	simm.s32 $_size__tile_overlayer_lowered;
	s5 =	simm.s32 $_tile_overlayer_lowered  }
0x9b: {  	s22 =	simm.s32 $0x1BFF;
	s21 =	sshll.u32 s5, $0x1;
	s2 =	sadd.s32 s19, s18  }
0x9c: {  	s6 =	simm.s32 $0x0;
	s20 =	sshll.u32 s4, $0x1;
	s4 =	sadd.s32 s21, s2  }
0x9d: {  	[timem:s6], [sflag:s22] =	dma.local [hbm:s4], s20  }
0x9e: {  	_ =	swait.ge [sflag:s22], s20  }
0x9f: {  	s3 =	ssub.s32 $0x0, s20;
	[sflag:s22] =	ssyncset.done $0x0  }
0xa0: {  	[sflag:s22] =	ssyncadd.s32 s3;
	_ =	sdelay $0x1  }
0xa1: {  	s23 =	simm.s32 $0x1B8B  }
0xa2: {  	_ =	swait.ge [sflag:s23], $0x1  }
0xa3: {  	[sflag:s23] =	ssyncset.done $0x0  }
0xa4: {  	s25 =	simm.s32 $0x1B8E;
	s24 =	sld [smem:$0x3FFE];
	[sflag:s23] =	ssyncadd.s32 $0xFFFFFFFF  }
0xa5: {  	s26 =	simm.s32 $execute0_lowered;
	[smem:$0x3FD2] =	sst s25  }
0xa6: {  	s4 =	sshll.u32 s26, $0x1;
	_ =	strace $0x80000049;
	[dreg:$0x1] =	wrdreg $0xFFFFFFFF  }
0xa7: {  	s28 =	simm.s32 $_size_execute0_lowered;
	s2 =	sadd.s32 s2, s4;
	[dreg:$0x0] =	wrdreg $0x0  }
0xa8: {  	s4 =	sshll.u32 s28, $0x1;
	[dreg:$0x2] =	wrdreg s2  }
0xa9: {  	[dreg:$0x3] =	wrdreg s4  }
0xaa: {  	[dreg:$0x4] =	wrdreg $0xC0  }
0xab: {  	_ =	task [dreg:s6], $0x5FFFF  }
0xac: {  	[dreg:$0x1] =	wrdreg $0xFFFFFFFF  }
0xad: {  	[dreg:$0x0] =	wrdreg $0x60  }
0xae: {  	[dreg:$0x2] =	wrdreg s24  }
0xaf: {  	[dreg:$0x3] =	wrdreg $0xA4000  }
0xb0: {  	[dreg:$0x4] =	wrdreg $0x9  }
0xb1: {  	_ =	task.clear_ibuf [dreg:s6], $0x5FFFF;
	_ =	strace $0x90000049  }
0xb2: {  	s29 =	simm.s32 $0x9;
	_ =	strace $0x8000004B  }
0xb3: {  	_ =	swait.ge [sflag:s29], $0x1  }
0xb4: {  	[sflag:s29] =	ssyncadd.s32 $0xFFFFFFFF  }
0xb5: {  	_ =	strace $0x9000004B  }
0xb6: {  	_ =	sfence  }
0xb7: {  	s30 =	sld [smem:$0x0];
	_ =	sdelay $0x2  }
0xb8: {  	s31 =	sshll.u32 s1, $0xD;
	s1 =	sshrl.u32 s1, $0x2  }
0xb9: {  	s3 =	sand.u32 $0x4000, s31;
	s1 =	sadd.s32 s1, s30  }
0xba: {  	s0 =	sor.u32 s3, s0;
	s1 =	sshll.u32 s1, $0x11  }
0xbb: {  	s0 =	sor.u32 s1, s0  }
0xbc: {  	s0 =	sadd.s32 $0x8F2B, s0  }
0xbd: {  	[sflag:s0] =	ssyncadd.remote.s32 $0x1  }
0xbe: {  	_ =	sfence.sel $0xFFFF  }
0xbf: {  	[dreg:$0x0] =	wrdreg $0xFFFFFFFF;
	(pc) =	sbr.abs _section_cstart, $3  }
0xc0: {  	[dreg:$0x1] =	wrdreg $0xFFFFFFFF  }
0xc1: {  	_ =	task.clear_ibuf [dreg:s6], $0x2FFFF;
	_ =	strace $0x9FFFFFFF  }
0xc2: {  	(tm) =	ssettm $0x7FFFFFFF  }
0xc3: {  	_ =	shalt  }
tec
execute0_lowered:
.L_overlay_start_1:
0x0: {  	(tag) =	ssettag $0x1  }
0x1: {  	s0 =	rddreg [dreg:$0x0]  }
0x2: {  	s24 =	rddreg [dreg:$0x1];
	s2 =	srdreg.scid;
	s3 =	simm.s32 $0x0  }
0x3: {  	s10 =	stileid.u32;
	s30 =	simm.s32 $0x400;
	s31 =	simm.s32 $0x200  }
0x4: {  	s28 =	simm.s32 $0x1;
	s29 =	simm.s32 $0x50;
	s1 =	simm.s32 $0x300  }
0x5: {  	s2 =	sand.u32 $0x1, s2;
	[smem:$0x7FF] =	sst s3;
	s8 =	smul.u32 $0x14000, s10  }
0x6: {  	s4 =	sadd.s32 $0x24400, s0;
	s9 =	smul.u32 $0x50000, s10;
	s5 =	sadd.s32 $0x14400, s0  }
0x7: {  	s6 =	sadd.s32 $0x4400, s0;
	s16 =	sshll.u32 s10, $0xE;
	s10 =	simm.s32 $0x2C00  }
0x8: {  	s7 =	smul.u32 $0x140000, s2;
	_ =	strace $0x8000004A;
	s9 =	sshrl.u32 s9, $0x2  }
0x9: {  	s11 =	ssub.s32 $0x2, s2;
	s2 =	sshll.u32 s2, $0x12;
	s21 =	sadd.s32 s9, s24  }
0xa: {  	s12 =	sshrl.u32 s11, $0x1;
	s13 =	sadd.s32 $0x2800, s21;
	[dreg:$0x3] =	wrdreg s21  }
0xb: {  	s7 =	sadd.s32 s8, s7;
	s14 =	sadd.s32 $0x5000, s21;
	[dreg:$0x4] =	wrdreg s13  }
0xc: {  	s8 =	simm.s32 $0x5400;
	s15 =	sadd.s32 $0x7800, s21;
	[dreg:$0x5] =	wrdreg s14  }
0xd: {  	s7 =	sshrl.u32 s7, $0x3;
	s9 =	sadd.s32 $0xA000, s21;
	[dreg:$0x6] =	wrdreg s15  }
0xe: {  	s17 =	sadd.s32 $0xC800, s21;
	s18 =	sadd.s32 $0xF000, s21;
	[dreg:$0x7] =	wrdreg s9  }
0xf: {  	s19 =	sadd.s32 $0x11800, s21;
	s0 =	sadd.s32 s7, s0;
	[dreg:$0x8] =	wrdreg s17  }
0x10: {  	s7 =	ssub.s32 s11, s12;
	s13 =	sor.u32 s16, s2;
	[dreg:$0x9] =	wrdreg s18  }
0x11: {  	[dreg:$0xa] =	wrdreg s19;
	s14 =	simm.s32 $0x5;
	s12 =	simm.s32 $0x180  }
0x12: {  	s17 =	simm.s32 $0x380;
	s11 =	simm.s32 $0x3;
	s18 =	simm.s32 $0x6  }
0x13: {  	s15 =	simm.s32 $0x9;
	s16 =	simm.s32 $0x4;
	s19 =	simm.s32 $0x7C00  }
0x14: {  	s20 =	sshrl.u32 s13, $0x3;
	s0 =	sadd.s32 $0x74400, s0;
	s26 =	smax.u32 s7, $0x1  }
0x15: {  	s22 =	sadd.s32 s5, s20;
	s23 =	sadd.s32 s6, s20;
	[dreg:$0xf] =	wrdreg s0  }
0x16: {  	s2 =	sor.u32 $0x10, s20;
	[dreg:$0x10] =	wrdreg s26;
	s0 =	simm.s32 $0x2  }
0x17: {  	s26 =	simm.s32 $0x7;
	s20 =	simm.s32 $0x0;
	[dreg:$0xb] =	wrdreg s22  }
0x18: {  	[dreg:$0xc] =	wrdreg s23;
	s25 =	sadd.s32 s5, s2;
	s2 =	sadd.s32 s6, s2  }
0x19: {  	s22 =	simm.s32 $0xA;
	s23 =	simm.s32 $0x80;
	[dreg:$0xd] =	wrdreg s25  }
0x1a: {  	v0 =	vimm.f32 $0.0e+00;
	[dreg:$0xe] =	wrdreg s2;
	s25 =	simm.s32 $0x280;
	s2 =	simm.s32 $0x100  }
.LBB2_1:
0x1b: {  	s9 =	smov.u32 s24  }
0x1c: {  	[dreg:$0x11] =	wrdreg s20;
	s7 =	simm.s32 $0x70;
	s20 =	simm.s32 $0x3C0  }
.LBB2_2:
0x1d: {  	p0 =	sne.s32 s20, $0x9FC0;
	[tilespmem:s7+$0x400] =	vst v0  }
0x1e: {  	[tilespmem:s7+$0x390] =	vst v0  }
0x1f: {  	[tilespmem:s7+$0x3A0] =	vst v0  }
.Ltmp0:
0x20: {  	[tilespmem:s7+$0x3B0] =	vst v0;
	(pc) =	sbr.rel @p0 .LBB2_2-.Ltmp0, $4  }
0x21: {  	[tilespmem:s7+$0x3C0] =	vst v0  }
0x22: {  	[tilespmem:s7+$0x3D0] =	vst v0  }
0x23: {  	[tilespmem:s7+$0x3E0] =	vst v0  }
0x24: {  	[tilespmem:s7+$0x3F0] =	vst v0;
	s7 =	sshra.s32 s20, $0x2;
	s20 =	sadd.s32 $0x200, s20  }
0x25: {  	[tilespmem:s7+$0x400] =	vst v0  }
0x26: {  	[tilespmem:s7+$0x390] =	vst v0  }
0x27: {  	[tilespmem:s7+$0x3A0] =	vst v0  }
0x28: {  	[tilespmem:s7+$0x3B0] =	vst v0  }
0x29: {  	[tilespmem:s7+$0x3C0] =	vst v0  }
0x2a: {  	[tilespmem:s7+$0x3D0] =	vst v0  }
0x2b: {  	[tilespmem:s7+$0x3E0] =	vst v0  }
0x2c: {  	[tilespmem:s7+$0x3F0] =	vst v0  }
0x2d: {  	[spmem:s21] =	stream.linear.scatter [tilespmem:s30], [sflag:$0xA], $0x2800, $0x38;
	[tilespmem:$0x1E400] =	vst v63  }
0x2e: {  	_ =	swait.ge [sflag:s22], $0x2800  }
0x2f: {  	[sflag:s22] =	ssyncset.done $0x0  }
0x30: {  	s21 =	rddreg [dreg:$0x4];
	[sflag:s22] =	ssyncadd.s32 $0xFFFFD800  }
0x31: {  	[spmem:s21] =	stream.linear.scatter [tilespmem:s30], [sflag:$0xA], $0x2800, $0x38;
	[tilespmem:$0x1E400] =	vst v63  }
0x32: {  	_ =	swait.ge [sflag:s22], $0x2800  }
0x33: {  	[sflag:s22] =	ssyncset.done $0x0  }
0x34: {  	s24 =	rddreg [dreg:$0x5];
	[sflag:s22] =	ssyncadd.s32 $0xFFFFD800  }
0x35: {  	[spmem:s24] =	stream.linear.scatter [tilespmem:s30], [sflag:$0xA], $0x2800, $0x38;
	[tilespmem:$0x1E400] =	vst v63  }
0x36: {  	_ =	swait.ge [sflag:s22], $0x2800  }
0x37: {  	[sflag:s22] =	ssyncset.done $0x0  }
0x38: {  	s20 =	rddreg [dreg:$0x6];
	[sflag:s22] =	ssyncadd.s32 $0xFFFFD800  }
0x39: {  	[spmem:s20] =	stream.linear.scatter [tilespmem:s30], [sflag:$0xA], $0x2800, $0x38;
	[tilespmem:$0x1E400] =	vst v63  }
0x3a: {  	_ =	swait.ge [sflag:s22], $0x2800  }
0x3b: {  	[sflag:s22] =	ssyncset.done $0x0  }
0x3c: {  	s21 =	rddreg [dreg:$0x7];
	[sflag:s22] =	ssyncadd.s32 $0xFFFFD800  }
0x3d: {  	[spmem:s21] =	stream.linear.scatter [tilespmem:s30], [sflag:$0xA], $0x2800, $0x38;
	[tilespmem:$0x1E400] =	vst v63  }
0x3e: {  	_ =	swait.ge [sflag:s22], $0x2800  }
0x3f: {  	[sflag:s22] =	ssyncset.done $0x0  }
0x40: {  	s24 =	rddreg [dreg:$0x8];
	[sflag:s22] =	ssyncadd.s32 $0xFFFFD800  }
0x41: {  	[spmem:s24] =	stream.linear.scatter [tilespmem:s30], [sflag:$0xA], $0x2800, $0x38;
	[tilespmem:$0x1E400] =	vst v63  }
0x42: {  	_ =	swait.ge [sflag:s22], $0x2800  }
0x43: {  	[sflag:s22] =	ssyncset.done $0x0  }
0x44: {  	s20 =	rddreg [dreg:$0x9];
	[sflag:s22] =	ssyncadd.s32 $0xFFFFD800  }
0x45: {  	[spmem:s20] =	stream.linear.scatter [tilespmem:s30], [sflag:$0xA], $0x2800, $0x38;
	[tilespmem:$0x1E400] =	vst v63  }
0x46: {  	_ =	swait.ge [sflag:s22], $0x2800  }
0x47: {  	[sflag:s22] =	ssyncset.done $0x0  }
0x48: {  	s21 =	rddreg [dreg:$0xa];
	[sflag:s22] =	ssyncadd.s32 $0xFFFFD800  }
0x49: {  	[spmem:s21] =	stream.linear.scatter [tilespmem:s30], [sflag:$0xA], $0x2800, $0x38;
	[tilespmem:$0x1E400] =	vst v63  }
0x4a: {  	_ =	swait.ge [sflag:s22], $0x2800  }
0x4b: {  	[sflag:s22] =	ssyncset.done $0x0  }
0x4c: {  	[sflag:s22] =	ssyncadd.s32 $0xFFFFD800  }
0x4d: {  	[bflag:$0x0] =	sbarrier.arrive $0xFFFF  }
0x4e: {  	s7 =	simm.s32 $0x0;
	s20 =	rddreg [dreg:$0xb]  }
0x4f: {  	[tilespmem:s7], [sflag:$0x1] =	stream.linear.gather [hbm4b:s20+s7], $0x80, $0x38;
	[tilespmem:$0x1E400] =	vst v63  }
0x50: {  	s22 =	rddreg [dreg:$0xc]  }
0x51: {  	[tilespmem:s31], [sflag:$0x1] =	stream.linear.gather [hbm4b:s22+s7], $0x80, $0x38;
	[tilespmem:$0x1E400] =	vst v63  }
0x52: {  	s24 =	rddreg [dreg:$0xd]  }
0x53: {  	[tilespmem:s23], [sflag:$0x2] =	stream.linear.gather [hbm4b:s24+s7], $0x80, $0x38;
	[tilespmem:$0x1E400] =	vst v63  }
0x54: {  	s21 =	rddreg [dreg:$0xe]  }
0x55: {  	[tilespmem:s25], [sflag:$0x2] =	stream.linear.gather [hbm4b:s21+s7], $0x80, $0x38;
	[tilespmem:$0x1E400] =	vst v63  }
0x56: {  	_ =	swait.ge [sflag:s28], $0x80  }
0x57: {  	[sflag:s28] =	ssyncset.done $0x0  }
0x58: {  	[sflag:s28] =	ssyncadd.s32 $0xFFFFFF80  }
0x59: {  	p0 =	por $0x1, $0x1;
	_ =	swait.ge [sflag:s28], $0x80  }
0x5a: {  	s20 =	sand.u32 @!p0 $0x200, s7;
	[sflag:s28] =	ssyncset.done $0x0  }
0x5b: {  	s21 =	sor.u32 @!p0 $0x100, s20;
	[sflag:s28] =	ssyncadd.s32 $0xFFFFFF80  }
0x5c: {  	[tilespmem:s30], [sflag:$0x5] =	stream.indirect.gather [hbm4b:s4+s29], $0x80, s7, s29, $0xb8;
	[tilespmem:$0x1E400] =	vst v63  }
0x5d: {  	s21 =	simm.s32 @p0 $0x100;
	s7 =	sand.u32 $0x3C00, s7  }
0x5e: {  	s23 =	simm.s32 @!p0 $0x9;
	s21 =	sor.u32 s21, s7  }
0x5f: {  	_ =	swait.ge @!p0 [sflag:s23], $0x2800;
	s21 =	sor.u32 s13, s21  }
0x60: {  	[sflag:s23] =	ssyncset.done @!p0 $0x0;
	s21 =	sshrl.u32 s21, $0x3  }
0x61: {  	[sflag:s23] =	ssyncadd.s32 @!p0 $0xFFFFD800;
	s24 =	sadd.s32 s5, s21  }
0x62: {  	[tilespmem:s2], [sflag:$0x3] =	stream.linear.gather [hbm4b:s24+s3], $0x80, $0x38;
	[tilespmem:$0x1E400] =	vst v63  }
0x63: {  	s21 =	sadd.s32 s6, s21  }
0x64: {  	[tilespmem:s1], [sflag:$0x3] =	stream.linear.gather [hbm4b:s21+s3], $0x80, $0x38;
	[tilespmem:$0x1E400] =	vst v63  }
0x65: {  	_ =	swait.ge [sflag:s0], $0x80  }
0x66: {  	[sflag:s0] =	ssyncset.done $0x0  }
0x67: {  	[sflag:s0] =	ssyncadd.s32 $0xFFFFFF80  }
0x68: {  	_ =	swait.ge [sflag:s0], $0x80  }
0x69: {  	[sflag:s0] =	ssyncset.done $0x0  }
0x6a: {  	s22 =	simm.s32 $0x80;
	[sflag:s0] =	ssyncadd.s32 $0xFFFFFF80  }
0x6b: {  	[tilespmem:s10], [sflag:$0x6] =	stream.indirect.gather [hbm4b:s4+s29], $0x80, s22, s29, $0xb8;
	[tilespmem:$0x1E400] =	vst v63  }
0x6c: {  	s20 =	sor.u32 @!p0 $0x180, s20;
	_ =	swait.ge [sflag:s14], $0x2800  }
0x6d: {  	s20 =	simm.s32 @p0 $0x180;
	[sflag:s14] =	ssyncset.done $0x0  }
0x6e: {  	s7 =	sor.u32 s20, s7;
	[sflag:s14] =	ssyncadd.s32 $0xFFFFD800  }
0x6f: {  	[spmem:s9] =	stream.indirect.scatter.add.f32 [tilespmem:s30], [sflag:$0x9], $0x80, s31, s29, $0xb8;
	[tilespmem:$0x1E400] =	vst v63  }
0x70: {  	s7 =	sor.u32 s13, s7;
	_ =	swait.ge @!p0 [sflag:s23], $0x2800  }
0x71: {  	s7 =	sshrl.u32 s7, $0x3;
	[sflag:s23] =	ssyncset.done @!p0 $0x0  }
0x72: {  	s22 =	sadd.s32 s5, s7;
	[sflag:s23] =	ssyncadd.s32 @!p0 $0xFFFFD800  }
0x73: {  	[tilespmem:s12], [sflag:$0x4] =	stream.linear.gather [hbm4b:s22+s3], $0x80, $0x38;
	[tilespmem:$0x1E400] =	vst v63  }
0x74: {  	s7 =	sadd.s32 s6, s7  }
0x75: {  	[tilespmem:s17], [sflag:$0x4] =	stream.linear.gather [hbm4b:s7+s3], $0x80, $0x38;
	[tilespmem:$0x1E400] =	vst v63  }
0x76: {  	_ =	swait.ge [sflag:s11], $0x80  }
0x77: {  	[sflag:s11] =	ssyncset.done $0x0  }
0x78: {  	[sflag:s11] =	ssyncadd.s32 $0xFFFFFF80  }
0x79: {  	_ =	swait.ge [sflag:s11], $0x80  }
0x7a: {  	[sflag:s11] =	ssyncset.done $0x0  }
0x7b: {  	[sflag:s11] =	ssyncadd.s32 $0xFFFFFF80  }
0x7c: {  	[tilespmem:s8], [sflag:$0x7] =	stream.indirect.gather [hbm4b:s4+s29], $0x80, s2, s29, $0xb8;
	[tilespmem:$0x1E400] =	vst v63  }
0x7d: {  	s21 =	simm.s32 $0x200;
	_ =	swait.ge [sflag:s18], $0x2800  }
0x7e: {  	s23 =	sand.u32 $0x7C00, s21;
	[sflag:s18] =	ssyncset.done $0x0  }
0x7f: {  	s24 =	sand.u32 $0x200, s21;
	s7 =	sadd.s32 s13, s23;
	[sflag:s18] =	ssyncadd.s32 $0xFFFFD800  }
0x80: {  	[spmem:s9] =	stream.indirect.scatter.add.f32 [tilespmem:s10], [sflag:$0x9], $0x80, s25, s29, $0xb8;
	[tilespmem:$0x1E400] =	vst v63  }
0x81: {  	s7 =	sor.u32 s24, s7;
	_ =	swait.ge [sflag:s15], $0x2800  }
0x82: {  	s7 =	sshrl.u32 s7, $0x3;
	[sflag:s15] =	ssyncset.done $0x0  }
0x83: {  	s25 =	sadd.s32 s5, s7;
	[sflag:s15] =	ssyncadd.s32 $0xFFFFD800  }
0x84: {  	[tilespmem:s3], [sflag:$0x1] =	stream.linear.gather [hbm4b:s25+s3], $0x80, $0x38;
	[tilespmem:$0x1E400] =	vst v63  }
0x85: {  	s7 =	sadd.s32 s6, s7  }
0x86: {  	[tilespmem:s31], [sflag:$0x1] =	stream.linear.gather [hbm4b:s7+s3], $0x80, $0x38;
	[tilespmem:$0x1E400] =	vst v63  }
0x87: {  	_ =	swait.ge [sflag:s16], $0x80  }
0x88: {  	[sflag:s16] =	ssyncset.done $0x0  }
0x89: {  	[sflag:s16] =	ssyncadd.s32 $0xFFFFFF80  }
0x8a: {  	_ =	swait.ge [sflag:s16], $0x80  }
0x8b: {  	p1 =	por $0x0, $0x0;
	p0 =	por $0x0, $0x0;
	[sflag:s16] =	ssyncset.done $0x0  }
0x8c: {  	s14 =	simm.s32 $0x5;
	s23 =	simm.s32 @!p0 $0x80;
	[sflag:s16] =	ssyncadd.s32 $0xFFFFFF80  }
0x8d: {  	[tilespmem:s19], [sflag:$0x8] =	stream.indirect.gather [hbm4b:s4+s29], $0x80, s12, s29, $0xb8;
	[tilespmem:$0x1E400] =	vst v63  }
0x8e: {  	s17 =	simm.s32 $0x7;
	s7 =	simm.s32 @!p0 $0x280;
	_ =	swait.ge [sflag:s26], $0x2800  }
0x8f: {  	s2 =	simm.s32 $0x100;
	s20 =	sand.u32 @!p0 $0x7C00, s7;
	[sflag:s26] =	ssyncset.done $0x0  }
0x90: {  	s7 =	sand.u32 @!p0 $0x280, s7;
	s20 =	sadd.s32 @!p0 s13, s20;
	[sflag:s26] =	ssyncadd.s32 $0xFFFFD800  }
0x91: {  	[spmem:s9] =	stream.indirect.scatter.add.f32 [tilespmem:s8], [sflag:$0x9], $0x80, s1, s29, $0xb8;
	[tilespmem:$0x1E400] =	vst v63  }
0x92: {  	s18 =	simm.s32 $0x6;
	s7 =	sor.u32 @!p0 s7, s20;
	_ =	swait.ge [sflag:s15], $0x2800  }
0x93: {  	s10 =	simm.s32 $0x2C00;
	s7 =	sshrl.u32 @!p0 s7, $0x3;
	[sflag:s15] =	ssyncset.done $0x0  }
0x94: {  	s25 =	simm.s32 @!p0 $0x0;
	s24 =	sadd.s32 @!p0 s5, s7;
	[sflag:s15] =	ssyncadd.s32 $0xFFFFD800  }
0x95: {  	[tilespmem:s23], [sflag:$0x2] =	stream.linear.gather @!p0 [hbm4b:s24+s25], $0x80, $0x38;
	[tilespmem:$0x1E400] =	vst v63  }
0x96: {  	s20 =	simm.s32 $0x400;
	s7 =	sadd.s32 @!p0 s6, s7;
	s24 =	simm.s32 @!p0 $0x280  }
0x97: {  	[tilespmem:s24], [sflag:$0x2] =	stream.linear.gather @!p0 [hbm4b:s7+s25], $0x80, $0x38;
	[tilespmem:$0x1E400] =	vst v63  }
0x98: {  	s31 =	sand.u32 $0x200, s20;
	s26 =	sand.u32 $0x7C00, s20;
	_ =	swait.ge [sflag:s28], $0x80  }
0x99: {  	s19 =	simm.s32 $0x8;
	s23 =	sadd.s32 s13, s26;
	[sflag:s28] =	ssyncset.done $0x0  }
0x9a: {  	s7 =	sor.u32 s31, s23;
	s23 =	sand.u32 @!p1 $0x200, s21;
	[sflag:s28] =	ssyncadd.s32 $0xFFFFFF80  }
0x9b: {  	s25 =	sand.u32 $0x3C00, s21;
	s7 =	sshrl.u32 s7, $0x3;
	_ =	swait.ge [sflag:s28], $0x80  }
0x9c: {  	s24 =	sor.u32 @!p1 $0x100, s23;
	s26 =	sor.u32 @!p1 $0x180, s23;
	[sflag:s28] =	ssyncset.done $0x0  }
.LBB2_4:
0x9d: {  	s24 =	simm.s32 @p1 $0x100;
	s26 =	simm.s32 @p1 $0x180;
	[sflag:s28] =	ssyncadd.s32 $0xFFFFFF80  }
0x9e: {  	s23 =	smov.u32 s20;
	s1 =	simm.s32 $0x380;
	s8 =	simm.s32 $0x7C00  }
0x9f: {  	[tilespmem:s30], [sflag:$0x5] =	stream.indirect.gather [hbm4b:s4+s29], $0x80, s3, s29, $0xb8;
	[tilespmem:$0x1E400] =	vst v63  }
0xa0: {  	s24 =	sor.u32 s24, s25;
	s25 =	sor.u32 s26, s25;
	_ =	swait.ge [sflag:s19], $0x2800  }
0xa1: {  	s24 =	sor.u32 s13, s24;
	s25 =	sor.u32 s13, s25;
	[sflag:s19] =	ssyncset.done $0x0  }
0xa2: {  	s26 =	simm.s32 @!p1 $0x9;
	s24 =	sshrl.u32 s24, $0x3;
	[sflag:s19] =	ssyncadd.s32 $0xFFFFD800  }
0xa3: {  	[spmem:s9] =	stream.indirect.scatter.add.f32 [tilespmem:s8], [sflag:$0x9], $0x80, s1, s29, $0xb8;
	[tilespmem:$0x1E400] =	vst v63  }
0xa4: {  	s20 =	sadd.s32 $0x200, s20;
	s22 =	sshrl.u32 s25, $0x3;
	_ =	swait.ge @!p1 [sflag:s26], $0x2800  }
0xa5: {  	s30 =	sand.u32 $0x200, s20;
	s25 =	sand.u32 $0x7C00, s20;
	[sflag:s26] =	ssyncset.done @!p1 $0x0  }
0xa6: {  	s25 =	sadd.s32 s13, s25;
	s31 =	sadd.s32 s5, s24;
	[sflag:s26] =	ssyncadd.s32 @!p1 $0xFFFFD800  }
0xa7: {  	[tilespmem:s2], [sflag:$0x3] =	stream.linear.gather [hbm4b:s31+s3], $0x80, $0x38;
	[tilespmem:$0x1E400] =	vst v63  }
0xa8: {  	s12 =	simm.s32 $0x300;
	p0 =	sne.s32 s20, $0x3E00;
	s31 =	simm.s32 $0x200  }
0xa9: {  	s24 =	sadd.s32 s6, s24;
	s25 =	sor.u32 s30, s25;
	s30 =	simm.s32 $0x400  }
0xaa: {  	[tilespmem:s12], [sflag:$0x3] =	stream.linear.gather [hbm4b:s24+s3], $0x80, $0x38;
	[tilespmem:$0x1E400] =	vst v63  }
0xab: {  	s25 =	sshrl.u32 s25, $0x3;
	_ =	swait.ge [sflag:s0], $0x80  }
0xac: {  	[sflag:s0] =	ssyncset.done $0x0  }
0xad: {  	[sflag:s0] =	ssyncadd.s32 $0xFFFFFF80  }
0xae: {  	_ =	swait.ge [sflag:s0], $0x80  }
0xaf: {  	[sflag:s0] =	ssyncset.done $0x0  }
0xb0: {  	s24 =	simm.s32 $0x80;
	[sflag:s0] =	ssyncadd.s32 $0xFFFFFF80  }
0xb1: {  	[tilespmem:s10], [sflag:$0x6] =	stream.indirect.gather [hbm4b:s4+s29], $0x80, s24, s29, $0xb8;
	[tilespmem:$0x1E400] =	vst v63  }
0xb2: {  	_ =	swait.ge [sflag:s14], $0x2800  }
0xb3: {  	[sflag:s14] =	ssyncset.done $0x0  }
0xb4: {  	[sflag:s14] =	ssyncadd.s32 $0xFFFFD800  }
0xb5: {  	[spmem:s9] =	stream.indirect.scatter.add.f32 [tilespmem:s30], [sflag:$0x9], $0x80, s31, s29, $0xb8;
	[tilespmem:$0x1E400] =	vst v63  }
0xb6: {  	_ =	swait.ge @!p1 [sflag:s26], $0x2800  }
0xb7: {  	[sflag:s26] =	ssyncset.done @!p1 $0x0  }
0xb8: {  	s24 =	sadd.s32 s5, s22;
	[sflag:s26] =	ssyncadd.s32 @!p1 $0xFFFFD800;
	s26 =	simm.s32 $0x180  }
0xb9: {  	[tilespmem:s26], [sflag:$0x4] =	stream.linear.gather [hbm4b:s24+s3], $0x80, $0x38;
	[tilespmem:$0x1E400] =	vst v63  }
0xba: {  	s22 =	sadd.s32 s6, s22  }
0xbb: {  	[tilespmem:s1], [sflag:$0x4] =	stream.linear.gather [hbm4b:s22+s3], $0x80, $0x38;
	[tilespmem:$0x1E400] =	vst v63  }
0xbc: {  	_ =	swait.ge [sflag:s11], $0x80  }
0xbd: {  	[sflag:s11] =	ssyncset.done $0x0  }
0xbe: {  	[sflag:s11] =	ssyncadd.s32 $0xFFFFFF80  }
0xbf: {  	_ =	swait.ge [sflag:s11], $0x80  }
0xc0: {  	[sflag:s11] =	ssyncset.done $0x0  }
0xc1: {  	s1 =	simm.s32 $0x5400;
	[sflag:s11] =	ssyncadd.s32 $0xFFFFFF80  }
0xc2: {  	[tilespmem:s1], [sflag:$0x7] =	stream.indirect.gather [hbm4b:s4+s29], $0x80, s2, s29, $0xb8;
	[tilespmem:$0x1E400] =	vst v63  }
0xc3: {  	_ =	swait.ge [sflag:s18], $0x2800  }
0xc4: {  	[sflag:s18] =	ssyncset.done $0x0  }
0xc5: {  	s22 =	simm.s32 $0x280;
	[sflag:s18] =	ssyncadd.s32 $0xFFFFD800  }
0xc6: {  	[spmem:s9] =	stream.indirect.scatter.add.f32 [tilespmem:s10], [sflag:$0x9], $0x80, s22, s29, $0xb8;
	[tilespmem:$0x1E400] =	vst v63  }
0xc7: {  	_ =	swait.ge [sflag:s15], $0x2800  }
0xc8: {  	[sflag:s15] =	ssyncset.done $0x0  }
0xc9: {  	s22 =	sadd.s32 s5, s7;
	[sflag:s15] =	ssyncadd.s32 $0xFFFFD800  }
0xca: {  	[tilespmem:s3], [sflag:$0x1] =	stream.linear.gather [hbm4b:s22+s3], $0x80, $0x38;
	[tilespmem:$0x1E400] =	vst v63  }
0xcb: {  	s22 =	sadd.s32 s6, s7;
	s7 =	smov.u32 s25  }
0xcc: {  	[tilespmem:s31], [sflag:$0x1] =	stream.linear.gather [hbm4b:s22+s3], $0x80, $0x38;
	[tilespmem:$0x1E400] =	vst v63  }
0xcd: {  	_ =	swait.ge [sflag:s16], $0x80  }
0xce: {  	[sflag:s16] =	ssyncset.done $0x0  }
0xcf: {  	[sflag:s16] =	ssyncadd.s32 $0xFFFFFF80  }
0xd0: {  	_ =	swait.ge [sflag:s16], $0x80  }
0xd1: {  	[sflag:s16] =	ssyncset.done $0x0  }
0xd2: {  	[sflag:s16] =	ssyncadd.s32 $0xFFFFFF80  }
0xd3: {  	[tilespmem:s8], [sflag:$0x8] =	stream.indirect.gather [hbm4b:s4+s29], $0x80, s26, s29, $0xb8;
	[tilespmem:$0x1E400] =	vst v63  }
0xd4: {  	p1 =	seq.s32 s21, $0x3C00;
	_ =	swait.ge [sflag:s17], $0x2800  }
0xd5: {  	s22 =	sadd.s32 @!p1 $0x280, s21;
	s21 =	smov.u32 s23;
	[sflag:s17] =	ssyncset.done $0x0  }
0xd6: {  	s23 =	sand.u32 @!p1 $0x7C00, s22;
	s22 =	sand.u32 @!p1 $0x280, s22;
	[sflag:s17] =	ssyncadd.s32 $0xFFFFD800  }
0xd7: {  	[spmem:s9] =	stream.indirect.scatter.add.f32 [tilespmem:s1], [sflag:$0x9], $0x80, s12, s29, $0xb8;
	[tilespmem:$0x1E400] =	vst v63  }
0xd8: {  	s23 =	sadd.s32 @!p1 s13, s23;
	_ =	swait.ge [sflag:s15], $0x2800  }
0xd9: {  	s22 =	sor.u32 @!p1 s22, s23;
	[sflag:s15] =	ssyncset.done $0x0  }
0xda: {  	s23 =	simm.s32 @!p1 $0x80;
	s22 =	sshrl.u32 @!p1 s22, $0x3;
	[sflag:s15] =	ssyncadd.s32 $0xFFFFD800  }
0xdb: {  	s25 =	simm.s32 @!p1 $0x0;
	s24 =	sadd.s32 @!p1 s5, s22;
	s22 =	sadd.s32 @!p1 s6, s22  }
0xdc: {  	[tilespmem:s23], [sflag:$0x2] =	stream.linear.gather @!p1 [hbm4b:s24+s25], $0x80, $0x38;
	[tilespmem:$0x1E400] =	vst v63  }
0xdd: {  	s23 =	simm.s32 @!p1 $0x280  }
0xde: {  	[tilespmem:s23], [sflag:$0x2] =	stream.linear.gather @!p1 [hbm4b:s22+s25], $0x80, $0x38;
	[tilespmem:$0x1E400] =	vst v63  }
.Ltmp1:
0xdf: {  	_ =	swait.ge [sflag:s28], $0x80;
	(pc) =	sbr.rel @p0 .LBB2_4-.Ltmp1, $4  }
0xe0: {  	[sflag:s28] =	ssyncset.done $0x0  }
0xe1: {  	p1 =	seq.s32 s21, $0x0;
	[sflag:s28] =	ssyncadd.s32 $0xFFFFFF80  }
0xe2: {  	s25 =	sand.u32 $0x3C00, s21;
	s22 =	sand.u32 @!p1 $0x200, s21;
	_ =	swait.ge [sflag:s28], $0x80  }
0xe3: {  	s24 =	sor.u32 @!p1 $0x100, s22;
	s26 =	sor.u32 @!p1 $0x180, s22;
	[sflag:s28] =	ssyncset.done $0x0  }
0xe4: {  	[sflag:s28] =	ssyncadd.s32 $0xFFFFFF80  }
0xe5: {  	[tilespmem:s30], [sflag:$0x5] =	stream.indirect.gather [hbm4b:s4+s29], $0x80, s3, s29, $0xb8;
	[tilespmem:$0x1E400] =	vst v63  }
0xe6: {  	s24 =	simm.s32 @p1 $0x100;
	_ =	swait.ge [sflag:s19], $0x2800  }
0xe7: {  	s22 =	simm.s32 @!p1 $0x9;
	s1 =	simm.s32 $0x7C00;
	[sflag:s19] =	ssyncset.done $0x0  }
0xe8: {  	s20 =	sor.u32 s24, s25;
	s24 =	simm.s32 $0x380;
	[sflag:s19] =	ssyncadd.s32 $0xFFFFD800  }
0xe9: {  	[spmem:s9] =	stream.indirect.scatter.add.f32 [tilespmem:s1], [sflag:$0x9], $0x80, s24, s29, $0xb8;
	[tilespmem:$0x1E400] =	vst v63  }
0xea: {  	s20 =	sor.u32 s13, s20;
	_ =	swait.ge @!p1 [sflag:s22], $0x2800  }
0xeb: {  	s20 =	sshrl.u32 s20, $0x3;
	[sflag:s22] =	ssyncset.done @!p1 $0x0  }
0xec: {  	s23 =	sadd.s32 s5, s20;
	[sflag:s22] =	ssyncadd.s32 @!p1 $0xFFFFD800  }
0xed: {  	[tilespmem:s2], [sflag:$0x3] =	stream.linear.gather [hbm4b:s23+s3], $0x80, $0x38;
	[tilespmem:$0x1E400] =	vst v63  }
0xee: {  	s8 =	simm.s32 $0x300;
	s20 =	sadd.s32 s6, s20  }
0xef: {  	[tilespmem:s8], [sflag:$0x3] =	stream.linear.gather [hbm4b:s20+s3], $0x80, $0x38;
	[tilespmem:$0x1E400] =	vst v63  }
0xf0: {  	_ =	swait.ge [sflag:s0], $0x80  }
0xf1: {  	[sflag:s0] =	ssyncset.done $0x0  }
0xf2: {  	[sflag:s0] =	ssyncadd.s32 $0xFFFFFF80  }
0xf3: {  	_ =	swait.ge [sflag:s0], $0x80  }
0xf4: {  	[sflag:s0] =	ssyncset.done $0x0  }
0xf5: {  	s23 =	simm.s32 $0x80;
	[sflag:s0] =	ssyncadd.s32 $0xFFFFFF80  }
0xf6: {  	[tilespmem:s10], [sflag:$0x6] =	stream.indirect.gather [hbm4b:s4+s29], $0x80, s23, s29, $0xb8;
	[tilespmem:$0x1E400] =	vst v63  }
0xf7: {  	_ =	swait.ge [sflag:s14], $0x2800  }
0xf8: {  	s26 =	simm.s32 @p1 $0x180;
	[sflag:s14] =	ssyncset.done $0x0  }
0xf9: {  	s12 =	sor.u32 s26, s25;
	[sflag:s14] =	ssyncadd.s32 $0xFFFFD800  }
0xfa: {  	[spmem:s9] =	stream.indirect.scatter.add.f32 [tilespmem:s30], [sflag:$0x9], $0x80, s31, s29, $0xb8;
	[tilespmem:$0x1E400] =	vst v63  }
0xfb: {  	s20 =	sor.u32 s13, s12;
	_ =	swait.ge @!p1 [sflag:s22], $0x2800  }
0xfc: {  	s20 =	sshrl.u32 s20, $0x3;
	[sflag:s22] =	ssyncset.done @!p1 $0x0  }
0xfd: {  	s25 =	simm.s32 $0x180;
	s23 =	sadd.s32 s5, s20;
	[sflag:s22] =	ssyncadd.s32 @!p1 $0xFFFFD800  }
0xfe: {  	[tilespmem:s25], [sflag:$0x4] =	stream.linear.gather [hbm4b:s23+s3], $0x80, $0x38;
	[tilespmem:$0x1E400] =	vst v63  }
0xff: {  	s20 =	sadd.s32 s6, s20  }
0x100: {  	[tilespmem:s24], [sflag:$0x4] =	stream.linear.gather [hbm4b:s20+s3], $0x80, $0x38;
	[tilespmem:$0x1E400] =	vst v63  }
0x101: {  	_ =	swait.ge [sflag:s11], $0x80  }
0x102: {  	[sflag:s11] =	ssyncset.done $0x0  }
0x103: {  	[sflag:s11] =	ssyncadd.s32 $0xFFFFFF80  }
0x104: {  	_ =	swait.ge [sflag:s11], $0x80  }
0x105: {  	[sflag:s11] =	ssyncset.done $0x0  }
0x106: {  	s12 =	simm.s32 $0x5400;
	[sflag:s11] =	ssyncadd.s32 $0xFFFFFF80  }
0x107: {  	[tilespmem:s12], [sflag:$0x7] =	stream.indirect.gather [hbm4b:s4+s29], $0x80, s2, s29, $0xb8;
	[tilespmem:$0x1E400] =	vst v63  }
0x108: {  	_ =	swait.ge [sflag:s18], $0x2800  }
0x109: {  	[sflag:s18] =	ssyncset.done $0x0  }
0x10a: {  	s26 =	simm.s32 $0x280;
	[sflag:s18] =	ssyncadd.s32 $0xFFFFD800  }
0x10b: {  	[spmem:s9] =	stream.indirect.scatter.add.f32 [tilespmem:s10], [sflag:$0x9], $0x80, s26, s29, $0xb8;
	[tilespmem:$0x1E400] =	vst v63  }
0x10c: {  	_ =	swait.ge [sflag:s15], $0x2800  }
0x10d: {  	[sflag:s15] =	ssyncset.done $0x0  }
0x10e: {  	s18 =	sadd.s32 s5, s7;
	[sflag:s15] =	ssyncadd.s32 $0xFFFFD800  }
0x10f: {  	[tilespmem:s3], [sflag:$0x1] =	stream.linear.gather [hbm4b:s18+s3], $0x80, $0x38;
	[tilespmem:$0x1E400] =	vst v63  }
0x110: {  	s20 =	sadd.s32 s6, s7  }
0x111: {  	[tilespmem:s31], [sflag:$0x1] =	stream.linear.gather [hbm4b:s20+s3], $0x80, $0x38;
	[tilespmem:$0x1E400] =	vst v63  }
0x112: {  	_ =	swait.ge [sflag:s16], $0x80  }
0x113: {  	[sflag:s16] =	ssyncset.done $0x0  }
0x114: {  	[sflag:s16] =	ssyncadd.s32 $0xFFFFFF80  }
0x115: {  	_ =	swait.ge [sflag:s16], $0x80  }
0x116: {  	[sflag:s16] =	ssyncset.done $0x0  }
0x117: {  	p0 =	seq.s32 s21, $0x3C00;
	[sflag:s16] =	ssyncadd.s32 $0xFFFFFF80  }
0x118: {  	[tilespmem:s1], [sflag:$0x8] =	stream.indirect.gather [hbm4b:s4+s29], $0x80, s25, s29, $0xb8;
	[tilespmem:$0x1E400] =	vst v63  }
0x119: {  	s7 =	sadd.s32 @!p0 $0x280, s21;
	_ =	swait.ge [sflag:s17], $0x2800  }
0x11a: {  	s20 =	sand.u32 @!p0 $0x7C00, s7;
	[sflag:s17] =	ssyncset.done $0x0  }
0x11b: {  	s7 =	sand.u32 @!p0 $0x280, s7;
	s20 =	sadd.s32 @!p0 s13, s20;
	[sflag:s17] =	ssyncadd.s32 $0xFFFFD800  }
0x11c: {  	[spmem:s9] =	stream.indirect.scatter.add.f32 [tilespmem:s12], [sflag:$0x9], $0x80, s8, s29, $0xb8;
	[tilespmem:$0x1E400] =	vst v63  }
0x11d: {  	s7 =	sor.u32 @!p0 s7, s20;
	_ =	swait.ge [sflag:s15], $0x2800  }
0x11e: {  	s22 =	simm.s32 @!p0 $0x0;
	s7 =	sshrl.u32 @!p0 s7, $0x3;
	[sflag:s15] =	ssyncset.done $0x0  }
0x11f: {  	s20 =	simm.s32 @!p0 $0x80;
	s21 =	sadd.s32 @!p0 s5, s7;
	[sflag:s15] =	ssyncadd.s32 $0xFFFFD800  }
0x120: {  	[tilespmem:s20], [sflag:$0x2] =	stream.linear.gather @!p0 [hbm4b:s21+s22], $0x80, $0x38;
	[tilespmem:$0x1E400] =	vst v63  }
0x121: {  	s7 =	sadd.s32 @!p0 s6, s7;
	s20 =	simm.s32 @!p0 $0x280  }
0x122: {  	[tilespmem:s20], [sflag:$0x2] =	stream.linear.gather @!p0 [hbm4b:s7+s22], $0x80, $0x38;
	[tilespmem:$0x1E400] =	vst v63  }
0x123: {  	_ =	swait.ge [sflag:s28], $0x80  }
0x124: {  	[sflag:s28] =	ssyncset.done $0x0  }
0x125: {  	[sflag:s28] =	ssyncadd.s32 $0xFFFFFF80  }
0x126: {  	_ =	swait.ge [sflag:s28], $0x80  }
0x127: {  	[sflag:s28] =	ssyncset.done $0x0  }
0x128: {  	[sflag:s28] =	ssyncadd.s32 $0xFFFFFF80  }
0x129: {  	[tilespmem:s30], [sflag:$0x5] =	stream.indirect.gather [hbm4b:s4+s29], $0x80, s3, s29, $0xb8;
	[tilespmem:$0x1E400] =	vst v63  }
0x12a: {  	_ =	swait.ge [sflag:s19], $0x2800  }
0x12b: {  	[sflag:s19] =	ssyncset.done $0x0  }
0x12c: {  	[sflag:s19] =	ssyncadd.s32 $0xFFFFD800  }
0x12d: {  	[spmem:s9] =	stream.indirect.scatter.add.f32 [tilespmem:s1], [sflag:$0x9], $0x80, s24, s29, $0xb8;
	[tilespmem:$0x1E400] =	vst v63  }
0x12e: {  	_ =	swait.ge [sflag:s15], $0x2800  }
0x12f: {  	[sflag:s15] =	ssyncset.done $0x0  }
0x130: {  	[sflag:s15] =	ssyncadd.s32 $0xFFFFD800  }
0x131: {  	_ =	swait.ge [sflag:s14], $0x2800  }
0x132: {  	[sflag:s14] =	ssyncset.done $0x0  }
0x133: {  	[sflag:s14] =	ssyncadd.s32 $0xFFFFD800  }
0x134: {  	[spmem:s9] =	stream.indirect.scatter.add.f32 [tilespmem:s30], [sflag:$0x9], $0x80, s31, s29, $0xb8;
	[tilespmem:$0x1E400] =	vst v63  }
0x135: {  	_ =	swait.ge [sflag:s15], $0x2800  }
0x136: {  	[sflag:s15] =	ssyncset.done $0x0  }
0x137: {  	[sflag:s15] =	ssyncadd.s32 $0xFFFFD800  }
0x138: {  	_ =	swait.ge [sflag:s15], $0x2800  }
0x139: {  	[sflag:s15] =	ssyncset.done $0x0  }
0x13a: {  	[sflag:s15] =	ssyncadd.s32 $0xFFFFD800  }
0x13b: {  	s22 =	stileid.u32;
	[bflag:$0x0] =	sbarrier.arrive $0xFFFF  }
0x13c: {  	s7 =	sshll.u32 s22, $0x6;
	s22 =	simm.s32 $0xA;
	s21 =	rddreg [dreg:$0x3]  }
0x13d: {  	s7 =	sor.u32 $0x1C0A, s7;
	s24 =	rddreg [dreg:$0xf];
	s23 =	sshrl.u32 s21, $0x3  }
0x13e: {  	[hbm:s24], [sflag:s7] =	dma.local [spmem:s23], $0x2800  }
0x13f: {  	_ =	swait.ge [sflag:s22], $0x2800  }
0x140: {  	s25 =	rddreg [dreg:$0x11]  }
0x141: {  	s26 =	rddreg [dreg:$0x10];
	s20 =	sadd.s32 $0x1, s25  }
0x142: {  	s2 =	simm.s32 $0x100;
	p0 =	sne.s32 s20, s26  }
.Ltmp2:
0x143: {  	s10 =	simm.s32 $0x2C00;
	s18 =	simm.s32 $0x6;
	(pc) =	sbr.rel @p0 .LBB2_1-.Ltmp2, $4  }
0x144: {  	s17 =	simm.s32 $0x380;
	s12 =	simm.s32 $0x180;
	s8 =	simm.s32 $0x5400  }
0x145: {  	s19 =	simm.s32 $0x7C00;
	s1 =	simm.s32 $0x300;
	s14 =	simm.s32 $0x5  }
0x146: {  	s23 =	simm.s32 $0x80;
	s24 =	smov.u32 s9;
	[sflag:s22] =	ssyncset.done $0x0  }
0x147: {  	[sflag:s22] =	ssyncadd.s32 $0xFFFFD800;
	s25 =	simm.s32 $0x280;
	s26 =	simm.s32 $0x7  }
0x148: {  	_ =	sfence.sel $0x180000  }
0x149: {  	[bflag:$0x0] =	sbarrier.arrive $0xFFFF  }
0x14a: {  	_ =	strace $0x9000004A  }
0x14b: {  	s0 =	stileid.u32;
	[bflag:$0x2] =	sbarrier.arrive $0xFFFF  }
0x14c: {  	p0 =	sne.s32 s0, $0x0;
	s0 =	rddreg [dreg:$0x2]  }
0x14d: {  	s0 =	sadd.s32 @!p0 $0x100000, s0  }
0x14e: {  	[sflag:s0] =	ssyncadd.tile.s32 @!p0 $0x1;
	_ =	shalt  }
.Lfunc_end2:
_tile_overlayer_lowered:
.L_overlay_start_2:
0x14f: {  	(tag) =	ssettag $0x2  }
0x150: {  	s0 =	rddreg [dreg:$0x0];
	s2 =	stileid.u32  }
0x151: {  	s1 =	rddreg [dreg:$0x1];
	p0 =	sne.s32 s2, $0x0  }
0x152: {  	s3 =	rddreg [dreg:$0x2];
	[bflag:$0x3] =	sbarrier.arrive $0xFFFF;
	s2 =	simm.s32 @!p0 $0x1C0A  }
0x153: {  	[timem:s3], [sflag:s2] =	dma.local @!p0 [hbm:s0], s1  }
0x154: {  	s0 =	simm.s32 @!p0 $0xA  }
0x155: {  	_ =	swait.ge @!p0 [sflag:s0], s1  }
0x156: {  	s1 =	ssub.s32 @!p0 $0x0, s1;
	[sflag:s0] =	ssyncset.done @!p0 $0x0  }
0x157: {  	[sflag:s0] =	ssyncadd.s32 @!p0 s1  }
0x158: {  	[bflag:$0x3] =	sbarrier.arrive $0xFFFF  }
0x159: {  	_ =	shalt  }

// kernel: kernel.16.cloned.1.call-start
scs
__scs_entry_jumppad:
0x0: {  	(pc) =	sbr.rel $0x88, $3  }
0x1: {  	(tag) =	ssettag $0x0;
	lr =	simm.s32 $0x1  }
0x2: {  	[smem:$0x3F99] =	sst lr;
	_ =	strace $0xD0000000  }
0x3: {  	_ = 	snop  }
0x4: {  	_ = 	snop  }
0x5: {  	_ = 	snop  }
0x6: {  	_ = 	snop  }
0x7: {  	_ = 	snop  }
__scs_overlays_trampoline_lowered:
0x8: {  	[smem:$0x3FA8] =	sst s0  }
0x9: {  	[smem:$0x3FA9] =	sst s1  }
0xa: {  	[smem:$0x3FAA] =	sst s2  }
0xb: {  	[smem:$0x3FAB] =	sst s3  }
0xc: {  	[smem:$0x3FAC] =	sst s4  }
0xd: {  	[smem:$0x3FAD] =	sst s5  }
0xe: {  	[smem:$0x3FAE] =	sst s6  }
0xf: {  	[smem:$0x3FAF] =	sst s7  }
0x10: {  	[smem:$0x3FB0] =	sst s8  }
0x11: {  	[smem:$0x3FB1] =	sst s9;
	s0 =	simm.s32 @!p0 $0x0  }
0x12: {  	s1 =	sld [smem:$0x3F97];
	s0 =	simm.s32 @p0 $0x1  }
0x13: {  	[smem:$0x3FB2] =	sst s0;
	s0 =	simm.s32 @!p1 $0x0  }
0x14: {  	s2 =	sld [smem:$0x3F96];
	s0 =	simm.s32 @p1 $0x1  }
0x15: {  	[smem:$0x3FB3] =	sst s0;
	s0 =	simm.s32 @!p2 $0x0  }
0x16: {  	s3 =	sld [smem:$0x3FDB];
	s0 =	simm.s32 @p2 $0x1  }
0x17: {  	s4 =	simm.s32 $0x1BF5;
	[smem:$0x3FB5] =	sst s0  }
0x18: {  	s0 =	sld [smem:$0x3F98];
	_ =	swait.ge [sflag:s4], $0x0  }
0x19: {  	s7 =	sld [smem:$0x3F99]  }
0x1a: {  	s8 =	sadd.s32 $0xFFFFE003, lr  }
0x1b: {  	s9 =	sadd.s32 $0xFFFFFEF7, lr;
	s5 =	simm.s32 $0xFFFFFFFF;
	p2 =	slt.u32 s8, $0xFFFFF086  }
0x1c: {  	p1 =	slt.u32 s9, $0xF7A;
	s5 =	simm.s32 @!p2 $0x0  }
0x1d: {  	s5 =	simm.s32 @p1 $0x1;
	p0 =	seq.s32 s7, s2  }
0x1e: {  	s7 =	smul.u32 @!p0 $0xF7A, s2;
	p2 =	seq.s32 @!p0 s5, $0x0  }
0x1f: {  	s9 =	smul.u32 $0xF7A, s1;
	s8 =	simm.s32 @!p0 $0x1BF5;
	p2 =	por !p2, p0  }
0x20: {  	[sflag:s8] =	ssyncset.s32 @!p0 $0xFFFFF086;
	s6 =	sadd.s32 @!p0 s3, s7;
	s7 =	simm.s32 @!p0 $0x108  }
0x21: {  	s3 =	sadd.s32 s3, s9;
	s6 =	sadd.s32 @!p0 $0x88, s6;
	s7 =	simm.s32 @p2 $0x1082  }
0x22: {  	[simem:s7], [sflag:s8] =	dma.local @!p0 [hbm:s6], $0xF7A  }
0x23: {  	s9 =	sor.u32 $0xD0000000, s2;
	s6 =	simm.s32 $0x108;
	_ =	swait.ge @!p0 [sflag:s8], $0x0  }
0x24: {  	s3 =	sadd.s32 $0x88, s3;
	s6 =	simm.s32 @!p1 $0x1082;
	[sflag:s4] =	ssyncset.s32 $0xFFFFF086  }
0x25: {  	[simem:s6], [sflag:s4] =	dma.local [hbm:s3], $0xF7A  }
0x26: {  	[smem:$0x3F99] =	sst s1;
	(tag) =	ssettag s2;
	_ =	strace s9  }
0x27: {  	s1 =	sld [smem:$0x3FA9]  }
0x28: {  	s2 =	sld [smem:$0x3FAA]  }
0x29: {  	s4 =	sld [smem:$0x3FAC]  }
0x2a: {  	p0 =	seq.s32 s5, $0x0;
	s5 =	sld [smem:$0x3FAD]  }
0x2b: {  	s6 =	sld [smem:$0x3FAE]  }
0x2c: {  	s7 =	sld [smem:$0x3FAF]  }
0x2d: {  	s3 =	simm.s32 $0x108;
	s8 =	sld [smem:$0x3FB0]  }
0x2e: {  	s3 =	simm.s32 @!p0 $0x1082;
	s9 =	sld [smem:$0x3FB1]  }
0x2f: {  	lr =	sadd.s32 s0, s3;
	s0 =	sld [smem:$0x3FA8]  }
0x30: {  	s3 =	sld [smem:$0x3FAB]  }
0x31: {  	[smem:$0x3FB4] =	sst s10  }
0x32: {  	s10 =	sld [smem:$0x3FB2];
	_ =	sdelay $0x3  }
0x33: {  	p0 =	seq.s32 s10, $0x1;
	s10 =	sld [smem:$0x3FB4];
	_ =	sdelay $0x3  }
0x34: {  	[smem:$0x3FB4] =	sst s10  }
0x35: {  	s10 =	sld [smem:$0x3FB3];
	_ =	sdelay $0x3  }
0x36: {  	p1 =	seq.s32 s10, $0x1;
	s10 =	sld [smem:$0x3FB4];
	_ =	sdelay $0x3  }
0x37: {  	[smem:$0x3FB4] =	sst s10  }
0x38: {  	s10 =	sld [smem:$0x3FB5]  }
0x39: {  	_ = 	snop;
	(pc) =	sbr.ind lr, $3  }
0x3a: {  	_ = 	snop  }
0x3b: {  	_ = 	snop  }
0x3c: {  	p2 =	seq.s32 s10, $0x1;
	s10 =	sld [smem:$0x3FB4]  }
0x3d: {  	_ =	shalt  }
0x3e: {  	_ =	shalt  }
0x3f: {  	_ =	shalt  }
0x40: {  	_ =	shalt  }
0x41: {  	_ =	shalt  }
0x42: {  	_ =	shalt  }
0x43: {  	_ =	shalt  }
0x44: {  	_ =	shalt  }
0x45: {  	_ =	shalt  }
0x46: {  	_ =	shalt  }
0x47: {  	_ =	shalt  }
0x48: {  	_ =	shalt  }
0x49: {  	_ =	shalt  }
0x4a: {  	_ =	shalt  }
0x4b: {  	_ =	shalt  }
0x4c: {  	_ =	shalt  }
0x4d: {  	_ =	shalt  }
0x4e: {  	_ =	shalt  }
0x4f: {  	_ =	shalt  }
0x50: {  	_ =	shalt  }
0x51: {  	_ =	shalt  }
0x52: {  	_ =	shalt  }
0x53: {  	_ =	shalt  }
0x54: {  	_ =	shalt  }
0x55: {  	_ =	shalt  }
0x56: {  	_ =	shalt  }
0x57: {  	_ =	shalt  }
0x58: {  	_ =	shalt  }
0x59: {  	_ =	shalt  }
0x5a: {  	_ =	shalt  }
0x5b: {  	_ =	shalt  }
0x5c: {  	_ =	shalt  }
0x5d: {  	_ =	shalt  }
0x5e: {  	_ =	shalt  }
0x5f: {  	_ =	shalt  }
0x60: {  	_ =	shalt  }
0x61: {  	_ =	shalt  }
0x62: {  	_ =	shalt  }
0x63: {  	_ =	shalt  }
0x64: {  	_ =	shalt  }
0x65: {  	_ =	shalt  }
0x66: {  	_ =	shalt  }
0x67: {  	_ =	shalt  }
0x68: {  	_ =	shalt  }
0x69: {  	_ =	shalt  }
0x6a: {  	_ =	shalt  }
0x6b: {  	_ =	shalt  }
0x6c: {  	_ =	shalt  }
0x6d: {  	_ =	shalt  }
0x6e: {  	_ =	shalt  }
0x6f: {  	_ =	shalt  }
0x70: {  	_ =	shalt  }
0x71: {  	_ =	shalt  }
0x72: {  	_ =	shalt  }
0x73: {  	_ =	shalt  }
0x74: {  	_ =	shalt  }
0x75: {  	_ =	shalt  }
0x76: {  	_ =	shalt  }
0x77: {  	_ =	shalt  }
0x78: {  	_ =	shalt  }
0x79: {  	_ =	shalt  }
0x7a: {  	_ =	shalt  }
0x7b: {  	_ =	shalt  }
0x7c: {  	_ =	shalt  }
0x7d: {  	_ =	shalt  }
0x7e: {  	_ =	shalt  }
0x7f: {  	_ =	shalt  }
0x80: {  	_ =	shalt  }
0x81: {  	_ =	shalt  }
0x82: {  	_ =	shalt  }
0x83: {  	_ =	shalt  }
0x84: {  	_ =	shalt  }
0x85: {  	_ =	shalt  }
0x86: {  	_ =	shalt  }
0x87: {  	_ =	shalt  }
.Lfunc_end0:
.L_simem_size_0:
called_computation.2_lowered:
.L_overlay_start_0:
0x88: {  	s2 =	sld [smem:$0x3FD9]  }
0x89: {  	s3 =	sld [smem:$0x3FFE];
	_ =	sdelay $0x1  }
0x8a: {  	s1 =	srdreg.scid  }
0x8b: {  	s0 =	sand.u32 $0x1, s1  }
0x8c: {  	s16 =	sshll.u32 s0, $0xA;
	s2 =	sadd.s32 s3, s2  }
0x8d: {  	s2 =	sadd.s32 s2, s16  }
0x8e: {  	[smem:$0x3FC0] =	sst s2  }
0x8f: {  	_ = 	snop  }
0x90: {  	(tm) =	ssettm $0x1  }
0x91: {  	s17 =	sld [smem:$0x3FFB];
	_ =	sdelay $0x3  }
0x92: {  	_ =	strace s17  }
0x93: {  	s2 =	sld [smem:$0x3FFC];
	_ =	sdelay $0x3  }
0x94: {  	_ =	strace s2  }
0x95: {  	s2 =	sld [smem:$0x3FFD];
	_ =	sdelay $0x3  }
0x96: {  	_ =	strace s2  }
0x97: {  	_ =	strace $0x8FFFFFFF  }
0x98: {  	s18 =	sld [smem:$0x3FDB];
	_ =	sdelay $0x1  }
0x99: {  	s19 =	simm.s32 $_scs_section_size  }
0x9a: {  	s4 =	simm.s32 $_size__tile_overlayer_lowered;
	s5 =	simm.s32 $_tile_overlayer_lowered  }
0x9b: {  	s22 =	simm.s32 $0x1BFF;
	s21 =	sshll.u32 s5, $0x1;
	s2 =	sadd.s32 s19, s18  }
0x9c: {  	s6 =	simm.s32 $0x0;
	s20 =	sshll.u32 s4, $0x1;
	s4 =	sadd.s32 s21, s2  }
0x9d: {  	[timem:s6], [sflag:s22] =	dma.local [hbm:s4], s20  }
0x9e: {  	_ =	swait.ge [sflag:s22], s20  }
0x9f: {  	s3 =	ssub.s32 $0x0, s20;
	[sflag:s22] =	ssyncset.done $0x0  }
0xa0: {  	[sflag:s22] =	ssyncadd.s32 s3;
	_ =	sdelay $0x1  }
0xa1: {  	s23 =	simm.s32 $0x1B8B  }
0xa2: {  	_ =	swait.ge [sflag:s23], $0x1  }
0xa3: {  	[sflag:s23] =	ssyncset.done $0x0  }
0xa4: {  	s25 =	simm.s32 $0x1B8E;
	s24 =	sld [smem:$0x3FFE];
	[sflag:s23] =	ssyncadd.s32 $0xFFFFFFFF  }
0xa5: {  	s26 =	simm.s32 $execute0_lowered;
	[smem:$0x3FD2] =	sst s25  }
0xa6: {  	s4 =	sshll.u32 s26, $0x1;
	_ =	strace $0x8000004C;
	[dreg:$0x1] =	wrdreg $0xFFFFFFFF  }
0xa7: {  	s28 =	simm.s32 $_size_execute0_lowered;
	s2 =	sadd.s32 s2, s4;
	[dreg:$0x0] =	wrdreg $0x0  }
0xa8: {  	s4 =	sshll.u32 s28, $0x1;
	[dreg:$0x2] =	wrdreg s2  }
0xa9: {  	[dreg:$0x3] =	wrdreg s4  }
0xaa: {  	[dreg:$0x4] =	wrdreg $0xC0  }
0xab: {  	_ =	task [dreg:s6], $0x5FFFF  }
0xac: {  	[dreg:$0x1] =	wrdreg $0xFFFFFFFF  }
0xad: {  	[dreg:$0x0] =	wrdreg $0x60  }
0xae: {  	[dreg:$0x2] =	wrdreg s24  }
0xaf: {  	[dreg:$0x3] =	wrdreg $0xA4000  }
0xb0: {  	[dreg:$0x4] =	wrdreg $0x9  }
0xb1: {  	_ =	task.clear_ibuf [dreg:s6], $0x5FFFF;
	_ =	strace $0x9000004C  }
0xb2: {  	s29 =	simm.s32 $0x9;
	_ =	strace $0x8000004E  }
0xb3: {  	_ =	swait.ge [sflag:s29], $0x1  }
0xb4: {  	[sflag:s29] =	ssyncadd.s32 $0xFFFFFFFF  }
0xb5: {  	_ =	strace $0x9000004E  }
0xb6: {  	_ =	sfence  }
0xb7: {  	s30 =	sld [smem:$0x0];
	_ =	sdelay $0x2  }
0xb8: {  	s31 =	sshll.u32 s1, $0xD;
	s1 =	sshrl.u32 s1, $0x2  }
0xb9: {  	s3 =	sand.u32 $0x4000, s31;
	s1 =	sadd.s32 s1, s30  }
0xba: {  	s0 =	sor.u32 s3, s0;
	s1 =	sshll.u32 s1, $0x11  }
0xbb: {  	s0 =	sor.u32 s1, s0  }
0xbc: {  	s0 =	sadd.s32 $0x8F2B, s0  }
0xbd: {  	[sflag:s0] =	ssyncadd.remote.s32 $0x1  }
0xbe: {  	_ =	sfence.sel $0xFFFF  }
0xbf: {  	[dreg:$0x0] =	wrdreg $0xFFFFFFFF;
	(pc) =	sbr.abs _section_cstart, $3  }
0xc0: {  	[dreg:$0x1] =	wrdreg $0xFFFFFFFF  }
0xc1: {  	_ =	task.clear_ibuf [dreg:s6], $0x2FFFF;
	_ =	strace $0x9FFFFFFF  }
0xc2: {  	(tm) =	ssettm $0x7FFFFFFF  }
0xc3: {  	_ =	shalt  }
tec
execute0_lowered:
.L_overlay_start_1:
0x0: {  	(tag) =	ssettag $0x1  }
0x1: {  	s0 =	rddreg [dreg:$0x0]  }
0x2: {  	s24 =	rddreg [dreg:$0x1];
	s2 =	srdreg.scid;
	s3 =	simm.s32 $0x0  }
0x3: {  	s10 =	stileid.u32;
	s30 =	simm.s32 $0x400;
	s31 =	simm.s32 $0x200  }
0x4: {  	s28 =	simm.s32 $0x1;
	s29 =	simm.s32 $0x50;
	s1 =	simm.s32 $0x300  }
0x5: {  	s2 =	sand.u32 $0x1, s2;
	[smem:$0x7FF] =	sst s3;
	s8 =	smul.u32 $0x14000, s10  }
0x6: {  	s4 =	sadd.s32 $0x24400, s0;
	s9 =	smul.u32 $0x50000, s10;
	s5 =	sadd.s32 $0x14400, s0  }
0x7: {  	s6 =	sadd.s32 $0x4400, s0;
	s16 =	sshll.u32 s10, $0xE;
	s10 =	simm.s32 $0x2C00  }
0x8: {  	s7 =	smul.u32 $0x140000, s2;
	_ =	strace $0x8000004D;
	s9 =	sshrl.u32 s9, $0x2  }
0x9: {  	s11 =	ssub.s32 $0x2, s2;
	s2 =	sshll.u32 s2, $0x12;
	s21 =	sadd.s32 s9, s24  }
0xa: {  	s12 =	sshrl.u32 s11, $0x1;
	s13 =	sadd.s32 $0x2800, s21;
	[dreg:$0x3] =	wrdreg s21  }
0xb: {  	s7 =	sadd.s32 s8, s7;
	s14 =	sadd.s32 $0x5000, s21;
	[dreg:$0x4] =	wrdreg s13  }
0xc: {  	s8 =	simm.s32 $0x5400;
	s15 =	sadd.s32 $0x7800, s21;
	[dreg:$0x5] =	wrdreg s14  }
0xd: {  	s7 =	sshrl.u32 s7, $0x3;
	s9 =	sadd.s32 $0xA000, s21;
	[dreg:$0x6] =	wrdreg s15  }
0xe: {  	s17 =	sadd.s32 $0xC800, s21;
	s18 =	sadd.s32 $0xF000, s21;
	[dreg:$0x7] =	wrdreg s9  }
0xf: {  	s19 =	sadd.s32 $0x11800, s21;
	s0 =	sadd.s32 s7, s0;
	[dreg:$0x8] =	wrdreg s17  }
0x10: {  	s7 =	ssub.s32 s11, s12;
	s13 =	sor.u32 s16, s2;
	[dreg:$0x9] =	wrdreg s18  }
0x11: {  	[dreg:$0xa] =	wrdreg s19;
	s14 =	simm.s32 $0x5;
	s12 =	simm.s32 $0x180  }
0x12: {  	s17 =	simm.s32 $0x380;
	s11 =	simm.s32 $0x3;
	s18 =	simm.s32 $0x6  }
0x13: {  	s15 =	simm.s32 $0x9;
	s16 =	simm.s32 $0x4;
	s19 =	simm.s32 $0x7C00  }
0x14: {  	s20 =	sshrl.u32 s13, $0x3;
	s0 =	sadd.s32 $0x74400, s0;
	s26 =	smax.u32 s7, $0x1  }
0x15: {  	s22 =	sadd.s32 s5, s20;
	s23 =	sadd.s32 s6, s20;
	[dreg:$0xf] =	wrdreg s0  }
0x16: {  	s2 =	sor.u32 $0x10, s20;
	[dreg:$0x10] =	wrdreg s26;
	s0 =	simm.s32 $0x2  }
0x17: {  	s26 =	simm.s32 $0x7;
	s20 =	simm.s32 $0x0;
	[dreg:$0xb] =	wrdreg s22  }
0x18: {  	[dreg:$0xc] =	wrdreg s23;
	s25 =	sadd.s32 s5, s2;
	s2 =	sadd.s32 s6, s2  }
0x19: {  	s22 =	simm.s32 $0xA;
	s23 =	simm.s32 $0x80;
	[dreg:$0xd] =	wrdreg s25  }
0x1a: {  	v0 =	vimm.f32 $0.0e+00;
	[dreg:$0xe] =	wrdreg s2;
	s25 =	simm.s32 $0x280;
	s2 =	simm.s32 $0x100  }
.LBB2_1:
0x1b: {  	s9 =	smov.u32 s24  }
0x1c: {  	[dreg:$0x11] =	wrdreg s20;
	s7 =	simm.s32 $0x70;
	s20 =	simm.s32 $0x3C0  }
.LBB2_2:
0x1d: {  	p0 =	sne.s32 s20, $0x9FC0;
	[tilespmem:s7+$0x400] =	vst v0  }
0x1e: {  	[tilespmem:s7+$0x390] =	vst v0  }
0x1f: {  	[tilespmem:s7+$0x3A0] =	vst v0  }
.Ltmp0:
0x20: {  	[tilespmem:s7+$0x3B0] =	vst v0;
	(pc) =	sbr.rel @p0 .LBB2_2-.Ltmp0, $4  }
0x21: {  	[tilespmem:s7+$0x3C0] =	vst v0  }
0x22: {  	[tilespmem:s7+$0x3D0] =	vst v0  }
0x23: {  	[tilespmem:s7+$0x3E0] =	vst v0  }
0x24: {  	[tilespmem:s7+$0x3F0] =	vst v0;
	s7 =	sshra.s32 s20, $0x2;
	s20 =	sadd.s32 $0x200, s20  }
0x25: {  	[tilespmem:s7+$0x400] =	vst v0  }
0x26: {  	[tilespmem:s7+$0x390] =	vst v0  }
0x27: {  	[tilespmem:s7+$0x3A0] =	vst v0  }
0x28: {  	[tilespmem:s7+$0x3B0] =	vst v0  }
0x29: {  	[tilespmem:s7+$0x3C0] =	vst v0  }
0x2a: {  	[tilespmem:s7+$0x3D0] =	vst v0  }
0x2b: {  	[tilespmem:s7+$0x3E0] =	vst v0  }
0x2c: {  	[tilespmem:s7+$0x3F0] =	vst v0  }
0x2d: {  	[spmem:s21] =	stream.linear.scatter [tilespmem:s30], [sflag:$0xA], $0x2800, $0x38;
	[tilespmem:$0x1E400] =	vst v63  }
0x2e: {  	_ =	swait.ge [sflag:s22], $0x2800  }
0x2f: {  	[sflag:s22] =	ssyncset.done $0x0  }
0x30: {  	s21 =	rddreg [dreg:$0x4];
	[sflag:s22] =	ssyncadd.s32 $0xFFFFD800  }
0x31: {  	[spmem:s21] =	stream.linear.scatter [tilespmem:s30], [sflag:$0xA], $0x2800, $0x38;
	[tilespmem:$0x1E400] =	vst v63  }
0x32: {  	_ =	swait.ge [sflag:s22], $0x2800  }
0x33: {  	[sflag:s22] =	ssyncset.done $0x0  }
0x34: {  	s24 =	rddreg [dreg:$0x5];
	[sflag:s22] =	ssyncadd.s32 $0xFFFFD800  }
0x35: {  	[spmem:s24] =	stream.linear.scatter [tilespmem:s30], [sflag:$0xA], $0x2800, $0x38;
	[tilespmem:$0x1E400] =	vst v63  }
0x36: {  	_ =	swait.ge [sflag:s22], $0x2800  }
0x37: {  	[sflag:s22] =	ssyncset.done $0x0  }
0x38: {  	s20 =	rddreg [dreg:$0x6];
	[sflag:s22] =	ssyncadd.s32 $0xFFFFD800  }
0x39: {  	[spmem:s20] =	stream.linear.scatter [tilespmem:s30], [sflag:$0xA], $0x2800, $0x38;
	[tilespmem:$0x1E400] =	vst v63  }
0x3a: {  	_ =	swait.ge [sflag:s22], $0x2800  }
0x3b: {  	[sflag:s22] =	ssyncset.done $0x0  }
0x3c: {  	s21 =	rddreg [dreg:$0x7];
	[sflag:s22] =	ssyncadd.s32 $0xFFFFD800  }
0x3d: {  	[spmem:s21] =	stream.linear.scatter [tilespmem:s30], [sflag:$0xA], $0x2800, $0x38;
	[tilespmem:$0x1E400] =	vst v63  }
0x3e: {  	_ =	swait.ge [sflag:s22], $0x2800  }
0x3f: {  	[sflag:s22] =	ssyncset.done $0x0  }
0x40: {  	s24 =	rddreg [dreg:$0x8];
	[sflag:s22] =	ssyncadd.s32 $0xFFFFD800  }
0x41: {  	[spmem:s24] =	stream.linear.scatter [tilespmem:s30], [sflag:$0xA], $0x2800, $0x38;
	[tilespmem:$0x1E400] =	vst v63  }
0x42: {  	_ =	swait.ge [sflag:s22], $0x2800  }
0x43: {  	[sflag:s22] =	ssyncset.done $0x0  }
0x44: {  	s20 =	rddreg [dreg:$0x9];
	[sflag:s22] =	ssyncadd.s32 $0xFFFFD800  }
0x45: {  	[spmem:s20] =	stream.linear.scatter [tilespmem:s30], [sflag:$0xA], $0x2800, $0x38;
	[tilespmem:$0x1E400] =	vst v63  }
0x46: {  	_ =	swait.ge [sflag:s22], $0x2800  }
0x47: {  	[sflag:s22] =	ssyncset.done $0x0  }
0x48: {  	s21 =	rddreg [dreg:$0xa];
	[sflag:s22] =	ssyncadd.s32 $0xFFFFD800  }
0x49: {  	[spmem:s21] =	stream.linear.scatter [tilespmem:s30], [sflag:$0xA], $0x2800, $0x38;
	[tilespmem:$0x1E400] =	vst v63  }
0x4a: {  	_ =	swait.ge [sflag:s22], $0x2800  }
0x4b: {  	[sflag:s22] =	ssyncset.done $0x0  }
0x4c: {  	[sflag:s22] =	ssyncadd.s32 $0xFFFFD800  }
0x4d: {  	[bflag:$0x0] =	sbarrier.arrive $0xFFFF  }
0x4e: {  	s7 =	simm.s32 $0x0;
	s20 =	rddreg [dreg:$0xb]  }
0x4f: {  	[tilespmem:s7], [sflag:$0x1] =	stream.linear.gather [hbm4b:s20+s7], $0x80, $0x38;
	[tilespmem:$0x1E400] =	vst v63  }
0x50: {  	s22 =	rddreg [dreg:$0xc]  }
0x51: {  	[tilespmem:s31], [sflag:$0x1] =	stream.linear.gather [hbm4b:s22+s7], $0x80, $0x38;
	[tilespmem:$0x1E400] =	vst v63  }
0x52: {  	s24 =	rddreg [dreg:$0xd]  }
0x53: {  	[tilespmem:s23], [sflag:$0x2] =	stream.linear.gather [hbm4b:s24+s7], $0x80, $0x38;
	[tilespmem:$0x1E400] =	vst v63  }
0x54: {  	s21 =	rddreg [dreg:$0xe]  }
0x55: {  	[tilespmem:s25], [sflag:$0x2] =	stream.linear.gather [hbm4b:s21+s7], $0x80, $0x38;
	[tilespmem:$0x1E400] =	vst v63  }
0x56: {  	_ =	swait.ge [sflag:s28], $0x80  }
0x57: {  	[sflag:s28] =	ssyncset.done $0x0  }
0x58: {  	[sflag:s28] =	ssyncadd.s32 $0xFFFFFF80  }
0x59: {  	p0 =	por $0x1, $0x1;
	_ =	swait.ge [sflag:s28], $0x80  }
0x5a: {  	s20 =	sand.u32 @!p0 $0x200, s7;
	[sflag:s28] =	ssyncset.done $0x0  }
0x5b: {  	s21 =	sor.u32 @!p0 $0x100, s20;
	[sflag:s28] =	ssyncadd.s32 $0xFFFFFF80  }
0x5c: {  	[tilespmem:s30], [sflag:$0x5] =	stream.indirect.gather [hbm4b:s4+s29], $0x80, s7, s29, $0xb8;
	[tilespmem:$0x1E400] =	vst v63  }
0x5d: {  	s21 =	simm.s32 @p0 $0x100;
	s7 =	sand.u32 $0x3C00, s7  }
0x5e: {  	s23 =	simm.s32 @!p0 $0x9;
	s21 =	sor.u32 s21, s7  }
0x5f: {  	_ =	swait.ge @!p0 [sflag:s23], $0x2800;
	s21 =	sor.u32 s13, s21  }
0x60: {  	[sflag:s23] =	ssyncset.done @!p0 $0x0;
	s21 =	sshrl.u32 s21, $0x3  }
0x61: {  	[sflag:s23] =	ssyncadd.s32 @!p0 $0xFFFFD800;
	s24 =	sadd.s32 s5, s21  }
0x62: {  	[tilespmem:s2], [sflag:$0x3] =	stream.linear.gather [hbm4b:s24+s3], $0x80, $0x38;
	[tilespmem:$0x1E400] =	vst v63  }
0x63: {  	s21 =	sadd.s32 s6, s21  }
0x64: {  	[tilespmem:s1], [sflag:$0x3] =	stream.linear.gather [hbm4b:s21+s3], $0x80, $0x38;
	[tilespmem:$0x1E400] =	vst v63  }
0x65: {  	_ =	swait.ge [sflag:s0], $0x80  }
0x66: {  	[sflag:s0] =	ssyncset.done $0x0  }
0x67: {  	[sflag:s0] =	ssyncadd.s32 $0xFFFFFF80  }
0x68: {  	_ =	swait.ge [sflag:s0], $0x80  }
0x69: {  	[sflag:s0] =	ssyncset.done $0x0  }
0x6a: {  	s22 =	simm.s32 $0x80;
	[sflag:s0] =	ssyncadd.s32 $0xFFFFFF80  }
0x6b: {  	[tilespmem:s10], [sflag:$0x6] =	stream.indirect.gather [hbm4b:s4+s29], $0x80, s22, s29, $0xb8;
	[tilespmem:$0x1E400] =	vst v63  }
0x6c: {  	s20 =	sor.u32 @!p0 $0x180, s20;
	_ =	swait.ge [sflag:s14], $0x2800  }
0x6d: {  	s20 =	simm.s32 @p0 $0x180;
	[sflag:s14] =	ssyncset.done $0x0  }
0x6e: {  	s7 =	sor.u32 s20, s7;
	[sflag:s14] =	ssyncadd.s32 $0xFFFFD800  }
0x6f: {  	[spmem:s9] =	stream.indirect.scatter.add.f32 [tilespmem:s30], [sflag:$0x9], $0x80, s31, s29, $0xb8;
	[tilespmem:$0x1E400] =	vst v63  }
0x70: {  	s7 =	sor.u32 s13, s7;
	_ =	swait.ge @!p0 [sflag:s23], $0x2800  }
0x71: {  	s7 =	sshrl.u32 s7, $0x3;
	[sflag:s23] =	ssyncset.done @!p0 $0x0  }
0x72: {  	s22 =	sadd.s32 s5, s7;
	[sflag:s23] =	ssyncadd.s32 @!p0 $0xFFFFD800  }
0x73: {  	[tilespmem:s12], [sflag:$0x4] =	stream.linear.gather [hbm4b:s22+s3], $0x80, $0x38;
	[tilespmem:$0x1E400] =	vst v63  }
0x74: {  	s7 =	sadd.s32 s6, s7  }
0x75: {  	[tilespmem:s17], [sflag:$0x4] =	stream.linear.gather [hbm4b:s7+s3], $0x80, $0x38;
	[tilespmem:$0x1E400] =	vst v63  }
0x76: {  	_ =	swait.ge [sflag:s11], $0x80  }
0x77: {  	[sflag:s11] =	ssyncset.done $0x0  }
0x78: {  	[sflag:s11] =	ssyncadd.s32 $0xFFFFFF80  }
0x79: {  	_ =	swait.ge [sflag:s11], $0x80  }
0x7a: {  	[sflag:s11] =	ssyncset.done $0x0  }
0x7b: {  	[sflag:s11] =	ssyncadd.s32 $0xFFFFFF80  }
0x7c: {  	[tilespmem:s8], [sflag:$0x7] =	stream.indirect.gather [hbm4b:s4+s29], $0x80, s2, s29, $0xb8;
	[tilespmem:$0x1E400] =	vst v63  }
0x7d: {  	s21 =	simm.s32 $0x200;
	_ =	swait.ge [sflag:s18], $0x2800  }
0x7e: {  	s23 =	sand.u32 $0x7C00, s21;
	[sflag:s18] =	ssyncset.done $0x0  }
0x7f: {  	s24 =	sand.u32 $0x200, s21;
	s7 =	sadd.s32 s13, s23;
	[sflag:s18] =	ssyncadd.s32 $0xFFFFD800  }
0x80: {  	[spmem:s9] =	stream.indirect.scatter.add.f32 [tilespmem:s10], [sflag:$0x9], $0x80, s25, s29, $0xb8;
	[tilespmem:$0x1E400] =	vst v63  }
0x81: {  	s7 =	sor.u32 s24, s7;
	_ =	swait.ge [sflag:s15], $0x2800  }
0x82: {  	s7 =	sshrl.u32 s7, $0x3;
	[sflag:s15] =	ssyncset.done $0x0  }
0x83: {  	s25 =	sadd.s32 s5, s7;
	[sflag:s15] =	ssyncadd.s32 $0xFFFFD800  }
0x84: {  	[tilespmem:s3], [sflag:$0x1] =	stream.linear.gather [hbm4b:s25+s3], $0x80, $0x38;
	[tilespmem:$0x1E400] =	vst v63  }
0x85: {  	s7 =	sadd.s32 s6, s7  }
0x86: {  	[tilespmem:s31], [sflag:$0x1] =	stream.linear.gather [hbm4b:s7+s3], $0x80, $0x38;
	[tilespmem:$0x1E400] =	vst v63  }
0x87: {  	_ =	swait.ge [sflag:s16], $0x80  }
0x88: {  	[sflag:s16] =	ssyncset.done $0x0  }
0x89: {  	[sflag:s16] =	ssyncadd.s32 $0xFFFFFF80  }
0x8a: {  	_ =	swait.ge [sflag:s16], $0x80  }
0x8b: {  	p1 =	por $0x0, $0x0;
	p0 =	por $0x0, $0x0;
	[sflag:s16] =	ssyncset.done $0x0  }
0x8c: {  	s14 =	simm.s32 $0x5;
	s23 =	simm.s32 @!p0 $0x80;
	[sflag:s16] =	ssyncadd.s32 $0xFFFFFF80  }
0x8d: {  	[tilespmem:s19], [sflag:$0x8] =	stream.indirect.gather [hbm4b:s4+s29], $0x80, s12, s29, $0xb8;
	[tilespmem:$0x1E400] =	vst v63  }
0x8e: {  	s17 =	simm.s32 $0x7;
	s7 =	simm.s32 @!p0 $0x280;
	_ =	swait.ge [sflag:s26], $0x2800  }
0x8f: {  	s2 =	simm.s32 $0x100;
	s20 =	sand.u32 @!p0 $0x7C00, s7;
	[sflag:s26] =	ssyncset.done $0x0  }
0x90: {  	s7 =	sand.u32 @!p0 $0x280, s7;
	s20 =	sadd.s32 @!p0 s13, s20;
	[sflag:s26] =	ssyncadd.s32 $0xFFFFD800  }
0x91: {  	[spmem:s9] =	stream.indirect.scatter.add.f32 [tilespmem:s8], [sflag:$0x9], $0x80, s1, s29, $0xb8;
	[tilespmem:$0x1E400] =	vst v63  }
0x92: {  	s18 =	simm.s32 $0x6;
	s7 =	sor.u32 @!p0 s7, s20;
	_ =	swait.ge [sflag:s15], $0x2800  }
0x93: {  	s10 =	simm.s32 $0x2C00;
	s7 =	sshrl.u32 @!p0 s7, $0x3;
	[sflag:s15] =	ssyncset.done $0x0  }
0x94: {  	s25 =	simm.s32 @!p0 $0x0;
	s24 =	sadd.s32 @!p0 s5, s7;
	[sflag:s15] =	ssyncadd.s32 $0xFFFFD800  }
0x95: {  	[tilespmem:s23], [sflag:$0x2] =	stream.linear.gather @!p0 [hbm4b:s24+s25], $0x80, $0x38;
	[tilespmem:$0x1E400] =	vst v63  }
0x96: {  	s20 =	simm.s32 $0x400;
	s7 =	sadd.s32 @!p0 s6, s7;
	s24 =	simm.s32 @!p0 $0x280  }
0x97: {  	[tilespmem:s24], [sflag:$0x2] =	stream.linear.gather @!p0 [hbm4b:s7+s25], $0x80, $0x38;
	[tilespmem:$0x1E400] =	vst v63  }
0x98: {  	s31 =	sand.u32 $0x200, s20;
	s26 =	sand.u32 $0x7C00, s20;
	_ =	swait.ge [sflag:s28], $0x80  }
0x99: {  	s19 =	simm.s32 $0x8;
	s23 =	sadd.s32 s13, s26;
	[sflag:s28] =	ssyncset.done $0x0  }
0x9a: {  	s7 =	sor.u32 s31, s23;
	s23 =	sand.u32 @!p1 $0x200, s21;
	[sflag:s28] =	ssyncadd.s32 $0xFFFFFF80  }
0x9b: {  	s25 =	sand.u32 $0x3C00, s21;
	s7 =	sshrl.u32 s7, $0x3;
	_ =	swait.ge [sflag:s28], $0x80  }
0x9c: {  	s24 =	sor.u32 @!p1 $0x100, s23;
	s26 =	sor.u32 @!p1 $0x180, s23;
	[sflag:s28] =	ssyncset.done $0x0  }
.LBB2_4:
0x9d: {  	s24 =	simm.s32 @p1 $0x100;
	s26 =	simm.s32 @p1 $0x180;
	[sflag:s28] =	ssyncadd.s32 $0xFFFFFF80  }
0x9e: {  	s23 =	smov.u32 s20;
	s1 =	simm.s32 $0x380;
	s8 =	simm.s32 $0x7C00  }
0x9f: {  	[tilespmem:s30], [sflag:$0x5] =	stream.indirect.gather [hbm4b:s4+s29], $0x80, s3, s29, $0xb8;
	[tilespmem:$0x1E400] =	vst v63  }
0xa0: {  	s24 =	sor.u32 s24, s25;
	s25 =	sor.u32 s26, s25;
	_ =	swait.ge [sflag:s19], $0x2800  }
0xa1: {  	s24 =	sor.u32 s13, s24;
	s25 =	sor.u32 s13, s25;
	[sflag:s19] =	ssyncset.done $0x0  }
0xa2: {  	s26 =	simm.s32 @!p1 $0x9;
	s24 =	sshrl.u32 s24, $0x3;
	[sflag:s19] =	ssyncadd.s32 $0xFFFFD800  }
0xa3: {  	[spmem:s9] =	stream.indirect.scatter.add.f32 [tilespmem:s8], [sflag:$0x9], $0x80, s1, s29, $0xb8;
	[tilespmem:$0x1E400] =	vst v63  }
0xa4: {  	s20 =	sadd.s32 $0x200, s20;
	s22 =	sshrl.u32 s25, $0x3;
	_ =	swait.ge @!p1 [sflag:s26], $0x2800  }
0xa5: {  	s30 =	sand.u32 $0x200, s20;
	s25 =	sand.u32 $0x7C00, s20;
	[sflag:s26] =	ssyncset.done @!p1 $0x0  }
0xa6: {  	s25 =	sadd.s32 s13, s25;
	s31 =	sadd.s32 s5, s24;
	[sflag:s26] =	ssyncadd.s32 @!p1 $0xFFFFD800  }
0xa7: {  	[tilespmem:s2], [sflag:$0x3] =	stream.linear.gather [hbm4b:s31+s3], $0x80, $0x38;
	[tilespmem:$0x1E400] =	vst v63  }
0xa8: {  	s12 =	simm.s32 $0x300;
	p0 =	sne.s32 s20, $0x3E00;
	s31 =	simm.s32 $0x200  }
0xa9: {  	s24 =	sadd.s32 s6, s24;
	s25 =	sor.u32 s30, s25;
	s30 =	simm.s32 $0x400  }
0xaa: {  	[tilespmem:s12], [sflag:$0x3] =	stream.linear.gather [hbm4b:s24+s3], $0x80, $0x38;
	[tilespmem:$0x1E400] =	vst v63  }
0xab: {  	s25 =	sshrl.u32 s25, $0x3;
	_ =	swait.ge [sflag:s0], $0x80  }
0xac: {  	[sflag:s0] =	ssyncset.done $0x0  }
0xad: {  	[sflag:s0] =	ssyncadd.s32 $0xFFFFFF80  }
0xae: {  	_ =	swait.ge [sflag:s0], $0x80  }
0xaf: {  	[sflag:s0] =	ssyncset.done $0x0  }
0xb0: {  	s24 =	simm.s32 $0x80;
	[sflag:s0] =	ssyncadd.s32 $0xFFFFFF80  }
0xb1: {  	[tilespmem:s10], [sflag:$0x6] =	stream.indirect.gather [hbm4b:s4+s29], $0x80, s24, s29, $0xb8;
	[tilespmem:$0x1E400] =	vst v63  }
0xb2: {  	_ =	swait.ge [sflag:s14], $0x2800  }
0xb3: {  	[sflag:s14] =	ssyncset.done $0x0  }
0xb4: {  	[sflag:s14] =	ssyncadd.s32 $0xFFFFD800  }
0xb5: {  	[spmem:s9] =	stream.indirect.scatter.add.f32 [tilespmem:s30], [sflag:$0x9], $0x80, s31, s29, $0xb8;
	[tilespmem:$0x1E400] =	vst v63  }
0xb6: {  	_ =	swait.ge @!p1 [sflag:s26], $0x2800  }
0xb7: {  	[sflag:s26] =	ssyncset.done @!p1 $0x0  }
0xb8: {  	s24 =	sadd.s32 s5, s22;
	[sflag:s26] =	ssyncadd.s32 @!p1 $0xFFFFD800;
	s26 =	simm.s32 $0x180  }
0xb9: {  	[tilespmem:s26], [sflag:$0x4] =	stream.linear.gather [hbm4b:s24+s3], $0x80, $0x38;
	[tilespmem:$0x1E400] =	vst v63  }
0xba: {  	s22 =	sadd.s32 s6, s22  }
0xbb: {  	[tilespmem:s1], [sflag:$0x4] =	stream.linear.gather [hbm4b:s22+s3], $0x80, $0x38;
	[tilespmem:$0x1E400] =	vst v63  }
0xbc: {  	_ =	swait.ge [sflag:s11], $0x80  }
0xbd: {  	[sflag:s11] =	ssyncset.done $0x0  }
0xbe: {  	[sflag:s11] =	ssyncadd.s32 $0xFFFFFF80  }
0xbf: {  	_ =	swait.ge [sflag:s11], $0x80  }
0xc0: {  	[sflag:s11] =	ssyncset.done $0x0  }
0xc1: {  	s1 =	simm.s32 $0x5400;
	[sflag:s11] =	ssyncadd.s32 $0xFFFFFF80  }
0xc2: {  	[tilespmem:s1], [sflag:$0x7] =	stream.indirect.gather [hbm4b:s4+s29], $0x80, s2, s29, $0xb8;
	[tilespmem:$0x1E400] =	vst v63  }
0xc3: {  	_ =	swait.ge [sflag:s18], $0x2800  }
0xc4: {  	[sflag:s18] =	ssyncset.done $0x0  }
0xc5: {  	s22 =	simm.s32 $0x280;
	[sflag:s18] =	ssyncadd.s32 $0xFFFFD800  }
0xc6: {  	[spmem:s9] =	stream.indirect.scatter.add.f32 [tilespmem:s10], [sflag:$0x9], $0x80, s22, s29, $0xb8;
	[tilespmem:$0x1E400] =	vst v63  }
0xc7: {  	_ =	swait.ge [sflag:s15], $0x2800  }
0xc8: {  	[sflag:s15] =	ssyncset.done $0x0  }
0xc9: {  	s22 =	sadd.s32 s5, s7;
	[sflag:s15] =	ssyncadd.s32 $0xFFFFD800  }
0xca: {  	[tilespmem:s3], [sflag:$0x1] =	stream.linear.gather [hbm4b:s22+s3], $0x80, $0x38;
	[tilespmem:$0x1E400] =	vst v63  }
0xcb: {  	s22 =	sadd.s32 s6, s7;
	s7 =	smov.u32 s25  }
0xcc: {  	[tilespmem:s31], [sflag:$0x1] =	stream.linear.gather [hbm4b:s22+s3], $0x80, $0x38;
	[tilespmem:$0x1E400] =	vst v63  }
0xcd: {  	_ =	swait.ge [sflag:s16], $0x80  }
0xce: {  	[sflag:s16] =	ssyncset.done $0x0  }
0xcf: {  	[sflag:s16] =	ssyncadd.s32 $0xFFFFFF80  }
0xd0: {  	_ =	swait.ge [sflag:s16], $0x80  }
0xd1: {  	[sflag:s16] =	ssyncset.done $0x0  }
0xd2: {  	[sflag:s16] =	ssyncadd.s32 $0xFFFFFF80  }
0xd3: {  	[tilespmem:s8], [sflag:$0x8] =	stream.indirect.gather [hbm4b:s4+s29], $0x80, s26, s29, $0xb8;
	[tilespmem:$0x1E400] =	vst v63  }
0xd4: {  	p1 =	seq.s32 s21, $0x3C00;
	_ =	swait.ge [sflag:s17], $0x2800  }
0xd5: {  	s22 =	sadd.s32 @!p1 $0x280, s21;
	s21 =	smov.u32 s23;
	[sflag:s17] =	ssyncset.done $0x0  }
0xd6: {  	s23 =	sand.u32 @!p1 $0x7C00, s22;
	s22 =	sand.u32 @!p1 $0x280, s22;
	[sflag:s17] =	ssyncadd.s32 $0xFFFFD800  }
0xd7: {  	[spmem:s9] =	stream.indirect.scatter.add.f32 [tilespmem:s1], [sflag:$0x9], $0x80, s12, s29, $0xb8;
	[tilespmem:$0x1E400] =	vst v63  }
0xd8: {  	s23 =	sadd.s32 @!p1 s13, s23;
	_ =	swait.ge [sflag:s15], $0x2800  }
0xd9: {  	s22 =	sor.u32 @!p1 s22, s23;
	[sflag:s15] =	ssyncset.done $0x0  }
0xda: {  	s23 =	simm.s32 @!p1 $0x80;
	s22 =	sshrl.u32 @!p1 s22, $0x3;
	[sflag:s15] =	ssyncadd.s32 $0xFFFFD800  }
0xdb: {  	s25 =	simm.s32 @!p1 $0x0;
	s24 =	sadd.s32 @!p1 s5, s22;
	s22 =	sadd.s32 @!p1 s6, s22  }
0xdc: {  	[tilespmem:s23], [sflag:$0x2] =	stream.linear.gather @!p1 [hbm4b:s24+s25], $0x80, $0x38;
	[tilespmem:$0x1E400] =	vst v63  }
0xdd: {  	s23 =	simm.s32 @!p1 $0x280  }
0xde: {  	[tilespmem:s23], [sflag:$0x2] =	stream.linear.gather @!p1 [hbm4b:s22+s25], $0x80, $0x38;
	[tilespmem:$0x1E400] =	vst v63  }
.Ltmp1:
0xdf: {  	_ =	swait.ge [sflag:s28], $0x80;
	(pc) =	sbr.rel @p0 .LBB2_4-.Ltmp1, $4  }
0xe0: {  	[sflag:s28] =	ssyncset.done $0x0  }
0xe1: {  	p1 =	seq.s32 s21, $0x0;
	[sflag:s28] =	ssyncadd.s32 $0xFFFFFF80  }
0xe2: {  	s25 =	sand.u32 $0x3C00, s21;
	s22 =	sand.u32 @!p1 $0x200, s21;
	_ =	swait.ge [sflag:s28], $0x80  }
0xe3: {  	s24 =	sor.u32 @!p1 $0x100, s22;
	s26 =	sor.u32 @!p1 $0x180, s22;
	[sflag:s28] =	ssyncset.done $0x0  }
0xe4: {  	[sflag:s28] =	ssyncadd.s32 $0xFFFFFF80  }
0xe5: {  	[tilespmem:s30], [sflag:$0x5] =	stream.indirect.gather [hbm4b:s4+s29], $0x80, s3, s29, $0xb8;
	[tilespmem:$0x1E400] =	vst v63  }
0xe6: {  	s24 =	simm.s32 @p1 $0x100;
	_ =	swait.ge [sflag:s19], $0x2800  }
0xe7: {  	s22 =	simm.s32 @!p1 $0x9;
	s1 =	simm.s32 $0x7C00;
	[sflag:s19] =	ssyncset.done $0x0  }
0xe8: {  	s20 =	sor.u32 s24, s25;
	s24 =	simm.s32 $0x380;
	[sflag:s19] =	ssyncadd.s32 $0xFFFFD800  }
0xe9: {  	[spmem:s9] =	stream.indirect.scatter.add.f32 [tilespmem:s1], [sflag:$0x9], $0x80, s24, s29, $0xb8;
	[tilespmem:$0x1E400] =	vst v63  }
0xea: {  	s20 =	sor.u32 s13, s20;
	_ =	swait.ge @!p1 [sflag:s22], $0x2800  }
0xeb: {  	s20 =	sshrl.u32 s20, $0x3;
	[sflag:s22] =	ssyncset.done @!p1 $0x0  }
0xec: {  	s23 =	sadd.s32 s5, s20;
	[sflag:s22] =	ssyncadd.s32 @!p1 $0xFFFFD800  }
0xed: {  	[tilespmem:s2], [sflag:$0x3] =	stream.linear.gather [hbm4b:s23+s3], $0x80, $0x38;
	[tilespmem:$0x1E400] =	vst v63  }
0xee: {  	s8 =	simm.s32 $0x300;
	s20 =	sadd.s32 s6, s20  }
0xef: {  	[tilespmem:s8], [sflag:$0x3] =	stream.linear.gather [hbm4b:s20+s3], $0x80, $0x38;
	[tilespmem:$0x1E400] =	vst v63  }
0xf0: {  	_ =	swait.ge [sflag:s0], $0x80  }
0xf1: {  	[sflag:s0] =	ssyncset.done $0x0  }
0xf2: {  	[sflag:s0] =	ssyncadd.s32 $0xFFFFFF80  }
0xf3: {  	_ =	swait.ge [sflag:s0], $0x80  }
0xf4: {  	[sflag:s0] =	ssyncset.done $0x0  }
0xf5: {  	s23 =	simm.s32 $0x80;
	[sflag:s0] =	ssyncadd.s32 $0xFFFFFF80  }
0xf6: {  	[tilespmem:s10], [sflag:$0x6] =	stream.indirect.gather [hbm4b:s4+s29], $0x80, s23, s29, $0xb8;
	[tilespmem:$0x1E400] =	vst v63  }
0xf7: {  	_ =	swait.ge [sflag:s14], $0x2800  }
0xf8: {  	s26 =	simm.s32 @p1 $0x180;
	[sflag:s14] =	ssyncset.done $0x0  }
0xf9: {  	s12 =	sor.u32 s26, s25;
	[sflag:s14] =	ssyncadd.s32 $0xFFFFD800  }
0xfa: {  	[spmem:s9] =	stream.indirect.scatter.add.f32 [tilespmem:s30], [sflag:$0x9], $0x80, s31, s29, $0xb8;
	[tilespmem:$0x1E400] =	vst v63  }
0xfb: {  	s20 =	sor.u32 s13, s12;
	_ =	swait.ge @!p1 [sflag:s22], $0x2800  }
0xfc: {  	s20 =	sshrl.u32 s20, $0x3;
	[sflag:s22] =	ssyncset.done @!p1 $0x0  }
0xfd: {  	s25 =	simm.s32 $0x180;
	s23 =	sadd.s32 s5, s20;
	[sflag:s22] =	ssyncadd.s32 @!p1 $0xFFFFD800  }
0xfe: {  	[tilespmem:s25], [sflag:$0x4] =	stream.linear.gather [hbm4b:s23+s3], $0x80, $0x38;
	[tilespmem:$0x1E400] =	vst v63  }
0xff: {  	s20 =	sadd.s32 s6, s20  }
0x100: {  	[tilespmem:s24], [sflag:$0x4] =	stream.linear.gather [hbm4b:s20+s3], $0x80, $0x38;
	[tilespmem:$0x1E400] =	vst v63  }
0x101: {  	_ =	swait.ge [sflag:s11], $0x80  }
0x102: {  	[sflag:s11] =	ssyncset.done $0x0  }
0x103: {  	[sflag:s11] =	ssyncadd.s32 $0xFFFFFF80  }
0x104: {  	_ =	swait.ge [sflag:s11], $0x80  }
0x105: {  	[sflag:s11] =	ssyncset.done $0x0  }
0x106: {  	s12 =	simm.s32 $0x5400;
	[sflag:s11] =	ssyncadd.s32 $0xFFFFFF80  }
0x107: {  	[tilespmem:s12], [sflag:$0x7] =	stream.indirect.gather [hbm4b:s4+s29], $0x80, s2, s29, $0xb8;
	[tilespmem:$0x1E400] =	vst v63  }
0x108: {  	_ =	swait.ge [sflag:s18], $0x2800  }
0x109: {  	[sflag:s18] =	ssyncset.done $0x0  }
0x10a: {  	s26 =	simm.s32 $0x280;
	[sflag:s18] =	ssyncadd.s32 $0xFFFFD800  }
0x10b: {  	[spmem:s9] =	stream.indirect.scatter.add.f32 [tilespmem:s10], [sflag:$0x9], $0x80, s26, s29, $0xb8;
	[tilespmem:$0x1E400] =	vst v63  }
0x10c: {  	_ =	swait.ge [sflag:s15], $0x2800  }
0x10d: {  	[sflag:s15] =	ssyncset.done $0x0  }
0x10e: {  	s18 =	sadd.s32 s5, s7;
	[sflag:s15] =	ssyncadd.s32 $0xFFFFD800  }
0x10f: {  	[tilespmem:s3], [sflag:$0x1] =	stream.linear.gather [hbm4b:s18+s3], $0x80, $0x38;
	[tilespmem:$0x1E400] =	vst v63  }
0x110: {  	s20 =	sadd.s32 s6, s7  }
0x111: {  	[tilespmem:s31], [sflag:$0x1] =	stream.linear.gather [hbm4b:s20+s3], $0x80, $0x38;
	[tilespmem:$0x1E400] =	vst v63  }
0x112: {  	_ =	swait.ge [sflag:s16], $0x80  }
0x113: {  	[sflag:s16] =	ssyncset.done $0x0  }
0x114: {  	[sflag:s16] =	ssyncadd.s32 $0xFFFFFF80  }
0x115: {  	_ =	swait.ge [sflag:s16], $0x80  }
0x116: {  	[sflag:s16] =	ssyncset.done $0x0  }
0x117: {  	p0 =	seq.s32 s21, $0x3C00;
	[sflag:s16] =	ssyncadd.s32 $0xFFFFFF80  }
0x118: {  	[tilespmem:s1], [sflag:$0x8] =	stream.indirect.gather [hbm4b:s4+s29], $0x80, s25, s29, $0xb8;
	[tilespmem:$0x1E400] =	vst v63  }
0x119: {  	s7 =	sadd.s32 @!p0 $0x280, s21;
	_ =	swait.ge [sflag:s17], $0x2800  }
0x11a: {  	s20 =	sand.u32 @!p0 $0x7C00, s7;
	[sflag:s17] =	ssyncset.done $0x0  }
0x11b: {  	s7 =	sand.u32 @!p0 $0x280, s7;
	s20 =	sadd.s32 @!p0 s13, s20;
	[sflag:s17] =	ssyncadd.s32 $0xFFFFD800  }
0x11c: {  	[spmem:s9] =	stream.indirect.scatter.add.f32 [tilespmem:s12], [sflag:$0x9], $0x80, s8, s29, $0xb8;
	[tilespmem:$0x1E400] =	vst v63  }
0x11d: {  	s7 =	sor.u32 @!p0 s7, s20;
	_ =	swait.ge [sflag:s15], $0x2800  }
0x11e: {  	s22 =	simm.s32 @!p0 $0x0;
	s7 =	sshrl.u32 @!p0 s7, $0x3;
	[sflag:s15] =	ssyncset.done $0x0  }
0x11f: {  	s20 =	simm.s32 @!p0 $0x80;
	s21 =	sadd.s32 @!p0 s5, s7;
	[sflag:s15] =	ssyncadd.s32 $0xFFFFD800  }
0x120: {  	[tilespmem:s20], [sflag:$0x2] =	stream.linear.gather @!p0 [hbm4b:s21+s22], $0x80, $0x38;
	[tilespmem:$0x1E400] =	vst v63  }
0x121: {  	s7 =	sadd.s32 @!p0 s6, s7;
	s20 =	simm.s32 @!p0 $0x280  }
0x122: {  	[tilespmem:s20], [sflag:$0x2] =	stream.linear.gather @!p0 [hbm4b:s7+s22], $0x80, $0x38;
	[tilespmem:$0x1E400] =	vst v63  }
0x123: {  	_ =	swait.ge [sflag:s28], $0x80  }
0x124: {  	[sflag:s28] =	ssyncset.done $0x0  }
0x125: {  	[sflag:s28] =	ssyncadd.s32 $0xFFFFFF80  }
0x126: {  	_ =	swait.ge [sflag:s28], $0x80  }
0x127: {  	[sflag:s28] =	ssyncset.done $0x0  }
0x128: {  	[sflag:s28] =	ssyncadd.s32 $0xFFFFFF80  }
0x129: {  	[tilespmem:s30], [sflag:$0x5] =	stream.indirect.gather [hbm4b:s4+s29], $0x80, s3, s29, $0xb8;
	[tilespmem:$0x1E400] =	vst v63  }
0x12a: {  	_ =	swait.ge [sflag:s19], $0x2800  }
0x12b: {  	[sflag:s19] =	ssyncset.done $0x0  }
0x12c: {  	[sflag:s19] =	ssyncadd.s32 $0xFFFFD800  }
0x12d: {  	[spmem:s9] =	stream.indirect.scatter.add.f32 [tilespmem:s1], [sflag:$0x9], $0x80, s24, s29, $0xb8;
	[tilespmem:$0x1E400] =	vst v63  }
0x12e: {  	_ =	swait.ge [sflag:s15], $0x2800  }
0x12f: {  	[sflag:s15] =	ssyncset.done $0x0  }
0x130: {  	[sflag:s15] =	ssyncadd.s32 $0xFFFFD800  }
0x131: {  	_ =	swait.ge [sflag:s14], $0x2800  }
0x132: {  	[sflag:s14] =	ssyncset.done $0x0  }
0x133: {  	[sflag:s14] =	ssyncadd.s32 $0xFFFFD800  }
0x134: {  	[spmem:s9] =	stream.indirect.scatter.add.f32 [tilespmem:s30], [sflag:$0x9], $0x80, s31, s29, $0xb8;
	[tilespmem:$0x1E400] =	vst v63  }
0x135: {  	_ =	swait.ge [sflag:s15], $0x2800  }
0x136: {  	[sflag:s15] =	ssyncset.done $0x0  }
0x137: {  	[sflag:s15] =	ssyncadd.s32 $0xFFFFD800  }
0x138: {  	_ =	swait.ge [sflag:s15], $0x2800  }
0x139: {  	[sflag:s15] =	ssyncset.done $0x0  }
0x13a: {  	[sflag:s15] =	ssyncadd.s32 $0xFFFFD800  }
0x13b: {  	s22 =	stileid.u32;
	[bflag:$0x0] =	sbarrier.arrive $0xFFFF  }
0x13c: {  	s7 =	sshll.u32 s22, $0x6;
	s22 =	simm.s32 $0xA;
	s21 =	rddreg [dreg:$0x3]  }
0x13d: {  	s7 =	sor.u32 $0x1C0A, s7;
	s24 =	rddreg [dreg:$0xf];
	s23 =	sshrl.u32 s21, $0x3  }
0x13e: {  	[hbm:s24], [sflag:s7] =	dma.local [spmem:s23], $0x2800  }
0x13f: {  	_ =	swait.ge [sflag:s22], $0x2800  }
0x140: {  	s25 =	rddreg [dreg:$0x11]  }
0x141: {  	s26 =	rddreg [dreg:$0x10];
	s20 =	sadd.s32 $0x1, s25  }
0x142: {  	s2 =	simm.s32 $0x100;
	p0 =	sne.s32 s20, s26  }
.Ltmp2:
0x143: {  	s10 =	simm.s32 $0x2C00;
	s18 =	simm.s32 $0x6;
	(pc) =	sbr.rel @p0 .LBB2_1-.Ltmp2, $4  }
0x144: {  	s17 =	simm.s32 $0x380;
	s12 =	simm.s32 $0x180;
	s8 =	simm.s32 $0x5400  }
0x145: {  	s19 =	simm.s32 $0x7C00;
	s1 =	simm.s32 $0x300;
	s14 =	simm.s32 $0x5  }
0x146: {  	s23 =	simm.s32 $0x80;
	s24 =	smov.u32 s9;
	[sflag:s22] =	ssyncset.done $0x0  }
0x147: {  	[sflag:s22] =	ssyncadd.s32 $0xFFFFD800;
	s25 =	simm.s32 $0x280;
	s26 =	simm.s32 $0x7  }
0x148: {  	_ =	sfence.sel $0x180000  }
0x149: {  	[bflag:$0x0] =	sbarrier.arrive $0xFFFF  }
0x14a: {  	_ =	strace $0x9000004D  }
0x14b: {  	s0 =	stileid.u32;
	[bflag:$0x2] =	sbarrier.arrive $0xFFFF  }
0x14c: {  	p0 =	sne.s32 s0, $0x0;
	s0 =	rddreg [dreg:$0x2]  }
0x14d: {  	s0 =	sadd.s32 @!p0 $0x100000, s0  }
0x14e: {  	[sflag:s0] =	ssyncadd.tile.s32 @!p0 $0x1;
	_ =	shalt  }
.Lfunc_end2:
_tile_overlayer_lowered:
.L_overlay_start_2:
0x14f: {  	(tag) =	ssettag $0x2  }
0x150: {  	s0 =	rddreg [dreg:$0x0];
	s2 =	stileid.u32  }
0x151: {  	s1 =	rddreg [dreg:$0x1];
	p0 =	sne.s32 s2, $0x0  }
0x152: {  	s3 =	rddreg [dreg:$0x2];
	[bflag:$0x3] =	sbarrier.arrive $0xFFFF;
	s2 =	simm.s32 @!p0 $0x1C0A  }
0x153: {  	[timem:s3], [sflag:s2] =	dma.local @!p0 [hbm:s0], s1  }
0x154: {  	s0 =	simm.s32 @!p0 $0xA  }
0x155: {  	_ =	swait.ge @!p0 [sflag:s0], s1  }
0x156: {  	s1 =	ssub.s32 @!p0 $0x0, s1;
	[sflag:s0] =	ssyncset.done @!p0 $0x0  }
0x157: {  	[sflag:s0] =	ssyncadd.s32 @!p0 s1  }
0x158: {  	[bflag:$0x3] =	sbarrier.arrive $0xFFFF  }
0x159: {  	_ =	shalt  }

// kernel: kernel.19.cloned.1.call-start
scs
__scs_entry_jumppad:
0x0: {  	(pc) =	sbr.rel $0x88, $3  }
0x1: {  	(tag) =	ssettag $0x0;
	lr =	simm.s32 $0x1  }
0x2: {  	[smem:$0x3F99] =	sst lr;
	_ =	strace $0xD0000000  }
0x3: {  	_ = 	snop  }
0x4: {  	_ = 	snop  }
0x5: {  	_ = 	snop  }
0x6: {  	_ = 	snop  }
0x7: {  	_ = 	snop  }
__scs_overlays_trampoline_lowered:
0x8: {  	[smem:$0x3FA8] =	sst s0  }
0x9: {  	[smem:$0x3FA9] =	sst s1  }
0xa: {  	[smem:$0x3FAA] =	sst s2  }
0xb: {  	[smem:$0x3FAB] =	sst s3  }
0xc: {  	[smem:$0x3FAC] =	sst s4  }
0xd: {  	[smem:$0x3FAD] =	sst s5  }
0xe: {  	[smem:$0x3FAE] =	sst s6  }
0xf: {  	[smem:$0x3FAF] =	sst s7  }
0x10: {  	[smem:$0x3FB0] =	sst s8  }
0x11: {  	[smem:$0x3FB1] =	sst s9;
	s0 =	simm.s32 @!p0 $0x0  }
0x12: {  	s1 =	sld [smem:$0x3F97];
	s0 =	simm.s32 @p0 $0x1  }
0x13: {  	[smem:$0x3FB2] =	sst s0;
	s0 =	simm.s32 @!p1 $0x0  }
0x14: {  	s2 =	sld [smem:$0x3F96];
	s0 =	simm.s32 @p1 $0x1  }
0x15: {  	[smem:$0x3FB3] =	sst s0;
	s0 =	simm.s32 @!p2 $0x0  }
0x16: {  	s3 =	sld [smem:$0x3FDB];
	s0 =	simm.s32 @p2 $0x1  }
0x17: {  	s4 =	simm.s32 $0x1BF5;
	[smem:$0x3FB5] =	sst s0  }
0x18: {  	s0 =	sld [smem:$0x3F98];
	_ =	swait.ge [sflag:s4], $0x0  }
0x19: {  	s7 =	sld [smem:$0x3F99]  }
0x1a: {  	s8 =	sadd.s32 $0xFFFFE003, lr  }
0x1b: {  	s9 =	sadd.s32 $0xFFFFFEF7, lr;
	s5 =	simm.s32 $0xFFFFFFFF;
	p2 =	slt.u32 s8, $0xFFFFF086  }
0x1c: {  	p1 =	slt.u32 s9, $0xF7A;
	s5 =	simm.s32 @!p2 $0x0  }
0x1d: {  	s5 =	simm.s32 @p1 $0x1;
	p0 =	seq.s32 s7, s2  }
0x1e: {  	s7 =	smul.u32 @!p0 $0xF7A, s2;
	p2 =	seq.s32 @!p0 s5, $0x0  }
0x1f: {  	s9 =	smul.u32 $0xF7A, s1;
	s8 =	simm.s32 @!p0 $0x1BF5;
	p2 =	por !p2, p0  }
0x20: {  	[sflag:s8] =	ssyncset.s32 @!p0 $0xFFFFF086;
	s6 =	sadd.s32 @!p0 s3, s7;
	s7 =	simm.s32 @!p0 $0x108  }
0x21: {  	s3 =	sadd.s32 s3, s9;
	s6 =	sadd.s32 @!p0 $0x88, s6;
	s7 =	simm.s32 @p2 $0x1082  }
0x22: {  	[simem:s7], [sflag:s8] =	dma.local @!p0 [hbm:s6], $0xF7A  }
0x23: {  	s9 =	sor.u32 $0xD0000000, s2;
	s6 =	simm.s32 $0x108;
	_ =	swait.ge @!p0 [sflag:s8], $0x0  }
0x24: {  	s3 =	sadd.s32 $0x88, s3;
	s6 =	simm.s32 @!p1 $0x1082;
	[sflag:s4] =	ssyncset.s32 $0xFFFFF086  }
0x25: {  	[simem:s6], [sflag:s4] =	dma.local [hbm:s3], $0xF7A  }
0x26: {  	[smem:$0x3F99] =	sst s1;
	(tag) =	ssettag s2;
	_ =	strace s9  }
0x27: {  	s1 =	sld [smem:$0x3FA9]  }
0x28: {  	s2 =	sld [smem:$0x3FAA]  }
0x29: {  	s4 =	sld [smem:$0x3FAC]  }
0x2a: {  	p0 =	seq.s32 s5, $0x0;
	s5 =	sld [smem:$0x3FAD]  }
0x2b: {  	s6 =	sld [smem:$0x3FAE]  }
0x2c: {  	s7 =	sld [smem:$0x3FAF]  }
0x2d: {  	s3 =	simm.s32 $0x108;
	s8 =	sld [smem:$0x3FB0]  }
0x2e: {  	s3 =	simm.s32 @!p0 $0x1082;
	s9 =	sld [smem:$0x3FB1]  }
0x2f: {  	lr =	sadd.s32 s0, s3;
	s0 =	sld [smem:$0x3FA8]  }
0x30: {  	s3 =	sld [smem:$0x3FAB]  }
0x31: {  	[smem:$0x3FB4] =	sst s10  }
0x32: {  	s10 =	sld [smem:$0x3FB2];
	_ =	sdelay $0x3  }
0x33: {  	p0 =	seq.s32 s10, $0x1;
	s10 =	sld [smem:$0x3FB4];
	_ =	sdelay $0x3  }
0x34: {  	[smem:$0x3FB4] =	sst s10  }
0x35: {  	s10 =	sld [smem:$0x3FB3];
	_ =	sdelay $0x3  }
0x36: {  	p1 =	seq.s32 s10, $0x1;
	s10 =	sld [smem:$0x3FB4];
	_ =	sdelay $0x3  }
0x37: {  	[smem:$0x3FB4] =	sst s10  }
0x38: {  	s10 =	sld [smem:$0x3FB5]  }
0x39: {  	_ = 	snop;
	(pc) =	sbr.ind lr, $3  }
0x3a: {  	_ = 	snop  }
0x3b: {  	_ = 	snop  }
0x3c: {  	p2 =	seq.s32 s10, $0x1;
	s10 =	sld [smem:$0x3FB4]  }
0x3d: {  	_ =	shalt  }
0x3e: {  	_ =	shalt  }
0x3f: {  	_ =	shalt  }
0x40: {  	_ =	shalt  }
0x41: {  	_ =	shalt  }
0x42: {  	_ =	shalt  }
0x43: {  	_ =	shalt  }
0x44: {  	_ =	shalt  }
0x45: {  	_ =	shalt  }
0x46: {  	_ =	shalt  }
0x47: {  	_ =	shalt  }
0x48: {  	_ =	shalt  }
0x49: {  	_ =	shalt  }
0x4a: {  	_ =	shalt  }
0x4b: {  	_ =	shalt  }
0x4c: {  	_ =	shalt  }
0x4d: {  	_ =	shalt  }
0x4e: {  	_ =	shalt  }
0x4f: {  	_ =	shalt  }
0x50: {  	_ =	shalt  }
0x51: {  	_ =	shalt  }
0x52: {  	_ =	shalt  }
0x53: {  	_ =	shalt  }
0x54: {  	_ =	shalt  }
0x55: {  	_ =	shalt  }
0x56: {  	_ =	shalt  }
0x57: {  	_ =	shalt  }
0x58: {  	_ =	shalt  }
0x59: {  	_ =	shalt  }
0x5a: {  	_ =	shalt  }
0x5b: {  	_ =	shalt  }
0x5c: {  	_ =	shalt  }
0x5d: {  	_ =	shalt  }
0x5e: {  	_ =	shalt  }
0x5f: {  	_ =	shalt  }
0x60: {  	_ =	shalt  }
0x61: {  	_ =	shalt  }
0x62: {  	_ =	shalt  }
0x63: {  	_ =	shalt  }
0x64: {  	_ =	shalt  }
0x65: {  	_ =	shalt  }
0x66: {  	_ =	shalt  }
0x67: {  	_ =	shalt  }
0x68: {  	_ =	shalt  }
0x69: {  	_ =	shalt  }
0x6a: {  	_ =	shalt  }
0x6b: {  	_ =	shalt  }
0x6c: {  	_ =	shalt  }
0x6d: {  	_ =	shalt  }
0x6e: {  	_ =	shalt  }
0x6f: {  	_ =	shalt  }
0x70: {  	_ =	shalt  }
0x71: {  	_ =	shalt  }
0x72: {  	_ =	shalt  }
0x73: {  	_ =	shalt  }
0x74: {  	_ =	shalt  }
0x75: {  	_ =	shalt  }
0x76: {  	_ =	shalt  }
0x77: {  	_ =	shalt  }
0x78: {  	_ =	shalt  }
0x79: {  	_ =	shalt  }
0x7a: {  	_ =	shalt  }
0x7b: {  	_ =	shalt  }
0x7c: {  	_ =	shalt  }
0x7d: {  	_ =	shalt  }
0x7e: {  	_ =	shalt  }
0x7f: {  	_ =	shalt  }
0x80: {  	_ =	shalt  }
0x81: {  	_ =	shalt  }
0x82: {  	_ =	shalt  }
0x83: {  	_ =	shalt  }
0x84: {  	_ =	shalt  }
0x85: {  	_ =	shalt  }
0x86: {  	_ =	shalt  }
0x87: {  	_ =	shalt  }
.Lfunc_end0:
.L_simem_size_0:
called_computation.3_lowered:
.L_overlay_start_0:
0x88: {  	s2 =	sld [smem:$0x3FD9]  }
0x89: {  	s3 =	sld [smem:$0x3FFE];
	_ =	sdelay $0x1  }
0x8a: {  	s1 =	srdreg.scid  }
0x8b: {  	s0 =	sand.u32 $0x1, s1  }
0x8c: {  	s16 =	sshll.u32 s0, $0xA;
	s2 =	sadd.s32 s3, s2  }
0x8d: {  	s2 =	sadd.s32 s2, s16  }
0x8e: {  	[smem:$0x3FC0] =	sst s2  }
0x8f: {  	_ = 	snop  }
0x90: {  	(tm) =	ssettm $0x1  }
0x91: {  	s17 =	sld [smem:$0x3FFB];
	_ =	sdelay $0x3  }
0x92: {  	_ =	strace s17  }
0x93: {  	s2 =	sld [smem:$0x3FFC];
	_ =	sdelay $0x3  }
0x94: {  	_ =	strace s2  }
0x95: {  	s2 =	sld [smem:$0x3FFD];
	_ =	sdelay $0x3  }
0x96: {  	_ =	strace s2  }
0x97: {  	_ =	strace $0x8FFFFFFF  }
0x98: {  	s18 =	sld [smem:$0x3FDB];
	_ =	sdelay $0x1  }
0x99: {  	s19 =	simm.s32 $_scs_section_size  }
0x9a: {  	s4 =	simm.s32 $_size__tile_overlayer_lowered;
	s5 =	simm.s32 $_tile_overlayer_lowered  }
0x9b: {  	s22 =	simm.s32 $0x1BFF;
	s21 =	sshll.u32 s5, $0x1;
	s2 =	sadd.s32 s19, s18  }
0x9c: {  	s6 =	simm.s32 $0x0;
	s20 =	sshll.u32 s4, $0x1;
	s4 =	sadd.s32 s21, s2  }
0x9d: {  	[timem:s6], [sflag:s22] =	dma.local [hbm:s4], s20  }
0x9e: {  	_ =	swait.ge [sflag:s22], s20  }
0x9f: {  	s3 =	ssub.s32 $0x0, s20;
	[sflag:s22] =	ssyncset.done $0x0  }
0xa0: {  	[sflag:s22] =	ssyncadd.s32 s3;
	_ =	sdelay $0x1  }
0xa1: {  	s23 =	simm.s32 $0x1B8B  }
0xa2: {  	_ =	swait.ge [sflag:s23], $0x1  }
0xa3: {  	[sflag:s23] =	ssyncset.done $0x0  }
0xa4: {  	s25 =	simm.s32 $0x1B8E;
	s24 =	sld [smem:$0x3FFE];
	[sflag:s23] =	ssyncadd.s32 $0xFFFFFFFF  }
0xa5: {  	s26 =	simm.s32 $execute0_lowered;
	[smem:$0x3FD2] =	sst s25  }
0xa6: {  	s4 =	sshll.u32 s26, $0x1;
	_ =	strace $0x8000004F;
	[dreg:$0x1] =	wrdreg $0xFFFFFFFF  }
0xa7: {  	s28 =	simm.s32 $_size_execute0_lowered;
	s2 =	sadd.s32 s2, s4;
	[dreg:$0x0] =	wrdreg $0x0  }
0xa8: {  	s4 =	sshll.u32 s28, $0x1;
	[dreg:$0x2] =	wrdreg s2  }
0xa9: {  	[dreg:$0x3] =	wrdreg s4  }
0xaa: {  	[dreg:$0x4] =	wrdreg $0xC0  }
0xab: {  	_ =	task [dreg:s6], $0x5FFFF  }
0xac: {  	[dreg:$0x1] =	wrdreg $0xFFFFFFFF  }
0xad: {  	[dreg:$0x0] =	wrdreg $0x60  }
0xae: {  	[dreg:$0x2] =	wrdreg s24  }
0xaf: {  	[dreg:$0x3] =	wrdreg $0xA4000  }
0xb0: {  	[dreg:$0x4] =	wrdreg $0x9  }
0xb1: {  	_ =	task.clear_ibuf [dreg:s6], $0x5FFFF;
	_ =	strace $0x9000004F  }
0xb2: {  	s29 =	simm.s32 $0x9;
	_ =	strace $0x80000051  }
0xb3: {  	_ =	swait.ge [sflag:s29], $0x1  }
0xb4: {  	[sflag:s29] =	ssyncadd.s32 $0xFFFFFFFF  }
0xb5: {  	_ =	strace $0x90000051  }
0xb6: {  	_ =	sfence  }
0xb7: {  	s30 =	sld [smem:$0x0];
	_ =	sdelay $0x2  }
0xb8: {  	s31 =	sshll.u32 s1, $0xD;
	s1 =	sshrl.u32 s1, $0x2  }
0xb9: {  	s3 =	sand.u32 $0x4000, s31;
	s1 =	sadd.s32 s1, s30  }
0xba: {  	s0 =	sor.u32 s3, s0;
	s1 =	sshll.u32 s1, $0x11  }
0xbb: {  	s0 =	sor.u32 s1, s0  }
0xbc: {  	s0 =	sadd.s32 $0x8F2B, s0  }
0xbd: {  	[sflag:s0] =	ssyncadd.remote.s32 $0x1  }
0xbe: {  	_ =	sfence.sel $0xFFFF  }
0xbf: {  	[dreg:$0x0] =	wrdreg $0xFFFFFFFF;
	(pc) =	sbr.abs _section_cstart, $3  }
0xc0: {  	[dreg:$0x1] =	wrdreg $0xFFFFFFFF  }
0xc1: {  	_ =	task.clear_ibuf [dreg:s6], $0x2FFFF;
	_ =	strace $0x9FFFFFFF  }
0xc2: {  	(tm) =	ssettm $0x7FFFFFFF  }
0xc3: {  	_ =	shalt  }
tec
execute0_lowered:
.L_overlay_start_1:
0x0: {  	(tag) =	ssettag $0x1  }
0x1: {  	s0 =	rddreg [dreg:$0x0]  }
0x2: {  	s24 =	rddreg [dreg:$0x1];
	s2 =	srdreg.scid;
	s3 =	simm.s32 $0x0  }
0x3: {  	s10 =	stileid.u32;
	s30 =	simm.s32 $0x400;
	s31 =	simm.s32 $0x200  }
0x4: {  	s28 =	simm.s32 $0x1;
	s29 =	simm.s32 $0x50;
	s1 =	simm.s32 $0x300  }
0x5: {  	s2 =	sand.u32 $0x1, s2;
	[smem:$0x7FF] =	sst s3;
	s8 =	smul.u32 $0x14000, s10  }
0x6: {  	s4 =	sadd.s32 $0x24400, s0;
	s9 =	smul.u32 $0x50000, s10;
	s5 =	sadd.s32 $0x14400, s0  }
0x7: {  	s6 =	sadd.s32 $0x4400, s0;
	s16 =	sshll.u32 s10, $0xE;
	s10 =	simm.s32 $0x2C00  }
0x8: {  	s7 =	smul.u32 $0x140000, s2;
	_ =	strace $0x80000050;
	s9 =	sshrl.u32 s9, $0x2  }
0x9: {  	s11 =	ssub.s32 $0x2, s2;
	s2 =	sshll.u32 s2, $0x12;
	s21 =	sadd.s32 s9, s24  }
0xa: {  	s12 =	sshrl.u32 s11, $0x1;
	s13 =	sadd.s32 $0x2800, s21;
	[dreg:$0x3] =	wrdreg s21  }
0xb: {  	s7 =	sadd.s32 s8, s7;
	s14 =	sadd.s32 $0x5000, s21;
	[dreg:$0x4] =	wrdreg s13  }
0xc: {  	s8 =	simm.s32 $0x5400;
	s15 =	sadd.s32 $0x7800, s21;
	[dreg:$0x5] =	wrdreg s14  }
0xd: {  	s7 =	sshrl.u32 s7, $0x3;
	s9 =	sadd.s32 $0xA000, s21;
	[dreg:$0x6] =	wrdreg s15  }
0xe: {  	s17 =	sadd.s32 $0xC800, s21;
	s18 =	sadd.s32 $0xF000, s21;
	[dreg:$0x7] =	wrdreg s9  }
0xf: {  	s19 =	sadd.s32 $0x11800, s21;
	s0 =	sadd.s32 s7, s0;
	[dreg:$0x8] =	wrdreg s17  }
0x10: {  	s7 =	ssub.s32 s11, s12;
	s13 =	sor.u32 s16, s2;
	[dreg:$0x9] =	wrdreg s18  }
0x11: {  	[dreg:$0xa] =	wrdreg s19;
	s14 =	simm.s32 $0x5;
	s12 =	simm.s32 $0x180  }
0x12: {  	s17 =	simm.s32 $0x380;
	s11 =	simm.s32 $0x3;
	s18 =	simm.s32 $0x6  }
0x13: {  	s15 =	simm.s32 $0x9;
	s16 =	simm.s32 $0x4;
	s19 =	simm.s32 $0x7C00  }
0x14: {  	s20 =	sshrl.u32 s13, $0x3;
	s0 =	sadd.s32 $0x74400, s0;
	s26 =	smax.u32 s7, $0x1  }
0x15: {  	s22 =	sadd.s32 s5, s20;
	s23 =	sadd.s32 s6, s20;
	[dreg:$0xf] =	wrdreg s0  }
0x16: {  	s2 =	sor.u32 $0x10, s20;
	[dreg:$0x10] =	wrdreg s26;
	s0 =	simm.s32 $0x2  }
0x17: {  	s26 =	simm.s32 $0x7;
	s20 =	simm.s32 $0x0;
	[dreg:$0xb] =	wrdreg s22  }
0x18: {  	[dreg:$0xc] =	wrdreg s23;
	s25 =	sadd.s32 s5, s2;
	s2 =	sadd.s32 s6, s2  }
0x19: {  	s22 =	simm.s32 $0xA;
	s23 =	simm.s32 $0x80;
	[dreg:$0xd] =	wrdreg s25  }
0x1a: {  	v0 =	vimm.f32 $0.0e+00;
	[dreg:$0xe] =	wrdreg s2;
	s25 =	simm.s32 $0x280;
	s2 =	simm.s32 $0x100  }
.LBB2_1:
0x1b: {  	s9 =	smov.u32 s24  }
0x1c: {  	[dreg:$0x11] =	wrdreg s20;
	s7 =	simm.s32 $0x70;
	s20 =	simm.s32 $0x3C0  }
.LBB2_2:
0x1d: {  	p0 =	sne.s32 s20, $0x9FC0;
	[tilespmem:s7+$0x400] =	vst v0  }
0x1e: {  	[tilespmem:s7+$0x390] =	vst v0  }
0x1f: {  	[tilespmem:s7+$0x3A0] =	vst v0  }
.Ltmp0:
0x20: {  	[tilespmem:s7+$0x3B0] =	vst v0;
	(pc) =	sbr.rel @p0 .LBB2_2-.Ltmp0, $4  }
0x21: {  	[tilespmem:s7+$0x3C0] =	vst v0  }
0x22: {  	[tilespmem:s7+$0x3D0] =	vst v0  }
0x23: {  	[tilespmem:s7+$0x3E0] =	vst v0  }
0x24: {  	[tilespmem:s7+$0x3F0] =	vst v0;
	s7 =	sshra.s32 s20, $0x2;
	s20 =	sadd.s32 $0x200, s20  }
0x25: {  	[tilespmem:s7+$0x400] =	vst v0  }
0x26: {  	[tilespmem:s7+$0x390] =	vst v0  }
0x27: {  	[tilespmem:s7+$0x3A0] =	vst v0  }
0x28: {  	[tilespmem:s7+$0x3B0] =	vst v0  }
0x29: {  	[tilespmem:s7+$0x3C0] =	vst v0  }
0x2a: {  	[tilespmem:s7+$0x3D0] =	vst v0  }
0x2b: {  	[tilespmem:s7+$0x3E0] =	vst v0  }
0x2c: {  	[tilespmem:s7+$0x3F0] =	vst v0  }
0x2d: {  	[spmem:s21] =	stream.linear.scatter [tilespmem:s30], [sflag:$0xA], $0x2800, $0x38;
	[tilespmem:$0x1E400] =	vst v63  }
0x2e: {  	_ =	swait.ge [sflag:s22], $0x2800  }
0x2f: {  	[sflag:s22] =	ssyncset.done $0x0  }
0x30: {  	s21 =	rddreg [dreg:$0x4];
	[sflag:s22] =	ssyncadd.s32 $0xFFFFD800  }
0x31: {  	[spmem:s21] =	stream.linear.scatter [tilespmem:s30], [sflag:$0xA], $0x2800, $0x38;
	[tilespmem:$0x1E400] =	vst v63  }
0x32: {  	_ =	swait.ge [sflag:s22], $0x2800  }
0x33: {  	[sflag:s22] =	ssyncset.done $0x0  }
0x34: {  	s24 =	rddreg [dreg:$0x5];
	[sflag:s22] =	ssyncadd.s32 $0xFFFFD800  }
0x35: {  	[spmem:s24] =	stream.linear.scatter [tilespmem:s30], [sflag:$0xA], $0x2800, $0x38;
	[tilespmem:$0x1E400] =	vst v63  }
0x36: {  	_ =	swait.ge [sflag:s22], $0x2800  }
0x37: {  	[sflag:s22] =	ssyncset.done $0x0  }
0x38: {  	s20 =	rddreg [dreg:$0x6];
	[sflag:s22] =	ssyncadd.s32 $0xFFFFD800  }
0x39: {  	[spmem:s20] =	stream.linear.scatter [tilespmem:s30], [sflag:$0xA], $0x2800, $0x38;
	[tilespmem:$0x1E400] =	vst v63  }
0x3a: {  	_ =	swait.ge [sflag:s22], $0x2800  }
0x3b: {  	[sflag:s22] =	ssyncset.done $0x0  }
0x3c: {  	s21 =	rddreg [dreg:$0x7];
	[sflag:s22] =	ssyncadd.s32 $0xFFFFD800  }
0x3d: {  	[spmem:s21] =	stream.linear.scatter [tilespmem:s30], [sflag:$0xA], $0x2800, $0x38;
	[tilespmem:$0x1E400] =	vst v63  }
0x3e: {  	_ =	swait.ge [sflag:s22], $0x2800  }
0x3f: {  	[sflag:s22] =	ssyncset.done $0x0  }
0x40: {  	s24 =	rddreg [dreg:$0x8];
	[sflag:s22] =	ssyncadd.s32 $0xFFFFD800  }
0x41: {  	[spmem:s24] =	stream.linear.scatter [tilespmem:s30], [sflag:$0xA], $0x2800, $0x38;
	[tilespmem:$0x1E400] =	vst v63  }
0x42: {  	_ =	swait.ge [sflag:s22], $0x2800  }
0x43: {  	[sflag:s22] =	ssyncset.done $0x0  }
0x44: {  	s20 =	rddreg [dreg:$0x9];
	[sflag:s22] =	ssyncadd.s32 $0xFFFFD800  }
0x45: {  	[spmem:s20] =	stream.linear.scatter [tilespmem:s30], [sflag:$0xA], $0x2800, $0x38;
	[tilespmem:$0x1E400] =	vst v63  }
0x46: {  	_ =	swait.ge [sflag:s22], $0x2800  }
0x47: {  	[sflag:s22] =	ssyncset.done $0x0  }
0x48: {  	s21 =	rddreg [dreg:$0xa];
	[sflag:s22] =	ssyncadd.s32 $0xFFFFD800  }
0x49: {  	[spmem:s21] =	stream.linear.scatter [tilespmem:s30], [sflag:$0xA], $0x2800, $0x38;
	[tilespmem:$0x1E400] =	vst v63  }
0x4a: {  	_ =	swait.ge [sflag:s22], $0x2800  }
0x4b: {  	[sflag:s22] =	ssyncset.done $0x0  }
0x4c: {  	[sflag:s22] =	ssyncadd.s32 $0xFFFFD800  }
0x4d: {  	[bflag:$0x0] =	sbarrier.arrive $0xFFFF  }
0x4e: {  	s7 =	simm.s32 $0x0;
	s20 =	rddreg [dreg:$0xb]  }
0x4f: {  	[tilespmem:s7], [sflag:$0x1] =	stream.linear.gather [hbm4b:s20+s7], $0x80, $0x38;
	[tilespmem:$0x1E400] =	vst v63  }
0x50: {  	s22 =	rddreg [dreg:$0xc]  }
0x51: {  	[tilespmem:s31], [sflag:$0x1] =	stream.linear.gather [hbm4b:s22+s7], $0x80, $0x38;
	[tilespmem:$0x1E400] =	vst v63  }
0x52: {  	s24 =	rddreg [dreg:$0xd]  }
0x53: {  	[tilespmem:s23], [sflag:$0x2] =	stream.linear.gather [hbm4b:s24+s7], $0x80, $0x38;
	[tilespmem:$0x1E400] =	vst v63  }
0x54: {  	s21 =	rddreg [dreg:$0xe]  }
0x55: {  	[tilespmem:s25], [sflag:$0x2] =	stream.linear.gather [hbm4b:s21+s7], $0x80, $0x38;
	[tilespmem:$0x1E400] =	vst v63  }
0x56: {  	_ =	swait.ge [sflag:s28], $0x80  }
0x57: {  	[sflag:s28] =	ssyncset.done $0x0  }
0x58: {  	[sflag:s28] =	ssyncadd.s32 $0xFFFFFF80  }
0x59: {  	p0 =	por $0x1, $0x1;
	_ =	swait.ge [sflag:s28], $0x80  }
0x5a: {  	s20 =	sand.u32 @!p0 $0x200, s7;
	[sflag:s28] =	ssyncset.done $0x0  }
0x5b: {  	s21 =	sor.u32 @!p0 $0x100, s20;
	[sflag:s28] =	ssyncadd.s32 $0xFFFFFF80  }
0x5c: {  	[tilespmem:s30], [sflag:$0x5] =	stream.indirect.gather [hbm4b:s4+s29], $0x80, s7, s29, $0xb8;
	[tilespmem:$0x1E400] =	vst v63  }
0x5d: {  	s21 =	simm.s32 @p0 $0x100;
	s7 =	sand.u32 $0x3C00, s7  }
0x5e: {  	s23 =	simm.s32 @!p0 $0x9;
	s21 =	sor.u32 s21, s7  }
0x5f: {  	_ =	swait.ge @!p0 [sflag:s23], $0x2800;
	s21 =	sor.u32 s13, s21  }
0x60: {  	[sflag:s23] =	ssyncset.done @!p0 $0x0;
	s21 =	sshrl.u32 s21, $0x3  }
0x61: {  	[sflag:s23] =	ssyncadd.s32 @!p0 $0xFFFFD800;
	s24 =	sadd.s32 s5, s21  }
0x62: {  	[tilespmem:s2], [sflag:$0x3] =	stream.linear.gather [hbm4b:s24+s3], $0x80, $0x38;
	[tilespmem:$0x1E400] =	vst v63  }
0x63: {  	s21 =	sadd.s32 s6, s21  }
0x64: {  	[tilespmem:s1], [sflag:$0x3] =	stream.linear.gather [hbm4b:s21+s3], $0x80, $0x38;
	[tilespmem:$0x1E400] =	vst v63  }
0x65: {  	_ =	swait.ge [sflag:s0], $0x80  }
0x66: {  	[sflag:s0] =	ssyncset.done $0x0  }
0x67: {  	[sflag:s0] =	ssyncadd.s32 $0xFFFFFF80  }
0x68: {  	_ =	swait.ge [sflag:s0], $0x80  }
0x69: {  	[sflag:s0] =	ssyncset.done $0x0  }
0x6a: {  	s22 =	simm.s32 $0x80;
	[sflag:s0] =	ssyncadd.s32 $0xFFFFFF80  }
0x6b: {  	[tilespmem:s10], [sflag:$0x6] =	stream.indirect.gather [hbm4b:s4+s29], $0x80, s22, s29, $0xb8;
	[tilespmem:$0x1E400] =	vst v63  }
0x6c: {  	s20 =	sor.u32 @!p0 $0x180, s20;
	_ =	swait.ge [sflag:s14], $0x2800  }
0x6d: {  	s20 =	simm.s32 @p0 $0x180;
	[sflag:s14] =	ssyncset.done $0x0  }
0x6e: {  	s7 =	sor.u32 s20, s7;
	[sflag:s14] =	ssyncadd.s32 $0xFFFFD800  }
0x6f: {  	[spmem:s9] =	stream.indirect.scatter.add.f32 [tilespmem:s30], [sflag:$0x9], $0x80, s31, s29, $0xb8;
	[tilespmem:$0x1E400] =	vst v63  }
0x70: {  	s7 =	sor.u32 s13, s7;
	_ =	swait.ge @!p0 [sflag:s23], $0x2800  }
0x71: {  	s7 =	sshrl.u32 s7, $0x3;
	[sflag:s23] =	ssyncset.done @!p0 $0x0  }
0x72: {  	s22 =	sadd.s32 s5, s7;
	[sflag:s23] =	ssyncadd.s32 @!p0 $0xFFFFD800  }
0x73: {  	[tilespmem:s12], [sflag:$0x4] =	stream.linear.gather [hbm4b:s22+s3], $0x80, $0x38;
	[tilespmem:$0x1E400] =	vst v63  }
0x74: {  	s7 =	sadd.s32 s6, s7  }
0x75: {  	[tilespmem:s17], [sflag:$0x4] =	stream.linear.gather [hbm4b:s7+s3], $0x80, $0x38;
	[tilespmem:$0x1E400] =	vst v63  }
0x76: {  	_ =	swait.ge [sflag:s11], $0x80  }
0x77: {  	[sflag:s11] =	ssyncset.done $0x0  }
0x78: {  	[sflag:s11] =	ssyncadd.s32 $0xFFFFFF80  }
0x79: {  	_ =	swait.ge [sflag:s11], $0x80  }
0x7a: {  	[sflag:s11] =	ssyncset.done $0x0  }
0x7b: {  	[sflag:s11] =	ssyncadd.s32 $0xFFFFFF80  }
0x7c: {  	[tilespmem:s8], [sflag:$0x7] =	stream.indirect.gather [hbm4b:s4+s29], $0x80, s2, s29, $0xb8;
	[tilespmem:$0x1E400] =	vst v63  }
0x7d: {  	s21 =	simm.s32 $0x200;
	_ =	swait.ge [sflag:s18], $0x2800  }
0x7e: {  	s23 =	sand.u32 $0x7C00, s21;
	[sflag:s18] =	ssyncset.done $0x0  }
0x7f: {  	s24 =	sand.u32 $0x200, s21;
	s7 =	sadd.s32 s13, s23;
	[sflag:s18] =	ssyncadd.s32 $0xFFFFD800  }
0x80: {  	[spmem:s9] =	stream.indirect.scatter.add.f32 [tilespmem:s10], [sflag:$0x9], $0x80, s25, s29, $0xb8;
	[tilespmem:$0x1E400] =	vst v63  }
0x81: {  	s7 =	sor.u32 s24, s7;
	_ =	swait.ge [sflag:s15], $0x2800  }
0x82: {  	s7 =	sshrl.u32 s7, $0x3;
	[sflag:s15] =	ssyncset.done $0x0  }
0x83: {  	s25 =	sadd.s32 s5, s7;
	[sflag:s15] =	ssyncadd.s32 $0xFFFFD800  }
0x84: {  	[tilespmem:s3], [sflag:$0x1] =	stream.linear.gather [hbm4b:s25+s3], $0x80, $0x38;
	[tilespmem:$0x1E400] =	vst v63  }
0x85: {  	s7 =	sadd.s32 s6, s7  }
0x86: {  	[tilespmem:s31], [sflag:$0x1] =	stream.linear.gather [hbm4b:s7+s3], $0x80, $0x38;
	[tilespmem:$0x1E400] =	vst v63  }
0x87: {  	_ =	swait.ge [sflag:s16], $0x80  }
0x88: {  	[sflag:s16] =	ssyncset.done $0x0  }
0x89: {  	[sflag:s16] =	ssyncadd.s32 $0xFFFFFF80  }
0x8a: {  	_ =	swait.ge [sflag:s16], $0x80  }
0x8b: {  	p1 =	por $0x0, $0x0;
	p0 =	por $0x0, $0x0;
	[sflag:s16] =	ssyncset.done $0x0  }
0x8c: {  	s14 =	simm.s32 $0x5;
	s23 =	simm.s32 @!p0 $0x80;
	[sflag:s16] =	ssyncadd.s32 $0xFFFFFF80  }
0x8d: {  	[tilespmem:s19], [sflag:$0x8] =	stream.indirect.gather [hbm4b:s4+s29], $0x80, s12, s29, $0xb8;
	[tilespmem:$0x1E400] =	vst v63  }
0x8e: {  	s17 =	simm.s32 $0x7;
	s7 =	simm.s32 @!p0 $0x280;
	_ =	swait.ge [sflag:s26], $0x2800  }
0x8f: {  	s2 =	simm.s32 $0x100;
	s20 =	sand.u32 @!p0 $0x7C00, s7;
	[sflag:s26] =	ssyncset.done $0x0  }
0x90: {  	s7 =	sand.u32 @!p0 $0x280, s7;
	s20 =	sadd.s32 @!p0 s13, s20;
	[sflag:s26] =	ssyncadd.s32 $0xFFFFD800  }
0x91: {  	[spmem:s9] =	stream.indirect.scatter.add.f32 [tilespmem:s8], [sflag:$0x9], $0x80, s1, s29, $0xb8;
	[tilespmem:$0x1E400] =	vst v63  }
0x92: {  	s18 =	simm.s32 $0x6;
	s7 =	sor.u32 @!p0 s7, s20;
	_ =	swait.ge [sflag:s15], $0x2800  }
0x93: {  	s10 =	simm.s32 $0x2C00;
	s7 =	sshrl.u32 @!p0 s7, $0x3;
	[sflag:s15] =	ssyncset.done $0x0  }
0x94: {  	s25 =	simm.s32 @!p0 $0x0;
	s24 =	sadd.s32 @!p0 s5, s7;
	[sflag:s15] =	ssyncadd.s32 $0xFFFFD800  }
0x95: {  	[tilespmem:s23], [sflag:$0x2] =	stream.linear.gather @!p0 [hbm4b:s24+s25], $0x80, $0x38;
	[tilespmem:$0x1E400] =	vst v63  }
0x96: {  	s20 =	simm.s32 $0x400;
	s7 =	sadd.s32 @!p0 s6, s7;
	s24 =	simm.s32 @!p0 $0x280  }
0x97: {  	[tilespmem:s24], [sflag:$0x2] =	stream.linear.gather @!p0 [hbm4b:s7+s25], $0x80, $0x38;
	[tilespmem:$0x1E400] =	vst v63  }
0x98: {  	s31 =	sand.u32 $0x200, s20;
	s26 =	sand.u32 $0x7C00, s20;
	_ =	swait.ge [sflag:s28], $0x80  }
0x99: {  	s19 =	simm.s32 $0x8;
	s23 =	sadd.s32 s13, s26;
	[sflag:s28] =	ssyncset.done $0x0  }
0x9a: {  	s7 =	sor.u32 s31, s23;
	s23 =	sand.u32 @!p1 $0x200, s21;
	[sflag:s28] =	ssyncadd.s32 $0xFFFFFF80  }
0x9b: {  	s25 =	sand.u32 $0x3C00, s21;
	s7 =	sshrl.u32 s7, $0x3;
	_ =	swait.ge [sflag:s28], $0x80  }
0x9c: {  	s24 =	sor.u32 @!p1 $0x100, s23;
	s26 =	sor.u32 @!p1 $0x180, s23;
	[sflag:s28] =	ssyncset.done $0x0  }
.LBB2_4:
0x9d: {  	s24 =	simm.s32 @p1 $0x100;
	s26 =	simm.s32 @p1 $0x180;
	[sflag:s28] =	ssyncadd.s32 $0xFFFFFF80  }
0x9e: {  	s23 =	smov.u32 s20;
	s1 =	simm.s32 $0x380;
	s8 =	simm.s32 $0x7C00  }
0x9f: {  	[tilespmem:s30], [sflag:$0x5] =	stream.indirect.gather [hbm4b:s4+s29], $0x80, s3, s29, $0xb8;
	[tilespmem:$0x1E400] =	vst v63  }
0xa0: {  	s24 =	sor.u32 s24, s25;
	s25 =	sor.u32 s26, s25;
	_ =	swait.ge [sflag:s19], $0x2800  }
0xa1: {  	s24 =	sor.u32 s13, s24;
	s25 =	sor.u32 s13, s25;
	[sflag:s19] =	ssyncset.done $0x0  }
0xa2: {  	s26 =	simm.s32 @!p1 $0x9;
	s24 =	sshrl.u32 s24, $0x3;
	[sflag:s19] =	ssyncadd.s32 $0xFFFFD800  }
0xa3: {  	[spmem:s9] =	stream.indirect.scatter.add.f32 [tilespmem:s8], [sflag:$0x9], $0x80, s1, s29, $0xb8;
	[tilespmem:$0x1E400] =	vst v63  }
0xa4: {  	s20 =	sadd.s32 $0x200, s20;
	s22 =	sshrl.u32 s25, $0x3;
	_ =	swait.ge @!p1 [sflag:s26], $0x2800  }
0xa5: {  	s30 =	sand.u32 $0x200, s20;
	s25 =	sand.u32 $0x7C00, s20;
	[sflag:s26] =	ssyncset.done @!p1 $0x0  }
0xa6: {  	s25 =	sadd.s32 s13, s25;
	s31 =	sadd.s32 s5, s24;
	[sflag:s26] =	ssyncadd.s32 @!p1 $0xFFFFD800  }
0xa7: {  	[tilespmem:s2], [sflag:$0x3] =	stream.linear.gather [hbm4b:s31+s3], $0x80, $0x38;
	[tilespmem:$0x1E400] =	vst v63  }
0xa8: {  	s12 =	simm.s32 $0x300;
	p0 =	sne.s32 s20, $0x3E00;
	s31 =	simm.s32 $0x200  }
0xa9: {  	s24 =	sadd.s32 s6, s24;
	s25 =	sor.u32 s30, s25;
	s30 =	simm.s32 $0x400  }
0xaa: {  	[tilespmem:s12], [sflag:$0x3] =	stream.linear.gather [hbm4b:s24+s3], $0x80, $0x38;
	[tilespmem:$0x1E400] =	vst v63  }
0xab: {  	s25 =	sshrl.u32 s25, $0x3;
	_ =	swait.ge [sflag:s0], $0x80  }
0xac: {  	[sflag:s0] =	ssyncset.done $0x0  }
0xad: {  	[sflag:s0] =	ssyncadd.s32 $0xFFFFFF80  }
0xae: {  	_ =	swait.ge [sflag:s0], $0x80  }
0xaf: {  	[sflag:s0] =	ssyncset.done $0x0  }
0xb0: {  	s24 =	simm.s32 $0x80;
	[sflag:s0] =	ssyncadd.s32 $0xFFFFFF80  }
0xb1: {  	[tilespmem:s10], [sflag:$0x6] =	stream.indirect.gather [hbm4b:s4+s29], $0x80, s24, s29, $0xb8;
	[tilespmem:$0x1E400] =	vst v63  }
0xb2: {  	_ =	swait.ge [sflag:s14], $0x2800  }
0xb3: {  	[sflag:s14] =	ssyncset.done $0x0  }
0xb4: {  	[sflag:s14] =	ssyncadd.s32 $0xFFFFD800  }
0xb5: {  	[spmem:s9] =	stream.indirect.scatter.add.f32 [tilespmem:s30], [sflag:$0x9], $0x80, s31, s29, $0xb8;
	[tilespmem:$0x1E400] =	vst v63  }
0xb6: {  	_ =	swait.ge @!p1 [sflag:s26], $0x2800  }
0xb7: {  	[sflag:s26] =	ssyncset.done @!p1 $0x0  }
0xb8: {  	s24 =	sadd.s32 s5, s22;
	[sflag:s26] =	ssyncadd.s32 @!p1 $0xFFFFD800;
	s26 =	simm.s32 $0x180  }
0xb9: {  	[tilespmem:s26], [sflag:$0x4] =	stream.linear.gather [hbm4b:s24+s3], $0x80, $0x38;
	[tilespmem:$0x1E400] =	vst v63  }
0xba: {  	s22 =	sadd.s32 s6, s22  }
0xbb: {  	[tilespmem:s1], [sflag:$0x4] =	stream.linear.gather [hbm4b:s22+s3], $0x80, $0x38;
	[tilespmem:$0x1E400] =	vst v63  }
0xbc: {  	_ =	swait.ge [sflag:s11], $0x80  }
0xbd: {  	[sflag:s11] =	ssyncset.done $0x0  }
0xbe: {  	[sflag:s11] =	ssyncadd.s32 $0xFFFFFF80  }
0xbf: {  	_ =	swait.ge [sflag:s11], $0x80  }
0xc0: {  	[sflag:s11] =	ssyncset.done $0x0  }
0xc1: {  	s1 =	simm.s32 $0x5400;
	[sflag:s11] =	ssyncadd.s32 $0xFFFFFF80  }
0xc2: {  	[tilespmem:s1], [sflag:$0x7] =	stream.indirect.gather [hbm4b:s4+s29], $0x80, s2, s29, $0xb8;
	[tilespmem:$0x1E400] =	vst v63  }
0xc3: {  	_ =	swait.ge [sflag:s18], $0x2800  }
0xc4: {  	[sflag:s18] =	ssyncset.done $0x0  }
0xc5: {  	s22 =	simm.s32 $0x280;
	[sflag:s18] =	ssyncadd.s32 $0xFFFFD800  }
0xc6: {  	[spmem:s9] =	stream.indirect.scatter.add.f32 [tilespmem:s10], [sflag:$0x9], $0x80, s22, s29, $0xb8;
	[tilespmem:$0x1E400] =	vst v63  }
0xc7: {  	_ =	swait.ge [sflag:s15], $0x2800  }
0xc8: {  	[sflag:s15] =	ssyncset.done $0x0  }
0xc9: {  	s22 =	sadd.s32 s5, s7;
	[sflag:s15] =	ssyncadd.s32 $0xFFFFD800  }
0xca: {  	[tilespmem:s3], [sflag:$0x1] =	stream.linear.gather [hbm4b:s22+s3], $0x80, $0x38;
	[tilespmem:$0x1E400] =	vst v63  }
0xcb: {  	s22 =	sadd.s32 s6, s7;
	s7 =	smov.u32 s25  }
0xcc: {  	[tilespmem:s31], [sflag:$0x1] =	stream.linear.gather [hbm4b:s22+s3], $0x80, $0x38;
	[tilespmem:$0x1E400] =	vst v63  }
0xcd: {  	_ =	swait.ge [sflag:s16], $0x80  }
0xce: {  	[sflag:s16] =	ssyncset.done $0x0  }
0xcf: {  	[sflag:s16] =	ssyncadd.s32 $0xFFFFFF80  }
0xd0: {  	_ =	swait.ge [sflag:s16], $0x80  }
0xd1: {  	[sflag:s16] =	ssyncset.done $0x0  }
0xd2: {  	[sflag:s16] =	ssyncadd.s32 $0xFFFFFF80  }
0xd3: {  	[tilespmem:s8], [sflag:$0x8] =	stream.indirect.gather [hbm4b:s4+s29], $0x80, s26, s29, $0xb8;
	[tilespmem:$0x1E400] =	vst v63  }
0xd4: {  	p1 =	seq.s32 s21, $0x3C00;
	_ =	swait.ge [sflag:s17], $0x2800  }
0xd5: {  	s22 =	sadd.s32 @!p1 $0x280, s21;
	s21 =	smov.u32 s23;
	[sflag:s17] =	ssyncset.done $0x0  }
0xd6: {  	s23 =	sand.u32 @!p1 $0x7C00, s22;
	s22 =	sand.u32 @!p1 $0x280, s22;
	[sflag:s17] =	ssyncadd.s32 $0xFFFFD800  }
0xd7: {  	[spmem:s9] =	stream.indirect.scatter.add.f32 [tilespmem:s1], [sflag:$0x9], $0x80, s12, s29, $0xb8;
	[tilespmem:$0x1E400] =	vst v63  }
0xd8: {  	s23 =	sadd.s32 @!p1 s13, s23;
	_ =	swait.ge [sflag:s15], $0x2800  }
0xd9: {  	s22 =	sor.u32 @!p1 s22, s23;
	[sflag:s15] =	ssyncset.done $0x0  }
0xda: {  	s23 =	simm.s32 @!p1 $0x80;
	s22 =	sshrl.u32 @!p1 s22, $0x3;
	[sflag:s15] =	ssyncadd.s32 $0xFFFFD800  }
0xdb: {  	s25 =	simm.s32 @!p1 $0x0;
	s24 =	sadd.s32 @!p1 s5, s22;
	s22 =	sadd.s32 @!p1 s6, s22  }
0xdc: {  	[tilespmem:s23], [sflag:$0x2] =	stream.linear.gather @!p1 [hbm4b:s24+s25], $0x80, $0x38;
	[tilespmem:$0x1E400] =	vst v63  }
0xdd: {  	s23 =	simm.s32 @!p1 $0x280  }
0xde: {  	[tilespmem:s23], [sflag:$0x2] =	stream.linear.gather @!p1 [hbm4b:s22+s25], $0x80, $0x38;
	[tilespmem:$0x1E400] =	vst v63  }
.Ltmp1:
0xdf: {  	_ =	swait.ge [sflag:s28], $0x80;
	(pc) =	sbr.rel @p0 .LBB2_4-.Ltmp1, $4  }
0xe0: {  	[sflag:s28] =	ssyncset.done $0x0  }
0xe1: {  	p1 =	seq.s32 s21, $0x0;
	[sflag:s28] =	ssyncadd.s32 $0xFFFFFF80  }
0xe2: {  	s25 =	sand.u32 $0x3C00, s21;
	s22 =	sand.u32 @!p1 $0x200, s21;
	_ =	swait.ge [sflag:s28], $0x80  }
0xe3: {  	s24 =	sor.u32 @!p1 $0x100, s22;
	s26 =	sor.u32 @!p1 $0x180, s22;
	[sflag:s28] =	ssyncset.done $0x0  }
0xe4: {  	[sflag:s28] =	ssyncadd.s32 $0xFFFFFF80  }
0xe5: {  	[tilespmem:s30], [sflag:$0x5] =	stream.indirect.gather [hbm4b:s4+s29], $0x80, s3, s29, $0xb8;
	[tilespmem:$0x1E400] =	vst v63  }
0xe6: {  	s24 =	simm.s32 @p1 $0x100;
	_ =	swait.ge [sflag:s19], $0x2800  }
0xe7: {  	s22 =	simm.s32 @!p1 $0x9;
	s1 =	simm.s32 $0x7C00;
	[sflag:s19] =	ssyncset.done $0x0  }
0xe8: {  	s20 =	sor.u32 s24, s25;
	s24 =	simm.s32 $0x380;
	[sflag:s19] =	ssyncadd.s32 $0xFFFFD800  }
0xe9: {  	[spmem:s9] =	stream.indirect.scatter.add.f32 [tilespmem:s1], [sflag:$0x9], $0x80, s24, s29, $0xb8;
	[tilespmem:$0x1E400] =	vst v63  }
0xea: {  	s20 =	sor.u32 s13, s20;
	_ =	swait.ge @!p1 [sflag:s22], $0x2800  }
0xeb: {  	s20 =	sshrl.u32 s20, $0x3;
	[sflag:s22] =	ssyncset.done @!p1 $0x0  }
0xec: {  	s23 =	sadd.s32 s5, s20;
	[sflag:s22] =	ssyncadd.s32 @!p1 $0xFFFFD800  }
0xed: {  	[tilespmem:s2], [sflag:$0x3] =	stream.linear.gather [hbm4b:s23+s3], $0x80, $0x38;
	[tilespmem:$0x1E400] =	vst v63  }
0xee: {  	s8 =	simm.s32 $0x300;
	s20 =	sadd.s32 s6, s20  }
0xef: {  	[tilespmem:s8], [sflag:$0x3] =	stream.linear.gather [hbm4b:s20+s3], $0x80, $0x38;
	[tilespmem:$0x1E400] =	vst v63  }
0xf0: {  	_ =	swait.ge [sflag:s0], $0x80  }
0xf1: {  	[sflag:s0] =	ssyncset.done $0x0  }
0xf2: {  	[sflag:s0] =	ssyncadd.s32 $0xFFFFFF80  }
0xf3: {  	_ =	swait.ge [sflag:s0], $0x80  }
0xf4: {  	[sflag:s0] =	ssyncset.done $0x0  }
0xf5: {  	s23 =	simm.s32 $0x80;
	[sflag:s0] =	ssyncadd.s32 $0xFFFFFF80  }
0xf6: {  	[tilespmem:s10], [sflag:$0x6] =	stream.indirect.gather [hbm4b:s4+s29], $0x80, s23, s29, $0xb8;
	[tilespmem:$0x1E400] =	vst v63  }
0xf7: {  	_ =	swait.ge [sflag:s14], $0x2800  }
0xf8: {  	s26 =	simm.s32 @p1 $0x180;
	[sflag:s14] =	ssyncset.done $0x0  }
0xf9: {  	s12 =	sor.u32 s26, s25;
	[sflag:s14] =	ssyncadd.s32 $0xFFFFD800  }
0xfa: {  	[spmem:s9] =	stream.indirect.scatter.add.f32 [tilespmem:s30], [sflag:$0x9], $0x80, s31, s29, $0xb8;
	[tilespmem:$0x1E400] =	vst v63  }
0xfb: {  	s20 =	sor.u32 s13, s12;
	_ =	swait.ge @!p1 [sflag:s22], $0x2800  }
0xfc: {  	s20 =	sshrl.u32 s20, $0x3;
	[sflag:s22] =	ssyncset.done @!p1 $0x0  }
0xfd: {  	s25 =	simm.s32 $0x180;
	s23 =	sadd.s32 s5, s20;
	[sflag:s22] =	ssyncadd.s32 @!p1 $0xFFFFD800  }
0xfe: {  	[tilespmem:s25], [sflag:$0x4] =	stream.linear.gather [hbm4b:s23+s3], $0x80, $0x38;
	[tilespmem:$0x1E400] =	vst v63  }
0xff: {  	s20 =	sadd.s32 s6, s20  }
0x100: {  	[tilespmem:s24], [sflag:$0x4] =	stream.linear.gather [hbm4b:s20+s3], $0x80, $0x38;
	[tilespmem:$0x1E400] =	vst v63  }
0x101: {  	_ =	swait.ge [sflag:s11], $0x80  }
0x102: {  	[sflag:s11] =	ssyncset.done $0x0  }
0x103: {  	[sflag:s11] =	ssyncadd.s32 $0xFFFFFF80  }
0x104: {  	_ =	swait.ge [sflag:s11], $0x80  }
0x105: {  	[sflag:s11] =	ssyncset.done $0x0  }
0x106: {  	s12 =	simm.s32 $0x5400;
	[sflag:s11] =	ssyncadd.s32 $0xFFFFFF80  }
0x107: {  	[tilespmem:s12], [sflag:$0x7] =	stream.indirect.gather [hbm4b:s4+s29], $0x80, s2, s29, $0xb8;
	[tilespmem:$0x1E400] =	vst v63  }
0x108: {  	_ =	swait.ge [sflag:s18], $0x2800  }
0x109: {  	[sflag:s18] =	ssyncset.done $0x0  }
0x10a: {  	s26 =	simm.s32 $0x280;
	[sflag:s18] =	ssyncadd.s32 $0xFFFFD800  }
0x10b: {  	[spmem:s9] =	stream.indirect.scatter.add.f32 [tilespmem:s10], [sflag:$0x9], $0x80, s26, s29, $0xb8;
	[tilespmem:$0x1E400] =	vst v63  }
0x10c: {  	_ =	swait.ge [sflag:s15], $0x2800  }
0x10d: {  	[sflag:s15] =	ssyncset.done $0x0  }
0x10e: {  	s18 =	sadd.s32 s5, s7;
	[sflag:s15] =	ssyncadd.s32 $0xFFFFD800  }
0x10f: {  	[tilespmem:s3], [sflag:$0x1] =	stream.linear.gather [hbm4b:s18+s3], $0x80, $0x38;
	[tilespmem:$0x1E400] =	vst v63  }
0x110: {  	s20 =	sadd.s32 s6, s7  }
0x111: {  	[tilespmem:s31], [sflag:$0x1] =	stream.linear.gather [hbm4b:s20+s3], $0x80, $0x38;
	[tilespmem:$0x1E400] =	vst v63  }
0x112: {  	_ =	swait.ge [sflag:s16], $0x80  }
0x113: {  	[sflag:s16] =	ssyncset.done $0x0  }
0x114: {  	[sflag:s16] =	ssyncadd.s32 $0xFFFFFF80  }
0x115: {  	_ =	swait.ge [sflag:s16], $0x80  }
0x116: {  	[sflag:s16] =	ssyncset.done $0x0  }
0x117: {  	p0 =	seq.s32 s21, $0x3C00;
	[sflag:s16] =	ssyncadd.s32 $0xFFFFFF80  }
0x118: {  	[tilespmem:s1], [sflag:$0x8] =	stream.indirect.gather [hbm4b:s4+s29], $0x80, s25, s29, $0xb8;
	[tilespmem:$0x1E400] =	vst v63  }
0x119: {  	s7 =	sadd.s32 @!p0 $0x280, s21;
	_ =	swait.ge [sflag:s17], $0x2800  }
0x11a: {  	s20 =	sand.u32 @!p0 $0x7C00, s7;
	[sflag:s17] =	ssyncset.done $0x0  }
0x11b: {  	s7 =	sand.u32 @!p0 $0x280, s7;
	s20 =	sadd.s32 @!p0 s13, s20;
	[sflag:s17] =	ssyncadd.s32 $0xFFFFD800  }
0x11c: {  	[spmem:s9] =	stream.indirect.scatter.add.f32 [tilespmem:s12], [sflag:$0x9], $0x80, s8, s29, $0xb8;
	[tilespmem:$0x1E400] =	vst v63  }
0x11d: {  	s7 =	sor.u32 @!p0 s7, s20;
	_ =	swait.ge [sflag:s15], $0x2800  }
0x11e: {  	s22 =	simm.s32 @!p0 $0x0;
	s7 =	sshrl.u32 @!p0 s7, $0x3;
	[sflag:s15] =	ssyncset.done $0x0  }
0x11f: {  	s20 =	simm.s32 @!p0 $0x80;
	s21 =	sadd.s32 @!p0 s5, s7;
	[sflag:s15] =	ssyncadd.s32 $0xFFFFD800  }
0x120: {  	[tilespmem:s20], [sflag:$0x2] =	stream.linear.gather @!p0 [hbm4b:s21+s22], $0x80, $0x38;
	[tilespmem:$0x1E400] =	vst v63  }
0x121: {  	s7 =	sadd.s32 @!p0 s6, s7;
	s20 =	simm.s32 @!p0 $0x280  }
0x122: {  	[tilespmem:s20], [sflag:$0x2] =	stream.linear.gather @!p0 [hbm4b:s7+s22], $0x80, $0x38;
	[tilespmem:$0x1E400] =	vst v63  }
0x123: {  	_ =	swait.ge [sflag:s28], $0x80  }
0x124: {  	[sflag:s28] =	ssyncset.done $0x0  }
0x125: {  	[sflag:s28] =	ssyncadd.s32 $0xFFFFFF80  }
0x126: {  	_ =	swait.ge [sflag:s28], $0x80  }
0x127: {  	[sflag:s28] =	ssyncset.done $0x0  }
0x128: {  	[sflag:s28] =	ssyncadd.s32 $0xFFFFFF80  }
0x129: {  	[tilespmem:s30], [sflag:$0x5] =	stream.indirect.gather [hbm4b:s4+s29], $0x80, s3, s29, $0xb8;
	[tilespmem:$0x1E400] =	vst v63  }
0x12a: {  	_ =	swait.ge [sflag:s19], $0x2800  }
0x12b: {  	[sflag:s19] =	ssyncset.done $0x0  }
0x12c: {  	[sflag:s19] =	ssyncadd.s32 $0xFFFFD800  }
0x12d: {  	[spmem:s9] =	stream.indirect.scatter.add.f32 [tilespmem:s1], [sflag:$0x9], $0x80, s24, s29, $0xb8;
	[tilespmem:$0x1E400] =	vst v63  }
0x12e: {  	_ =	swait.ge [sflag:s15], $0x2800  }
0x12f: {  	[sflag:s15] =	ssyncset.done $0x0  }
0x130: {  	[sflag:s15] =	ssyncadd.s32 $0xFFFFD800  }
0x131: {  	_ =	swait.ge [sflag:s14], $0x2800  }
0x132: {  	[sflag:s14] =	ssyncset.done $0x0  }
0x133: {  	[sflag:s14] =	ssyncadd.s32 $0xFFFFD800  }
0x134: {  	[spmem:s9] =	stream.indirect.scatter.add.f32 [tilespmem:s30], [sflag:$0x9], $0x80, s31, s29, $0xb8;
	[tilespmem:$0x1E400] =	vst v63  }
0x135: {  	_ =	swait.ge [sflag:s15], $0x2800  }
0x136: {  	[sflag:s15] =	ssyncset.done $0x0  }
0x137: {  	[sflag:s15] =	ssyncadd.s32 $0xFFFFD800  }
0x138: {  	_ =	swait.ge [sflag:s15], $0x2800  }
0x139: {  	[sflag:s15] =	ssyncset.done $0x0  }
0x13a: {  	[sflag:s15] =	ssyncadd.s32 $0xFFFFD800  }
0x13b: {  	s22 =	stileid.u32;
	[bflag:$0x0] =	sbarrier.arrive $0xFFFF  }
0x13c: {  	s7 =	sshll.u32 s22, $0x6;
	s22 =	simm.s32 $0xA;
	s21 =	rddreg [dreg:$0x3]  }
0x13d: {  	s7 =	sor.u32 $0x1C0A, s7;
	s24 =	rddreg [dreg:$0xf];
	s23 =	sshrl.u32 s21, $0x3  }
0x13e: {  	[hbm:s24], [sflag:s7] =	dma.local [spmem:s23], $0x2800  }
0x13f: {  	_ =	swait.ge [sflag:s22], $0x2800  }
0x140: {  	s25 =	rddreg [dreg:$0x11]  }
0x141: {  	s26 =	rddreg [dreg:$0x10];
	s20 =	sadd.s32 $0x1, s25  }
0x142: {  	s2 =	simm.s32 $0x100;
	p0 =	sne.s32 s20, s26  }
.Ltmp2:
0x143: {  	s10 =	simm.s32 $0x2C00;
	s18 =	simm.s32 $0x6;
	(pc) =	sbr.rel @p0 .LBB2_1-.Ltmp2, $4  }
0x144: {  	s17 =	simm.s32 $0x380;
	s12 =	simm.s32 $0x180;
	s8 =	simm.s32 $0x5400  }
0x145: {  	s19 =	simm.s32 $0x7C00;
	s1 =	simm.s32 $0x300;
	s14 =	simm.s32 $0x5  }
0x146: {  	s23 =	simm.s32 $0x80;
	s24 =	smov.u32 s9;
	[sflag:s22] =	ssyncset.done $0x0  }
0x147: {  	[sflag:s22] =	ssyncadd.s32 $0xFFFFD800;
	s25 =	simm.s32 $0x280;
	s26 =	simm.s32 $0x7  }
0x148: {  	_ =	sfence.sel $0x180000  }
0x149: {  	[bflag:$0x0] =	sbarrier.arrive $0xFFFF  }
0x14a: {  	_ =	strace $0x90000050  }
0x14b: {  	s0 =	stileid.u32;
	[bflag:$0x2] =	sbarrier.arrive $0xFFFF  }
0x14c: {  	p0 =	sne.s32 s0, $0x0;
	s0 =	rddreg [dreg:$0x2]  }
0x14d: {  	s0 =	sadd.s32 @!p0 $0x100000, s0  }
0x14e: {  	[sflag:s0] =	ssyncadd.tile.s32 @!p0 $0x1;
	_ =	shalt  }
.Lfunc_end2:
_tile_overlayer_lowered:
.L_overlay_start_2:
0x14f: {  	(tag) =	ssettag $0x2  }
0x150: {  	s0 =	rddreg [dreg:$0x0];
	s2 =	stileid.u32  }
0x151: {  	s1 =	rddreg [dreg:$0x1];
	p0 =	sne.s32 s2, $0x0  }
0x152: {  	s3 =	rddreg [dreg:$0x2];
	[bflag:$0x3] =	sbarrier.arrive $0xFFFF;
	s2 =	simm.s32 @!p0 $0x1C0A  }
0x153: {  	[timem:s3], [sflag:s2] =	dma.local @!p0 [hbm:s0], s1  }
0x154: {  	s0 =	simm.s32 @!p0 $0xA  }
0x155: {  	_ =	swait.ge @!p0 [sflag:s0], s1  }
0x156: {  	s1 =	ssub.s32 @!p0 $0x0, s1;
	[sflag:s0] =	ssyncset.done @!p0 $0x0  }
0x157: {  	[sflag:s0] =	ssyncadd.s32 @!p0 s1  }
0x158: {  	[bflag:$0x3] =	sbarrier.arrive $0xFFFF  }
0x159: {  	_ =	shalt  }

</sc_bundles>
